<compile_context>
chip_gen: v7x
topology: tpu7x:2x2x1
jax: 0.10.2.dev20260603
libtpu: 0.0.44.dev20260713+nightly
codegen_flags: <defaults>
</compile_context>

<pallas_src>
import jax
import jax.numpy as jnp
from jax import lax
from jax.experimental import pallas as pl
from jax.experimental.pallas import tpu as pltpu
from jax.experimental.pallas import tpu_sc as plsc

N = 10000
E = 320000
IN_DIM = 128
OUT_DIM = 64
HEADS = 4

NS = 16
L = 16
EPT = E // NS
K = 80
NCHUNK = EPT // K
N2 = 10240
ROWS_PT = N2 // NS
EX1_OFF = 96
EXV_LEN = 192


def _tc_proj_body(h_ref, w_ref, u_ref, z3_ref, st_ref, m_ref):
    hb = h_ref[...]
    z = lax.dot_general(hb, w_ref[...], (((1,), (1,)), ((), ())),
                        preferred_element_type=jnp.float32)
    z3_ref[0] = z[:, :IN_DIM]
    z3_ref[1] = z[:, IN_DIM:]
    st = lax.dot_general(z, u_ref[...], (((1,), (0,)), ((), ())),
                         preferred_element_type=jnp.float32)
    st_ref[...] = st
    mcur = jnp.broadcast_to(jnp.max(st, axis=0)[:2 * HEADS, None],
                            (2 * HEADS, IN_DIM))
    i = pl.program_id(0)
    m_ref[...] = jnp.where(i == 0, mcur, jnp.maximum(m_ref[...], mcur))


def _tc_project(h, wcat, u16):
    R = 1000
    return pl.pallas_call(
        _tc_proj_body,
        grid=(N // R,),
        in_specs=[
            pl.BlockSpec((R, IN_DIM), lambda i: (i, 0)),
            pl.BlockSpec((HEADS * OUT_DIM, IN_DIM), lambda i: (0, 0)),
            pl.BlockSpec((HEADS * OUT_DIM, L), lambda i: (0, 0)),
        ],
        out_specs=[
            pl.BlockSpec((2, R, IN_DIM), lambda i: (0, i, 0)),
            pl.BlockSpec((R, L), lambda i: (i, 0)),
            pl.BlockSpec((2 * HEADS, IN_DIM), lambda i: (0, 0)),
        ],
        out_shape=[
            jax.ShapeDtypeStruct((2, N, IN_DIM), jnp.float32),
            jax.ShapeDtypeStruct((N, L), jnp.float32),
            jax.ShapeDtypeStruct((2 * HEADS, IN_DIM), jnp.float32),
        ],
    )(h, wcat, u16)


def _tc_norm_body(oa_ref, ob_ref, d0a_ref, d1a_ref, d0b_ref, d1b_ref, out_ref):
    def recip(dref):
        return 1.0 / jnp.maximum(
            jnp.sum(dref[...], axis=1, keepdims=True), 1e-30)
    r0a, r1a, r0b, r1b = recip(d0a_ref), recip(d1a_ref), recip(d0b_ref), recip(d1b_ref)
    out_ref[:, 0:OUT_DIM] = oa_ref[:, 0:OUT_DIM] * r0a
    out_ref[:, OUT_DIM:2 * OUT_DIM] = oa_ref[:, OUT_DIM:] * r1a
    out_ref[:, 2 * OUT_DIM:3 * OUT_DIM] = ob_ref[:, 0:OUT_DIM] * r0b
    out_ref[:, 3 * OUT_DIM:] = ob_ref[:, OUT_DIM:] * r1b


def _tc_normalize(oa, ob, dta, dtb):
    R = 1024
    nb = N2 // R
    return pl.pallas_call(
        _tc_norm_body,
        grid=(nb,),
        in_specs=[
            pl.BlockSpec((R, IN_DIM), lambda i: (i, 0)),
            pl.BlockSpec((R, IN_DIM), lambda i: (i, 0)),
            pl.BlockSpec((R, NS), lambda i: (i, 0)),
            pl.BlockSpec((R, NS), lambda i: (i + nb, 0)),
            pl.BlockSpec((R, NS), lambda i: (i, 0)),
            pl.BlockSpec((R, NS), lambda i: (i + nb, 0)),
        ],
        out_specs=pl.BlockSpec((R, HEADS * OUT_DIM), lambda i: (i, 0)),
        out_shape=jax.ShapeDtypeStruct((N2, HEADS * OUT_DIM), jnp.float32),
    )(oa, ob, dta, dta, dtb, dtb)


def _sc_body(z3, sflat, src_hbm, dst_hbm, m_hbm,
             out3, denp,
             ixs0, ixd0, ixs1, ixd1,
             si00, si01, si02, si03, si10, si11, si12, si13,
             sg00, sg01, sg02, sg03, sg10, sg11, sg12, sg13,
             rows_v0, rows_v1, den_local, exv, mall_v, ixb_s, ixb_d,
             semr0, sems0, semr1, sems1, semi,
             hout):
    c = lax.axis_index("c")
    s = lax.axis_index("s")
    z16 = jnp.zeros((L,), jnp.float32)
    is0 = c == 0

    pltpu.sync_copy(m_hbm, mall_v)

    def _mhead(j):
        va = mall_v[j, pl.ds(0, L)] + mall_v[HEADS + j, pl.ds(0, L)]
        vb = mall_v[2 + j, pl.ds(0, L)] + mall_v[HEADS + 2 + j, pl.ds(0, L)]
        msum = jnp.where(is0, va, vb)
        return jnp.max(jnp.maximum(msum, 0.01 * msum))
    m0 = _mhead(0)
    m1 = _mhead(1)

    bufs = [
        (ixs0, ixd0, [si00, si01, si02, si03], [sg00, sg01, sg02, sg03],
         rows_v0, semr0, sems0),
        (ixs1, ixd1, [si10, si11, si12, si13], [sg10, sg11, sg12, sg13],
         rows_v1, semr1, sems1),
    ]

    def _zero_bufs(r, _):
        for j in range(IN_DIM // L):
            rows_v0[r, pl.ds(j * L, L)] = z16
        return 0
    lax.fori_loop(0, K, _zero_bufs, 0)

    def _zero_den(i, _):
        den_local[pl.ds(i * L, L)] = z16
        return 0
    lax.fori_loop(0, 2 * N2 // L, _zero_den, 0)

    for t in range(ROWS_PT // K):
        base = s * ROWS_PT + t * K
        pltpu.sync_copy(rows_v0, hout.at[pl.ds(base, K)])

    plsc.subcore_barrier()

    hoff = jnp.where(is0, 0, 2 * N)
    offs = (hoff, hoff + N, hoff + HEADS * N, hoff + (HEADS + 1) * N)

    def _issue(b):
        ixs, ixd, sis, sgs, rv, semr, sems = bufs[b]
        for g in range(K // L):
            ixs[pl.ds(g * L, L)] = ixb_s[pl.ds(b * K + g * L, L)]
            ixd[pl.ds(g * L, L)] = ixb_d[pl.ds(b * K + g * L, L)]
        pltpu.async_copy(z3.at[c].at[ixs], rv, semr)
        srcs = (ixs, ixs, ixd, ixd)
        for j in range(4):
            for g in range(K // L):
                sis[j][pl.ds(g * L, L)] = srcs[j][pl.ds(g * L, L)] + offs[j]
            pltpu.async_copy(sflat.at[sis[j]], sgs[j], sems)

    def _load_ixb(ch2, sync=False):
        ebase = s * EPT + ch2 * K
        if sync:
            pltpu.sync_copy(src_hbm.at[pl.ds(ebase, 2 * K)], ixb_s)
            pltpu.sync_copy(dst_hbm.at[pl.ds(ebase, 2 * K)], ixb_d)
        else:
            pltpu.async_copy(src_hbm.at[pl.ds(ebase, 2 * K)], ixb_s, semi)
            pltpu.async_copy(dst_hbm.at[pl.ds(ebase, 2 * K)], ixb_d, semi)

    def _wait_ixb():
        pltpu.make_async_copy(src_hbm.at[pl.ds(0, 2 * K)], ixb_s, semi).wait()
        pltpu.make_async_copy(dst_hbm.at[pl.ds(0, 2 * K)], ixb_d, semi).wait()

    def _process(b):
        ixs, ixd, sis, sgs, rv, semr, sems = bufs[b]
        pltpu.make_async_copy(z3.at[c].at[ixs], rv, semr).wait()
        for j in range(4):
            pltpu.make_async_copy(sflat.at[sis[j]], sgs[j], sems).wait()
        sg0, sg1, dg0, dg1 = sgs
        for g in range(K // L):
            e0 = sg0[pl.ds(g * L, L)] + dg0[pl.ds(g * L, L)]
            e1 = sg1[pl.ds(g * L, L)] + dg1[pl.ds(g * L, L)]
            e0 = jnp.maximum(e0, 0.01 * e0)
            e1 = jnp.maximum(e1, 0.01 * e1)
            ex0 = jnp.exp(e0 - m0)
            ex1 = jnp.exp(e1 - m1)
            exv[pl.ds(g * L, L)] = ex0
            exv[pl.ds(EX1_OFF + g * L, L)] = ex1
            dstv = ixd[pl.ds(g * L, L)]
            plsc.addupdate_scatter(den_local, [dstv], ex0)
            plsc.addupdate_scatter(den_local, [dstv + N2], ex1)

        def _scale(r, _):
            rr = jnp.full((L,), r, jnp.int32)
            w0 = plsc.load_gather(exv, [rr])
            w1 = plsc.load_gather(exv, [rr + EX1_OFF])
            for j in range(IN_DIM // L):
                w = w0 if j < (IN_DIM // L) // 2 else w1
                rv[r, pl.ds(j * L, L)] = rv[r, pl.ds(j * L, L)] * w
            return 0
        lax.fori_loop(0, K, _scale, 0, unroll=4)
        pltpu.sync_copy(rv, hout.at[ixd], add=True)

    _load_ixb(0, sync=True)
    _issue(0)
    _issue(1)
    _load_ixb(2)

    def _pair(i, _):
        _process(0)

        @pl.when(i < NCHUNK // 2 - 1)
        def _():
            _wait_ixb()
            _issue(0)

        _process(1)

        @pl.when(i < NCHUNK // 2 - 1)
        def _():
            _issue(1)

        @pl.when(i < NCHUNK // 2 - 2)
        def _():
            _load_ixb(2 * i + 4)

        return 0

    lax.fori_loop(0, NCHUNK // 2, _pair, 0)
    plsc.subcore_barrier()

    rbase = s * ROWS_PT
    pltpu.sync_copy(hout.at[pl.ds(rbase, ROWS_PT)],
                    out3.at[c].at[pl.ds(rbase, ROWS_PT)])
    pltpu.sync_copy(den_local, denp.at[c].at[s])


def _build_sc():
    mesh = plsc.VectorSubcoreMesh(core_axis_name="c", subcore_axis_name="s")
    return pl.kernel(
        _sc_body,
        out_type=[
            jax.ShapeDtypeStruct((2, N2, IN_DIM), jnp.float32),
            jax.ShapeDtypeStruct((2, NS, 2 * N2), jnp.float32),
        ],
        mesh=mesh,
        compiler_params=pltpu.CompilerParams(needs_layout_passes=False),
        scratch_types=(
            [pltpu.VMEM((K,), jnp.int32) for _ in range(4)]
            + [pltpu.VMEM((K,), jnp.int32) for _ in range(8)]
            + [pltpu.VMEM((K,), jnp.float32) for _ in range(8)]
            + [
                pltpu.VMEM((K, IN_DIM), jnp.float32),
                pltpu.VMEM((K, IN_DIM), jnp.float32),
                pltpu.VMEM((2 * N2,), jnp.float32),
                pltpu.VMEM((EXV_LEN,), jnp.float32),
                pltpu.VMEM((2 * HEADS, IN_DIM), jnp.float32),
                pltpu.VMEM((2 * K,), jnp.int32),
                pltpu.VMEM((2 * K,), jnp.int32),
                pltpu.SemaphoreType.DMA,
                pltpu.SemaphoreType.DMA,
                pltpu.SemaphoreType.DMA,
                pltpu.SemaphoreType.DMA,
                pltpu.SemaphoreType.DMA,
                pltpu.VMEM_SHARED((N2, IN_DIM), jnp.float32),
            ]
        ),
    )


@jax.jit
def kernel(h, edge_index, W, A):
    src = edge_index[0]
    dst = edge_index[1]
    wcat = W.reshape(HEADS * OUT_DIM, IN_DIM)
    eye = jnp.eye(HEADS, dtype=jnp.float32)
    u_src = jnp.einsum("hg,hk->hgk", eye, A[:, :OUT_DIM]).reshape(HEADS, HEADS * OUT_DIM)
    u_dst = jnp.einsum("hg,hk->hgk", eye, A[:, OUT_DIM:]).reshape(HEADS, HEADS * OUT_DIM)
    u16 = jnp.zeros((HEADS * OUT_DIM, L), jnp.float32)
    u16 = u16.at[:, :2 * HEADS].set(jnp.concatenate([u_src, u_dst], axis=0).T)

    z3, st16, m = _tc_project(h, wcat, u16)
    sflat = st16[:, :2 * HEADS].T.reshape(-1)

    out3, denp = _build_sc()(z3, sflat, src, dst, m)
    dta = denp[0].T
    dtb = denp[1].T
    out = _tc_normalize(out3[0], out3[1], dta, dtb)
    return out[:N]

# --- scband reference (transcript-rebuilt; emitter-appended) ---
"""Pipeline reference for scband-multi-head-gatlayer-1245540516471 (READ-ONLY COPY).

The authoritative reference and input builder live on the scoring server;
editing this copy changes nothing except your own understanding.
"""

import jax, jax.numpy as jnp
import numpy as np

N = 10000
E = 320000
IN_DIM = 128
OUT_DIM = 64
HEADS = 4


def setup_inputs(seed: int = 0) -> dict:
    key = jax.random.key(seed)
    k1, k2, k3, k4 = jax.random.split(key, 4)
    h = jax.random.normal(k1, (N, IN_DIM), dtype=jnp.float32)
    edge_index = jax.random.randint(k2, (2, E), 0, N, dtype=jnp.int32)
    # xavier_normal with relu gain: std = gain * sqrt(2 / (fan_in + fan_out))
    gain = float(np.sqrt(2.0))
    w_std = gain * np.sqrt(2.0 / (IN_DIM + OUT_DIM))
    a_std = gain * np.sqrt(2.0 / (2 * OUT_DIM + 1))
    W = jax.random.normal(k3, (HEADS, OUT_DIM, IN_DIM), dtype=jnp.float32) * w_std
    A = jax.random.normal(k4, (HEADS, 2 * OUT_DIM), dtype=jnp.float32) * a_std
    return {"h": h, "edge_index": edge_index, "W": W, "A": A}


def reference(h, edge_index, W, A):
    src = edge_index[0]
    dst = edge_index[1]
    n = h.shape[0]
    outs = []
    for head in range(W.shape[0]):
        z = h @ W[head].T                              # [N, OUT]
        z_src = jnp.take(z, src, axis=0)               # [E, OUT]
        z_dst = jnp.take(z, dst, axis=0)               # [E, OUT]
        e = jnp.concatenate([z_src, z_dst], axis=1) @ A[head]  # [E]
        e = jnp.where(e > 0, e, 0.01 * e)              # leaky_relu (default slope 0.01)
        # softmax over incoming edges of each dst node (DGL mailbox softmax)
        m = jax.ops.segment_max(e, dst, num_segments=n)
        m = jnp.where(jnp.isneginf(m), 0.0, m)
        ex = jnp.exp(e - jnp.take(m, dst))
        den = jax.ops.segment_sum(ex, dst, num_segments=n)
        alpha = ex / jnp.maximum(jnp.take(den, dst), 1e-16)
        hout = jax.ops.segment_sum(alpha[:, None] * z_src, dst, num_segments=n)
        outs.append(hout)
    return jnp.concatenate(outs, axis=1)               # merge='cat' -> [N, HEADS*OUT]

if __name__ == "__main__":
    import jax
    _d = setup_inputs()
    print(jax.jit(kernel)(*tuple(_d.values())))

</pallas_src>

<mosaic_0001>
#map = affine_map<(d0, d1) -> (0, 0, 0)>
#map1 = affine_map<(d0, d1) -> (0)>
#map2 = affine_map<(d0, d1) -> (0, 0)>
module attributes {stable_mosaic.version = 14 : i64} {
  func.func @_sc_body(%arg0: i32, %arg1: i32, %arg2: memref<2x10000x128xf32, #tpu.memory_space<hbm>>, %arg3: memref<80000xf32, #tpu.memory_space<hbm>>, %arg4: memref<320000xi32, #tpu.memory_space<hbm>>, %arg5: memref<320000xi32, #tpu.memory_space<hbm>>, %arg6: memref<8x128xf32, #tpu.memory_space<hbm>>, %arg7: memref<2x10240x128xf32, #tpu.memory_space<hbm>>, %arg8: memref<2x16x20480xf32, #tpu.memory_space<hbm>>, %arg9: memref<80xi32, #tpu.memory_space<vmem>>, %arg10: memref<80xi32, #tpu.memory_space<vmem>>, %arg11: memref<80xi32, #tpu.memory_space<vmem>>, %arg12: memref<80xi32, #tpu.memory_space<vmem>>, %arg13: memref<80xi32, #tpu.memory_space<vmem>>, %arg14: memref<80xi32, #tpu.memory_space<vmem>>, %arg15: memref<80xi32, #tpu.memory_space<vmem>>, %arg16: memref<80xi32, #tpu.memory_space<vmem>>, %arg17: memref<80xi32, #tpu.memory_space<vmem>>, %arg18: memref<80xi32, #tpu.memory_space<vmem>>, %arg19: memref<80xi32, #tpu.memory_space<vmem>>, %arg20: memref<80xi32, #tpu.memory_space<vmem>>, %arg21: memref<80xf32, #tpu.memory_space<vmem>>, %arg22: memref<80xf32, #tpu.memory_space<vmem>>, %arg23: memref<80xf32, #tpu.memory_space<vmem>>, %arg24: memref<80xf32, #tpu.memory_space<vmem>>, %arg25: memref<80xf32, #tpu.memory_space<vmem>>, %arg26: memref<80xf32, #tpu.memory_space<vmem>>, %arg27: memref<80xf32, #tpu.memory_space<vmem>>, %arg28: memref<80xf32, #tpu.memory_space<vmem>>, %arg29: memref<80x128xf32, #tpu.memory_space<vmem>>, %arg30: memref<80x128xf32, #tpu.memory_space<vmem>>, %arg31: memref<20480xf32, #tpu.memory_space<vmem>>, %arg32: memref<192xf32, #tpu.memory_space<vmem>>, %arg33: memref<8x128xf32, #tpu.memory_space<vmem>>, %arg34: memref<160xi32, #tpu.memory_space<vmem>>, %arg35: memref<160xi32, #tpu.memory_space<vmem>>, %arg36: memref<!tpu.dma_semaphore, #tpu.memory_space<semaphore_mem>>, %arg37: memref<!tpu.dma_semaphore, #tpu.memory_space<semaphore_mem>>, %arg38: memref<!tpu.dma_semaphore, #tpu.memory_space<semaphore_mem>>, %arg39: memref<!tpu.dma_semaphore, #tpu.memory_space<semaphore_mem>>, %arg40: memref<!tpu.dma_semaphore, #tpu.memory_space<semaphore_mem>>, %arg41: memref<10240x128xf32, #tpu.memory_space<vmem_shared>>) attributes {dimension_semantics = [#tpu.dimension_semantics<core_parallel>, #tpu.dimension_semantics<subcore_parallel>], iteration_bounds = array<i64: 2, 16>, scalar_prefetch = 0 : i64, scratch_operands = 33 : i64, tpu.core_type = #tpu.core_type<sc_vector_subcore>, window_params = [{transform_indices = #map}, {transform_indices = #map1}, {transform_indices = #map1}, {transform_indices = #map1}, {transform_indices = #map2}, {transform_indices = #map}, {transform_indices = #map}]} {
    %broadcast_in_dim3A = arith.constant 0.000000e+00 : f32
    %broadcast_in_dim3A_0 = vector.broadcast %broadcast_in_dim3A : f32 to vector<16xf32>
    %eq3A = arith.constant 0 : i32
    %eq3A_1 = arith.cmpi eq, %arg0, %eq3A : i32
    "tpu.region"() ({
      %run_scoped3A = tpu.sem_alloc : memref<!tpu.dma_semaphore, #tpu.memory_space<semaphore_mem>>
      tpu.enqueue_dma source(%arg6 : memref<8x128xf32, #tpu.memory_space<hbm>>) target(%arg33 : memref<8x128xf32, #tpu.memory_space<vmem>>) target_semaphore(%run_scoped3A : memref<!tpu.dma_semaphore, #tpu.memory_space<semaphore_mem>>)
      tpu.wait_dma2 semaphore(%run_scoped3A : memref<!tpu.dma_semaphore, #tpu.memory_space<semaphore_mem>>) src(%arg6 : memref<8x128xf32, #tpu.memory_space<hbm>>) dst(%arg33 : memref<8x128xf32, #tpu.memory_space<vmem>>)
      tpu.yield
    }) : () -> ()
    %get3A = arith.constant 0 : i32
    %get3A_2 = arith.index_cast %get3A : i32 to index
    %get3A_3 = arith.constant 0 : index
    %get3A_4 = tpu.vector_load %arg33[%get3A_2, %get3A_3] {strides = array<i32>} : memref<8x128xf32, #tpu.memory_space<vmem>>, vector<16xf32>,
    %get3A_5 = arith.constant 4 : i32
    %get3A_6 = arith.index_cast %get3A_5 : i32 to index
    %get3A_7 = arith.constant 0 : index
    %get3A_8 = tpu.vector_load %arg33[%get3A_6, %get3A_7] {strides = array<i32>} : memref<8x128xf32, #tpu.memory_space<vmem>>, vector<16xf32>,
    %add3A = arith.addf %get3A_4, %get3A_8 : vector<16xf32>
    %get3A_9 = arith.constant 2 : i32
    %get3A_10 = arith.index_cast %get3A_9 : i32 to index
    %get3A_11 = arith.constant 0 : index
    %get3A_12 = tpu.vector_load %arg33[%get3A_10, %get3A_11] {strides = array<i32>} : memref<8x128xf32, #tpu.memory_space<vmem>>, vector<16xf32>,
    %get3A_13 = arith.constant 6 : i32
    %get3A_14 = arith.index_cast %get3A_13 : i32 to index
    %get3A_15 = arith.constant 0 : index
    %get3A_16 = tpu.vector_load %arg33[%get3A_14, %get3A_15] {strides = array<i32>} : memref<8x128xf32, #tpu.memory_space<vmem>>, vector<16xf32>,
    %add3A_17 = arith.addf %get3A_12, %get3A_16 : vector<16xf32>
    %select_n3A = arith.select %eq3A_1, %add3A, %add3A_17 : vector<16xf32>
    %mul3A = arith.constant 0.00999999977 : f32
    %mul3A_18 = vector.broadcast %mul3A : f32 to vector<16xf32>
    %mul3A_19 = arith.mulf %mul3A_18, %select_n3A : vector<16xf32>
    %max3A = arith.maximumf %select_n3A, %mul3A_19 : vector<16xf32>
    %reduce_max3A = arith.constant true
    %reduce_max3A_20 = vector.broadcast %reduce_max3A : i1 to vector<16xi1>
    %reduce_max3A_21 = tpu.scan <max>, %max3A masked %reduce_max3A_20 : vector<16xf32>, vector<16xi1> -> vector<16xf32>
    %reduce_max3A_22 = vector.extract %reduce_max3A_21[15] : f32 from vector<16xf32>
    %get3A_23 = arith.constant 1 : i32
    %get3A_24 = arith.index_cast %get3A_23 : i32 to index
    %get3A_25 = arith.constant 0 : index
    %get3A_26 = tpu.vector_load %arg33[%get3A_24, %get3A_25] {strides = array<i32>} : memref<8x128xf32, #tpu.memory_space<vmem>>, vector<16xf32>,
    %get3A_27 = arith.constant 5 : i32
    %get3A_28 = arith.index_cast %get3A_27 : i32 to index
    %get3A_29 = arith.constant 0 : index
    %get3A_30 = tpu.vector_load %arg33[%get3A_28, %get3A_29] {strides = array<i32>} : memref<8x128xf32, #tpu.memory_space<vmem>>, vector<16xf32>,
    %add3A_31 = arith.addf %get3A_26, %get3A_30 : vector<16xf32>
    %get3A_32 = arith.constant 3 : i32
    %get3A_33 = arith.index_cast %get3A_32 : i32 to index
    %get3A_34 = arith.constant 0 : index
    %get3A_35 = tpu.vector_load %arg33[%get3A_33, %get3A_34] {strides = array<i32>} : memref<8x128xf32, #tpu.memory_space<vmem>>, vector<16xf32>,
    %get3A_36 = arith.constant 7 : i32
    %get3A_37 = arith.index_cast %get3A_36 : i32 to index
    %get3A_38 = arith.constant 0 : index
    %get3A_39 = tpu.vector_load %arg33[%get3A_37, %get3A_38] {strides = array<i32>} : memref<8x128xf32, #tpu.memory_space<vmem>>, vector<16xf32>,
    %add3A_40 = arith.addf %get3A_35, %get3A_39 : vector<16xf32>
    %select_n3A_41 = arith.select %eq3A_1, %add3A_31, %add3A_40 : vector<16xf32>
    %mul3A_42 = arith.constant 0.00999999977 : f32
    %mul3A_43 = vector.broadcast %mul3A_42 : f32 to vector<16xf32>
    %mul3A_44 = arith.mulf %mul3A_43, %select_n3A_41 : vector<16xf32>
    %max3A_45 = arith.maximumf %select_n3A_41, %mul3A_44 : vector<16xf32>
    %reduce_max3A_46 = arith.constant true
    %reduce_max3A_47 = vector.broadcast %reduce_max3A_46 : i1 to vector<16xi1>
    %reduce_max3A_48 = tpu.scan <max>, %max3A_45 masked %reduce_max3A_47 : vector<16xf32>, vector<16xi1> -> vector<16xf32>
    %reduce_max3A_49 = vector.extract %reduce_max3A_48[15] : f32 from vector<16xf32>
    %scan3A = arith.constant 0 : i32
    %scan3A_50 = arith.constant 0 : i32
    %scan3A_51 = arith.constant 80 : i32
    %scan3A_52 = arith.addi %scan3A_50, %scan3A_51 : i32
    %scan3A_53 = arith.constant 1 : i32
    %scan3A_54 = scf.for %scan3A_473 = %scan3A_50 to %scan3A_52 step %scan3A_53 iter_args(%scan3A_474 = %scan3A) -> (i32)  : i32 {
      %swap3A_475 = arith.index_cast %scan3A_473 : i32 to index
      %swap3A_476 = arith.constant 0 : index
      %swap3A_477 = tpu.vector_load %arg29[%swap3A_475, %swap3A_476] {strides = array<i32>} : memref<80x128xf32, #tpu.memory_space<vmem>>, vector<16xf32>,
      tpu.vector_store %arg29[%swap3A_475, %swap3A_476], %broadcast_in_dim3A_0 {strides = array<i32>} : memref<80x128xf32, #tpu.memory_space<vmem>>, vector<16xf32>,
      %swap3A_478 = arith.index_cast %scan3A_473 : i32 to index
      %swap3A_479 = arith.constant 16 : index
      %swap3A_480 = tpu.vector_load %arg29[%swap3A_478, %swap3A_479] {strides = array<i32>} : memref<80x128xf32, #tpu.memory_space<vmem>>, vector<16xf32>,
      tpu.vector_store %arg29[%swap3A_478, %swap3A_479], %broadcast_in_dim3A_0 {strides = array<i32>} : memref<80x128xf32, #tpu.memory_space<vmem>>, vector<16xf32>,
      %swap3A_481 = arith.index_cast %scan3A_473 : i32 to index
      %swap3A_482 = arith.constant 32 : index
      %swap3A_483 = tpu.vector_load %arg29[%swap3A_481, %swap3A_482] {strides = array<i32>} : memref<80x128xf32, #tpu.memory_space<vmem>>, vector<16xf32>,
      tpu.vector_store %arg29[%swap3A_481, %swap3A_482], %broadcast_in_dim3A_0 {strides = array<i32>} : memref<80x128xf32, #tpu.memory_space<vmem>>, vector<16xf32>,
      %swap3A_484 = arith.index_cast %scan3A_473 : i32 to index
      %swap3A_485 = arith.constant 48 : index
      %swap3A_486 = tpu.vector_load %arg29[%swap3A_484, %swap3A_485] {strides = array<i32>} : memref<80x128xf32, #tpu.memory_space<vmem>>, vector<16xf32>,
      tpu.vector_store %arg29[%swap3A_484, %swap3A_485], %broadcast_in_dim3A_0 {strides = array<i32>} : memref<80x128xf32, #tpu.memory_space<vmem>>, vector<16xf32>,
      %swap3A_487 = arith.index_cast %scan3A_473 : i32 to index
      %swap3A_488 = arith.constant 64 : index
      %swap3A_489 = tpu.vector_load %arg29[%swap3A_487, %swap3A_488] {strides = array<i32>} : memref<80x128xf32, #tpu.memory_space<vmem>>, vector<16xf32>,
      tpu.vector_store %arg29[%swap3A_487, %swap3A_488], %broadcast_in_dim3A_0 {strides = array<i32>} : memref<80x128xf32, #tpu.memory_space<vmem>>, vector<16xf32>,
      %swap3A_490 = arith.index_cast %scan3A_473 : i32 to index
      %swap3A_491 = arith.constant 80 : index
      %swap3A_492 = tpu.vector_load %arg29[%swap3A_490, %swap3A_491] {strides = array<i32>} : memref<80x128xf32, #tpu.memory_space<vmem>>, vector<16xf32>,
      tpu.vector_store %arg29[%swap3A_490, %swap3A_491], %broadcast_in_dim3A_0 {strides = array<i32>} : memref<80x128xf32, #tpu.memory_space<vmem>>, vector<16xf32>,
      %swap3A_493 = arith.index_cast %scan3A_473 : i32 to index
      %swap3A_494 = arith.constant 96 : index
      %swap3A_495 = tpu.vector_load %arg29[%swap3A_493, %swap3A_494] {strides = array<i32>} : memref<80x128xf32, #tpu.memory_space<vmem>>, vector<16xf32>,
      tpu.vector_store %arg29[%swap3A_493, %swap3A_494], %broadcast_in_dim3A_0 {strides = array<i32>} : memref<80x128xf32, #tpu.memory_space<vmem>>, vector<16xf32>,
      %swap3A_496 = arith.index_cast %scan3A_473 : i32 to index
      %swap3A_497 = arith.constant 112 : index
      %swap3A_498 = tpu.vector_load %arg29[%swap3A_496, %swap3A_497] {strides = array<i32>} : memref<80x128xf32, #tpu.memory_space<vmem>>, vector<16xf32>,
      tpu.vector_store %arg29[%swap3A_496, %swap3A_497], %broadcast_in_dim3A_0 {strides = array<i32>} : memref<80x128xf32, #tpu.memory_space<vmem>>, vector<16xf32>,
      %scan3A_499 = arith.constant 0 : i32
      scf.yield %scan3A_499 : i32
    }
    %scan3A_55 = arith.constant 80 : i32
    %scan3A_56 = arith.constant 0 : i32
    %scan3A_57 = arith.constant 0 : i32
    %scan3A_58 = arith.constant 1280 : i32
    %scan3A_59 = arith.addi %scan3A_57, %scan3A_58 : i32
    %scan3A_60 = arith.constant 1 : i32
    %scan3A_61 = scf.for %scan3A_473 = %scan3A_57 to %scan3A_59 step %scan3A_60 iter_args(%scan3A_474 = %scan3A_56) -> (i32)  : i32 {
      %mul3A_475 = arith.constant 16 : i32
      %mul3A_476 = arith.muli %scan3A_473, %mul3A_475 : i32
      %swap3A_477 = arith.index_cast %mul3A_476 : i32 to index
      %swap3A_478 = tpu.vector_load %arg31[%swap3A_477] {strides = array<i32>} : memref<20480xf32, #tpu.memory_space<vmem>>, vector<16xf32>,
      tpu.vector_store %arg31[%swap3A_477], %broadcast_in_dim3A_0 {strides = array<i32>} : memref<20480xf32, #tpu.memory_space<vmem>>, vector<16xf32>,
      %scan3A_479 = arith.constant 0 : i32
      scf.yield %scan3A_479 : i32
    }
    %scan3A_62 = arith.constant 1280 : i32
    %mul3A_63 = arith.constant 640 : i32
    %mul3A_64 = arith.muli %arg1, %mul3A_63 : i32
    %add3A_65 = arith.constant 0 : i32
    %add3A_66 = arith.addi %mul3A_64, %add3A_65 : i32
    "tpu.region"() ({
      %run_scoped3A = tpu.sem_alloc : memref<!tpu.dma_semaphore, #tpu.memory_space<semaphore_mem>>
      %dma_start3A_473 = arith.constant 0 : i32
      %dma_start3A_474 = tpu.memref_slice %arg41[%add3A_66, %dma_start3A_473] : memref<10240x128xf32, #tpu.memory_space<vmem_shared>> -> memref<80x128xf32, #tpu.memory_space<vmem_shared>>
      %dma_start3A_475 = arith.constant 0 : i32
      %dma_start3A_476 = tpu.memref_slice %arg41[%add3A_66, %dma_start3A_475] : memref<10240x128xf32, #tpu.memory_space<vmem_shared>> -> memref<80x128xf32, #tpu.memory_space<vmem_shared>>
      tpu.enqueue_dma source(%arg29 : memref<80x128xf32, #tpu.memory_space<vmem>>) target(%dma_start3A_476 : memref<80x128xf32, #tpu.memory_space<vmem_shared>>) target_semaphore(%run_scoped3A : memref<!tpu.dma_semaphore, #tpu.memory_space<semaphore_mem>>)
      %dma_wait3A = arith.constant 0 : i32
      %dma_wait3A_477 = tpu.memref_slice %arg41[%add3A_66, %dma_wait3A] : memref<10240x128xf32, #tpu.memory_space<vmem_shared>> -> memref<80x128xf32, #tpu.memory_space<vmem_shared>>
      %dma_wait3A_478 = arith.constant 0 : i32
      %dma_wait3A_479 = tpu.memref_slice %arg41[%add3A_66, %dma_wait3A_478] : memref<10240x128xf32, #tpu.memory_space<vmem_shared>> -> memref<80x128xf32, #tpu.memory_space<vmem_shared>>
      tpu.wait_dma2 semaphore(%run_scoped3A : memref<!tpu.dma_semaphore, #tpu.memory_space<semaphore_mem>>) src(%arg29 : memref<80x128xf32, #tpu.memory_space<vmem>>) dst(%dma_wait3A_479 : memref<80x128xf32, #tpu.memory_space<vmem_shared>>)
      tpu.yield
    }) : () -> ()
    %mul3A_67 = arith.constant 640 : i32
    %mul3A_68 = arith.muli %arg1, %mul3A_67 : i32
    %add3A_69 = arith.constant 80 : i32
    %add3A_70 = arith.addi %mul3A_68, %add3A_69 : i32
    "tpu.region"() ({
      %run_scoped3A = tpu.sem_alloc : memref<!tpu.dma_semaphore, #tpu.memory_space<semaphore_mem>>
      %dma_start3A_473 = arith.constant 0 : i32
      %dma_start3A_474 = tpu.memref_slice %arg41[%add3A_70, %dma_start3A_473] : memref<10240x128xf32, #tpu.memory_space<vmem_shared>> -> memref<80x128xf32, #tpu.memory_space<vmem_shared>>
      %dma_start3A_475 = arith.constant 0 : i32
      %dma_start3A_476 = tpu.memref_slice %arg41[%add3A_70, %dma_start3A_475] : memref<10240x128xf32, #tpu.memory_space<vmem_shared>> -> memref<80x128xf32, #tpu.memory_space<vmem_shared>>
      tpu.enqueue_dma source(%arg29 : memref<80x128xf32, #tpu.memory_space<vmem>>) target(%dma_start3A_476 : memref<80x128xf32, #tpu.memory_space<vmem_shared>>) target_semaphore(%run_scoped3A : memref<!tpu.dma_semaphore, #tpu.memory_space<semaphore_mem>>)
      %dma_wait3A = arith.constant 0 : i32
      %dma_wait3A_477 = tpu.memref_slice %arg41[%add3A_70, %dma_wait3A] : memref<10240x128xf32, #tpu.memory_space<vmem_shared>> -> memref<80x128xf32, #tpu.memory_space<vmem_shared>>
      %dma_wait3A_478 = arith.constant 0 : i32
      %dma_wait3A_479 = tpu.memref_slice %arg41[%add3A_70, %dma_wait3A_478] : memref<10240x128xf32, #tpu.memory_space<vmem_shared>> -> memref<80x128xf32, #tpu.memory_space<vmem_shared>>
      tpu.wait_dma2 semaphore(%run_scoped3A : memref<!tpu.dma_semaphore, #tpu.memory_space<semaphore_mem>>) src(%arg29 : memref<80x128xf32, #tpu.memory_space<vmem>>) dst(%dma_wait3A_479 : memref<80x128xf32, #tpu.memory_space<vmem_shared>>)
      tpu.yield
    }) : () -> ()
    %mul3A_71 = arith.constant 640 : i32
    %mul3A_72 = arith.muli %arg1, %mul3A_71 : i32
    %add3A_73 = arith.constant 160 : i32
    %add3A_74 = arith.addi %mul3A_72, %add3A_73 : i32
    "tpu.region"() ({
      %run_scoped3A = tpu.sem_alloc : memref<!tpu.dma_semaphore, #tpu.memory_space<semaphore_mem>>
      %dma_start3A_473 = arith.constant 0 : i32
      %dma_start3A_474 = tpu.memref_slice %arg41[%add3A_74, %dma_start3A_473] : memref<10240x128xf32, #tpu.memory_space<vmem_shared>> -> memref<80x128xf32, #tpu.memory_space<vmem_shared>>
      %dma_start3A_475 = arith.constant 0 : i32
      %dma_start3A_476 = tpu.memref_slice %arg41[%add3A_74, %dma_start3A_475] : memref<10240x128xf32, #tpu.memory_space<vmem_shared>> -> memref<80x128xf32, #tpu.memory_space<vmem_shared>>
      tpu.enqueue_dma source(%arg29 : memref<80x128xf32, #tpu.memory_space<vmem>>) target(%dma_start3A_476 : memref<80x128xf32, #tpu.memory_space<vmem_shared>>) target_semaphore(%run_scoped3A : memref<!tpu.dma_semaphore, #tpu.memory_space<semaphore_mem>>)
      %dma_wait3A = arith.constant 0 : i32
      %dma_wait3A_477 = tpu.memref_slice %arg41[%add3A_74, %dma_wait3A] : memref<10240x128xf32, #tpu.memory_space<vmem_shared>> -> memref<80x128xf32, #tpu.memory_space<vmem_shared>>
      %dma_wait3A_478 = arith.constant 0 : i32
      %dma_wait3A_479 = tpu.memref_slice %arg41[%add3A_74, %dma_wait3A_478] : memref<10240x128xf32, #tpu.memory_space<vmem_shared>> -> memref<80x128xf32, #tpu.memory_space<vmem_shared>>
      tpu.wait_dma2 semaphore(%run_scoped3A : memref<!tpu.dma_semaphore, #tpu.memory_space<semaphore_mem>>) src(%arg29 : memref<80x128xf32, #tpu.memory_space<vmem>>) dst(%dma_wait3A_479 : memref<80x128xf32, #tpu.memory_space<vmem_shared>>)
      tpu.yield
    }) : () -> ()
    %mul3A_75 = arith.constant 640 : i32
    %mul3A_76 = arith.muli %arg1, %mul3A_75 : i32
    %add3A_77 = arith.constant 240 : i32
    %add3A_78 = arith.addi %mul3A_76, %add3A_77 : i32
    "tpu.region"() ({
      %run_scoped3A = tpu.sem_alloc : memref<!tpu.dma_semaphore, #tpu.memory_space<semaphore_mem>>
      %dma_start3A_473 = arith.constant 0 : i32
      %dma_start3A_474 = tpu.memref_slice %arg41[%add3A_78, %dma_start3A_473] : memref<10240x128xf32, #tpu.memory_space<vmem_shared>> -> memref<80x128xf32, #tpu.memory_space<vmem_shared>>
      %dma_start3A_475 = arith.constant 0 : i32
      %dma_start3A_476 = tpu.memref_slice %arg41[%add3A_78, %dma_start3A_475] : memref<10240x128xf32, #tpu.memory_space<vmem_shared>> -> memref<80x128xf32, #tpu.memory_space<vmem_shared>>
      tpu.enqueue_dma source(%arg29 : memref<80x128xf32, #tpu.memory_space<vmem>>) target(%dma_start3A_476 : memref<80x128xf32, #tpu.memory_space<vmem_shared>>) target_semaphore(%run_scoped3A : memref<!tpu.dma_semaphore, #tpu.memory_space<semaphore_mem>>)
      %dma_wait3A = arith.constant 0 : i32
      %dma_wait3A_477 = tpu.memref_slice %arg41[%add3A_78, %dma_wait3A] : memref<10240x128xf32, #tpu.memory_space<vmem_shared>> -> memref<80x128xf32, #tpu.memory_space<vmem_shared>>
      %dma_wait3A_478 = arith.constant 0 : i32
      %dma_wait3A_479 = tpu.memref_slice %arg41[%add3A_78, %dma_wait3A_478] : memref<10240x128xf32, #tpu.memory_space<vmem_shared>> -> memref<80x128xf32, #tpu.memory_space<vmem_shared>>
      tpu.wait_dma2 semaphore(%run_scoped3A : memref<!tpu.dma_semaphore, #tpu.memory_space<semaphore_mem>>) src(%arg29 : memref<80x128xf32, #tpu.memory_space<vmem>>) dst(%dma_wait3A_479 : memref<80x128xf32, #tpu.memory_space<vmem_shared>>)
      tpu.yield
    }) : () -> ()
    %mul3A_79 = arith.constant 640 : i32
    %mul3A_80 = arith.muli %arg1, %mul3A_79 : i32
    %add3A_81 = arith.constant 320 : i32
    %add3A_82 = arith.addi %mul3A_80, %add3A_81 : i32
    "tpu.region"() ({
      %run_scoped3A = tpu.sem_alloc : memref<!tpu.dma_semaphore, #tpu.memory_space<semaphore_mem>>
      %dma_start3A_473 = arith.constant 0 : i32
      %dma_start3A_474 = tpu.memref_slice %arg41[%add3A_82, %dma_start3A_473] : memref<10240x128xf32, #tpu.memory_space<vmem_shared>> -> memref<80x128xf32, #tpu.memory_space<vmem_shared>>
      %dma_start3A_475 = arith.constant 0 : i32
      %dma_start3A_476 = tpu.memref_slice %arg41[%add3A_82, %dma_start3A_475] : memref<10240x128xf32, #tpu.memory_space<vmem_shared>> -> memref<80x128xf32, #tpu.memory_space<vmem_shared>>
      tpu.enqueue_dma source(%arg29 : memref<80x128xf32, #tpu.memory_space<vmem>>) target(%dma_start3A_476 : memref<80x128xf32, #tpu.memory_space<vmem_shared>>) target_semaphore(%run_scoped3A : memref<!tpu.dma_semaphore, #tpu.memory_space<semaphore_mem>>)
      %dma_wait3A = arith.constant 0 : i32
      %dma_wait3A_477 = tpu.memref_slice %arg41[%add3A_82, %dma_wait3A] : memref<10240x128xf32, #tpu.memory_space<vmem_shared>> -> memref<80x128xf32, #tpu.memory_space<vmem_shared>>
      %dma_wait3A_478 = arith.constant 0 : i32
      %dma_wait3A_479 = tpu.memref_slice %arg41[%add3A_82, %dma_wait3A_478] : memref<10240x128xf32, #tpu.memory_space<vmem_shared>> -> memref<80x128xf32, #tpu.memory_space<vmem_shared>>
      tpu.wait_dma2 semaphore(%run_scoped3A : memref<!tpu.dma_semaphore, #tpu.memory_space<semaphore_mem>>) src(%arg29 : memref<80x128xf32, #tpu.memory_space<vmem>>) dst(%dma_wait3A_479 : memref<80x128xf32, #tpu.memory_space<vmem_shared>>)
      tpu.yield
    }) : () -> ()
    %mul3A_83 = arith.constant 640 : i32
    %mul3A_84 = arith.muli %arg1, %mul3A_83 : i32
    %add3A_85 = arith.constant 400 : i32
    %add3A_86 = arith.addi %mul3A_84, %add3A_85 : i32
    "tpu.region"() ({
      %run_scoped3A = tpu.sem_alloc : memref<!tpu.dma_semaphore, #tpu.memory_space<semaphore_mem>>
      %dma_start3A_473 = arith.constant 0 : i32
      %dma_start3A_474 = tpu.memref_slice %arg41[%add3A_86, %dma_start3A_473] : memref<10240x128xf32, #tpu.memory_space<vmem_shared>> -> memref<80x128xf32, #tpu.memory_space<vmem_shared>>
      %dma_start3A_475 = arith.constant 0 : i32
      %dma_start3A_476 = tpu.memref_slice %arg41[%add3A_86, %dma_start3A_475] : memref<10240x128xf32, #tpu.memory_space<vmem_shared>> -> memref<80x128xf32, #tpu.memory_space<vmem_shared>>
      tpu.enqueue_dma source(%arg29 : memref<80x128xf32, #tpu.memory_space<vmem>>) target(%dma_start3A_476 : memref<80x128xf32, #tpu.memory_space<vmem_shared>>) target_semaphore(%run_scoped3A : memref<!tpu.dma_semaphore, #tpu.memory_space<semaphore_mem>>)
      %dma_wait3A = arith.constant 0 : i32
      %dma_wait3A_477 = tpu.memref_slice %arg41[%add3A_86, %dma_wait3A] : memref<10240x128xf32, #tpu.memory_space<vmem_shared>> -> memref<80x128xf32, #tpu.memory_space<vmem_shared>>
      %dma_wait3A_478 = arith.constant 0 : i32
      %dma_wait3A_479 = tpu.memref_slice %arg41[%add3A_86, %dma_wait3A_478] : memref<10240x128xf32, #tpu.memory_space<vmem_shared>> -> memref<80x128xf32, #tpu.memory_space<vmem_shared>>
      tpu.wait_dma2 semaphore(%run_scoped3A : memref<!tpu.dma_semaphore, #tpu.memory_space<semaphore_mem>>) src(%arg29 : memref<80x128xf32, #tpu.memory_space<vmem>>) dst(%dma_wait3A_479 : memref<80x128xf32, #tpu.memory_space<vmem_shared>>)
      tpu.yield
    }) : () -> ()
    %mul3A_87 = arith.constant 640 : i32
    %mul3A_88 = arith.muli %arg1, %mul3A_87 : i32
    %add3A_89 = arith.constant 480 : i32
    %add3A_90 = arith.addi %mul3A_88, %add3A_89 : i32
    "tpu.region"() ({
      %run_scoped3A = tpu.sem_alloc : memref<!tpu.dma_semaphore, #tpu.memory_space<semaphore_mem>>
      %dma_start3A_473 = arith.constant 0 : i32
      %dma_start3A_474 = tpu.memref_slice %arg41[%add3A_90, %dma_start3A_473] : memref<10240x128xf32, #tpu.memory_space<vmem_shared>> -> memref<80x128xf32, #tpu.memory_space<vmem_shared>>
      %dma_start3A_475 = arith.constant 0 : i32
      %dma_start3A_476 = tpu.memref_slice %arg41[%add3A_90, %dma_start3A_475] : memref<10240x128xf32, #tpu.memory_space<vmem_shared>> -> memref<80x128xf32, #tpu.memory_space<vmem_shared>>
      tpu.enqueue_dma source(%arg29 : memref<80x128xf32, #tpu.memory_space<vmem>>) target(%dma_start3A_476 : memref<80x128xf32, #tpu.memory_space<vmem_shared>>) target_semaphore(%run_scoped3A : memref<!tpu.dma_semaphore, #tpu.memory_space<semaphore_mem>>)
      %dma_wait3A = arith.constant 0 : i32
      %dma_wait3A_477 = tpu.memref_slice %arg41[%add3A_90, %dma_wait3A] : memref<10240x128xf32, #tpu.memory_space<vmem_shared>> -> memref<80x128xf32, #tpu.memory_space<vmem_shared>>
      %dma_wait3A_478 = arith.constant 0 : i32
      %dma_wait3A_479 = tpu.memref_slice %arg41[%add3A_90, %dma_wait3A_478] : memref<10240x128xf32, #tpu.memory_space<vmem_shared>> -> memref<80x128xf32, #tpu.memory_space<vmem_shared>>
      tpu.wait_dma2 semaphore(%run_scoped3A : memref<!tpu.dma_semaphore, #tpu.memory_space<semaphore_mem>>) src(%arg29 : memref<80x128xf32, #tpu.memory_space<vmem>>) dst(%dma_wait3A_479 : memref<80x128xf32, #tpu.memory_space<vmem_shared>>)
      tpu.yield
    }) : () -> ()
    %mul3A_91 = arith.constant 640 : i32
    %mul3A_92 = arith.muli %arg1, %mul3A_91 : i32
    %add3A_93 = arith.constant 560 : i32
    %add3A_94 = arith.addi %mul3A_92, %add3A_93 : i32
    "tpu.region"() ({
      %run_scoped3A = tpu.sem_alloc : memref<!tpu.dma_semaphore, #tpu.memory_space<semaphore_mem>>
      %dma_start3A_473 = arith.constant 0 : i32
      %dma_start3A_474 = tpu.memref_slice %arg41[%add3A_94, %dma_start3A_473] : memref<10240x128xf32, #tpu.memory_space<vmem_shared>> -> memref<80x128xf32, #tpu.memory_space<vmem_shared>>
      %dma_start3A_475 = arith.constant 0 : i32
      %dma_start3A_476 = tpu.memref_slice %arg41[%add3A_94, %dma_start3A_475] : memref<10240x128xf32, #tpu.memory_space<vmem_shared>> -> memref<80x128xf32, #tpu.memory_space<vmem_shared>>
      tpu.enqueue_dma source(%arg29 : memref<80x128xf32, #tpu.memory_space<vmem>>) target(%dma_start3A_476 : memref<80x128xf32, #tpu.memory_space<vmem_shared>>) target_semaphore(%run_scoped3A : memref<!tpu.dma_semaphore, #tpu.memory_space<semaphore_mem>>)
      %dma_wait3A = arith.constant 0 : i32
      %dma_wait3A_477 = tpu.memref_slice %arg41[%add3A_94, %dma_wait3A] : memref<10240x128xf32, #tpu.memory_space<vmem_shared>> -> memref<80x128xf32, #tpu.memory_space<vmem_shared>>
      %dma_wait3A_478 = arith.constant 0 : i32
      %dma_wait3A_479 = tpu.memref_slice %arg41[%add3A_94, %dma_wait3A_478] : memref<10240x128xf32, #tpu.memory_space<vmem_shared>> -> memref<80x128xf32, #tpu.memory_space<vmem_shared>>
      tpu.wait_dma2 semaphore(%run_scoped3A : memref<!tpu.dma_semaphore, #tpu.memory_space<semaphore_mem>>) src(%arg29 : memref<80x128xf32, #tpu.memory_space<vmem>>) dst(%dma_wait3A_479 : memref<80x128xf32, #tpu.memory_space<vmem_shared>>)
      tpu.yield
    }) : () -> ()
    %barrier3A = arith.constant 0 : index
    tpu.barrier barrier_id(%barrier3A)
    %jit3A = arith.constant 0 : i32
    %jit3A_95 = arith.constant 20000 : i32
    %select_n3A_96 = arith.select %eq3A_1, %jit3A, %jit3A_95 : i32
    %add3A_97 = arith.constant 10000 : i32
    %add3A_98 = arith.addi %select_n3A_96, %add3A_97 : i32
    %add3A_99 = arith.constant 40000 : i32
    %add3A_100 = arith.addi %select_n3A_96, %add3A_99 : i32
    %add3A_101 = arith.constant 50000 : i32
    %add3A_102 = arith.addi %select_n3A_96, %add3A_101 : i32
    %mul3A_103 = arith.constant 20000 : i32
    %mul3A_104 = arith.muli %arg1, %mul3A_103 : i32
    %add3A_105 = arith.constant 0 : i32
    %add3A_106 = arith.addi %mul3A_104, %add3A_105 : i32
    "tpu.region"() ({
      %run_scoped3A = tpu.sem_alloc : memref<!tpu.dma_semaphore, #tpu.memory_space<semaphore_mem>>
      %dma_start3A_473 = tpu.memref_slice %arg4[%add3A_106] : memref<320000xi32, #tpu.memory_space<hbm>> -> memref<160xi32, #tpu.memory_space<hbm>>
      %dma_start3A_474 = tpu.memref_slice %arg4[%add3A_106] : memref<320000xi32, #tpu.memory_space<hbm>> -> memref<160xi32, #tpu.memory_space<hbm>>
      tpu.enqueue_dma source(%dma_start3A_474 : memref<160xi32, #tpu.memory_space<hbm>>) target(%arg34 : memref<160xi32, #tpu.memory_space<vmem>>) target_semaphore(%run_scoped3A : memref<!tpu.dma_semaphore, #tpu.memory_space<semaphore_mem>>)
      %dma_wait3A = tpu.memref_slice %arg4[%add3A_106] : memref<320000xi32, #tpu.memory_space<hbm>> -> memref<160xi32, #tpu.memory_space<hbm>>
      %dma_wait3A_475 = tpu.memref_slice %arg4[%add3A_106] : memref<320000xi32, #tpu.memory_space<hbm>> -> memref<160xi32, #tpu.memory_space<hbm>>
      tpu.wait_dma2 semaphore(%run_scoped3A : memref<!tpu.dma_semaphore, #tpu.memory_space<semaphore_mem>>) src(%dma_wait3A_475 : memref<160xi32, #tpu.memory_space<hbm>>) dst(%arg34 : memref<160xi32, #tpu.memory_space<vmem>>)
      tpu.yield
    }) : () -> ()
    "tpu.region"() ({
      %run_scoped3A = tpu.sem_alloc : memref<!tpu.dma_semaphore, #tpu.memory_space<semaphore_mem>>
      %dma_start3A_473 = tpu.memref_slice %arg5[%add3A_106] : memref<320000xi32, #tpu.memory_space<hbm>> -> memref<160xi32, #tpu.memory_space<hbm>>
      %dma_start3A_474 = tpu.memref_slice %arg5[%add3A_106] : memref<320000xi32, #tpu.memory_space<hbm>> -> memref<160xi32, #tpu.memory_space<hbm>>
      tpu.enqueue_dma source(%dma_start3A_474 : memref<160xi32, #tpu.memory_space<hbm>>) target(%arg35 : memref<160xi32, #tpu.memory_space<vmem>>) target_semaphore(%run_scoped3A : memref<!tpu.dma_semaphore, #tpu.memory_space<semaphore_mem>>)
      %dma_wait3A = tpu.memref_slice %arg5[%add3A_106] : memref<320000xi32, #tpu.memory_space<hbm>> -> memref<160xi32, #tpu.memory_space<hbm>>
      %dma_wait3A_475 = tpu.memref_slice %arg5[%add3A_106] : memref<320000xi32, #tpu.memory_space<hbm>> -> memref<160xi32, #tpu.memory_space<hbm>>
      tpu.wait_dma2 semaphore(%run_scoped3A : memref<!tpu.dma_semaphore, #tpu.memory_space<semaphore_mem>>) src(%dma_wait3A_475 : memref<160xi32, #tpu.memory_space<hbm>>) dst(%arg35 : memref<160xi32, #tpu.memory_space<vmem>>)
      tpu.yield
    }) : () -> ()
    %get3A_107 = arith.constant 0 : index
    %get3A_108 = tpu.vector_load %arg34[%get3A_107] {strides = array<i32>} : memref<160xi32, #tpu.memory_space<vmem>>, vector<16xi32>,
    %swap3A = arith.constant 0 : index
    %swap3A_109 = tpu.vector_load %arg9[%swap3A] {strides = array<i32>} : memref<80xi32, #tpu.memory_space<vmem>>, vector<16xi32>,
    tpu.vector_store %arg9[%swap3A], %get3A_108 {strides = array<i32>} : memref<80xi32, #tpu.memory_space<vmem>>, vector<16xi32>,
    %get3A_110 = arith.constant 0 : index
    %get3A_111 = tpu.vector_load %arg35[%get3A_110] {strides = array<i32>} : memref<160xi32, #tpu.memory_space<vmem>>, vector<16xi32>,
    %swap3A_112 = arith.constant 0 : index
    %swap3A_113 = tpu.vector_load %arg10[%swap3A_112] {strides = array<i32>} : memref<80xi32, #tpu.memory_space<vmem>>, vector<16xi32>,
    tpu.vector_store %arg10[%swap3A_112], %get3A_111 {strides = array<i32>} : memref<80xi32, #tpu.memory_space<vmem>>, vector<16xi32>,
    %get3A_114 = arith.constant 16 : index
    %get3A_115 = tpu.vector_load %arg34[%get3A_114] {strides = array<i32>} : memref<160xi32, #tpu.memory_space<vmem>>, vector<16xi32>,
    %swap3A_116 = arith.constant 16 : index
    %swap3A_117 = tpu.vector_load %arg9[%swap3A_116] {strides = array<i32>} : memref<80xi32, #tpu.memory_space<vmem>>, vector<16xi32>,
    tpu.vector_store %arg9[%swap3A_116], %get3A_115 {strides = array<i32>} : memref<80xi32, #tpu.memory_space<vmem>>, vector<16xi32>,
    %get3A_118 = arith.constant 16 : index
    %get3A_119 = tpu.vector_load %arg35[%get3A_118] {strides = array<i32>} : memref<160xi32, #tpu.memory_space<vmem>>, vector<16xi32>,
    %swap3A_120 = arith.constant 16 : index
    %swap3A_121 = tpu.vector_load %arg10[%swap3A_120] {strides = array<i32>} : memref<80xi32, #tpu.memory_space<vmem>>, vector<16xi32>,
    tpu.vector_store %arg10[%swap3A_120], %get3A_119 {strides = array<i32>} : memref<80xi32, #tpu.memory_space<vmem>>, vector<16xi32>,
    %get3A_122 = arith.constant 32 : index
    %get3A_123 = tpu.vector_load %arg34[%get3A_122] {strides = array<i32>} : memref<160xi32, #tpu.memory_space<vmem>>, vector<16xi32>,
    %swap3A_124 = arith.constant 32 : index
    %swap3A_125 = tpu.vector_load %arg9[%swap3A_124] {strides = array<i32>} : memref<80xi32, #tpu.memory_space<vmem>>, vector<16xi32>,
    tpu.vector_store %arg9[%swap3A_124], %get3A_123 {strides = array<i32>} : memref<80xi32, #tpu.memory_space<vmem>>, vector<16xi32>,
    %get3A_126 = arith.constant 32 : index
    %get3A_127 = tpu.vector_load %arg35[%get3A_126] {strides = array<i32>} : memref<160xi32, #tpu.memory_space<vmem>>, vector<16xi32>,
    %swap3A_128 = arith.constant 32 : index
    %swap3A_129 = tpu.vector_load %arg10[%swap3A_128] {strides = array<i32>} : memref<80xi32, #tpu.memory_space<vmem>>, vector<16xi32>,
    tpu.vector_store %arg10[%swap3A_128], %get3A_127 {strides = array<i32>} : memref<80xi32, #tpu.memory_space<vmem>>, vector<16xi32>,
    %get3A_130 = arith.constant 48 : index
    %get3A_131 = tpu.vector_load %arg34[%get3A_130] {strides = array<i32>} : memref<160xi32, #tpu.memory_space<vmem>>, vector<16xi32>,
    %swap3A_132 = arith.constant 48 : index
    %swap3A_133 = tpu.vector_load %arg9[%swap3A_132] {strides = array<i32>} : memref<80xi32, #tpu.memory_space<vmem>>, vector<16xi32>,
    tpu.vector_store %arg9[%swap3A_132], %get3A_131 {strides = array<i32>} : memref<80xi32, #tpu.memory_space<vmem>>, vector<16xi32>,
    %get3A_134 = arith.constant 48 : index
    %get3A_135 = tpu.vector_load %arg35[%get3A_134] {strides = array<i32>} : memref<160xi32, #tpu.memory_space<vmem>>, vector<16xi32>,
    %swap3A_136 = arith.constant 48 : index
    %swap3A_137 = tpu.vector_load %arg10[%swap3A_136] {strides = array<i32>} : memref<80xi32, #tpu.memory_space<vmem>>, vector<16xi32>,
    tpu.vector_store %arg10[%swap3A_136], %get3A_135 {strides = array<i32>} : memref<80xi32, #tpu.memory_space<vmem>>, vector<16xi32>,
    %get3A_138 = arith.constant 64 : index
    %get3A_139 = tpu.vector_load %arg34[%get3A_138] {strides = array<i32>} : memref<160xi32, #tpu.memory_space<vmem>>, vector<16xi32>,
    %swap3A_140 = arith.constant 64 : index
    %swap3A_141 = tpu.vector_load %arg9[%swap3A_140] {strides = array<i32>} : memref<80xi32, #tpu.memory_space<vmem>>, vector<16xi32>,
    tpu.vector_store %arg9[%swap3A_140], %get3A_139 {strides = array<i32>} : memref<80xi32, #tpu.memory_space<vmem>>, vector<16xi32>,
    %get3A_142 = arith.constant 64 : index
    %get3A_143 = tpu.vector_load %arg35[%get3A_142] {strides = array<i32>} : memref<160xi32, #tpu.memory_space<vmem>>, vector<16xi32>,
    %swap3A_144 = arith.constant 64 : index
    %swap3A_145 = tpu.vector_load %arg10[%swap3A_144] {strides = array<i32>} : memref<80xi32, #tpu.memory_space<vmem>>, vector<16xi32>,
    tpu.vector_store %arg10[%swap3A_144], %get3A_143 {strides = array<i32>} : memref<80xi32, #tpu.memory_space<vmem>>, vector<16xi32>,
    %dma_start3A = arith.constant 0 : i32
    %dma_start3A_146 = arith.constant 0 : i32
    %dma_start3A_147 = tpu.memref_slice %arg2[%arg0, %dma_start3A, %dma_start3A_146] : memref<2x10000x128xf32, #tpu.memory_space<hbm>> -> memref<1x10000x128xf32, #tpu.memory_space<hbm>>
    %dma_start3A_148 = tpu.memref_squeeze %dma_start3A_147 : memref<1x10000x128xf32, #tpu.memory_space<hbm>> -> memref<10000x128xf32, #tpu.memory_space<hbm>>
    %dma_start3A_149 = arith.constant 0 : i32
    %dma_start3A_150 = arith.constant 0 : i32
    %dma_start3A_151 = tpu.memref_slice %dma_start3A_148[%dma_start3A_149, %dma_start3A_150] : memref<10000x128xf32, #tpu.memory_space<hbm>> -> memref<10000x128xf32, #tpu.memory_space<hbm>>
    tpu.enqueue_indirect_dma source(%dma_start3A_151 : memref<10000x128xf32, #tpu.memory_space<hbm>>) target(%arg29 : memref<80x128xf32, #tpu.memory_space<vmem>>) offsets(%arg9 : memref<80xi32, #tpu.memory_space<vmem>>) semaphore(%arg36 : memref<!tpu.dma_semaphore, #tpu.memory_space<semaphore_mem>>)
    %get3A_152 = arith.constant 0 : index
    %get3A_153 = tpu.vector_load %arg9[%get3A_152] {strides = array<i32>} : memref<80xi32, #tpu.memory_space<vmem>>, vector<16xi32>,
    %add3A_154 = vector.broadcast %select_n3A_96 : i32 to vector<16xi32>
    %add3A_155 = arith.addi %get3A_153, %add3A_154 : vector<16xi32>
    %swap3A_156 = arith.constant 0 : index
    %swap3A_157 = tpu.vector_load %arg13[%swap3A_156] {strides = array<i32>} : memref<80xi32, #tpu.memory_space<vmem>>, vector<16xi32>,
    tpu.vector_store %arg13[%swap3A_156], %add3A_155 {strides = array<i32>} : memref<80xi32, #tpu.memory_space<vmem>>, vector<16xi32>,
    %get3A_158 = arith.constant 16 : index
    %get3A_159 = tpu.vector_load %arg9[%get3A_158] {strides = array<i32>} : memref<80xi32, #tpu.memory_space<vmem>>, vector<16xi32>,
    %add3A_160 = vector.broadcast %select_n3A_96 : i32 to vector<16xi32>
    %add3A_161 = arith.addi %get3A_159, %add3A_160 : vector<16xi32>
    %swap3A_162 = arith.constant 16 : index
    %swap3A_163 = tpu.vector_load %arg13[%swap3A_162] {strides = array<i32>} : memref<80xi32, #tpu.memory_space<vmem>>, vector<16xi32>,
    tpu.vector_store %arg13[%swap3A_162], %add3A_161 {strides = array<i32>} : memref<80xi32, #tpu.memory_space<vmem>>, vector<16xi32>,
    %get3A_164 = arith.constant 32 : index
    %get3A_165 = tpu.vector_load %arg9[%get3A_164] {strides = array<i32>} : memref<80xi32, #tpu.memory_space<vmem>>, vector<16xi32>,
    %add3A_166 = vector.broadcast %select_n3A_96 : i32 to vector<16xi32>
    %add3A_167 = arith.addi %get3A_165, %add3A_166 : vector<16xi32>
    %swap3A_168 = arith.constant 32 : index
    %swap3A_169 = tpu.vector_load %arg13[%swap3A_168] {strides = array<i32>} : memref<80xi32, #tpu.memory_space<vmem>>, vector<16xi32>,
    tpu.vector_store %arg13[%swap3A_168], %add3A_167 {strides = array<i32>} : memref<80xi32, #tpu.memory_space<vmem>>, vector<16xi32>,
    %get3A_170 = arith.constant 48 : index
    %get3A_171 = tpu.vector_load %arg9[%get3A_170] {strides = array<i32>} : memref<80xi32, #tpu.memory_space<vmem>>, vector<16xi32>,
    %add3A_172 = vector.broadcast %select_n3A_96 : i32 to vector<16xi32>
    %add3A_173 = arith.addi %get3A_171, %add3A_172 : vector<16xi32>
    %swap3A_174 = arith.constant 48 : index
    %swap3A_175 = tpu.vector_load %arg13[%swap3A_174] {strides = array<i32>} : memref<80xi32, #tpu.memory_space<vmem>>, vector<16xi32>,
    tpu.vector_store %arg13[%swap3A_174], %add3A_173 {strides = array<i32>} : memref<80xi32, #tpu.memory_space<vmem>>, vector<16xi32>,
    %get3A_176 = arith.constant 64 : index
    %get3A_177 = tpu.vector_load %arg9[%get3A_176] {strides = array<i32>} : memref<80xi32, #tpu.memory_space<vmem>>, vector<16xi32>,
    %add3A_178 = vector.broadcast %select_n3A_96 : i32 to vector<16xi32>
    %add3A_179 = arith.addi %get3A_177, %add3A_178 : vector<16xi32>
    %swap3A_180 = arith.constant 64 : index
    %swap3A_181 = tpu.vector_load %arg13[%swap3A_180] {strides = array<i32>} : memref<80xi32, #tpu.memory_space<vmem>>, vector<16xi32>,
    tpu.vector_store %arg13[%swap3A_180], %add3A_179 {strides = array<i32>} : memref<80xi32, #tpu.memory_space<vmem>>, vector<16xi32>,
    %dma_start3A_182 = arith.constant 0 : i32
    %dma_start3A_183 = tpu.memref_slice %arg3[%dma_start3A_182] : memref<80000xf32, #tpu.memory_space<hbm>> -> memref<80000xf32, #tpu.memory_space<hbm>>
    tpu.enqueue_indirect_dma source(%dma_start3A_183 : memref<80000xf32, #tpu.memory_space<hbm>>) target(%arg21 : memref<80xf32, #tpu.memory_space<vmem>>) offsets(%arg13 : memref<80xi32, #tpu.memory_space<vmem>>) semaphore(%arg37 : memref<!tpu.dma_semaphore, #tpu.memory_space<semaphore_mem>>)
    %get3A_184 = arith.constant 0 : index
    %get3A_185 = tpu.vector_load %arg9[%get3A_184] {strides = array<i32>} : memref<80xi32, #tpu.memory_space<vmem>>, vector<16xi32>,
    %add3A_186 = vector.broadcast %add3A_98 : i32 to vector<16xi32>
    %add3A_187 = arith.addi %get3A_185, %add3A_186 : vector<16xi32>
    %swap3A_188 = arith.constant 0 : index
    %swap3A_189 = tpu.vector_load %arg14[%swap3A_188] {strides = array<i32>} : memref<80xi32, #tpu.memory_space<vmem>>, vector<16xi32>,
    tpu.vector_store %arg14[%swap3A_188], %add3A_187 {strides = array<i32>} : memref<80xi32, #tpu.memory_space<vmem>>, vector<16xi32>,
    %get3A_190 = arith.constant 16 : index
    %get3A_191 = tpu.vector_load %arg9[%get3A_190] {strides = array<i32>} : memref<80xi32, #tpu.memory_space<vmem>>, vector<16xi32>,
    %add3A_192 = vector.broadcast %add3A_98 : i32 to vector<16xi32>
    %add3A_193 = arith.addi %get3A_191, %add3A_192 : vector<16xi32>
    %swap3A_194 = arith.constant 16 : index
    %swap3A_195 = tpu.vector_load %arg14[%swap3A_194] {strides = array<i32>} : memref<80xi32, #tpu.memory_space<vmem>>, vector<16xi32>,
    tpu.vector_store %arg14[%swap3A_194], %add3A_193 {strides = array<i32>} : memref<80xi32, #tpu.memory_space<vmem>>, vector<16xi32>,
    %get3A_196 = arith.constant 32 : index
    %get3A_197 = tpu.vector_load %arg9[%get3A_196] {strides = array<i32>} : memref<80xi32, #tpu.memory_space<vmem>>, vector<16xi32>,
    %add3A_198 = vector.broadcast %add3A_98 : i32 to vector<16xi32>
    %add3A_199 = arith.addi %get3A_197, %add3A_198 : vector<16xi32>
    %swap3A_200 = arith.constant 32 : index
    %swap3A_201 = tpu.vector_load %arg14[%swap3A_200] {strides = array<i32>} : memref<80xi32, #tpu.memory_space<vmem>>, vector<16xi32>,
    tpu.vector_store %arg14[%swap3A_200], %add3A_199 {strides = array<i32>} : memref<80xi32, #tpu.memory_space<vmem>>, vector<16xi32>,
    %get3A_202 = arith.constant 48 : index
    %get3A_203 = tpu.vector_load %arg9[%get3A_202] {strides = array<i32>} : memref<80xi32, #tpu.memory_space<vmem>>, vector<16xi32>,
    %add3A_204 = vector.broadcast %add3A_98 : i32 to vector<16xi32>
    %add3A_205 = arith.addi %get3A_203, %add3A_204 : vector<16xi32>
    %swap3A_206 = arith.constant 48 : index
    %swap3A_207 = tpu.vector_load %arg14[%swap3A_206] {strides = array<i32>} : memref<80xi32, #tpu.memory_space<vmem>>, vector<16xi32>,
    tpu.vector_store %arg14[%swap3A_206], %add3A_205 {strides = array<i32>} : memref<80xi32, #tpu.memory_space<vmem>>, vector<16xi32>,
    %get3A_208 = arith.constant 64 : index
    %get3A_209 = tpu.vector_load %arg9[%get3A_208] {strides = array<i32>} : memref<80xi32, #tpu.memory_space<vmem>>, vector<16xi32>,
    %add3A_210 = vector.broadcast %add3A_98 : i32 to vector<16xi32>
    %add3A_211 = arith.addi %get3A_209, %add3A_210 : vector<16xi32>
    %swap3A_212 = arith.constant 64 : index
    %swap3A_213 = tpu.vector_load %arg14[%swap3A_212] {strides = array<i32>} : memref<80xi32, #tpu.memory_space<vmem>>, vector<16xi32>,
    tpu.vector_store %arg14[%swap3A_212], %add3A_211 {strides = array<i32>} : memref<80xi32, #tpu.memory_space<vmem>>, vector<16xi32>,
    %dma_start3A_214 = arith.constant 0 : i32
    %dma_start3A_215 = tpu.memref_slice %arg3[%dma_start3A_214] : memref<80000xf32, #tpu.memory_space<hbm>> -> memref<80000xf32, #tpu.memory_space<hbm>>
    tpu.enqueue_indirect_dma source(%dma_start3A_215 : memref<80000xf32, #tpu.memory_space<hbm>>) target(%arg22 : memref<80xf32, #tpu.memory_space<vmem>>) offsets(%arg14 : memref<80xi32, #tpu.memory_space<vmem>>) semaphore(%arg37 : memref<!tpu.dma_semaphore, #tpu.memory_space<semaphore_mem>>)
    %get3A_216 = arith.constant 0 : index
    %get3A_217 = tpu.vector_load %arg10[%get3A_216] {strides = array<i32>} : memref<80xi32, #tpu.memory_space<vmem>>, vector<16xi32>,
    %add3A_218 = vector.broadcast %add3A_100 : i32 to vector<16xi32>
    %add3A_219 = arith.addi %get3A_217, %add3A_218 : vector<16xi32>
    %swap3A_220 = arith.constant 0 : index
    %swap3A_221 = tpu.vector_load %arg15[%swap3A_220] {strides = array<i32>} : memref<80xi32, #tpu.memory_space<vmem>>, vector<16xi32>,
    tpu.vector_store %arg15[%swap3A_220], %add3A_219 {strides = array<i32>} : memref<80xi32, #tpu.memory_space<vmem>>, vector<16xi32>,
    %get3A_222 = arith.constant 16 : index
    %get3A_223 = tpu.vector_load %arg10[%get3A_222] {strides = array<i32>} : memref<80xi32, #tpu.memory_space<vmem>>, vector<16xi32>,
    %add3A_224 = vector.broadcast %add3A_100 : i32 to vector<16xi32>
    %add3A_225 = arith.addi %get3A_223, %add3A_224 : vector<16xi32>
    %swap3A_226 = arith.constant 16 : index
    %swap3A_227 = tpu.vector_load %arg15[%swap3A_226] {strides = array<i32>} : memref<80xi32, #tpu.memory_space<vmem>>, vector<16xi32>,
    tpu.vector_store %arg15[%swap3A_226], %add3A_225 {strides = array<i32>} : memref<80xi32, #tpu.memory_space<vmem>>, vector<16xi32>,
    %get3A_228 = arith.constant 32 : index
    %get3A_229 = tpu.vector_load %arg10[%get3A_228] {strides = array<i32>} : memref<80xi32, #tpu.memory_space<vmem>>, vector<16xi32>,
    %add3A_230 = vector.broadcast %add3A_100 : i32 to vector<16xi32>
    %add3A_231 = arith.addi %get3A_229, %add3A_230 : vector<16xi32>
    %swap3A_232 = arith.constant 32 : index
    %swap3A_233 = tpu.vector_load %arg15[%swap3A_232] {strides = array<i32>} : memref<80xi32, #tpu.memory_space<vmem>>, vector<16xi32>,
    tpu.vector_store %arg15[%swap3A_232], %add3A_231 {strides = array<i32>} : memref<80xi32, #tpu.memory_space<vmem>>, vector<16xi32>,
    %get3A_234 = arith.constant 48 : index
    %get3A_235 = tpu.vector_load %arg10[%get3A_234] {strides = array<i32>} : memref<80xi32, #tpu.memory_space<vmem>>, vector<16xi32>,
    %add3A_236 = vector.broadcast %add3A_100 : i32 to vector<16xi32>
    %add3A_237 = arith.addi %get3A_235, %add3A_236 : vector<16xi32>
    %swap3A_238 = arith.constant 48 : index
    %swap3A_239 = tpu.vector_load %arg15[%swap3A_238] {strides = array<i32>} : memref<80xi32, #tpu.memory_space<vmem>>, vector<16xi32>,
    tpu.vector_store %arg15[%swap3A_238], %add3A_237 {strides = array<i32>} : memref<80xi32, #tpu.memory_space<vmem>>, vector<16xi32>,
    %get3A_240 = arith.constant 64 : index
    %get3A_241 = tpu.vector_load %arg10[%get3A_240] {strides = array<i32>} : memref<80xi32, #tpu.memory_space<vmem>>, vector<16xi32>,
    %add3A_242 = vector.broadcast %add3A_100 : i32 to vector<16xi32>
    %add3A_243 = arith.addi %get3A_241, %add3A_242 : vector<16xi32>
    %swap3A_244 = arith.constant 64 : index
    %swap3A_245 = tpu.vector_load %arg15[%swap3A_244] {strides = array<i32>} : memref<80xi32, #tpu.memory_space<vmem>>, vector<16xi32>,
    tpu.vector_store %arg15[%swap3A_244], %add3A_243 {strides = array<i32>} : memref<80xi32, #tpu.memory_space<vmem>>, vector<16xi32>,
    %dma_start3A_246 = arith.constant 0 : i32
    %dma_start3A_247 = tpu.memref_slice %arg3[%dma_start3A_246] : memref<80000xf32, #tpu.memory_space<hbm>> -> memref<80000xf32, #tpu.memory_space<hbm>>
    tpu.enqueue_indirect_dma source(%dma_start3A_247 : memref<80000xf32, #tpu.memory_space<hbm>>) target(%arg23 : memref<80xf32, #tpu.memory_space<vmem>>) offsets(%arg15 : memref<80xi32, #tpu.memory_space<vmem>>) semaphore(%arg37 : memref<!tpu.dma_semaphore, #tpu.memory_space<semaphore_mem>>)
    %get3A_248 = arith.constant 0 : index
    %get3A_249 = tpu.vector_load %arg10[%get3A_248] {strides = array<i32>} : memref<80xi32, #tpu.memory_space<vmem>>, vector<16xi32>,
    %add3A_250 = vector.broadcast %add3A_102 : i32 to vector<16xi32>
    %add3A_251 = arith.addi %get3A_249, %add3A_250 : vector<16xi32>
    %swap3A_252 = arith.constant 0 : index
    %swap3A_253 = tpu.vector_load %arg16[%swap3A_252] {strides = array<i32>} : memref<80xi32, #tpu.memory_space<vmem>>, vector<16xi32>,
    tpu.vector_store %arg16[%swap3A_252], %add3A_251 {strides = array<i32>} : memref<80xi32, #tpu.memory_space<vmem>>, vector<16xi32>,
    %get3A_254 = arith.constant 16 : index
    %get3A_255 = tpu.vector_load %arg10[%get3A_254] {strides = array<i32>} : memref<80xi32, #tpu.memory_space<vmem>>, vector<16xi32>,
    %add3A_256 = vector.broadcast %add3A_102 : i32 to vector<16xi32>
    %add3A_257 = arith.addi %get3A_255, %add3A_256 : vector<16xi32>
    %swap3A_258 = arith.constant 16 : index
    %swap3A_259 = tpu.vector_load %arg16[%swap3A_258] {strides = array<i32>} : memref<80xi32, #tpu.memory_space<vmem>>, vector<16xi32>,
    tpu.vector_store %arg16[%swap3A_258], %add3A_257 {strides = array<i32>} : memref<80xi32, #tpu.memory_space<vmem>>, vector<16xi32>,
    %get3A_260 = arith.constant 32 : index
    %get3A_261 = tpu.vector_load %arg10[%get3A_260] {strides = array<i32>} : memref<80xi32, #tpu.memory_space<vmem>>, vector<16xi32>,
    %add3A_262 = vector.broadcast %add3A_102 : i32 to vector<16xi32>
    %add3A_263 = arith.addi %get3A_261, %add3A_262 : vector<16xi32>
    %swap3A_264 = arith.constant 32 : index
    %swap3A_265 = tpu.vector_load %arg16[%swap3A_264] {strides = array<i32>} : memref<80xi32, #tpu.memory_space<vmem>>, vector<16xi32>,
    tpu.vector_store %arg16[%swap3A_264], %add3A_263 {strides = array<i32>} : memref<80xi32, #tpu.memory_space<vmem>>, vector<16xi32>,
    %get3A_266 = arith.constant 48 : index
    %get3A_267 = tpu.vector_load %arg10[%get3A_266] {strides = array<i32>} : memref<80xi32, #tpu.memory_space<vmem>>, vector<16xi32>,
    %add3A_268 = vector.broadcast %add3A_102 : i32 to vector<16xi32>
    %add3A_269 = arith.addi %get3A_267, %add3A_268 : vector<16xi32>
    %swap3A_270 = arith.constant 48 : index
    %swap3A_271 = tpu.vector_load %arg16[%swap3A_270] {strides = array<i32>} : memref<80xi32, #tpu.memory_space<vmem>>, vector<16xi32>,
    tpu.vector_store %arg16[%swap3A_270], %add3A_269 {strides = array<i32>} : memref<80xi32, #tpu.memory_space<vmem>>, vector<16xi32>,
    %get3A_272 = arith.constant 64 : index
    %get3A_273 = tpu.vector_load %arg10[%get3A_272] {strides = array<i32>} : memref<80xi32, #tpu.memory_space<vmem>>, vector<16xi32>,
    %add3A_274 = vector.broadcast %add3A_102 : i32 to vector<16xi32>
    %add3A_275 = arith.addi %get3A_273, %add3A_274 : vector<16xi32>
    %swap3A_276 = arith.constant 64 : index
    %swap3A_277 = tpu.vector_load %arg16[%swap3A_276] {strides = array<i32>} : memref<80xi32, #tpu.memory_space<vmem>>, vector<16xi32>,
    tpu.vector_store %arg16[%swap3A_276], %add3A_275 {strides = array<i32>} : memref<80xi32, #tpu.memory_space<vmem>>, vector<16xi32>,
    %dma_start3A_278 = arith.constant 0 : i32
    %dma_start3A_279 = tpu.memref_slice %arg3[%dma_start3A_278] : memref<80000xf32, #tpu.memory_space<hbm>> -> memref<80000xf32, #tpu.memory_space<hbm>>
    tpu.enqueue_indirect_dma source(%dma_start3A_279 : memref<80000xf32, #tpu.memory_space<hbm>>) target(%arg24 : memref<80xf32, #tpu.memory_space<vmem>>) offsets(%arg16 : memref<80xi32, #tpu.memory_space<vmem>>) semaphore(%arg37 : memref<!tpu.dma_semaphore, #tpu.memory_space<semaphore_mem>>)
    %get3A_280 = arith.constant 80 : index
    %get3A_281 = tpu.vector_load %arg34[%get3A_280] {strides = array<i32>} : memref<160xi32, #tpu.memory_space<vmem>>, vector<16xi32>,
    %swap3A_282 = arith.constant 0 : index
    %swap3A_283 = tpu.vector_load %arg11[%swap3A_282] {strides = array<i32>} : memref<80xi32, #tpu.memory_space<vmem>>, vector<16xi32>,
    tpu.vector_store %arg11[%swap3A_282], %get3A_281 {strides = array<i32>} : memref<80xi32, #tpu.memory_space<vmem>>, vector<16xi32>,
    %get3A_284 = arith.constant 80 : index
    %get3A_285 = tpu.vector_load %arg35[%get3A_284] {strides = array<i32>} : memref<160xi32, #tpu.memory_space<vmem>>, vector<16xi32>,
    %swap3A_286 = arith.constant 0 : index
    %swap3A_287 = tpu.vector_load %arg12[%swap3A_286] {strides = array<i32>} : memref<80xi32, #tpu.memory_space<vmem>>, vector<16xi32>,
    tpu.vector_store %arg12[%swap3A_286], %get3A_285 {strides = array<i32>} : memref<80xi32, #tpu.memory_space<vmem>>, vector<16xi32>,
    %get3A_288 = arith.constant 96 : index
    %get3A_289 = tpu.vector_load %arg34[%get3A_288] {strides = array<i32>} : memref<160xi32, #tpu.memory_space<vmem>>, vector<16xi32>,
    %swap3A_290 = arith.constant 16 : index
    %swap3A_291 = tpu.vector_load %arg11[%swap3A_290] {strides = array<i32>} : memref<80xi32, #tpu.memory_space<vmem>>, vector<16xi32>,
    tpu.vector_store %arg11[%swap3A_290], %get3A_289 {strides = array<i32>} : memref<80xi32, #tpu.memory_space<vmem>>, vector<16xi32>,
    %get3A_292 = arith.constant 96 : index
    %get3A_293 = tpu.vector_load %arg35[%get3A_292] {strides = array<i32>} : memref<160xi32, #tpu.memory_space<vmem>>, vector<16xi32>,
    %swap3A_294 = arith.constant 16 : index
    %swap3A_295 = tpu.vector_load %arg12[%swap3A_294] {strides = array<i32>} : memref<80xi32, #tpu.memory_space<vmem>>, vector<16xi32>,
    tpu.vector_store %arg12[%swap3A_294], %get3A_293 {strides = array<i32>} : memref<80xi32, #tpu.memory_space<vmem>>, vector<16xi32>,
    %get3A_296 = arith.constant 112 : index
    %get3A_297 = tpu.vector_load %arg34[%get3A_296] {strides = array<i32>} : memref<160xi32, #tpu.memory_space<vmem>>, vector<16xi32>,
    %swap3A_298 = arith.constant 32 : index
    %swap3A_299 = tpu.vector_load %arg11[%swap3A_298] {strides = array<i32>} : memref<80xi32, #tpu.memory_space<vmem>>, vector<16xi32>,
    tpu.vector_store %arg11[%swap3A_298], %get3A_297 {strides = array<i32>} : memref<80xi32, #tpu.memory_space<vmem>>, vector<16xi32>,
    %get3A_300 = arith.constant 112 : index
    %get3A_301 = tpu.vector_load %arg35[%get3A_300] {strides = array<i32>} : memref<160xi32, #tpu.memory_space<vmem>>, vector<16xi32>,
    %swap3A_302 = arith.constant 32 : index
    %swap3A_303 = tpu.vector_load %arg12[%swap3A_302] {strides = array<i32>} : memref<80xi32, #tpu.memory_space<vmem>>, vector<16xi32>,
    tpu.vector_store %arg12[%swap3A_302], %get3A_301 {strides = array<i32>} : memref<80xi32, #tpu.memory_space<vmem>>, vector<16xi32>,
    %get3A_304 = arith.constant 128 : index
    %get3A_305 = tpu.vector_load %arg34[%get3A_304] {strides = array<i32>} : memref<160xi32, #tpu.memory_space<vmem>>, vector<16xi32>,
    %swap3A_306 = arith.constant 48 : index
    %swap3A_307 = tpu.vector_load %arg11[%swap3A_306] {strides = array<i32>} : memref<80xi32, #tpu.memory_space<vmem>>, vector<16xi32>,
    tpu.vector_store %arg11[%swap3A_306], %get3A_305 {strides = array<i32>} : memref<80xi32, #tpu.memory_space<vmem>>, vector<16xi32>,
    %get3A_308 = arith.constant 128 : index
    %get3A_309 = tpu.vector_load %arg35[%get3A_308] {strides = array<i32>} : memref<160xi32, #tpu.memory_space<vmem>>, vector<16xi32>,
    %swap3A_310 = arith.constant 48 : index
    %swap3A_311 = tpu.vector_load %arg12[%swap3A_310] {strides = array<i32>} : memref<80xi32, #tpu.memory_space<vmem>>, vector<16xi32>,
    tpu.vector_store %arg12[%swap3A_310], %get3A_309 {strides = array<i32>} : memref<80xi32, #tpu.memory_space<vmem>>, vector<16xi32>,
    %get3A_312 = arith.constant 144 : index
    %get3A_313 = tpu.vector_load %arg34[%get3A_312] {strides = array<i32>} : memref<160xi32, #tpu.memory_space<vmem>>, vector<16xi32>,
    %swap3A_314 = arith.constant 64 : index
    %swap3A_315 = tpu.vector_load %arg11[%swap3A_314] {strides = array<i32>} : memref<80xi32, #tpu.memory_space<vmem>>, vector<16xi32>,
    tpu.vector_store %arg11[%swap3A_314], %get3A_313 {strides = array<i32>} : memref<80xi32, #tpu.memory_space<vmem>>, vector<16xi32>,
    %get3A_316 = arith.constant 144 : index
    %get3A_317 = tpu.vector_load %arg35[%get3A_316] {strides = array<i32>} : memref<160xi32, #tpu.memory_space<vmem>>, vector<16xi32>,
    %swap3A_318 = arith.constant 64 : index
    %swap3A_319 = tpu.vector_load %arg12[%swap3A_318] {strides = array<i32>} : memref<80xi32, #tpu.memory_space<vmem>>, vector<16xi32>,
    tpu.vector_store %arg12[%swap3A_318], %get3A_317 {strides = array<i32>} : memref<80xi32, #tpu.memory_space<vmem>>, vector<16xi32>,
    %dma_start3A_320 = arith.constant 0 : i32
    %dma_start3A_321 = arith.constant 0 : i32
    %dma_start3A_322 = tpu.memref_slice %arg2[%arg0, %dma_start3A_320, %dma_start3A_321] : memref<2x10000x128xf32, #tpu.memory_space<hbm>> -> memref<1x10000x128xf32, #tpu.memory_space<hbm>>
    %dma_start3A_323 = tpu.memref_squeeze %dma_start3A_322 : memref<1x10000x128xf32, #tpu.memory_space<hbm>> -> memref<10000x128xf32, #tpu.memory_space<hbm>>
    %dma_start3A_324 = arith.constant 0 : i32
    %dma_start3A_325 = arith.constant 0 : i32
    %dma_start3A_326 = tpu.memref_slice %dma_start3A_323[%dma_start3A_324, %dma_start3A_325] : memref<10000x128xf32, #tpu.memory_space<hbm>> -> memref<10000x128xf32, #tpu.memory_space<hbm>>
    tpu.enqueue_indirect_dma source(%dma_start3A_326 : memref<10000x128xf32, #tpu.memory_space<hbm>>) target(%arg30 : memref<80x128xf32, #tpu.memory_space<vmem>>) offsets(%arg11 : memref<80xi32, #tpu.memory_space<vmem>>) semaphore(%arg38 : memref<!tpu.dma_semaphore, #tpu.memory_space<semaphore_mem>>)
    %get3A_327 = arith.constant 0 : index
    %get3A_328 = tpu.vector_load %arg11[%get3A_327] {strides = array<i32>} : memref<80xi32, #tpu.memory_space<vmem>>, vector<16xi32>,
    %add3A_329 = vector.broadcast %select_n3A_96 : i32 to vector<16xi32>
    %add3A_330 = arith.addi %get3A_328, %add3A_329 : vector<16xi32>
    %swap3A_331 = arith.constant 0 : index
    %swap3A_332 = tpu.vector_load %arg17[%swap3A_331] {strides = array<i32>} : memref<80xi32, #tpu.memory_space<vmem>>, vector<16xi32>,
    tpu.vector_store %arg17[%swap3A_331], %add3A_330 {strides = array<i32>} : memref<80xi32, #tpu.memory_space<vmem>>, vector<16xi32>,
    %get3A_333 = arith.constant 16 : index
    %get3A_334 = tpu.vector_load %arg11[%get3A_333] {strides = array<i32>} : memref<80xi32, #tpu.memory_space<vmem>>, vector<16xi32>,
    %add3A_335 = vector.broadcast %select_n3A_96 : i32 to vector<16xi32>
    %add3A_336 = arith.addi %get3A_334, %add3A_335 : vector<16xi32>
    %swap3A_337 = arith.constant 16 : index
    %swap3A_338 = tpu.vector_load %arg17[%swap3A_337] {strides = array<i32>} : memref<80xi32, #tpu.memory_space<vmem>>, vector<16xi32>,
    tpu.vector_store %arg17[%swap3A_337], %add3A_336 {strides = array<i32>} : memref<80xi32, #tpu.memory_space<vmem>>, vector<16xi32>,
    %get3A_339 = arith.constant 32 : index
    %get3A_340 = tpu.vector_load %arg11[%get3A_339] {strides = array<i32>} : memref<80xi32, #tpu.memory_space<vmem>>, vector<16xi32>,
    %add3A_341 = vector.broadcast %select_n3A_96 : i32 to vector<16xi32>
    %add3A_342 = arith.addi %get3A_340, %add3A_341 : vector<16xi32>
    %swap3A_343 = arith.constant 32 : index
    %swap3A_344 = tpu.vector_load %arg17[%swap3A_343] {strides = array<i32>} : memref<80xi32, #tpu.memory_space<vmem>>, vector<16xi32>,
    tpu.vector_store %arg17[%swap3A_343], %add3A_342 {strides = array<i32>} : memref<80xi32, #tpu.memory_space<vmem>>, vector<16xi32>,
    %get3A_345 = arith.constant 48 : index
    %get3A_346 = tpu.vector_load %arg11[%get3A_345] {strides = array<i32>} : memref<80xi32, #tpu.memory_space<vmem>>, vector<16xi32>,
    %add3A_347 = vector.broadcast %select_n3A_96 : i32 to vector<16xi32>
    %add3A_348 = arith.addi %get3A_346, %add3A_347 : vector<16xi32>
    %swap3A_349 = arith.constant 48 : index
    %swap3A_350 = tpu.vector_load %arg17[%swap3A_349] {strides = array<i32>} : memref<80xi32, #tpu.memory_space<vmem>>, vector<16xi32>,
    tpu.vector_store %arg17[%swap3A_349], %add3A_348 {strides = array<i32>} : memref<80xi32, #tpu.memory_space<vmem>>, vector<16xi32>,
    %get3A_351 = arith.constant 64 : index
    %get3A_352 = tpu.vector_load %arg11[%get3A_351] {strides = array<i32>} : memref<80xi32, #tpu.memory_space<vmem>>, vector<16xi32>,
    %add3A_353 = vector.broadcast %select_n3A_96 : i32 to vector<16xi32>
    %add3A_354 = arith.addi %get3A_352, %add3A_353 : vector<16xi32>
    %swap3A_355 = arith.constant 64 : index
    %swap3A_356 = tpu.vector_load %arg17[%swap3A_355] {strides = array<i32>} : memref<80xi32, #tpu.memory_space<vmem>>, vector<16xi32>,
    tpu.vector_store %arg17[%swap3A_355], %add3A_354 {strides = array<i32>} : memref<80xi32, #tpu.memory_space<vmem>>, vector<16xi32>,
    %dma_start3A_357 = arith.constant 0 : i32
    %dma_start3A_358 = tpu.memref_slice %arg3[%dma_start3A_357] : memref<80000xf32, #tpu.memory_space<hbm>> -> memref<80000xf32, #tpu.memory_space<hbm>>
    tpu.enqueue_indirect_dma source(%dma_start3A_358 : memref<80000xf32, #tpu.memory_space<hbm>>) target(%arg25 : memref<80xf32, #tpu.memory_space<vmem>>) offsets(%arg17 : memref<80xi32, #tpu.memory_space<vmem>>) semaphore(%arg39 : memref<!tpu.dma_semaphore, #tpu.memory_space<semaphore_mem>>)
    %get3A_359 = arith.constant 0 : index
    %get3A_360 = tpu.vector_load %arg11[%get3A_359] {strides = array<i32>} : memref<80xi32, #tpu.memory_space<vmem>>, vector<16xi32>,
    %add3A_361 = vector.broadcast %add3A_98 : i32 to vector<16xi32>
    %add3A_362 = arith.addi %get3A_360, %add3A_361 : vector<16xi32>
    %swap3A_363 = arith.constant 0 : index
    %swap3A_364 = tpu.vector_load %arg18[%swap3A_363] {strides = array<i32>} : memref<80xi32, #tpu.memory_space<vmem>>, vector<16xi32>,
    tpu.vector_store %arg18[%swap3A_363], %add3A_362 {strides = array<i32>} : memref<80xi32, #tpu.memory_space<vmem>>, vector<16xi32>,
    %get3A_365 = arith.constant 16 : index
    %get3A_366 = tpu.vector_load %arg11[%get3A_365] {strides = array<i32>} : memref<80xi32, #tpu.memory_space<vmem>>, vector<16xi32>,
    %add3A_367 = vector.broadcast %add3A_98 : i32 to vector<16xi32>
    %add3A_368 = arith.addi %get3A_366, %add3A_367 : vector<16xi32>
    %swap3A_369 = arith.constant 16 : index
    %swap3A_370 = tpu.vector_load %arg18[%swap3A_369] {strides = array<i32>} : memref<80xi32, #tpu.memory_space<vmem>>, vector<16xi32>,
    tpu.vector_store %arg18[%swap3A_369], %add3A_368 {strides = array<i32>} : memref<80xi32, #tpu.memory_space<vmem>>, vector<16xi32>,
    %get3A_371 = arith.constant 32 : index
    %get3A_372 = tpu.vector_load %arg11[%get3A_371] {strides = array<i32>} : memref<80xi32, #tpu.memory_space<vmem>>, vector<16xi32>,
    %add3A_373 = vector.broadcast %add3A_98 : i32 to vector<16xi32>
    %add3A_374 = arith.addi %get3A_372, %add3A_373 : vector<16xi32>
    %swap3A_375 = arith.constant 32 : index
    %swap3A_376 = tpu.vector_load %arg18[%swap3A_375] {strides = array<i32>} : memref<80xi32, #tpu.memory_space<vmem>>, vector<16xi32>,
    tpu.vector_store %arg18[%swap3A_375], %add3A_374 {strides = array<i32>} : memref<80xi32, #tpu.memory_space<vmem>>, vector<16xi32>,
    %get3A_377 = arith.constant 48 : index
    %get3A_378 = tpu.vector_load %arg11[%get3A_377] {strides = array<i32>} : memref<80xi32, #tpu.memory_space<vmem>>, vector<16xi32>,
    %add3A_379 = vector.broadcast %add3A_98 : i32 to vector<16xi32>
    %add3A_380 = arith.addi %get3A_378, %add3A_379 : vector<16xi32>
    %swap3A_381 = arith.constant 48 : index
    %swap3A_382 = tpu.vector_load %arg18[%swap3A_381] {strides = array<i32>} : memref<80xi32, #tpu.memory_space<vmem>>, vector<16xi32>,
    tpu.vector_store %arg18[%swap3A_381], %add3A_380 {strides = array<i32>} : memref<80xi32, #tpu.memory_space<vmem>>, vector<16xi32>,
    %get3A_383 = arith.constant 64 : index
    %get3A_384 = tpu.vector_load %arg11[%get3A_383] {strides = array<i32>} : memref<80xi32, #tpu.memory_space<vmem>>, vector<16xi32>,
    %add3A_385 = vector.broadcast %add3A_98 : i32 to vector<16xi32>
    %add3A_386 = arith.addi %get3A_384, %add3A_385 : vector<16xi32>
    %swap3A_387 = arith.constant 64 : index
    %swap3A_388 = tpu.vector_load %arg18[%swap3A_387] {strides = array<i32>} : memref<80xi32, #tpu.memory_space<vmem>>, vector<16xi32>,
    tpu.vector_store %arg18[%swap3A_387], %add3A_386 {strides = array<i32>} : memref<80xi32, #tpu.memory_space<vmem>>, vector<16xi32>,
    %dma_start3A_389 = arith.constant 0 : i32
    %dma_start3A_390 = tpu.memref_slice %arg3[%dma_start3A_389] : memref<80000xf32, #tpu.memory_space<hbm>> -> memref<80000xf32, #tpu.memory_space<hbm>>
    tpu.enqueue_indirect_dma source(%dma_start3A_390 : memref<80000xf32, #tpu.memory_space<hbm>>) target(%arg26 : memref<80xf32, #tpu.memory_space<vmem>>) offsets(%arg18 : memref<80xi32, #tpu.memory_space<vmem>>) semaphore(%arg39 : memref<!tpu.dma_semaphore, #tpu.memory_space<semaphore_mem>>)
    %get3A_391 = arith.constant 0 : index
    %get3A_392 = tpu.vector_load %arg12[%get3A_391] {strides = array<i32>} : memref<80xi32, #tpu.memory_space<vmem>>, vector<16xi32>,
    %add3A_393 = vector.broadcast %add3A_100 : i32 to vector<16xi32>
    %add3A_394 = arith.addi %get3A_392, %add3A_393 : vector<16xi32>
    %swap3A_395 = arith.constant 0 : index
    %swap3A_396 = tpu.vector_load %arg19[%swap3A_395] {strides = array<i32>} : memref<80xi32, #tpu.memory_space<vmem>>, vector<16xi32>,
    tpu.vector_store %arg19[%swap3A_395], %add3A_394 {strides = array<i32>} : memref<80xi32, #tpu.memory_space<vmem>>, vector<16xi32>,
    %get3A_397 = arith.constant 16 : index
    %get3A_398 = tpu.vector_load %arg12[%get3A_397] {strides = array<i32>} : memref<80xi32, #tpu.memory_space<vmem>>, vector<16xi32>,
    %add3A_399 = vector.broadcast %add3A_100 : i32 to vector<16xi32>
    %add3A_400 = arith.addi %get3A_398, %add3A_399 : vector<16xi32>
    %swap3A_401 = arith.constant 16 : index
    %swap3A_402 = tpu.vector_load %arg19[%swap3A_401] {strides = array<i32>} : memref<80xi32, #tpu.memory_space<vmem>>, vector<16xi32>,
    tpu.vector_store %arg19[%swap3A_401], %add3A_400 {strides = array<i32>} : memref<80xi32, #tpu.memory_space<vmem>>, vector<16xi32>,
    %get3A_403 = arith.constant 32 : index
    %get3A_404 = tpu.vector_load %arg12[%get3A_403] {strides = array<i32>} : memref<80xi32, #tpu.memory_space<vmem>>, vector<16xi32>,
    %add3A_405 = vector.broadcast %add3A_100 : i32 to vector<16xi32>
    %add3A_406 = arith.addi %get3A_404, %add3A_405 : vector<16xi32>
    %swap3A_407 = arith.constant 32 : index
    %swap3A_408 = tpu.vector_load %arg19[%swap3A_407] {strides = array<i32>} : memref<80xi32, #tpu.memory_space<vmem>>, vector<16xi32>,
    tpu.vector_store %arg19[%swap3A_407], %add3A_406 {strides = array<i32>} : memref<80xi32, #tpu.memory_space<vmem>>, vector<16xi32>,
    %get3A_409 = arith.constant 48 : index
    %get3A_410 = tpu.vector_load %arg12[%get3A_409] {strides = array<i32>} : memref<80xi32, #tpu.memory_space<vmem>>, vector<16xi32>,
    %add3A_411 = vector.broadcast %add3A_100 : i32 to vector<16xi32>
    %add3A_412 = arith.addi %get3A_410, %add3A_411 : vector<16xi32>
    %swap3A_413 = arith.constant 48 : index
    %swap3A_414 = tpu.vector_load %arg19[%swap3A_413] {strides = array<i32>} : memref<80xi32, #tpu.memory_space<vmem>>, vector<16xi32>,
    tpu.vector_store %arg19[%swap3A_413], %add3A_412 {strides = array<i32>} : memref<80xi32, #tpu.memory_space<vmem>>, vector<16xi32>,
    %get3A_415 = arith.constant 64 : index
    %get3A_416 = tpu.vector_load %arg12[%get3A_415] {strides = array<i32>} : memref<80xi32, #tpu.memory_space<vmem>>, vector<16xi32>,
    %add3A_417 = vector.broadcast %add3A_100 : i32 to vector<16xi32>
    %add3A_418 = arith.addi %get3A_416, %add3A_417 : vector<16xi32>
    %swap3A_419 = arith.constant 64 : index
    %swap3A_420 = tpu.vector_load %arg19[%swap3A_419] {strides = array<i32>} : memref<80xi32, #tpu.memory_space<vmem>>, vector<16xi32>,
    tpu.vector_store %arg19[%swap3A_419], %add3A_418 {strides = array<i32>} : memref<80xi32, #tpu.memory_space<vmem>>, vector<16xi32>,
    %dma_start3A_421 = arith.constant 0 : i32
    %dma_start3A_422 = tpu.memref_slice %arg3[%dma_start3A_421] : memref<80000xf32, #tpu.memory_space<hbm>> -> memref<80000xf32, #tpu.memory_space<hbm>>
    tpu.enqueue_indirect_dma source(%dma_start3A_422 : memref<80000xf32, #tpu.memory_space<hbm>>) target(%arg27 : memref<80xf32, #tpu.memory_space<vmem>>) offsets(%arg19 : memref<80xi32, #tpu.memory_space<vmem>>) semaphore(%arg39 : memref<!tpu.dma_semaphore, #tpu.memory_space<semaphore_mem>>)
    %get3A_423 = arith.constant 0 : index
    %get3A_424 = tpu.vector_load %arg12[%get3A_423] {strides = array<i32>} : memref<80xi32, #tpu.memory_space<vmem>>, vector<16xi32>,
    %add3A_425 = vector.broadcast %add3A_102 : i32 to vector<16xi32>
    %add3A_426 = arith.addi %get3A_424, %add3A_425 : vector<16xi32>
    %swap3A_427 = arith.constant 0 : index
    %swap3A_428 = tpu.vector_load %arg20[%swap3A_427] {strides = array<i32>} : memref<80xi32, #tpu.memory_space<vmem>>, vector<16xi32>,
    tpu.vector_store %arg20[%swap3A_427], %add3A_426 {strides = array<i32>} : memref<80xi32, #tpu.memory_space<vmem>>, vector<16xi32>,
    %get3A_429 = arith.constant 16 : index
    %get3A_430 = tpu.vector_load %arg12[%get3A_429] {strides = array<i32>} : memref<80xi32, #tpu.memory_space<vmem>>, vector<16xi32>,
    %add3A_431 = vector.broadcast %add3A_102 : i32 to vector<16xi32>
    %add3A_432 = arith.addi %get3A_430, %add3A_431 : vector<16xi32>
    %swap3A_433 = arith.constant 16 : index
    %swap3A_434 = tpu.vector_load %arg20[%swap3A_433] {strides = array<i32>} : memref<80xi32, #tpu.memory_space<vmem>>, vector<16xi32>,
    tpu.vector_store %arg20[%swap3A_433], %add3A_432 {strides = array<i32>} : memref<80xi32, #tpu.memory_space<vmem>>, vector<16xi32>,
    %get3A_435 = arith.constant 32 : index
    %get3A_436 = tpu.vector_load %arg12[%get3A_435] {strides = array<i32>} : memref<80xi32, #tpu.memory_space<vmem>>, vector<16xi32>,
    %add3A_437 = vector.broadcast %add3A_102 : i32 to vector<16xi32>
    %add3A_438 = arith.addi %get3A_436, %add3A_437 : vector<16xi32>
    %swap3A_439 = arith.constant 32 : index
    %swap3A_440 = tpu.vector_load %arg20[%swap3A_439] {strides = array<i32>} : memref<80xi32, #tpu.memory_space<vmem>>, vector<16xi32>,
    tpu.vector_store %arg20[%swap3A_439], %add3A_438 {strides = array<i32>} : memref<80xi32, #tpu.memory_space<vmem>>, vector<16xi32>,
    %get3A_441 = arith.constant 48 : index
    %get3A_442 = tpu.vector_load %arg12[%get3A_441] {strides = array<i32>} : memref<80xi32, #tpu.memory_space<vmem>>, vector<16xi32>,
    %add3A_443 = vector.broadcast %add3A_102 : i32 to vector<16xi32>
    %add3A_444 = arith.addi %get3A_442, %add3A_443 : vector<16xi32>
    %swap3A_445 = arith.constant 48 : index
    %swap3A_446 = tpu.vector_load %arg20[%swap3A_445] {strides = array<i32>} : memref<80xi32, #tpu.memory_space<vmem>>, vector<16xi32>,
    tpu.vector_store %arg20[%swap3A_445], %add3A_444 {strides = array<i32>} : memref<80xi32, #tpu.memory_space<vmem>>, vector<16xi32>,
    %get3A_447 = arith.constant 64 : index
    %get3A_448 = tpu.vector_load %arg12[%get3A_447] {strides = array<i32>} : memref<80xi32, #tpu.memory_space<vmem>>, vector<16xi32>,
    %add3A_449 = vector.broadcast %add3A_102 : i32 to vector<16xi32>
    %add3A_450 = arith.addi %get3A_448, %add3A_449 : vector<16xi32>
    %swap3A_451 = arith.constant 64 : index
    %swap3A_452 = tpu.vector_load %arg20[%swap3A_451] {strides = array<i32>} : memref<80xi32, #tpu.memory_space<vmem>>, vector<16xi32>,
    tpu.vector_store %arg20[%swap3A_451], %add3A_450 {strides = array<i32>} : memref<80xi32, #tpu.memory_space<vmem>>, vector<16xi32>,
    %dma_start3A_453 = arith.constant 0 : i32
    %dma_start3A_454 = tpu.memref_slice %arg3[%dma_start3A_453] : memref<80000xf32, #tpu.memory_space<hbm>> -> memref<80000xf32, #tpu.memory_space<hbm>>
    tpu.enqueue_indirect_dma source(%dma_start3A_454 : memref<80000xf32, #tpu.memory_space<hbm>>) target(%arg28 : memref<80xf32, #tpu.memory_space<vmem>>) offsets(%arg20 : memref<80xi32, #tpu.memory_space<vmem>>) semaphore(%arg39 : memref<!tpu.dma_semaphore, #tpu.memory_space<semaphore_mem>>)
    %mul3A_455 = arith.constant 20000 : i32
    %mul3A_456 = arith.muli %arg1, %mul3A_455 : i32
    %add3A_457 = arith.constant 160 : i32
    %add3A_458 = arith.addi %mul3A_456, %add3A_457 : i32
    %dma_start3A_459 = tpu.memref_slice %arg4[%add3A_458] : memref<320000xi32, #tpu.memory_space<hbm>> -> memref<160xi32, #tpu.memory_space<hbm>>
    %dma_start3A_460 = tpu.memref_slice %arg4[%add3A_458] : memref<320000xi32, #tpu.memory_space<hbm>> -> memref<160xi32, #tpu.memory_space<hbm>>
    tpu.enqueue_dma source(%dma_start3A_460 : memref<160xi32, #tpu.memory_space<hbm>>) target(%arg34 : memref<160xi32, #tpu.memory_space<vmem>>) target_semaphore(%arg40 : memref<!tpu.dma_semaphore, #tpu.memory_space<semaphore_mem>>)
    %dma_start3A_461 = tpu.memref_slice %arg5[%add3A_458] : memref<320000xi32, #tpu.memory_space<hbm>> -> memref<160xi32, #tpu.memory_space<hbm>>
    %dma_start3A_462 = tpu.memref_slice %arg5[%add3A_458] : memref<320000xi32, #tpu.memory_space<hbm>> -> memref<160xi32, #tpu.memory_space<hbm>>
    tpu.enqueue_dma source(%dma_start3A_462 : memref<160xi32, #tpu.memory_space<hbm>>) target(%arg35 : memref<160xi32, #tpu.memory_space<vmem>>) target_semaphore(%arg40 : memref<!tpu.dma_semaphore, #tpu.memory_space<semaphore_mem>>)
    %scan3A_463 = arith.constant 0 : i32
    %scan3A_464 = arith.constant 0 : i32
    %scan3A_465 = arith.constant 125 : i32
    %scan3A_466 = arith.addi %scan3A_464, %scan3A_465 : i32
    %scan3A_467 = arith.constant 1 : i32
    %scan3A_468 = scf.for %scan3A_473 = %scan3A_464 to %scan3A_466 step %scan3A_467 iter_args(%scan3A_474 = %scan3A_463) -> (i32)  : i32 {
      %dma_wait3A = arith.constant 0 : i32
      %dma_wait3A_475 = arith.constant 0 : i32
      %dma_wait3A_476 = tpu.memref_slice %arg2[%arg0, %dma_wait3A, %dma_wait3A_475] : memref<2x10000x128xf32, #tpu.memory_space<hbm>> -> memref<1x10000x128xf32, #tpu.memory_space<hbm>>
      %dma_wait3A_477 = tpu.memref_squeeze %dma_wait3A_476 : memref<1x10000x128xf32, #tpu.memory_space<hbm>> -> memref<10000x128xf32, #tpu.memory_space<hbm>>
      %dma_wait3A_478 = arith.constant 0 : i32
      %dma_wait3A_479 = arith.constant 0 : i32
      %dma_wait3A_480 = tpu.memref_slice %dma_wait3A_477[%dma_wait3A_478, %dma_wait3A_479] : memref<10000x128xf32, #tpu.memory_space<hbm>> -> memref<10000x128xf32, #tpu.memory_space<hbm>>
      tpu.wait_indirect_dma semaphore(%arg36 : memref<!tpu.dma_semaphore, #tpu.memory_space<semaphore_mem>>) src(%dma_wait3A_480 : memref<10000x128xf32, #tpu.memory_space<hbm>>) dst(%arg29 : memref<80x128xf32, #tpu.memory_space<vmem>>)
      %dma_wait3A_481 = arith.constant 0 : i32
      %dma_wait3A_482 = tpu.memref_slice %arg3[%dma_wait3A_481] : memref<80000xf32, #tpu.memory_space<hbm>> -> memref<80000xf32, #tpu.memory_space<hbm>>
      tpu.wait_indirect_dma semaphore(%arg37 : memref<!tpu.dma_semaphore, #tpu.memory_space<semaphore_mem>>) src(%dma_wait3A_482 : memref<80000xf32, #tpu.memory_space<hbm>>) dst(%arg21 : memref<80xf32, #tpu.memory_space<vmem>>)
      %dma_wait3A_483 = arith.constant 0 : i32
      %dma_wait3A_484 = tpu.memref_slice %arg3[%dma_wait3A_483] : memref<80000xf32, #tpu.memory_space<hbm>> -> memref<80000xf32, #tpu.memory_space<hbm>>
      tpu.wait_indirect_dma semaphore(%arg37 : memref<!tpu.dma_semaphore, #tpu.memory_space<semaphore_mem>>) src(%dma_wait3A_484 : memref<80000xf32, #tpu.memory_space<hbm>>) dst(%arg22 : memref<80xf32, #tpu.memory_space<vmem>>)
      %dma_wait3A_485 = arith.constant 0 : i32
      %dma_wait3A_486 = tpu.memref_slice %arg3[%dma_wait3A_485] : memref<80000xf32, #tpu.memory_space<hbm>> -> memref<80000xf32, #tpu.memory_space<hbm>>
      tpu.wait_indirect_dma semaphore(%arg37 : memref<!tpu.dma_semaphore, #tpu.memory_space<semaphore_mem>>) src(%dma_wait3A_486 : memref<80000xf32, #tpu.memory_space<hbm>>) dst(%arg23 : memref<80xf32, #tpu.memory_space<vmem>>)
      %dma_wait3A_487 = arith.constant 0 : i32
      %dma_wait3A_488 = tpu.memref_slice %arg3[%dma_wait3A_487] : memref<80000xf32, #tpu.memory_space<hbm>> -> memref<80000xf32, #tpu.memory_space<hbm>>
      tpu.wait_indirect_dma semaphore(%arg37 : memref<!tpu.dma_semaphore, #tpu.memory_space<semaphore_mem>>) src(%dma_wait3A_488 : memref<80000xf32, #tpu.memory_space<hbm>>) dst(%arg24 : memref<80xf32, #tpu.memory_space<vmem>>)
      %get3A_489 = arith.constant 0 : index
      %get3A_490 = tpu.vector_load %arg21[%get3A_489] {strides = array<i32>} : memref<80xf32, #tpu.memory_space<vmem>>, vector<16xf32>,
      %get3A_491 = arith.constant 0 : index
      %get3A_492 = tpu.vector_load %arg23[%get3A_491] {strides = array<i32>} : memref<80xf32, #tpu.memory_space<vmem>>, vector<16xf32>,
      %add3A_493 = arith.addf %get3A_490, %get3A_492 : vector<16xf32>
      %get3A_494 = arith.constant 0 : index
      %get3A_495 = tpu.vector_load %arg22[%get3A_494] {strides = array<i32>} : memref<80xf32, #tpu.memory_space<vmem>>, vector<16xf32>,
      %get3A_496 = arith.constant 0 : index
      %get3A_497 = tpu.vector_load %arg24[%get3A_496] {strides = array<i32>} : memref<80xf32, #tpu.memory_space<vmem>>, vector<16xf32>,
      %add3A_498 = arith.addf %get3A_495, %get3A_497 : vector<16xf32>
      %mul3A_499 = arith.constant 0.00999999977 : f32
      %mul3A_500 = vector.broadcast %mul3A_499 : f32 to vector<16xf32>
      %mul3A_501 = arith.mulf %mul3A_500, %add3A_493 : vector<16xf32>
      %max3A_502 = arith.maximumf %add3A_493, %mul3A_501 : vector<16xf32>
      %mul3A_503 = arith.constant 0.00999999977 : f32
      %mul3A_504 = vector.broadcast %mul3A_503 : f32 to vector<16xf32>
      %mul3A_505 = arith.mulf %mul3A_504, %add3A_498 : vector<16xf32>
      %max3A_506 = arith.maximumf %add3A_498, %mul3A_505 : vector<16xf32>
      %sub3A = vector.broadcast %reduce_max3A_22 : f32 to vector<16xf32>
      %sub3A_507 = arith.subf %max3A_502, %sub3A : vector<16xf32>
      %exp3A = math.exp %sub3A_507 : vector<16xf32>
      %sub3A_508 = vector.broadcast %reduce_max3A_49 : f32 to vector<16xf32>
      %sub3A_509 = arith.subf %max3A_506, %sub3A_508 : vector<16xf32>
      %exp3A_510 = math.exp %sub3A_509 : vector<16xf32>
      %swap3A_511 = arith.constant 0 : index
      %swap3A_512 = tpu.vector_load %arg32[%swap3A_511] {strides = array<i32>} : memref<192xf32, #tpu.memory_space<vmem>>, vector<16xf32>,
      tpu.vector_store %arg32[%swap3A_511], %exp3A {strides = array<i32>} : memref<192xf32, #tpu.memory_space<vmem>>, vector<16xf32>,
      %swap3A_513 = arith.constant 96 : index
      %swap3A_514 = tpu.vector_load %arg32[%swap3A_513] {strides = array<i32>} : memref<192xf32, #tpu.memory_space<vmem>>, vector<16xf32>,
      tpu.vector_store %arg32[%swap3A_513], %exp3A_510 {strides = array<i32>} : memref<192xf32, #tpu.memory_space<vmem>>, vector<16xf32>,
      %get3A_515 = arith.constant 0 : index
      %get3A_516 = tpu.vector_load %arg10[%get3A_515] {strides = array<i32>} : memref<80xi32, #tpu.memory_space<vmem>>, vector<16xi32>,
      tpu.vector_store_idx %arg31[%get3A_516], %exp3A {add = true} : memref<20480xf32, #tpu.memory_space<vmem>>[vector<16xi32>], vector<16xf32>,
      %add3A_517 = arith.constant 10240 : i32
      %add3A_518 = vector.broadcast %add3A_517 : i32 to vector<16xi32>
      %add3A_519 = arith.addi %get3A_516, %add3A_518 : vector<16xi32>
      tpu.vector_store_idx %arg31[%add3A_519], %exp3A_510 {add = true} : memref<20480xf32, #tpu.memory_space<vmem>>[vector<16xi32>], vector<16xf32>,
      %get3A_520 = arith.constant 16 : index
      %get3A_521 = tpu.vector_load %arg21[%get3A_520] {strides = array<i32>} : memref<80xf32, #tpu.memory_space<vmem>>, vector<16xf32>,
      %get3A_522 = arith.constant 16 : index
      %get3A_523 = tpu.vector_load %arg23[%get3A_522] {strides = array<i32>} : memref<80xf32, #tpu.memory_space<vmem>>, vector<16xf32>,
      %add3A_524 = arith.addf %get3A_521, %get3A_523 : vector<16xf32>
      %get3A_525 = arith.constant 16 : index
      %get3A_526 = tpu.vector_load %arg22[%get3A_525] {strides = array<i32>} : memref<80xf32, #tpu.memory_space<vmem>>, vector<16xf32>,
      %get3A_527 = arith.constant 16 : index
      %get3A_528 = tpu.vector_load %arg24[%get3A_527] {strides = array<i32>} : memref<80xf32, #tpu.memory_space<vmem>>, vector<16xf32>,
      %add3A_529 = arith.addf %get3A_526, %get3A_528 : vector<16xf32>
      %mul3A_530 = arith.constant 0.00999999977 : f32
      %mul3A_531 = vector.broadcast %mul3A_530 : f32 to vector<16xf32>
      %mul3A_532 = arith.mulf %mul3A_531, %add3A_524 : vector<16xf32>
      %max3A_533 = arith.maximumf %add3A_524, %mul3A_532 : vector<16xf32>
      %mul3A_534 = arith.constant 0.00999999977 : f32
      %mul3A_535 = vector.broadcast %mul3A_534 : f32 to vector<16xf32>
      %mul3A_536 = arith.mulf %mul3A_535, %add3A_529 : vector<16xf32>
      %max3A_537 = arith.maximumf %add3A_529, %mul3A_536 : vector<16xf32>
      %sub3A_538 = vector.broadcast %reduce_max3A_22 : f32 to vector<16xf32>
      %sub3A_539 = arith.subf %max3A_533, %sub3A_538 : vector<16xf32>
      %exp3A_540 = math.exp %sub3A_539 : vector<16xf32>
      %sub3A_541 = vector.broadcast %reduce_max3A_49 : f32 to vector<16xf32>
      %sub3A_542 = arith.subf %max3A_537, %sub3A_541 : vector<16xf32>
      %exp3A_543 = math.exp %sub3A_542 : vector<16xf32>
      %swap3A_544 = arith.constant 16 : index
      %swap3A_545 = tpu.vector_load %arg32[%swap3A_544] {strides = array<i32>} : memref<192xf32, #tpu.memory_space<vmem>>, vector<16xf32>,
      tpu.vector_store %arg32[%swap3A_544], %exp3A_540 {strides = array<i32>} : memref<192xf32, #tpu.memory_space<vmem>>, vector<16xf32>,
      %swap3A_546 = arith.constant 112 : index
      %swap3A_547 = tpu.vector_load %arg32[%swap3A_546] {strides = array<i32>} : memref<192xf32, #tpu.memory_space<vmem>>, vector<16xf32>,
      tpu.vector_store %arg32[%swap3A_546], %exp3A_543 {strides = array<i32>} : memref<192xf32, #tpu.memory_space<vmem>>, vector<16xf32>,
      %get3A_548 = arith.constant 16 : index
      %get3A_549 = tpu.vector_load %arg10[%get3A_548] {strides = array<i32>} : memref<80xi32, #tpu.memory_space<vmem>>, vector<16xi32>,
      tpu.vector_store_idx %arg31[%get3A_549], %exp3A_540 {add = true} : memref<20480xf32, #tpu.memory_space<vmem>>[vector<16xi32>], vector<16xf32>,
      %add3A_550 = arith.constant 10240 : i32
      %add3A_551 = vector.broadcast %add3A_550 : i32 to vector<16xi32>
      %add3A_552 = arith.addi %get3A_549, %add3A_551 : vector<16xi32>
      tpu.vector_store_idx %arg31[%add3A_552], %exp3A_543 {add = true} : memref<20480xf32, #tpu.memory_space<vmem>>[vector<16xi32>], vector<16xf32>,
      %get3A_553 = arith.constant 32 : index
      %get3A_554 = tpu.vector_load %arg21[%get3A_553] {strides = array<i32>} : memref<80xf32, #tpu.memory_space<vmem>>, vector<16xf32>,
      %get3A_555 = arith.constant 32 : index
      %get3A_556 = tpu.vector_load %arg23[%get3A_555] {strides = array<i32>} : memref<80xf32, #tpu.memory_space<vmem>>, vector<16xf32>,
      %add3A_557 = arith.addf %get3A_554, %get3A_556 : vector<16xf32>
      %get3A_558 = arith.constant 32 : index
      %get3A_559 = tpu.vector_load %arg22[%get3A_558] {strides = array<i32>} : memref<80xf32, #tpu.memory_space<vmem>>, vector<16xf32>,
      %get3A_560 = arith.constant 32 : index
      %get3A_561 = tpu.vector_load %arg24[%get3A_560] {strides = array<i32>} : memref<80xf32, #tpu.memory_space<vmem>>, vector<16xf32>,
      %add3A_562 = arith.addf %get3A_559, %get3A_561 : vector<16xf32>
      %mul3A_563 = arith.constant 0.00999999977 : f32
      %mul3A_564 = vector.broadcast %mul3A_563 : f32 to vector<16xf32>
      %mul3A_565 = arith.mulf %mul3A_564, %add3A_557 : vector<16xf32>
      %max3A_566 = arith.maximumf %add3A_557, %mul3A_565 : vector<16xf32>
      %mul3A_567 = arith.constant 0.00999999977 : f32
      %mul3A_568 = vector.broadcast %mul3A_567 : f32 to vector<16xf32>
      %mul3A_569 = arith.mulf %mul3A_568, %add3A_562 : vector<16xf32>
      %max3A_570 = arith.maximumf %add3A_562, %mul3A_569 : vector<16xf32>
      %sub3A_571 = vector.broadcast %reduce_max3A_22 : f32 to vector<16xf32>
      %sub3A_572 = arith.subf %max3A_566, %sub3A_571 : vector<16xf32>
      %exp3A_573 = math.exp %sub3A_572 : vector<16xf32>
      %sub3A_574 = vector.broadcast %reduce_max3A_49 : f32 to vector<16xf32>
      %sub3A_575 = arith.subf %max3A_570, %sub3A_574 : vector<16xf32>
      %exp3A_576 = math.exp %sub3A_575 : vector<16xf32>
      %swap3A_577 = arith.constant 32 : index
      %swap3A_578 = tpu.vector_load %arg32[%swap3A_577] {strides = array<i32>} : memref<192xf32, #tpu.memory_space<vmem>>, vector<16xf32>,
      tpu.vector_store %arg32[%swap3A_577], %exp3A_573 {strides = array<i32>} : memref<192xf32, #tpu.memory_space<vmem>>, vector<16xf32>,
      %swap3A_579 = arith.constant 128 : index
      %swap3A_580 = tpu.vector_load %arg32[%swap3A_579] {strides = array<i32>} : memref<192xf32, #tpu.memory_space<vmem>>, vector<16xf32>,
      tpu.vector_store %arg32[%swap3A_579], %exp3A_576 {strides = array<i32>} : memref<192xf32, #tpu.memory_space<vmem>>, vector<16xf32>,
      %get3A_581 = arith.constant 32 : index
      %get3A_582 = tpu.vector_load %arg10[%get3A_581] {strides = array<i32>} : memref<80xi32, #tpu.memory_space<vmem>>, vector<16xi32>,
      tpu.vector_store_idx %arg31[%get3A_582], %exp3A_573 {add = true} : memref<20480xf32, #tpu.memory_space<vmem>>[vector<16xi32>], vector<16xf32>,
      %add3A_583 = arith.constant 10240 : i32
      %add3A_584 = vector.broadcast %add3A_583 : i32 to vector<16xi32>
      %add3A_585 = arith.addi %get3A_582, %add3A_584 : vector<16xi32>
      tpu.vector_store_idx %arg31[%add3A_585], %exp3A_576 {add = true} : memref<20480xf32, #tpu.memory_space<vmem>>[vector<16xi32>], vector<16xf32>,
      %get3A_586 = arith.constant 48 : index
      %get3A_587 = tpu.vector_load %arg21[%get3A_586] {strides = array<i32>} : memref<80xf32, #tpu.memory_space<vmem>>, vector<16xf32>,
      %get3A_588 = arith.constant 48 : index
      %get3A_589 = tpu.vector_load %arg23[%get3A_588] {strides = array<i32>} : memref<80xf32, #tpu.memory_space<vmem>>, vector<16xf32>,
      %add3A_590 = arith.addf %get3A_587, %get3A_589 : vector<16xf32>
      %get3A_591 = arith.constant 48 : index
      %get3A_592 = tpu.vector_load %arg22[%get3A_591] {strides = array<i32>} : memref<80xf32, #tpu.memory_space<vmem>>, vector<16xf32>,
      %get3A_593 = arith.constant 48 : index
      %get3A_594 = tpu.vector_load %arg24[%get3A_593] {strides = array<i32>} : memref<80xf32, #tpu.memory_space<vmem>>, vector<16xf32>,
      %add3A_595 = arith.addf %get3A_592, %get3A_594 : vector<16xf32>
      %mul3A_596 = arith.constant 0.00999999977 : f32
      %mul3A_597 = vector.broadcast %mul3A_596 : f32 to vector<16xf32>
      %mul3A_598 = arith.mulf %mul3A_597, %add3A_590 : vector<16xf32>
      %max3A_599 = arith.maximumf %add3A_590, %mul3A_598 : vector<16xf32>
      %mul3A_600 = arith.constant 0.00999999977 : f32
      %mul3A_601 = vector.broadcast %mul3A_600 : f32 to vector<16xf32>
      %mul3A_602 = arith.mulf %mul3A_601, %add3A_595 : vector<16xf32>
      %max3A_603 = arith.maximumf %add3A_595, %mul3A_602 : vector<16xf32>
      %sub3A_604 = vector.broadcast %reduce_max3A_22 : f32 to vector<16xf32>
      %sub3A_605 = arith.subf %max3A_599, %sub3A_604 : vector<16xf32>
      %exp3A_606 = math.exp %sub3A_605 : vector<16xf32>
      %sub3A_607 = vector.broadcast %reduce_max3A_49 : f32 to vector<16xf32>
      %sub3A_608 = arith.subf %max3A_603, %sub3A_607 : vector<16xf32>
      %exp3A_609 = math.exp %sub3A_608 : vector<16xf32>
      %swap3A_610 = arith.constant 48 : index
      %swap3A_611 = tpu.vector_load %arg32[%swap3A_610] {strides = array<i32>} : memref<192xf32, #tpu.memory_space<vmem>>, vector<16xf32>,
      tpu.vector_store %arg32[%swap3A_610], %exp3A_606 {strides = array<i32>} : memref<192xf32, #tpu.memory_space<vmem>>, vector<16xf32>,
      %swap3A_612 = arith.constant 144 : index
      %swap3A_613 = tpu.vector_load %arg32[%swap3A_612] {strides = array<i32>} : memref<192xf32, #tpu.memory_space<vmem>>, vector<16xf32>,
      tpu.vector_store %arg32[%swap3A_612], %exp3A_609 {strides = array<i32>} : memref<192xf32, #tpu.memory_space<vmem>>, vector<16xf32>,
      %get3A_614 = arith.constant 48 : index
      %get3A_615 = tpu.vector_load %arg10[%get3A_614] {strides = array<i32>} : memref<80xi32, #tpu.memory_space<vmem>>, vector<16xi32>,
      tpu.vector_store_idx %arg31[%get3A_615], %exp3A_606 {add = true} : memref<20480xf32, #tpu.memory_space<vmem>>[vector<16xi32>], vector<16xf32>,
      %add3A_616 = arith.constant 10240 : i32
      %add3A_617 = vector.broadcast %add3A_616 : i32 to vector<16xi32>
      %add3A_618 = arith.addi %get3A_615, %add3A_617 : vector<16xi32>
      tpu.vector_store_idx %arg31[%add3A_618], %exp3A_609 {add = true} : memref<20480xf32, #tpu.memory_space<vmem>>[vector<16xi32>], vector<16xf32>,
      %get3A_619 = arith.constant 64 : index
      %get3A_620 = tpu.vector_load %arg21[%get3A_619] {strides = array<i32>} : memref<80xf32, #tpu.memory_space<vmem>>, vector<16xf32>,
      %get3A_621 = arith.constant 64 : index
      %get3A_622 = tpu.vector_load %arg23[%get3A_621] {strides = array<i32>} : memref<80xf32, #tpu.memory_space<vmem>>, vector<16xf32>,
      %add3A_623 = arith.addf %get3A_620, %get3A_622 : vector<16xf32>
      %get3A_624 = arith.constant 64 : index
      %get3A_625 = tpu.vector_load %arg22[%get3A_624] {strides = array<i32>} : memref<80xf32, #tpu.memory_space<vmem>>, vector<16xf32>,
      %get3A_626 = arith.constant 64 : index
      %get3A_627 = tpu.vector_load %arg24[%get3A_626] {strides = array<i32>} : memref<80xf32, #tpu.memory_space<vmem>>, vector<16xf32>,
      %add3A_628 = arith.addf %get3A_625, %get3A_627 : vector<16xf32>
      %mul3A_629 = arith.constant 0.00999999977 : f32
      %mul3A_630 = vector.broadcast %mul3A_629 : f32 to vector<16xf32>
      %mul3A_631 = arith.mulf %mul3A_630, %add3A_623 : vector<16xf32>
      %max3A_632 = arith.maximumf %add3A_623, %mul3A_631 : vector<16xf32>
      %mul3A_633 = arith.constant 0.00999999977 : f32
      %mul3A_634 = vector.broadcast %mul3A_633 : f32 to vector<16xf32>
      %mul3A_635 = arith.mulf %mul3A_634, %add3A_628 : vector<16xf32>
      %max3A_636 = arith.maximumf %add3A_628, %mul3A_635 : vector<16xf32>
      %sub3A_637 = vector.broadcast %reduce_max3A_22 : f32 to vector<16xf32>
      %sub3A_638 = arith.subf %max3A_632, %sub3A_637 : vector<16xf32>
      %exp3A_639 = math.exp %sub3A_638 : vector<16xf32>
      %sub3A_640 = vector.broadcast %reduce_max3A_49 : f32 to vector<16xf32>
      %sub3A_641 = arith.subf %max3A_636, %sub3A_640 : vector<16xf32>
      %exp3A_642 = math.exp %sub3A_641 : vector<16xf32>
      %swap3A_643 = arith.constant 64 : index
      %swap3A_644 = tpu.vector_load %arg32[%swap3A_643] {strides = array<i32>} : memref<192xf32, #tpu.memory_space<vmem>>, vector<16xf32>,
      tpu.vector_store %arg32[%swap3A_643], %exp3A_639 {strides = array<i32>} : memref<192xf32, #tpu.memory_space<vmem>>, vector<16xf32>,
      %swap3A_645 = arith.constant 160 : index
      %swap3A_646 = tpu.vector_load %arg32[%swap3A_645] {strides = array<i32>} : memref<192xf32, #tpu.memory_space<vmem>>, vector<16xf32>,
      tpu.vector_store %arg32[%swap3A_645], %exp3A_642 {strides = array<i32>} : memref<192xf32, #tpu.memory_space<vmem>>, vector<16xf32>,
      %get3A_647 = arith.constant 64 : index
      %get3A_648 = tpu.vector_load %arg10[%get3A_647] {strides = array<i32>} : memref<80xi32, #tpu.memory_space<vmem>>, vector<16xi32>,
      tpu.vector_store_idx %arg31[%get3A_648], %exp3A_639 {add = true} : memref<20480xf32, #tpu.memory_space<vmem>>[vector<16xi32>], vector<16xf32>,
      %add3A_649 = arith.constant 10240 : i32
      %add3A_650 = vector.broadcast %add3A_649 : i32 to vector<16xi32>
      %add3A_651 = arith.addi %get3A_648, %add3A_650 : vector<16xi32>
      tpu.vector_store_idx %arg31[%add3A_651], %exp3A_642 {add = true} : memref<20480xf32, #tpu.memory_space<vmem>>[vector<16xi32>], vector<16xf32>,
      %scan3A_652 = arith.constant 0 : i32
      %scan3A_653 = arith.constant 0 : i32
      %scan3A_654 = arith.constant 80 : i32
      %scan3A_655 = arith.addi %scan3A_653, %scan3A_654 : i32
      %scan3A_656 = arith.constant 4 : i32
      %scan3A_657 = scf.for %scan3A_859 = %scan3A_653 to %scan3A_655 step %scan3A_656 iter_args(%scan3A_860 = %scan3A_652) -> (i32)  : i32 {
        %broadcast_in_dim3A_861 = vector.broadcast %scan3A_859 : i32 to vector<16xi32>
        %gather3A = tpu.vector_load_idx %arg32[%broadcast_in_dim3A_861] : memref<192xf32, #tpu.memory_space<vmem>>[vector<16xi32>], vector<16xf32>,
        %add3A_862 = arith.constant 96 : i32
        %add3A_863 = vector.broadcast %add3A_862 : i32 to vector<16xi32>
        %add3A_864 = arith.addi %broadcast_in_dim3A_861, %add3A_863 : vector<16xi32>
        %gather3A_865 = tpu.vector_load_idx %arg32[%add3A_864] : memref<192xf32, #tpu.memory_space<vmem>>[vector<16xi32>], vector<16xf32>,
        %get3A_866 = arith.index_cast %scan3A_859 : i32 to index
        %get3A_867 = arith.constant 0 : index
        %get3A_868 = tpu.vector_load %arg29[%get3A_866, %get3A_867] {strides = array<i32>} : memref<80x128xf32, #tpu.memory_space<vmem>>, vector<16xf32>,
        %mul3A_869 = arith.mulf %get3A_868, %gather3A : vector<16xf32>
        %swap3A_870 = arith.index_cast %scan3A_859 : i32 to index
        %swap3A_871 = arith.constant 0 : index
        %swap3A_872 = tpu.vector_load %arg29[%swap3A_870, %swap3A_871] {strides = array<i32>} : memref<80x128xf32, #tpu.memory_space<vmem>>, vector<16xf32>,
        tpu.vector_store %arg29[%swap3A_870, %swap3A_871], %mul3A_869 {strides = array<i32>} : memref<80x128xf32, #tpu.memory_space<vmem>>, vector<16xf32>,
        %get3A_873 = arith.index_cast %scan3A_859 : i32 to index
        %get3A_874 = arith.constant 16 : index
        %get3A_875 = tpu.vector_load %arg29[%get3A_873, %get3A_874] {strides = array<i32>} : memref<80x128xf32, #tpu.memory_space<vmem>>, vector<16xf32>,
        %mul3A_876 = arith.mulf %get3A_875, %gather3A : vector<16xf32>
        %swap3A_877 = arith.index_cast %scan3A_859 : i32 to index
        %swap3A_878 = arith.constant 16 : index
        %swap3A_879 = tpu.vector_load %arg29[%swap3A_877, %swap3A_878] {strides = array<i32>} : memref<80x128xf32, #tpu.memory_space<vmem>>, vector<16xf32>,
        tpu.vector_store %arg29[%swap3A_877, %swap3A_878], %mul3A_876 {strides = array<i32>} : memref<80x128xf32, #tpu.memory_space<vmem>>, vector<16xf32>,
        %get3A_880 = arith.index_cast %scan3A_859 : i32 to index
        %get3A_881 = arith.constant 32 : index
        %get3A_882 = tpu.vector_load %arg29[%get3A_880, %get3A_881] {strides = array<i32>} : memref<80x128xf32, #tpu.memory_space<vmem>>, vector<16xf32>,
        %mul3A_883 = arith.mulf %get3A_882, %gather3A : vector<16xf32>
        %swap3A_884 = arith.index_cast %scan3A_859 : i32 to index
        %swap3A_885 = arith.constant 32 : index
        %swap3A_886 = tpu.vector_load %arg29[%swap3A_884, %swap3A_885] {strides = array<i32>} : memref<80x128xf32, #tpu.memory_space<vmem>>, vector<16xf32>,
        tpu.vector_store %arg29[%swap3A_884, %swap3A_885], %mul3A_883 {strides = array<i32>} : memref<80x128xf32, #tpu.memory_space<vmem>>, vector<16xf32>,
        %get3A_887 = arith.index_cast %scan3A_859 : i32 to index
        %get3A_888 = arith.constant 48 : index
        %get3A_889 = tpu.vector_load %arg29[%get3A_887, %get3A_888] {strides = array<i32>} : memref<80x128xf32, #tpu.memory_space<vmem>>, vector<16xf32>,
        %mul3A_890 = arith.mulf %get3A_889, %gather3A : vector<16xf32>
        %swap3A_891 = arith.index_cast %scan3A_859 : i32 to index
        %swap3A_892 = arith.constant 48 : index
        %swap3A_893 = tpu.vector_load %arg29[%swap3A_891, %swap3A_892] {strides = array<i32>} : memref<80x128xf32, #tpu.memory_space<vmem>>, vector<16xf32>,
        tpu.vector_store %arg29[%swap3A_891, %swap3A_892], %mul3A_890 {strides = array<i32>} : memref<80x128xf32, #tpu.memory_space<vmem>>, vector<16xf32>,
        %get3A_894 = arith.index_cast %scan3A_859 : i32 to index
        %get3A_895 = arith.constant 64 : index
        %get3A_896 = tpu.vector_load %arg29[%get3A_894, %get3A_895] {strides = array<i32>} : memref<80x128xf32, #tpu.memory_space<vmem>>, vector<16xf32>,
        %mul3A_897 = arith.mulf %get3A_896, %gather3A_865 : vector<16xf32>
        %swap3A_898 = arith.index_cast %scan3A_859 : i32 to index
        %swap3A_899 = arith.constant 64 : index
        %swap3A_900 = tpu.vector_load %arg29[%swap3A_898, %swap3A_899] {strides = array<i32>} : memref<80x128xf32, #tpu.memory_space<vmem>>, vector<16xf32>,
        tpu.vector_store %arg29[%swap3A_898, %swap3A_899], %mul3A_897 {strides = array<i32>} : memref<80x128xf32, #tpu.memory_space<vmem>>, vector<16xf32>,
        %get3A_901 = arith.index_cast %scan3A_859 : i32 to index
        %get3A_902 = arith.constant 80 : index
        %get3A_903 = tpu.vector_load %arg29[%get3A_901, %get3A_902] {strides = array<i32>} : memref<80x128xf32, #tpu.memory_space<vmem>>, vector<16xf32>,
        %mul3A_904 = arith.mulf %get3A_903, %gather3A_865 : vector<16xf32>
        %swap3A_905 = arith.index_cast %scan3A_859 : i32 to index
        %swap3A_906 = arith.constant 80 : index
        %swap3A_907 = tpu.vector_load %arg29[%swap3A_905, %swap3A_906] {strides = array<i32>} : memref<80x128xf32, #tpu.memory_space<vmem>>, vector<16xf32>,
        tpu.vector_store %arg29[%swap3A_905, %swap3A_906], %mul3A_904 {strides = array<i32>} : memref<80x128xf32, #tpu.memory_space<vmem>>, vector<16xf32>,
        %get3A_908 = arith.index_cast %scan3A_859 : i32 to index
        %get3A_909 = arith.constant 96 : index
        %get3A_910 = tpu.vector_load %arg29[%get3A_908, %get3A_909] {strides = array<i32>} : memref<80x128xf32, #tpu.memory_space<vmem>>, vector<16xf32>,
        %mul3A_911 = arith.mulf %get3A_910, %gather3A_865 : vector<16xf32>
        %swap3A_912 = arith.index_cast %scan3A_859 : i32 to index
        %swap3A_913 = arith.constant 96 : index
        %swap3A_914 = tpu.vector_load %arg29[%swap3A_912, %swap3A_913] {strides = array<i32>} : memref<80x128xf32, #tpu.memory_space<vmem>>, vector<16xf32>,
        tpu.vector_store %arg29[%swap3A_912, %swap3A_913], %mul3A_911 {strides = array<i32>} : memref<80x128xf32, #tpu.memory_space<vmem>>, vector<16xf32>,
        %get3A_915 = arith.index_cast %scan3A_859 : i32 to index
        %get3A_916 = arith.constant 112 : index
        %get3A_917 = tpu.vector_load %arg29[%get3A_915, %get3A_916] {strides = array<i32>} : memref<80x128xf32, #tpu.memory_space<vmem>>, vector<16xf32>,
        %mul3A_918 = arith.mulf %get3A_917, %gather3A_865 : vector<16xf32>
        %swap3A_919 = arith.index_cast %scan3A_859 : i32 to index
        %swap3A_920 = arith.constant 112 : index
        %swap3A_921 = tpu.vector_load %arg29[%swap3A_919, %swap3A_920] {strides = array<i32>} : memref<80x128xf32, #tpu.memory_space<vmem>>, vector<16xf32>,
        tpu.vector_store %arg29[%swap3A_919, %swap3A_920], %mul3A_918 {strides = array<i32>} : memref<80x128xf32, #tpu.memory_space<vmem>>, vector<16xf32>,
        %scan3A_922 = arith.constant 0 : i32
        %scan3A_923 = arith.constant 1 : i32
        %scan3A_924 = arith.addi %scan3A_859, %scan3A_923 : i32
        %broadcast_in_dim3A_925 = vector.broadcast %scan3A_924 : i32 to vector<16xi32>
        %gather3A_926 = tpu.vector_load_idx %arg32[%broadcast_in_dim3A_925] : memref<192xf32, #tpu.memory_space<vmem>>[vector<16xi32>], vector<16xf32>,
        %add3A_927 = arith.constant 96 : i32
        %add3A_928 = vector.broadcast %add3A_927 : i32 to vector<16xi32>
        %add3A_929 = arith.addi %broadcast_in_dim3A_925, %add3A_928 : vector<16xi32>
        %gather3A_930 = tpu.vector_load_idx %arg32[%add3A_929] : memref<192xf32, #tpu.memory_space<vmem>>[vector<16xi32>], vector<16xf32>,
        %get3A_931 = arith.index_cast %scan3A_924 : i32 to index
        %get3A_932 = arith.constant 0 : index
        %get3A_933 = tpu.vector_load %arg29[%get3A_931, %get3A_932] {strides = array<i32>} : memref<80x128xf32, #tpu.memory_space<vmem>>, vector<16xf32>,
        %mul3A_934 = arith.mulf %get3A_933, %gather3A_926 : vector<16xf32>
        %swap3A_935 = arith.index_cast %scan3A_924 : i32 to index
        %swap3A_936 = arith.constant 0 : index
        %swap3A_937 = tpu.vector_load %arg29[%swap3A_935, %swap3A_936] {strides = array<i32>} : memref<80x128xf32, #tpu.memory_space<vmem>>, vector<16xf32>,
        tpu.vector_store %arg29[%swap3A_935, %swap3A_936], %mul3A_934 {strides = array<i32>} : memref<80x128xf32, #tpu.memory_space<vmem>>, vector<16xf32>,
        %get3A_938 = arith.index_cast %scan3A_924 : i32 to index
        %get3A_939 = arith.constant 16 : index
        %get3A_940 = tpu.vector_load %arg29[%get3A_938, %get3A_939] {strides = array<i32>} : memref<80x128xf32, #tpu.memory_space<vmem>>, vector<16xf32>,
        %mul3A_941 = arith.mulf %get3A_940, %gather3A_926 : vector<16xf32>
        %swap3A_942 = arith.index_cast %scan3A_924 : i32 to index
        %swap3A_943 = arith.constant 16 : index
        %swap3A_944 = tpu.vector_load %arg29[%swap3A_942, %swap3A_943] {strides = array<i32>} : memref<80x128xf32, #tpu.memory_space<vmem>>, vector<16xf32>,
        tpu.vector_store %arg29[%swap3A_942, %swap3A_943], %mul3A_941 {strides = array<i32>} : memref<80x128xf32, #tpu.memory_space<vmem>>, vector<16xf32>,
        %get3A_945 = arith.index_cast %scan3A_924 : i32 to index
        %get3A_946 = arith.constant 32 : index
        %get3A_947 = tpu.vector_load %arg29[%get3A_945, %get3A_946] {strides = array<i32>} : memref<80x128xf32, #tpu.memory_space<vmem>>, vector<16xf32>,
        %mul3A_948 = arith.mulf %get3A_947, %gather3A_926 : vector<16xf32>
        %swap3A_949 = arith.index_cast %scan3A_924 : i32 to index
        %swap3A_950 = arith.constant 32 : index
        %swap3A_951 = tpu.vector_load %arg29[%swap3A_949, %swap3A_950] {strides = array<i32>} : memref<80x128xf32, #tpu.memory_space<vmem>>, vector<16xf32>,
        tpu.vector_store %arg29[%swap3A_949, %swap3A_950], %mul3A_948 {strides = array<i32>} : memref<80x128xf32, #tpu.memory_space<vmem>>, vector<16xf32>,
        %get3A_952 = arith.index_cast %scan3A_924 : i32 to index
        %get3A_953 = arith.constant 48 : index
        %get3A_954 = tpu.vector_load %arg29[%get3A_952, %get3A_953] {strides = array<i32>} : memref<80x128xf32, #tpu.memory_space<vmem>>, vector<16xf32>,
        %mul3A_955 = arith.mulf %get3A_954, %gather3A_926 : vector<16xf32>
        %swap3A_956 = arith.index_cast %scan3A_924 : i32 to index
        %swap3A_957 = arith.constant 48 : index
        %swap3A_958 = tpu.vector_load %arg29[%swap3A_956, %swap3A_957] {strides = array<i32>} : memref<80x128xf32, #tpu.memory_space<vmem>>, vector<16xf32>,
        tpu.vector_store %arg29[%swap3A_956, %swap3A_957], %mul3A_955 {strides = array<i32>} : memref<80x128xf32, #tpu.memory_space<vmem>>, vector<16xf32>,
        %get3A_959 = arith.index_cast %scan3A_924 : i32 to index
        %get3A_960 = arith.constant 64 : index
        %get3A_961 = tpu.vector_load %arg29[%get3A_959, %get3A_960] {strides = array<i32>} : memref<80x128xf32, #tpu.memory_space<vmem>>, vector<16xf32>,
        %mul3A_962 = arith.mulf %get3A_961, %gather3A_930 : vector<16xf32>
        %swap3A_963 = arith.index_cast %scan3A_924 : i32 to index
        %swap3A_964 = arith.constant 64 : index
        %swap3A_965 = tpu.vector_load %arg29[%swap3A_963, %swap3A_964] {strides = array<i32>} : memref<80x128xf32, #tpu.memory_space<vmem>>, vector<16xf32>,
        tpu.vector_store %arg29[%swap3A_963, %swap3A_964], %mul3A_962 {strides = array<i32>} : memref<80x128xf32, #tpu.memory_space<vmem>>, vector<16xf32>,
        %get3A_966 = arith.index_cast %scan3A_924 : i32 to index
        %get3A_967 = arith.constant 80 : index
        %get3A_968 = tpu.vector_load %arg29[%get3A_966, %get3A_967] {strides = array<i32>} : memref<80x128xf32, #tpu.memory_space<vmem>>, vector<16xf32>,
        %mul3A_969 = arith.mulf %get3A_968, %gather3A_930 : vector<16xf32>
        %swap3A_970 = arith.index_cast %scan3A_924 : i32 to index
        %swap3A_971 = arith.constant 80 : index
        %swap3A_972 = tpu.vector_load %arg29[%swap3A_970, %swap3A_971] {strides = array<i32>} : memref<80x128xf32, #tpu.memory_space<vmem>>, vector<16xf32>,
        tpu.vector_store %arg29[%swap3A_970, %swap3A_971], %mul3A_969 {strides = array<i32>} : memref<80x128xf32, #tpu.memory_space<vmem>>, vector<16xf32>,
        %get3A_973 = arith.index_cast %scan3A_924 : i32 to index
        %get3A_974 = arith.constant 96 : index
        %get3A_975 = tpu.vector_load %arg29[%get3A_973, %get3A_974] {strides = array<i32>} : memref<80x128xf32, #tpu.memory_space<vmem>>, vector<16xf32>,
        %mul3A_976 = arith.mulf %get3A_975, %gather3A_930 : vector<16xf32>
        %swap3A_977 = arith.index_cast %scan3A_924 : i32 to index
        %swap3A_978 = arith.constant 96 : index
        %swap3A_979 = tpu.vector_load %arg29[%swap3A_977, %swap3A_978] {strides = array<i32>} : memref<80x128xf32, #tpu.memory_space<vmem>>, vector<16xf32>,
        tpu.vector_store %arg29[%swap3A_977, %swap3A_978], %mul3A_976 {strides = array<i32>} : memref<80x128xf32, #tpu.memory_space<vmem>>, vector<16xf32>,
        %get3A_980 = arith.index_cast %scan3A_924 : i32 to index
        %get3A_981 = arith.constant 112 : index
        %get3A_982 = tpu.vector_load %arg29[%get3A_980, %get3A_981] {strides = array<i32>} : memref<80x128xf32, #tpu.memory_space<vmem>>, vector<16xf32>,
        %mul3A_983 = arith.mulf %get3A_982, %gather3A_930 : vector<16xf32>
        %swap3A_984 = arith.index_cast %scan3A_924 : i32 to index
        %swap3A_985 = arith.constant 112 : index
        %swap3A_986 = tpu.vector_load %arg29[%swap3A_984, %swap3A_985] {strides = array<i32>} : memref<80x128xf32, #tpu.memory_space<vmem>>, vector<16xf32>,
        tpu.vector_store %arg29[%swap3A_984, %swap3A_985], %mul3A_983 {strides = array<i32>} : memref<80x128xf32, #tpu.memory_space<vmem>>, vector<16xf32>,
        %scan3A_987 = arith.constant 0 : i32
        %scan3A_988 = arith.constant 2 : i32
        %scan3A_989 = arith.addi %scan3A_859, %scan3A_988 : i32
        %broadcast_in_dim3A_990 = vector.broadcast %scan3A_989 : i32 to vector<16xi32>
        %gather3A_991 = tpu.vector_load_idx %arg32[%broadcast_in_dim3A_990] : memref<192xf32, #tpu.memory_space<vmem>>[vector<16xi32>], vector<16xf32>,
        %add3A_992 = arith.constant 96 : i32
        %add3A_993 = vector.broadcast %add3A_992 : i32 to vector<16xi32>
        %add3A_994 = arith.addi %broadcast_in_dim3A_990, %add3A_993 : vector<16xi32>
        %gather3A_995 = tpu.vector_load_idx %arg32[%add3A_994] : memref<192xf32, #tpu.memory_space<vmem>>[vector<16xi32>], vector<16xf32>,
        %get3A_996 = arith.index_cast %scan3A_989 : i32 to index
        %get3A_997 = arith.constant 0 : index
        %get3A_998 = tpu.vector_load %arg29[%get3A_996, %get3A_997] {strides = array<i32>} : memref<80x128xf32, #tpu.memory_space<vmem>>, vector<16xf32>,
        %mul3A_999 = arith.mulf %get3A_998, %gather3A_991 : vector<16xf32>
        %swap3A_1000 = arith.index_cast %scan3A_989 : i32 to index
        %swap3A_1001 = arith.constant 0 : index
        %swap3A_1002 = tpu.vector_load %arg29[%swap3A_1000, %swap3A_1001] {strides = array<i32>} : memref<80x128xf32, #tpu.memory_space<vmem>>, vector<16xf32>,
        tpu.vector_store %arg29[%swap3A_1000, %swap3A_1001], %mul3A_999 {strides = array<i32>} : memref<80x128xf32, #tpu.memory_space<vmem>>, vector<16xf32>,
        %get3A_1003 = arith.index_cast %scan3A_989 : i32 to index
        %get3A_1004 = arith.constant 16 : index
        %get3A_1005 = tpu.vector_load %arg29[%get3A_1003, %get3A_1004] {strides = array<i32>} : memref<80x128xf32, #tpu.memory_space<vmem>>, vector<16xf32>,
        %mul3A_1006 = arith.mulf %get3A_1005, %gather3A_991 : vector<16xf32>
        %swap3A_1007 = arith.index_cast %scan3A_989 : i32 to index
        %swap3A_1008 = arith.constant 16 : index
        %swap3A_1009 = tpu.vector_load %arg29[%swap3A_1007, %swap3A_1008] {strides = array<i32>} : memref<80x128xf32, #tpu.memory_space<vmem>>, vector<16xf32>,
        tpu.vector_store %arg29[%swap3A_1007, %swap3A_1008], %mul3A_1006 {strides = array<i32>} : memref<80x128xf32, #tpu.memory_space<vmem>>, vector<16xf32>,
        %get3A_1010 = arith.index_cast %scan3A_989 : i32 to index
        %get3A_1011 = arith.constant 32 : index
        %get3A_1012 = tpu.vector_load %arg29[%get3A_1010, %get3A_1011] {strides = array<i32>} : memref<80x128xf32, #tpu.memory_space<vmem>>, vector<16xf32>,
        %mul3A_1013 = arith.mulf %get3A_1012, %gather3A_991 : vector<16xf32>
        %swap3A_1014 = arith.index_cast %scan3A_989 : i32 to index
        %swap3A_1015 = arith.constant 32 : index
        %swap3A_1016 = tpu.vector_load %arg29[%swap3A_1014, %swap3A_1015] {strides = array<i32>} : memref<80x128xf32, #tpu.memory_space<vmem>>, vector<16xf32>,
        tpu.vector_store %arg29[%swap3A_1014, %swap3A_1015], %mul3A_1013 {strides = array<i32>} : memref<80x128xf32, #tpu.memory_space<vmem>>, vector<16xf32>,
        %get3A_1017 = arith.index_cast %scan3A_989 : i32 to index
        %get3A_1018 = arith.constant 48 : index
        %get3A_1019 = tpu.vector_load %arg29[%get3A_1017, %get3A_1018] {strides = array<i32>} : memref<80x128xf32, #tpu.memory_space<vmem>>, vector<16xf32>,
        %mul3A_1020 = arith.mulf %get3A_1019, %gather3A_991 : vector<16xf32>
        %swap3A_1021 = arith.index_cast %scan3A_989 : i32 to index
        %swap3A_1022 = arith.constant 48 : index
        %swap3A_1023 = tpu.vector_load %arg29[%swap3A_1021, %swap3A_1022] {strides = array<i32>} : memref<80x128xf32, #tpu.memory_space<vmem>>, vector<16xf32>,
        tpu.vector_store %arg29[%swap3A_1021, %swap3A_1022], %mul3A_1020 {strides = array<i32>} : memref<80x128xf32, #tpu.memory_space<vmem>>, vector<16xf32>,
        %get3A_1024 = arith.index_cast %scan3A_989 : i32 to index
        %get3A_1025 = arith.constant 64 : index
        %get3A_1026 = tpu.vector_load %arg29[%get3A_1024, %get3A_1025] {strides = array<i32>} : memref<80x128xf32, #tpu.memory_space<vmem>>, vector<16xf32>,
        %mul3A_1027 = arith.mulf %get3A_1026, %gather3A_995 : vector<16xf32>
        %swap3A_1028 = arith.index_cast %scan3A_989 : i32 to index
        %swap3A_1029 = arith.constant 64 : index
        %swap3A_1030 = tpu.vector_load %arg29[%swap3A_1028, %swap3A_1029] {strides = array<i32>} : memref<80x128xf32, #tpu.memory_space<vmem>>, vector<16xf32>,
        tpu.vector_store %arg29[%swap3A_1028, %swap3A_1029], %mul3A_1027 {strides = array<i32>} : memref<80x128xf32, #tpu.memory_space<vmem>>, vector<16xf32>,
        %get3A_1031 = arith.index_cast %scan3A_989 : i32 to index
        %get3A_1032 = arith.constant 80 : index
        %get3A_1033 = tpu.vector_load %arg29[%get3A_1031, %get3A_1032] {strides = array<i32>} : memref<80x128xf32, #tpu.memory_space<vmem>>, vector<16xf32>,
        %mul3A_1034 = arith.mulf %get3A_1033, %gather3A_995 : vector<16xf32>
        %swap3A_1035 = arith.index_cast %scan3A_989 : i32 to index
        %swap3A_1036 = arith.constant 80 : index
        %swap3A_1037 = tpu.vector_load %arg29[%swap3A_1035, %swap3A_1036] {strides = array<i32>} : memref<80x128xf32, #tpu.memory_space<vmem>>, vector<16xf32>,
        tpu.vector_store %arg29[%swap3A_1035, %swap3A_1036], %mul3A_1034 {strides = array<i32>} : memref<80x128xf32, #tpu.memory_space<vmem>>, vector<16xf32>,
        %get3A_1038 = arith.index_cast %scan3A_989 : i32 to index
        %get3A_1039 = arith.constant 96 : index
        %get3A_1040 = tpu.vector_load %arg29[%get3A_1038, %get3A_1039] {strides = array<i32>} : memref<80x128xf32, #tpu.memory_space<vmem>>, vector<16xf32>,
        %mul3A_1041 = arith.mulf %get3A_1040, %gather3A_995 : vector<16xf32>
        %swap3A_1042 = arith.index_cast %scan3A_989 : i32 to index
        %swap3A_1043 = arith.constant 96 : index
        %swap3A_1044 = tpu.vector_load %arg29[%swap3A_1042, %swap3A_1043] {strides = array<i32>} : memref<80x128xf32, #tpu.memory_space<vmem>>, vector<16xf32>,
        tpu.vector_store %arg29[%swap3A_1042, %swap3A_1043], %mul3A_1041 {strides = array<i32>} : memref<80x128xf32, #tpu.memory_space<vmem>>, vector<16xf32>,
        %get3A_1045 = arith.index_cast %scan3A_989 : i32 to index
        %get3A_1046 = arith.constant 112 : index
        %get3A_1047 = tpu.vector_load %arg29[%get3A_1045, %get3A_1046] {strides = array<i32>} : memref<80x128xf32, #tpu.memory_space<vmem>>, vector<16xf32>,
        %mul3A_1048 = arith.mulf %get3A_1047, %gather3A_995 : vector<16xf32>
        %swap3A_1049 = arith.index_cast %scan3A_989 : i32 to index
        %swap3A_1050 = arith.constant 112 : index
        %swap3A_1051 = tpu.vector_load %arg29[%swap3A_1049, %swap3A_1050] {strides = array<i32>} : memref<80x128xf32, #tpu.memory_space<vmem>>, vector<16xf32>,
        tpu.vector_store %arg29[%swap3A_1049, %swap3A_1050], %mul3A_1048 {strides = array<i32>} : memref<80x128xf32, #tpu.memory_space<vmem>>, vector<16xf32>,
        %scan3A_1052 = arith.constant 0 : i32
        %scan3A_1053 = arith.constant 3 : i32
        %scan3A_1054 = arith.addi %scan3A_859, %scan3A_1053 : i32
        %broadcast_in_dim3A_1055 = vector.broadcast %scan3A_1054 : i32 to vector<16xi32>
        %gather3A_1056 = tpu.vector_load_idx %arg32[%broadcast_in_dim3A_1055] : memref<192xf32, #tpu.memory_space<vmem>>[vector<16xi32>], vector<16xf32>,
        %add3A_1057 = arith.constant 96 : i32
        %add3A_1058 = vector.broadcast %add3A_1057 : i32 to vector<16xi32>
        %add3A_1059 = arith.addi %broadcast_in_dim3A_1055, %add3A_1058 : vector<16xi32>
        %gather3A_1060 = tpu.vector_load_idx %arg32[%add3A_1059] : memref<192xf32, #tpu.memory_space<vmem>>[vector<16xi32>], vector<16xf32>,
        %get3A_1061 = arith.index_cast %scan3A_1054 : i32 to index
        %get3A_1062 = arith.constant 0 : index
        %get3A_1063 = tpu.vector_load %arg29[%get3A_1061, %get3A_1062] {strides = array<i32>} : memref<80x128xf32, #tpu.memory_space<vmem>>, vector<16xf32>,
        %mul3A_1064 = arith.mulf %get3A_1063, %gather3A_1056 : vector<16xf32>
        %swap3A_1065 = arith.index_cast %scan3A_1054 : i32 to index
        %swap3A_1066 = arith.constant 0 : index
        %swap3A_1067 = tpu.vector_load %arg29[%swap3A_1065, %swap3A_1066] {strides = array<i32>} : memref<80x128xf32, #tpu.memory_space<vmem>>, vector<16xf32>,
        tpu.vector_store %arg29[%swap3A_1065, %swap3A_1066], %mul3A_1064 {strides = array<i32>} : memref<80x128xf32, #tpu.memory_space<vmem>>, vector<16xf32>,
        %get3A_1068 = arith.index_cast %scan3A_1054 : i32 to index
        %get3A_1069 = arith.constant 16 : index
        %get3A_1070 = tpu.vector_load %arg29[%get3A_1068, %get3A_1069] {strides = array<i32>} : memref<80x128xf32, #tpu.memory_space<vmem>>, vector<16xf32>,
        %mul3A_1071 = arith.mulf %get3A_1070, %gather3A_1056 : vector<16xf32>
        %swap3A_1072 = arith.index_cast %scan3A_1054 : i32 to index
        %swap3A_1073 = arith.constant 16 : index
        %swap3A_1074 = tpu.vector_load %arg29[%swap3A_1072, %swap3A_1073] {strides = array<i32>} : memref<80x128xf32, #tpu.memory_space<vmem>>, vector<16xf32>,
        tpu.vector_store %arg29[%swap3A_1072, %swap3A_1073], %mul3A_1071 {strides = array<i32>} : memref<80x128xf32, #tpu.memory_space<vmem>>, vector<16xf32>,
        %get3A_1075 = arith.index_cast %scan3A_1054 : i32 to index
        %get3A_1076 = arith.constant 32 : index
        %get3A_1077 = tpu.vector_load %arg29[%get3A_1075, %get3A_1076] {strides = array<i32>} : memref<80x128xf32, #tpu.memory_space<vmem>>, vector<16xf32>,
        %mul3A_1078 = arith.mulf %get3A_1077, %gather3A_1056 : vector<16xf32>
        %swap3A_1079 = arith.index_cast %scan3A_1054 : i32 to index
        %swap3A_1080 = arith.constant 32 : index
        %swap3A_1081 = tpu.vector_load %arg29[%swap3A_1079, %swap3A_1080] {strides = array<i32>} : memref<80x128xf32, #tpu.memory_space<vmem>>, vector<16xf32>,
        tpu.vector_store %arg29[%swap3A_1079, %swap3A_1080], %mul3A_1078 {strides = array<i32>} : memref<80x128xf32, #tpu.memory_space<vmem>>, vector<16xf32>,
        %get3A_1082 = arith.index_cast %scan3A_1054 : i32 to index
        %get3A_1083 = arith.constant 48 : index
        %get3A_1084 = tpu.vector_load %arg29[%get3A_1082, %get3A_1083] {strides = array<i32>} : memref<80x128xf32, #tpu.memory_space<vmem>>, vector<16xf32>,
        %mul3A_1085 = arith.mulf %get3A_1084, %gather3A_1056 : vector<16xf32>
        %swap3A_1086 = arith.index_cast %scan3A_1054 : i32 to index
        %swap3A_1087 = arith.constant 48 : index
        %swap3A_1088 = tpu.vector_load %arg29[%swap3A_1086, %swap3A_1087] {strides = array<i32>} : memref<80x128xf32, #tpu.memory_space<vmem>>, vector<16xf32>,
        tpu.vector_store %arg29[%swap3A_1086, %swap3A_1087], %mul3A_1085 {strides = array<i32>} : memref<80x128xf32, #tpu.memory_space<vmem>>, vector<16xf32>,
        %get3A_1089 = arith.index_cast %scan3A_1054 : i32 to index
        %get3A_1090 = arith.constant 64 : index
        %get3A_1091 = tpu.vector_load %arg29[%get3A_1089, %get3A_1090] {strides = array<i32>} : memref<80x128xf32, #tpu.memory_space<vmem>>, vector<16xf32>,
        %mul3A_1092 = arith.mulf %get3A_1091, %gather3A_1060 : vector<16xf32>
        %swap3A_1093 = arith.index_cast %scan3A_1054 : i32 to index
        %swap3A_1094 = arith.constant 64 : index
        %swap3A_1095 = tpu.vector_load %arg29[%swap3A_1093, %swap3A_1094] {strides = array<i32>} : memref<80x128xf32, #tpu.memory_space<vmem>>, vector<16xf32>,
        tpu.vector_store %arg29[%swap3A_1093, %swap3A_1094], %mul3A_1092 {strides = array<i32>} : memref<80x128xf32, #tpu.memory_space<vmem>>, vector<16xf32>,
        %get3A_1096 = arith.index_cast %scan3A_1054 : i32 to index
        %get3A_1097 = arith.constant 80 : index
        %get3A_1098 = tpu.vector_load %arg29[%get3A_1096, %get3A_1097] {strides = array<i32>} : memref<80x128xf32, #tpu.memory_space<vmem>>, vector<16xf32>,
        %mul3A_1099 = arith.mulf %get3A_1098, %gather3A_1060 : vector<16xf32>
        %swap3A_1100 = arith.index_cast %scan3A_1054 : i32 to index
        %swap3A_1101 = arith.constant 80 : index
        %swap3A_1102 = tpu.vector_load %arg29[%swap3A_1100, %swap3A_1101] {strides = array<i32>} : memref<80x128xf32, #tpu.memory_space<vmem>>, vector<16xf32>,
        tpu.vector_store %arg29[%swap3A_1100, %swap3A_1101], %mul3A_1099 {strides = array<i32>} : memref<80x128xf32, #tpu.memory_space<vmem>>, vector<16xf32>,
        %get3A_1103 = arith.index_cast %scan3A_1054 : i32 to index
        %get3A_1104 = arith.constant 96 : index
        %get3A_1105 = tpu.vector_load %arg29[%get3A_1103, %get3A_1104] {strides = array<i32>} : memref<80x128xf32, #tpu.memory_space<vmem>>, vector<16xf32>,
        %mul3A_1106 = arith.mulf %get3A_1105, %gather3A_1060 : vector<16xf32>
        %swap3A_1107 = arith.index_cast %scan3A_1054 : i32 to index
        %swap3A_1108 = arith.constant 96 : index
        %swap3A_1109 = tpu.vector_load %arg29[%swap3A_1107, %swap3A_1108] {strides = array<i32>} : memref<80x128xf32, #tpu.memory_space<vmem>>, vector<16xf32>,
        tpu.vector_store %arg29[%swap3A_1107, %swap3A_1108], %mul3A_1106 {strides = array<i32>} : memref<80x128xf32, #tpu.memory_space<vmem>>, vector<16xf32>,
        %get3A_1110 = arith.index_cast %scan3A_1054 : i32 to index
        %get3A_1111 = arith.constant 112 : index
        %get3A_1112 = tpu.vector_load %arg29[%get3A_1110, %get3A_1111] {strides = array<i32>} : memref<80x128xf32, #tpu.memory_space<vmem>>, vector<16xf32>,
        %mul3A_1113 = arith.mulf %get3A_1112, %gather3A_1060 : vector<16xf32>
        %swap3A_1114 = arith.index_cast %scan3A_1054 : i32 to index
        %swap3A_1115 = arith.constant 112 : index
        %swap3A_1116 = tpu.vector_load %arg29[%swap3A_1114, %swap3A_1115] {strides = array<i32>} : memref<80x128xf32, #tpu.memory_space<vmem>>, vector<16xf32>,
        tpu.vector_store %arg29[%swap3A_1114, %swap3A_1115], %mul3A_1113 {strides = array<i32>} : memref<80x128xf32, #tpu.memory_space<vmem>>, vector<16xf32>,
        %scan3A_1117 = arith.constant 0 : i32
        scf.yield %scan3A_1117 : i32
      }
      %scan3A_658 = arith.constant 80 : i32
      "tpu.region"() ({
        %run_scoped3A = tpu.sem_alloc : memref<!tpu.dma_semaphore, #tpu.memory_space<semaphore_mem>>
        %dma_start3A_859 = arith.constant 0 : i32
        %dma_start3A_860 = arith.constant 0 : i32
        %dma_start3A_861 = tpu.memref_slice %arg41[%dma_start3A_859, %dma_start3A_860] : memref<10240x128xf32, #tpu.memory_space<vmem_shared>> -> memref<10240x128xf32, #tpu.memory_space<vmem_shared>>
        tpu.enqueue_indirect_dma source(%arg29 : memref<80x128xf32, #tpu.memory_space<vmem>>) target(%dma_start3A_861 : memref<10240x128xf32, #tpu.memory_space<vmem_shared>>) offsets(%arg10 : memref<80xi32, #tpu.memory_space<vmem>>) semaphore(%run_scoped3A : memref<!tpu.dma_semaphore, #tpu.memory_space<semaphore_mem>>) {add = true}
        %dma_wait3A_862 = arith.constant 0 : i32
        %dma_wait3A_863 = arith.constant 0 : i32
        %dma_wait3A_864 = tpu.memref_slice %arg41[%dma_wait3A_862, %dma_wait3A_863] : memref<10240x128xf32, #tpu.memory_space<vmem_shared>> -> memref<10240x128xf32, #tpu.memory_space<vmem_shared>>
        tpu.wait_indirect_dma semaphore(%run_scoped3A : memref<!tpu.dma_semaphore, #tpu.memory_space<semaphore_mem>>) src(%arg29 : memref<80x128xf32, #tpu.memory_space<vmem>>) dst(%dma_wait3A_864 : memref<10240x128xf32, #tpu.memory_space<vmem_shared>>)
        tpu.yield
      }) : () -> ()
      %lt3A = arith.constant 124 : i32
      %lt3A_659 = arith.cmpi slt, %scan3A_473, %lt3A : i32
      %convert_element_type3A = arith.extui %lt3A_659 : i1 to i32
      %cond3A = arith.constant 0 : i32
      %cond3A_660 = arith.cmpi ne, %convert_element_type3A, %cond3A : i32
      scf.if %cond3A_660 {
        %dma_wait3A_859 = arith.constant 0 : i32
        %dma_wait3A_860 = tpu.memref_slice %arg4[%dma_wait3A_859] : memref<320000xi32, #tpu.memory_space<hbm>> -> memref<160xi32, #tpu.memory_space<hbm>>
        %dma_wait3A_861 = arith.constant 0 : i32
        %dma_wait3A_862 = tpu.memref_slice %arg4[%dma_wait3A_861] : memref<320000xi32, #tpu.memory_space<hbm>> -> memref<160xi32, #tpu.memory_space<hbm>>
        tpu.wait_dma2 semaphore(%arg40 : memref<!tpu.dma_semaphore, #tpu.memory_space<semaphore_mem>>) src(%dma_wait3A_862 : memref<160xi32, #tpu.memory_space<hbm>>) dst(%arg34 : memref<160xi32, #tpu.memory_space<vmem>>)
        %dma_wait3A_863 = arith.constant 0 : i32
        %dma_wait3A_864 = tpu.memref_slice %arg5[%dma_wait3A_863] : memref<320000xi32, #tpu.memory_space<hbm>> -> memref<160xi32, #tpu.memory_space<hbm>>
        %dma_wait3A_865 = arith.constant 0 : i32
        %dma_wait3A_866 = tpu.memref_slice %arg5[%dma_wait3A_865] : memref<320000xi32, #tpu.memory_space<hbm>> -> memref<160xi32, #tpu.memory_space<hbm>>
        tpu.wait_dma2 semaphore(%arg40 : memref<!tpu.dma_semaphore, #tpu.memory_space<semaphore_mem>>) src(%dma_wait3A_866 : memref<160xi32, #tpu.memory_space<hbm>>) dst(%arg35 : memref<160xi32, #tpu.memory_space<vmem>>)
        %get3A_867 = arith.constant 0 : index
        %get3A_868 = tpu.vector_load %arg34[%get3A_867] {strides = array<i32>} : memref<160xi32, #tpu.memory_space<vmem>>, vector<16xi32>,
        %swap3A_869 = arith.constant 0 : index
        %swap3A_870 = tpu.vector_load %arg9[%swap3A_869] {strides = array<i32>} : memref<80xi32, #tpu.memory_space<vmem>>, vector<16xi32>,
        tpu.vector_store %arg9[%swap3A_869], %get3A_868 {strides = array<i32>} : memref<80xi32, #tpu.memory_space<vmem>>, vector<16xi32>,
        %get3A_871 = arith.constant 0 : index
        %get3A_872 = tpu.vector_load %arg35[%get3A_871] {strides = array<i32>} : memref<160xi32, #tpu.memory_space<vmem>>, vector<16xi32>,
        %swap3A_873 = arith.constant 0 : index
        %swap3A_874 = tpu.vector_load %arg10[%swap3A_873] {strides = array<i32>} : memref<80xi32, #tpu.memory_space<vmem>>, vector<16xi32>,
        tpu.vector_store %arg10[%swap3A_873], %get3A_872 {strides = array<i32>} : memref<80xi32, #tpu.memory_space<vmem>>, vector<16xi32>,
        %get3A_875 = arith.constant 16 : index
        %get3A_876 = tpu.vector_load %arg34[%get3A_875] {strides = array<i32>} : memref<160xi32, #tpu.memory_space<vmem>>, vector<16xi32>,
        %swap3A_877 = arith.constant 16 : index
        %swap3A_878 = tpu.vector_load %arg9[%swap3A_877] {strides = array<i32>} : memref<80xi32, #tpu.memory_space<vmem>>, vector<16xi32>,
        tpu.vector_store %arg9[%swap3A_877], %get3A_876 {strides = array<i32>} : memref<80xi32, #tpu.memory_space<vmem>>, vector<16xi32>,
        %get3A_879 = arith.constant 16 : index
        %get3A_880 = tpu.vector_load %arg35[%get3A_879] {strides = array<i32>} : memref<160xi32, #tpu.memory_space<vmem>>, vector<16xi32>,
        %swap3A_881 = arith.constant 16 : index
        %swap3A_882 = tpu.vector_load %arg10[%swap3A_881] {strides = array<i32>} : memref<80xi32, #tpu.memory_space<vmem>>, vector<16xi32>,
        tpu.vector_store %arg10[%swap3A_881], %get3A_880 {strides = array<i32>} : memref<80xi32, #tpu.memory_space<vmem>>, vector<16xi32>,
        %get3A_883 = arith.constant 32 : index
        %get3A_884 = tpu.vector_load %arg34[%get3A_883] {strides = array<i32>} : memref<160xi32, #tpu.memory_space<vmem>>, vector<16xi32>,
        %swap3A_885 = arith.constant 32 : index
        %swap3A_886 = tpu.vector_load %arg9[%swap3A_885] {strides = array<i32>} : memref<80xi32, #tpu.memory_space<vmem>>, vector<16xi32>,
        tpu.vector_store %arg9[%swap3A_885], %get3A_884 {strides = array<i32>} : memref<80xi32, #tpu.memory_space<vmem>>, vector<16xi32>,
        %get3A_887 = arith.constant 32 : index
        %get3A_888 = tpu.vector_load %arg35[%get3A_887] {strides = array<i32>} : memref<160xi32, #tpu.memory_space<vmem>>, vector<16xi32>,
        %swap3A_889 = arith.constant 32 : index
        %swap3A_890 = tpu.vector_load %arg10[%swap3A_889] {strides = array<i32>} : memref<80xi32, #tpu.memory_space<vmem>>, vector<16xi32>,
        tpu.vector_store %arg10[%swap3A_889], %get3A_888 {strides = array<i32>} : memref<80xi32, #tpu.memory_space<vmem>>, vector<16xi32>,
        %get3A_891 = arith.constant 48 : index
        %get3A_892 = tpu.vector_load %arg34[%get3A_891] {strides = array<i32>} : memref<160xi32, #tpu.memory_space<vmem>>, vector<16xi32>,
        %swap3A_893 = arith.constant 48 : index
        %swap3A_894 = tpu.vector_load %arg9[%swap3A_893] {strides = array<i32>} : memref<80xi32, #tpu.memory_space<vmem>>, vector<16xi32>,
        tpu.vector_store %arg9[%swap3A_893], %get3A_892 {strides = array<i32>} : memref<80xi32, #tpu.memory_space<vmem>>, vector<16xi32>,
        %get3A_895 = arith.constant 48 : index
        %get3A_896 = tpu.vector_load %arg35[%get3A_895] {strides = array<i32>} : memref<160xi32, #tpu.memory_space<vmem>>, vector<16xi32>,
        %swap3A_897 = arith.constant 48 : index
        %swap3A_898 = tpu.vector_load %arg10[%swap3A_897] {strides = array<i32>} : memref<80xi32, #tpu.memory_space<vmem>>, vector<16xi32>,
        tpu.vector_store %arg10[%swap3A_897], %get3A_896 {strides = array<i32>} : memref<80xi32, #tpu.memory_space<vmem>>, vector<16xi32>,
        %get3A_899 = arith.constant 64 : index
        %get3A_900 = tpu.vector_load %arg34[%get3A_899] {strides = array<i32>} : memref<160xi32, #tpu.memory_space<vmem>>, vector<16xi32>,
        %swap3A_901 = arith.constant 64 : index
        %swap3A_902 = tpu.vector_load %arg9[%swap3A_901] {strides = array<i32>} : memref<80xi32, #tpu.memory_space<vmem>>, vector<16xi32>,
        tpu.vector_store %arg9[%swap3A_901], %get3A_900 {strides = array<i32>} : memref<80xi32, #tpu.memory_space<vmem>>, vector<16xi32>,
        %get3A_903 = arith.constant 64 : index
        %get3A_904 = tpu.vector_load %arg35[%get3A_903] {strides = array<i32>} : memref<160xi32, #tpu.memory_space<vmem>>, vector<16xi32>,
        %swap3A_905 = arith.constant 64 : index
        %swap3A_906 = tpu.vector_load %arg10[%swap3A_905] {strides = array<i32>} : memref<80xi32, #tpu.memory_space<vmem>>, vector<16xi32>,
        tpu.vector_store %arg10[%swap3A_905], %get3A_904 {strides = array<i32>} : memref<80xi32, #tpu.memory_space<vmem>>, vector<16xi32>,
        %dma_start3A_907 = arith.constant 0 : i32
        %dma_start3A_908 = arith.constant 0 : i32
        %dma_start3A_909 = tpu.memref_slice %arg2[%arg0, %dma_start3A_907, %dma_start3A_908] : memref<2x10000x128xf32, #tpu.memory_space<hbm>> -> memref<1x10000x128xf32, #tpu.memory_space<hbm>>
        %dma_start3A_910 = tpu.memref_squeeze %dma_start3A_909 : memref<1x10000x128xf32, #tpu.memory_space<hbm>> -> memref<10000x128xf32, #tpu.memory_space<hbm>>
        %dma_start3A_911 = arith.constant 0 : i32
        %dma_start3A_912 = arith.constant 0 : i32
        %dma_start3A_913 = tpu.memref_slice %dma_start3A_910[%dma_start3A_911, %dma_start3A_912] : memref<10000x128xf32, #tpu.memory_space<hbm>> -> memref<10000x128xf32, #tpu.memory_space<hbm>>
        tpu.enqueue_indirect_dma source(%dma_start3A_913 : memref<10000x128xf32, #tpu.memory_space<hbm>>) target(%arg29 : memref<80x128xf32, #tpu.memory_space<vmem>>) offsets(%arg9 : memref<80xi32, #tpu.memory_space<vmem>>) semaphore(%arg36 : memref<!tpu.dma_semaphore, #tpu.memory_space<semaphore_mem>>)
        %get3A_914 = arith.constant 0 : index
        %get3A_915 = tpu.vector_load %arg9[%get3A_914] {strides = array<i32>} : memref<80xi32, #tpu.memory_space<vmem>>, vector<16xi32>,
        %add3A_916 = vector.broadcast %select_n3A_96 : i32 to vector<16xi32>
        %add3A_917 = arith.addi %get3A_915, %add3A_916 : vector<16xi32>
        %swap3A_918 = arith.constant 0 : index
        %swap3A_919 = tpu.vector_load %arg13[%swap3A_918] {strides = array<i32>} : memref<80xi32, #tpu.memory_space<vmem>>, vector<16xi32>,
        tpu.vector_store %arg13[%swap3A_918], %add3A_917 {strides = array<i32>} : memref<80xi32, #tpu.memory_space<vmem>>, vector<16xi32>,
        %get3A_920 = arith.constant 16 : index
        %get3A_921 = tpu.vector_load %arg9[%get3A_920] {strides = array<i32>} : memref<80xi32, #tpu.memory_space<vmem>>, vector<16xi32>,
        %add3A_922 = vector.broadcast %select_n3A_96 : i32 to vector<16xi32>
        %add3A_923 = arith.addi %get3A_921, %add3A_922 : vector<16xi32>
        %swap3A_924 = arith.constant 16 : index
        %swap3A_925 = tpu.vector_load %arg13[%swap3A_924] {strides = array<i32>} : memref<80xi32, #tpu.memory_space<vmem>>, vector<16xi32>,
        tpu.vector_store %arg13[%swap3A_924], %add3A_923 {strides = array<i32>} : memref<80xi32, #tpu.memory_space<vmem>>, vector<16xi32>,
        %get3A_926 = arith.constant 32 : index
        %get3A_927 = tpu.vector_load %arg9[%get3A_926] {strides = array<i32>} : memref<80xi32, #tpu.memory_space<vmem>>, vector<16xi32>,
        %add3A_928 = vector.broadcast %select_n3A_96 : i32 to vector<16xi32>
        %add3A_929 = arith.addi %get3A_927, %add3A_928 : vector<16xi32>
        %swap3A_930 = arith.constant 32 : index
        %swap3A_931 = tpu.vector_load %arg13[%swap3A_930] {strides = array<i32>} : memref<80xi32, #tpu.memory_space<vmem>>, vector<16xi32>,
        tpu.vector_store %arg13[%swap3A_930], %add3A_929 {strides = array<i32>} : memref<80xi32, #tpu.memory_space<vmem>>, vector<16xi32>,
        %get3A_932 = arith.constant 48 : index
        %get3A_933 = tpu.vector_load %arg9[%get3A_932] {strides = array<i32>} : memref<80xi32, #tpu.memory_space<vmem>>, vector<16xi32>,
        %add3A_934 = vector.broadcast %select_n3A_96 : i32 to vector<16xi32>
        %add3A_935 = arith.addi %get3A_933, %add3A_934 : vector<16xi32>
        %swap3A_936 = arith.constant 48 : index
        %swap3A_937 = tpu.vector_load %arg13[%swap3A_936] {strides = array<i32>} : memref<80xi32, #tpu.memory_space<vmem>>, vector<16xi32>,
        tpu.vector_store %arg13[%swap3A_936], %add3A_935 {strides = array<i32>} : memref<80xi32, #tpu.memory_space<vmem>>, vector<16xi32>,
        %get3A_938 = arith.constant 64 : index
        %get3A_939 = tpu.vector_load %arg9[%get3A_938] {strides = array<i32>} : memref<80xi32, #tpu.memory_space<vmem>>, vector<16xi32>,
        %add3A_940 = vector.broadcast %select_n3A_96 : i32 to vector<16xi32>
        %add3A_941 = arith.addi %get3A_939, %add3A_940 : vector<16xi32>
        %swap3A_942 = arith.constant 64 : index
        %swap3A_943 = tpu.vector_load %arg13[%swap3A_942] {strides = array<i32>} : memref<80xi32, #tpu.memory_space<vmem>>, vector<16xi32>,
        tpu.vector_store %arg13[%swap3A_942], %add3A_941 {strides = array<i32>} : memref<80xi32, #tpu.memory_space<vmem>>, vector<16xi32>,
        %dma_start3A_944 = arith.constant 0 : i32
        %dma_start3A_945 = tpu.memref_slice %arg3[%dma_start3A_944] : memref<80000xf32, #tpu.memory_space<hbm>> -> memref<80000xf32, #tpu.memory_space<hbm>>
        tpu.enqueue_indirect_dma source(%dma_start3A_945 : memref<80000xf32, #tpu.memory_space<hbm>>) target(%arg21 : memref<80xf32, #tpu.memory_space<vmem>>) offsets(%arg13 : memref<80xi32, #tpu.memory_space<vmem>>) semaphore(%arg37 : memref<!tpu.dma_semaphore, #tpu.memory_space<semaphore_mem>>)
        %get3A_946 = arith.constant 0 : index
        %get3A_947 = tpu.vector_load %arg9[%get3A_946] {strides = array<i32>} : memref<80xi32, #tpu.memory_space<vmem>>, vector<16xi32>,
        %add3A_948 = vector.broadcast %add3A_98 : i32 to vector<16xi32>
        %add3A_949 = arith.addi %get3A_947, %add3A_948 : vector<16xi32>
        %swap3A_950 = arith.constant 0 : index
        %swap3A_951 = tpu.vector_load %arg14[%swap3A_950] {strides = array<i32>} : memref<80xi32, #tpu.memory_space<vmem>>, vector<16xi32>,
        tpu.vector_store %arg14[%swap3A_950], %add3A_949 {strides = array<i32>} : memref<80xi32, #tpu.memory_space<vmem>>, vector<16xi32>,
        %get3A_952 = arith.constant 16 : index
        %get3A_953 = tpu.vector_load %arg9[%get3A_952] {strides = array<i32>} : memref<80xi32, #tpu.memory_space<vmem>>, vector<16xi32>,
        %add3A_954 = vector.broadcast %add3A_98 : i32 to vector<16xi32>
        %add3A_955 = arith.addi %get3A_953, %add3A_954 : vector<16xi32>
        %swap3A_956 = arith.constant 16 : index
        %swap3A_957 = tpu.vector_load %arg14[%swap3A_956] {strides = array<i32>} : memref<80xi32, #tpu.memory_space<vmem>>, vector<16xi32>,
        tpu.vector_store %arg14[%swap3A_956], %add3A_955 {strides = array<i32>} : memref<80xi32, #tpu.memory_space<vmem>>, vector<16xi32>,
        %get3A_958 = arith.constant 32 : index
        %get3A_959 = tpu.vector_load %arg9[%get3A_958] {strides = array<i32>} : memref<80xi32, #tpu.memory_space<vmem>>, vector<16xi32>,
        %add3A_960 = vector.broadcast %add3A_98 : i32 to vector<16xi32>
        %add3A_961 = arith.addi %get3A_959, %add3A_960 : vector<16xi32>
        %swap3A_962 = arith.constant 32 : index
        %swap3A_963 = tpu.vector_load %arg14[%swap3A_962] {strides = array<i32>} : memref<80xi32, #tpu.memory_space<vmem>>, vector<16xi32>,
        tpu.vector_store %arg14[%swap3A_962], %add3A_961 {strides = array<i32>} : memref<80xi32, #tpu.memory_space<vmem>>, vector<16xi32>,
        %get3A_964 = arith.constant 48 : index
        %get3A_965 = tpu.vector_load %arg9[%get3A_964] {strides = array<i32>} : memref<80xi32, #tpu.memory_space<vmem>>, vector<16xi32>,
        %add3A_966 = vector.broadcast %add3A_98 : i32 to vector<16xi32>
        %add3A_967 = arith.addi %get3A_965, %add3A_966 : vector<16xi32>
        %swap3A_968 = arith.constant 48 : index
        %swap3A_969 = tpu.vector_load %arg14[%swap3A_968] {strides = array<i32>} : memref<80xi32, #tpu.memory_space<vmem>>, vector<16xi32>,
        tpu.vector_store %arg14[%swap3A_968], %add3A_967 {strides = array<i32>} : memref<80xi32, #tpu.memory_space<vmem>>, vector<16xi32>,
        %get3A_970 = arith.constant 64 : index
        %get3A_971 = tpu.vector_load %arg9[%get3A_970] {strides = array<i32>} : memref<80xi32, #tpu.memory_space<vmem>>, vector<16xi32>,
        %add3A_972 = vector.broadcast %add3A_98 : i32 to vector<16xi32>
        %add3A_973 = arith.addi %get3A_971, %add3A_972 : vector<16xi32>
        %swap3A_974 = arith.constant 64 : index
        %swap3A_975 = tpu.vector_load %arg14[%swap3A_974] {strides = array<i32>} : memref<80xi32, #tpu.memory_space<vmem>>, vector<16xi32>,
        tpu.vector_store %arg14[%swap3A_974], %add3A_973 {strides = array<i32>} : memref<80xi32, #tpu.memory_space<vmem>>, vector<16xi32>,
        %dma_start3A_976 = arith.constant 0 : i32
        %dma_start3A_977 = tpu.memref_slice %arg3[%dma_start3A_976] : memref<80000xf32, #tpu.memory_space<hbm>> -> memref<80000xf32, #tpu.memory_space<hbm>>
        tpu.enqueue_indirect_dma source(%dma_start3A_977 : memref<80000xf32, #tpu.memory_space<hbm>>) target(%arg22 : memref<80xf32, #tpu.memory_space<vmem>>) offsets(%arg14 : memref<80xi32, #tpu.memory_space<vmem>>) semaphore(%arg37 : memref<!tpu.dma_semaphore, #tpu.memory_space<semaphore_mem>>)
        %get3A_978 = arith.constant 0 : index
        %get3A_979 = tpu.vector_load %arg10[%get3A_978] {strides = array<i32>} : memref<80xi32, #tpu.memory_space<vmem>>, vector<16xi32>,
        %add3A_980 = vector.broadcast %add3A_100 : i32 to vector<16xi32>
        %add3A_981 = arith.addi %get3A_979, %add3A_980 : vector<16xi32>
        %swap3A_982 = arith.constant 0 : index
        %swap3A_983 = tpu.vector_load %arg15[%swap3A_982] {strides = array<i32>} : memref<80xi32, #tpu.memory_space<vmem>>, vector<16xi32>,
        tpu.vector_store %arg15[%swap3A_982], %add3A_981 {strides = array<i32>} : memref<80xi32, #tpu.memory_space<vmem>>, vector<16xi32>,
        %get3A_984 = arith.constant 16 : index
        %get3A_985 = tpu.vector_load %arg10[%get3A_984] {strides = array<i32>} : memref<80xi32, #tpu.memory_space<vmem>>, vector<16xi32>,
        %add3A_986 = vector.broadcast %add3A_100 : i32 to vector<16xi32>
        %add3A_987 = arith.addi %get3A_985, %add3A_986 : vector<16xi32>
        %swap3A_988 = arith.constant 16 : index
        %swap3A_989 = tpu.vector_load %arg15[%swap3A_988] {strides = array<i32>} : memref<80xi32, #tpu.memory_space<vmem>>, vector<16xi32>,
        tpu.vector_store %arg15[%swap3A_988], %add3A_987 {strides = array<i32>} : memref<80xi32, #tpu.memory_space<vmem>>, vector<16xi32>,
        %get3A_990 = arith.constant 32 : index
        %get3A_991 = tpu.vector_load %arg10[%get3A_990] {strides = array<i32>} : memref<80xi32, #tpu.memory_space<vmem>>, vector<16xi32>,
        %add3A_992 = vector.broadcast %add3A_100 : i32 to vector<16xi32>
        %add3A_993 = arith.addi %get3A_991, %add3A_992 : vector<16xi32>
        %swap3A_994 = arith.constant 32 : index
        %swap3A_995 = tpu.vector_load %arg15[%swap3A_994] {strides = array<i32>} : memref<80xi32, #tpu.memory_space<vmem>>, vector<16xi32>,
        tpu.vector_store %arg15[%swap3A_994], %add3A_993 {strides = array<i32>} : memref<80xi32, #tpu.memory_space<vmem>>, vector<16xi32>,
        %get3A_996 = arith.constant 48 : index
        %get3A_997 = tpu.vector_load %arg10[%get3A_996] {strides = array<i32>} : memref<80xi32, #tpu.memory_space<vmem>>, vector<16xi32>,
        %add3A_998 = vector.broadcast %add3A_100 : i32 to vector<16xi32>
        %add3A_999 = arith.addi %get3A_997, %add3A_998 : vector<16xi32>
        %swap3A_1000 = arith.constant 48 : index
        %swap3A_1001 = tpu.vector_load %arg15[%swap3A_1000] {strides = array<i32>} : memref<80xi32, #tpu.memory_space<vmem>>, vector<16xi32>,
        tpu.vector_store %arg15[%swap3A_1000], %add3A_999 {strides = array<i32>} : memref<80xi32, #tpu.memory_space<vmem>>, vector<16xi32>,
        %get3A_1002 = arith.constant 64 : index
        %get3A_1003 = tpu.vector_load %arg10[%get3A_1002] {strides = array<i32>} : memref<80xi32, #tpu.memory_space<vmem>>, vector<16xi32>,
        %add3A_1004 = vector.broadcast %add3A_100 : i32 to vector<16xi32>
        %add3A_1005 = arith.addi %get3A_1003, %add3A_1004 : vector<16xi32>
        %swap3A_1006 = arith.constant 64 : index
        %swap3A_1007 = tpu.vector_load %arg15[%swap3A_1006] {strides = array<i32>} : memref<80xi32, #tpu.memory_space<vmem>>, vector<16xi32>,
        tpu.vector_store %arg15[%swap3A_1006], %add3A_1005 {strides = array<i32>} : memref<80xi32, #tpu.memory_space<vmem>>, vector<16xi32>,
        %dma_start3A_1008 = arith.constant 0 : i32
        %dma_start3A_1009 = tpu.memref_slice %arg3[%dma_start3A_1008] : memref<80000xf32, #tpu.memory_space<hbm>> -> memref<80000xf32, #tpu.memory_space<hbm>>
        tpu.enqueue_indirect_dma source(%dma_start3A_1009 : memref<80000xf32, #tpu.memory_space<hbm>>) target(%arg23 : memref<80xf32, #tpu.memory_space<vmem>>) offsets(%arg15 : memref<80xi32, #tpu.memory_space<vmem>>) semaphore(%arg37 : memref<!tpu.dma_semaphore, #tpu.memory_space<semaphore_mem>>)
        %get3A_1010 = arith.constant 0 : index
        %get3A_1011 = tpu.vector_load %arg10[%get3A_1010] {strides = array<i32>} : memref<80xi32, #tpu.memory_space<vmem>>, vector<16xi32>,
        %add3A_1012 = vector.broadcast %add3A_102 : i32 to vector<16xi32>
        %add3A_1013 = arith.addi %get3A_1011, %add3A_1012 : vector<16xi32>
        %swap3A_1014 = arith.constant 0 : index
        %swap3A_1015 = tpu.vector_load %arg16[%swap3A_1014] {strides = array<i32>} : memref<80xi32, #tpu.memory_space<vmem>>, vector<16xi32>,
        tpu.vector_store %arg16[%swap3A_1014], %add3A_1013 {strides = array<i32>} : memref<80xi32, #tpu.memory_space<vmem>>, vector<16xi32>,
        %get3A_1016 = arith.constant 16 : index
        %get3A_1017 = tpu.vector_load %arg10[%get3A_1016] {strides = array<i32>} : memref<80xi32, #tpu.memory_space<vmem>>, vector<16xi32>,
        %add3A_1018 = vector.broadcast %add3A_102 : i32 to vector<16xi32>
        %add3A_1019 = arith.addi %get3A_1017, %add3A_1018 : vector<16xi32>
        %swap3A_1020 = arith.constant 16 : index
        %swap3A_1021 = tpu.vector_load %arg16[%swap3A_1020] {strides = array<i32>} : memref<80xi32, #tpu.memory_space<vmem>>, vector<16xi32>,
        tpu.vector_store %arg16[%swap3A_1020], %add3A_1019 {strides = array<i32>} : memref<80xi32, #tpu.memory_space<vmem>>, vector<16xi32>,
        %get3A_1022 = arith.constant 32 : index
        %get3A_1023 = tpu.vector_load %arg10[%get3A_1022] {strides = array<i32>} : memref<80xi32, #tpu.memory_space<vmem>>, vector<16xi32>,
        %add3A_1024 = vector.broadcast %add3A_102 : i32 to vector<16xi32>
        %add3A_1025 = arith.addi %get3A_1023, %add3A_1024 : vector<16xi32>
        %swap3A_1026 = arith.constant 32 : index
        %swap3A_1027 = tpu.vector_load %arg16[%swap3A_1026] {strides = array<i32>} : memref<80xi32, #tpu.memory_space<vmem>>, vector<16xi32>,
        tpu.vector_store %arg16[%swap3A_1026], %add3A_1025 {strides = array<i32>} : memref<80xi32, #tpu.memory_space<vmem>>, vector<16xi32>,
        %get3A_1028 = arith.constant 48 : index
        %get3A_1029 = tpu.vector_load %arg10[%get3A_1028] {strides = array<i32>} : memref<80xi32, #tpu.memory_space<vmem>>, vector<16xi32>,
        %add3A_1030 = vector.broadcast %add3A_102 : i32 to vector<16xi32>
        %add3A_1031 = arith.addi %get3A_1029, %add3A_1030 : vector<16xi32>
        %swap3A_1032 = arith.constant 48 : index
        %swap3A_1033 = tpu.vector_load %arg16[%swap3A_1032] {strides = array<i32>} : memref<80xi32, #tpu.memory_space<vmem>>, vector<16xi32>,
        tpu.vector_store %arg16[%swap3A_1032], %add3A_1031 {strides = array<i32>} : memref<80xi32, #tpu.memory_space<vmem>>, vector<16xi32>,
        %get3A_1034 = arith.constant 64 : index
        %get3A_1035 = tpu.vector_load %arg10[%get3A_1034] {strides = array<i32>} : memref<80xi32, #tpu.memory_space<vmem>>, vector<16xi32>,
        %add3A_1036 = vector.broadcast %add3A_102 : i32 to vector<16xi32>
        %add3A_1037 = arith.addi %get3A_1035, %add3A_1036 : vector<16xi32>
        %swap3A_1038 = arith.constant 64 : index
        %swap3A_1039 = tpu.vector_load %arg16[%swap3A_1038] {strides = array<i32>} : memref<80xi32, #tpu.memory_space<vmem>>, vector<16xi32>,
        tpu.vector_store %arg16[%swap3A_1038], %add3A_1037 {strides = array<i32>} : memref<80xi32, #tpu.memory_space<vmem>>, vector<16xi32>,
        %dma_start3A_1040 = arith.constant 0 : i32
        %dma_start3A_1041 = tpu.memref_slice %arg3[%dma_start3A_1040] : memref<80000xf32, #tpu.memory_space<hbm>> -> memref<80000xf32, #tpu.memory_space<hbm>>
        tpu.enqueue_indirect_dma source(%dma_start3A_1041 : memref<80000xf32, #tpu.memory_space<hbm>>) target(%arg24 : memref<80xf32, #tpu.memory_space<vmem>>) offsets(%arg16 : memref<80xi32, #tpu.memory_space<vmem>>) semaphore(%arg37 : memref<!tpu.dma_semaphore, #tpu.memory_space<semaphore_mem>>)
      } else {
      }
      %dma_wait3A_661 = arith.constant 0 : i32
      %dma_wait3A_662 = arith.constant 0 : i32
      %dma_wait3A_663 = tpu.memref_slice %arg2[%arg0, %dma_wait3A_661, %dma_wait3A_662] : memref<2x10000x128xf32, #tpu.memory_space<hbm>> -> memref<1x10000x128xf32, #tpu.memory_space<hbm>>
      %dma_wait3A_664 = tpu.memref_squeeze %dma_wait3A_663 : memref<1x10000x128xf32, #tpu.memory_space<hbm>> -> memref<10000x128xf32, #tpu.memory_space<hbm>>
      %dma_wait3A_665 = arith.constant 0 : i32
      %dma_wait3A_666 = arith.constant 0 : i32
      %dma_wait3A_667 = tpu.memref_slice %dma_wait3A_664[%dma_wait3A_665, %dma_wait3A_666] : memref<10000x128xf32, #tpu.memory_space<hbm>> -> memref<10000x128xf32, #tpu.memory_space<hbm>>
      tpu.wait_indirect_dma semaphore(%arg38 : memref<!tpu.dma_semaphore, #tpu.memory_space<semaphore_mem>>) src(%dma_wait3A_667 : memref<10000x128xf32, #tpu.memory_space<hbm>>) dst(%arg30 : memref<80x128xf32, #tpu.memory_space<vmem>>)
      %dma_wait3A_668 = arith.constant 0 : i32
      %dma_wait3A_669 = tpu.memref_slice %arg3[%dma_wait3A_668] : memref<80000xf32, #tpu.memory_space<hbm>> -> memref<80000xf32, #tpu.memory_space<hbm>>
      tpu.wait_indirect_dma semaphore(%arg39 : memref<!tpu.dma_semaphore, #tpu.memory_space<semaphore_mem>>) src(%dma_wait3A_669 : memref<80000xf32, #tpu.memory_space<hbm>>) dst(%arg25 : memref<80xf32, #tpu.memory_space<vmem>>)
      %dma_wait3A_670 = arith.constant 0 : i32
      %dma_wait3A_671 = tpu.memref_slice %arg3[%dma_wait3A_670] : memref<80000xf32, #tpu.memory_space<hbm>> -> memref<80000xf32, #tpu.memory_space<hbm>>
      tpu.wait_indirect_dma semaphore(%arg39 : memref<!tpu.dma_semaphore, #tpu.memory_space<semaphore_mem>>) src(%dma_wait3A_671 : memref<80000xf32, #tpu.memory_space<hbm>>) dst(%arg26 : memref<80xf32, #tpu.memory_space<vmem>>)
      %dma_wait3A_672 = arith.constant 0 : i32
      %dma_wait3A_673 = tpu.memref_slice %arg3[%dma_wait3A_672] : memref<80000xf32, #tpu.memory_space<hbm>> -> memref<80000xf32, #tpu.memory_space<hbm>>
      tpu.wait_indirect_dma semaphore(%arg39 : memref<!tpu.dma_semaphore, #tpu.memory_space<semaphore_mem>>) src(%dma_wait3A_673 : memref<80000xf32, #tpu.memory_space<hbm>>) dst(%arg27 : memref<80xf32, #tpu.memory_space<vmem>>)
      %dma_wait3A_674 = arith.constant 0 : i32
      %dma_wait3A_675 = tpu.memref_slice %arg3[%dma_wait3A_674] : memref<80000xf32, #tpu.memory_space<hbm>> -> memref<80000xf32, #tpu.memory_space<hbm>>
      tpu.wait_indirect_dma semaphore(%arg39 : memref<!tpu.dma_semaphore, #tpu.memory_space<semaphore_mem>>) src(%dma_wait3A_675 : memref<80000xf32, #tpu.memory_space<hbm>>) dst(%arg28 : memref<80xf32, #tpu.memory_space<vmem>>)
      %get3A_676 = arith.constant 0 : index
      %get3A_677 = tpu.vector_load %arg25[%get3A_676] {strides = array<i32>} : memref<80xf32, #tpu.memory_space<vmem>>, vector<16xf32>,
      %get3A_678 = arith.constant 0 : index
      %get3A_679 = tpu.vector_load %arg27[%get3A_678] {strides = array<i32>} : memref<80xf32, #tpu.memory_space<vmem>>, vector<16xf32>,
      %add3A_680 = arith.addf %get3A_677, %get3A_679 : vector<16xf32>
      %get3A_681 = arith.constant 0 : index
      %get3A_682 = tpu.vector_load %arg26[%get3A_681] {strides = array<i32>} : memref<80xf32, #tpu.memory_space<vmem>>, vector<16xf32>,
      %get3A_683 = arith.constant 0 : index
      %get3A_684 = tpu.vector_load %arg28[%get3A_683] {strides = array<i32>} : memref<80xf32, #tpu.memory_space<vmem>>, vector<16xf32>,
      %add3A_685 = arith.addf %get3A_682, %get3A_684 : vector<16xf32>
      %mul3A_686 = arith.constant 0.00999999977 : f32
      %mul3A_687 = vector.broadcast %mul3A_686 : f32 to vector<16xf32>
      %mul3A_688 = arith.mulf %mul3A_687, %add3A_680 : vector<16xf32>
      %max3A_689 = arith.maximumf %add3A_680, %mul3A_688 : vector<16xf32>
      %mul3A_690 = arith.constant 0.00999999977 : f32
      %mul3A_691 = vector.broadcast %mul3A_690 : f32 to vector<16xf32>
      %mul3A_692 = arith.mulf %mul3A_691, %add3A_685 : vector<16xf32>
      %max3A_693 = arith.maximumf %add3A_685, %mul3A_692 : vector<16xf32>
      %sub3A_694 = vector.broadcast %reduce_max3A_22 : f32 to vector<16xf32>
      %sub3A_695 = arith.subf %max3A_689, %sub3A_694 : vector<16xf32>
      %exp3A_696 = math.exp %sub3A_695 : vector<16xf32>
      %sub3A_697 = vector.broadcast %reduce_max3A_49 : f32 to vector<16xf32>
      %sub3A_698 = arith.subf %max3A_693, %sub3A_697 : vector<16xf32>
      %exp3A_699 = math.exp %sub3A_698 : vector<16xf32>
      %swap3A_700 = arith.constant 0 : index
      %swap3A_701 = tpu.vector_load %arg32[%swap3A_700] {strides = array<i32>} : memref<192xf32, #tpu.memory_space<vmem>>, vector<16xf32>,
      tpu.vector_store %arg32[%swap3A_700], %exp3A_696 {strides = array<i32>} : memref<192xf32, #tpu.memory_space<vmem>>, vector<16xf32>,
      %swap3A_702 = arith.constant 96 : index
      %swap3A_703 = tpu.vector_load %arg32[%swap3A_702] {strides = array<i32>} : memref<192xf32, #tpu.memory_space<vmem>>, vector<16xf32>,
      tpu.vector_store %arg32[%swap3A_702], %exp3A_699 {strides = array<i32>} : memref<192xf32, #tpu.memory_space<vmem>>, vector<16xf32>,
      %get3A_704 = arith.constant 0 : index
      %get3A_705 = tpu.vector_load %arg12[%get3A_704] {strides = array<i32>} : memref<80xi32, #tpu.memory_space<vmem>>, vector<16xi32>,
      tpu.vector_store_idx %arg31[%get3A_705], %exp3A_696 {add = true} : memref<20480xf32, #tpu.memory_space<vmem>>[vector<16xi32>], vector<16xf32>,
      %add3A_706 = arith.constant 10240 : i32
      %add3A_707 = vector.broadcast %add3A_706 : i32 to vector<16xi32>
      %add3A_708 = arith.addi %get3A_705, %add3A_707 : vector<16xi32>
      tpu.vector_store_idx %arg31[%add3A_708], %exp3A_699 {add = true} : memref<20480xf32, #tpu.memory_space<vmem>>[vector<16xi32>], vector<16xf32>,
      %get3A_709 = arith.constant 16 : index
      %get3A_710 = tpu.vector_load %arg25[%get3A_709] {strides = array<i32>} : memref<80xf32, #tpu.memory_space<vmem>>, vector<16xf32>,
      %get3A_711 = arith.constant 16 : index
      %get3A_712 = tpu.vector_load %arg27[%get3A_711] {strides = array<i32>} : memref<80xf32, #tpu.memory_space<vmem>>, vector<16xf32>,
      %add3A_713 = arith.addf %get3A_710, %get3A_712 : vector<16xf32>
      %get3A_714 = arith.constant 16 : index
      %get3A_715 = tpu.vector_load %arg26[%get3A_714] {strides = array<i32>} : memref<80xf32, #tpu.memory_space<vmem>>, vector<16xf32>,
      %get3A_716 = arith.constant 16 : index
      %get3A_717 = tpu.vector_load %arg28[%get3A_716] {strides = array<i32>} : memref<80xf32, #tpu.memory_space<vmem>>, vector<16xf32>,
      %add3A_718 = arith.addf %get3A_715, %get3A_717 : vector<16xf32>
      %mul3A_719 = arith.constant 0.00999999977 : f32
      %mul3A_720 = vector.broadcast %mul3A_719 : f32 to vector<16xf32>
      %mul3A_721 = arith.mulf %mul3A_720, %add3A_713 : vector<16xf32>
      %max3A_722 = arith.maximumf %add3A_713, %mul3A_721 : vector<16xf32>
      %mul3A_723 = arith.constant 0.00999999977 : f32
      %mul3A_724 = vector.broadcast %mul3A_723 : f32 to vector<16xf32>
      %mul3A_725 = arith.mulf %mul3A_724, %add3A_718 : vector<16xf32>
      %max3A_726 = arith.maximumf %add3A_718, %mul3A_725 : vector<16xf32>
      %sub3A_727 = vector.broadcast %reduce_max3A_22 : f32 to vector<16xf32>
      %sub3A_728 = arith.subf %max3A_722, %sub3A_727 : vector<16xf32>
      %exp3A_729 = math.exp %sub3A_728 : vector<16xf32>
      %sub3A_730 = vector.broadcast %reduce_max3A_49 : f32 to vector<16xf32>
      %sub3A_731 = arith.subf %max3A_726, %sub3A_730 : vector<16xf32>
      %exp3A_732 = math.exp %sub3A_731 : vector<16xf32>
      %swap3A_733 = arith.constant 16 : index
      %swap3A_734 = tpu.vector_load %arg32[%swap3A_733] {strides = array<i32>} : memref<192xf32, #tpu.memory_space<vmem>>, vector<16xf32>,
      tpu.vector_store %arg32[%swap3A_733], %exp3A_729 {strides = array<i32>} : memref<192xf32, #tpu.memory_space<vmem>>, vector<16xf32>,
      %swap3A_735 = arith.constant 112 : index
      %swap3A_736 = tpu.vector_load %arg32[%swap3A_735] {strides = array<i32>} : memref<192xf32, #tpu.memory_space<vmem>>, vector<16xf32>,
      tpu.vector_store %arg32[%swap3A_735], %exp3A_732 {strides = array<i32>} : memref<192xf32, #tpu.memory_space<vmem>>, vector<16xf32>,
      %get3A_737 = arith.constant 16 : index
      %get3A_738 = tpu.vector_load %arg12[%get3A_737] {strides = array<i32>} : memref<80xi32, #tpu.memory_space<vmem>>, vector<16xi32>,
      tpu.vector_store_idx %arg31[%get3A_738], %exp3A_729 {add = true} : memref<20480xf32, #tpu.memory_space<vmem>>[vector<16xi32>], vector<16xf32>,
      %add3A_739 = arith.constant 10240 : i32
      %add3A_740 = vector.broadcast %add3A_739 : i32 to vector<16xi32>
      %add3A_741 = arith.addi %get3A_738, %add3A_740 : vector<16xi32>
      tpu.vector_store_idx %arg31[%add3A_741], %exp3A_732 {add = true} : memref<20480xf32, #tpu.memory_space<vmem>>[vector<16xi32>], vector<16xf32>,
      %get3A_742 = arith.constant 32 : index
      %get3A_743 = tpu.vector_load %arg25[%get3A_742] {strides = array<i32>} : memref<80xf32, #tpu.memory_space<vmem>>, vector<16xf32>,
      %get3A_744 = arith.constant 32 : index
      %get3A_745 = tpu.vector_load %arg27[%get3A_744] {strides = array<i32>} : memref<80xf32, #tpu.memory_space<vmem>>, vector<16xf32>,
      %add3A_746 = arith.addf %get3A_743, %get3A_745 : vector<16xf32>
      %get3A_747 = arith.constant 32 : index
      %get3A_748 = tpu.vector_load %arg26[%get3A_747] {strides = array<i32>} : memref<80xf32, #tpu.memory_space<vmem>>, vector<16xf32>,
      %get3A_749 = arith.constant 32 : index
      %get3A_750 = tpu.vector_load %arg28[%get3A_749] {strides = array<i32>} : memref<80xf32, #tpu.memory_space<vmem>>, vector<16xf32>,
      %add3A_751 = arith.addf %get3A_748, %get3A_750 : vector<16xf32>
      %mul3A_752 = arith.constant 0.00999999977 : f32
      %mul3A_753 = vector.broadcast %mul3A_752 : f32 to vector<16xf32>
      %mul3A_754 = arith.mulf %mul3A_753, %add3A_746 : vector<16xf32>
      %max3A_755 = arith.maximumf %add3A_746, %mul3A_754 : vector<16xf32>
      %mul3A_756 = arith.constant 0.00999999977 : f32
      %mul3A_757 = vector.broadcast %mul3A_756 : f32 to vector<16xf32>
      %mul3A_758 = arith.mulf %mul3A_757, %add3A_751 : vector<16xf32>
      %max3A_759 = arith.maximumf %add3A_751, %mul3A_758 : vector<16xf32>
      %sub3A_760 = vector.broadcast %reduce_max3A_22 : f32 to vector<16xf32>
      %sub3A_761 = arith.subf %max3A_755, %sub3A_760 : vector<16xf32>
      %exp3A_762 = math.exp %sub3A_761 : vector<16xf32>
      %sub3A_763 = vector.broadcast %reduce_max3A_49 : f32 to vector<16xf32>
      %sub3A_764 = arith.subf %max3A_759, %sub3A_763 : vector<16xf32>
      %exp3A_765 = math.exp %sub3A_764 : vector<16xf32>
      %swap3A_766 = arith.constant 32 : index
      %swap3A_767 = tpu.vector_load %arg32[%swap3A_766] {strides = array<i32>} : memref<192xf32, #tpu.memory_space<vmem>>, vector<16xf32>,
      tpu.vector_store %arg32[%swap3A_766], %exp3A_762 {strides = array<i32>} : memref<192xf32, #tpu.memory_space<vmem>>, vector<16xf32>,
      %swap3A_768 = arith.constant 128 : index
      %swap3A_769 = tpu.vector_load %arg32[%swap3A_768] {strides = array<i32>} : memref<192xf32, #tpu.memory_space<vmem>>, vector<16xf32>,
      tpu.vector_store %arg32[%swap3A_768], %exp3A_765 {strides = array<i32>} : memref<192xf32, #tpu.memory_space<vmem>>, vector<16xf32>,
      %get3A_770 = arith.constant 32 : index
      %get3A_771 = tpu.vector_load %arg12[%get3A_770] {strides = array<i32>} : memref<80xi32, #tpu.memory_space<vmem>>, vector<16xi32>,
      tpu.vector_store_idx %arg31[%get3A_771], %exp3A_762 {add = true} : memref<20480xf32, #tpu.memory_space<vmem>>[vector<16xi32>], vector<16xf32>,
      %add3A_772 = arith.constant 10240 : i32
      %add3A_773 = vector.broadcast %add3A_772 : i32 to vector<16xi32>
      %add3A_774 = arith.addi %get3A_771, %add3A_773 : vector<16xi32>
      tpu.vector_store_idx %arg31[%add3A_774], %exp3A_765 {add = true} : memref<20480xf32, #tpu.memory_space<vmem>>[vector<16xi32>], vector<16xf32>,
      %get3A_775 = arith.constant 48 : index
      %get3A_776 = tpu.vector_load %arg25[%get3A_775] {strides = array<i32>} : memref<80xf32, #tpu.memory_space<vmem>>, vector<16xf32>,
      %get3A_777 = arith.constant 48 : index
      %get3A_778 = tpu.vector_load %arg27[%get3A_777] {strides = array<i32>} : memref<80xf32, #tpu.memory_space<vmem>>, vector<16xf32>,
      %add3A_779 = arith.addf %get3A_776, %get3A_778 : vector<16xf32>
      %get3A_780 = arith.constant 48 : index
      %get3A_781 = tpu.vector_load %arg26[%get3A_780] {strides = array<i32>} : memref<80xf32, #tpu.memory_space<vmem>>, vector<16xf32>,
      %get3A_782 = arith.constant 48 : index
      %get3A_783 = tpu.vector_load %arg28[%get3A_782] {strides = array<i32>} : memref<80xf32, #tpu.memory_space<vmem>>, vector<16xf32>,
      %add3A_784 = arith.addf %get3A_781, %get3A_783 : vector<16xf32>
      %mul3A_785 = arith.constant 0.00999999977 : f32
      %mul3A_786 = vector.broadcast %mul3A_785 : f32 to vector<16xf32>
      %mul3A_787 = arith.mulf %mul3A_786, %add3A_779 : vector<16xf32>
      %max3A_788 = arith.maximumf %add3A_779, %mul3A_787 : vector<16xf32>
      %mul3A_789 = arith.constant 0.00999999977 : f32
      %mul3A_790 = vector.broadcast %mul3A_789 : f32 to vector<16xf32>
      %mul3A_791 = arith.mulf %mul3A_790, %add3A_784 : vector<16xf32>
      %max3A_792 = arith.maximumf %add3A_784, %mul3A_791 : vector<16xf32>
      %sub3A_793 = vector.broadcast %reduce_max3A_22 : f32 to vector<16xf32>
      %sub3A_794 = arith.subf %max3A_788, %sub3A_793 : vector<16xf32>
      %exp3A_795 = math.exp %sub3A_794 : vector<16xf32>
      %sub3A_796 = vector.broadcast %reduce_max3A_49 : f32 to vector<16xf32>
      %sub3A_797 = arith.subf %max3A_792, %sub3A_796 : vector<16xf32>
      %exp3A_798 = math.exp %sub3A_797 : vector<16xf32>
      %swap3A_799 = arith.constant 48 : index
      %swap3A_800 = tpu.vector_load %arg32[%swap3A_799] {strides = array<i32>} : memref<192xf32, #tpu.memory_space<vmem>>, vector<16xf32>,
      tpu.vector_store %arg32[%swap3A_799], %exp3A_795 {strides = array<i32>} : memref<192xf32, #tpu.memory_space<vmem>>, vector<16xf32>,
      %swap3A_801 = arith.constant 144 : index
      %swap3A_802 = tpu.vector_load %arg32[%swap3A_801] {strides = array<i32>} : memref<192xf32, #tpu.memory_space<vmem>>, vector<16xf32>,
      tpu.vector_store %arg32[%swap3A_801], %exp3A_798 {strides = array<i32>} : memref<192xf32, #tpu.memory_space<vmem>>, vector<16xf32>,
      %get3A_803 = arith.constant 48 : index
      %get3A_804 = tpu.vector_load %arg12[%get3A_803] {strides = array<i32>} : memref<80xi32, #tpu.memory_space<vmem>>, vector<16xi32>,
      tpu.vector_store_idx %arg31[%get3A_804], %exp3A_795 {add = true} : memref<20480xf32, #tpu.memory_space<vmem>>[vector<16xi32>], vector<16xf32>,
      %add3A_805 = arith.constant 10240 : i32
      %add3A_806 = vector.broadcast %add3A_805 : i32 to vector<16xi32>
      %add3A_807 = arith.addi %get3A_804, %add3A_806 : vector<16xi32>
      tpu.vector_store_idx %arg31[%add3A_807], %exp3A_798 {add = true} : memref<20480xf32, #tpu.memory_space<vmem>>[vector<16xi32>], vector<16xf32>,
      %get3A_808 = arith.constant 64 : index
      %get3A_809 = tpu.vector_load %arg25[%get3A_808] {strides = array<i32>} : memref<80xf32, #tpu.memory_space<vmem>>, vector<16xf32>,
      %get3A_810 = arith.constant 64 : index
      %get3A_811 = tpu.vector_load %arg27[%get3A_810] {strides = array<i32>} : memref<80xf32, #tpu.memory_space<vmem>>, vector<16xf32>,
      %add3A_812 = arith.addf %get3A_809, %get3A_811 : vector<16xf32>
      %get3A_813 = arith.constant 64 : index
      %get3A_814 = tpu.vector_load %arg26[%get3A_813] {strides = array<i32>} : memref<80xf32, #tpu.memory_space<vmem>>, vector<16xf32>,
      %get3A_815 = arith.constant 64 : index
      %get3A_816 = tpu.vector_load %arg28[%get3A_815] {strides = array<i32>} : memref<80xf32, #tpu.memory_space<vmem>>, vector<16xf32>,
      %add3A_817 = arith.addf %get3A_814, %get3A_816 : vector<16xf32>
      %mul3A_818 = arith.constant 0.00999999977 : f32
      %mul3A_819 = vector.broadcast %mul3A_818 : f32 to vector<16xf32>
      %mul3A_820 = arith.mulf %mul3A_819, %add3A_812 : vector<16xf32>
      %max3A_821 = arith.maximumf %add3A_812, %mul3A_820 : vector<16xf32>
      %mul3A_822 = arith.constant 0.00999999977 : f32
      %mul3A_823 = vector.broadcast %mul3A_822 : f32 to vector<16xf32>
      %mul3A_824 = arith.mulf %mul3A_823, %add3A_817 : vector<16xf32>
      %max3A_825 = arith.maximumf %add3A_817, %mul3A_824 : vector<16xf32>
      %sub3A_826 = vector.broadcast %reduce_max3A_22 : f32 to vector<16xf32>
      %sub3A_827 = arith.subf %max3A_821, %sub3A_826 : vector<16xf32>
      %exp3A_828 = math.exp %sub3A_827 : vector<16xf32>
      %sub3A_829 = vector.broadcast %reduce_max3A_49 : f32 to vector<16xf32>
      %sub3A_830 = arith.subf %max3A_825, %sub3A_829 : vector<16xf32>
      %exp3A_831 = math.exp %sub3A_830 : vector<16xf32>
      %swap3A_832 = arith.constant 64 : index
      %swap3A_833 = tpu.vector_load %arg32[%swap3A_832] {strides = array<i32>} : memref<192xf32, #tpu.memory_space<vmem>>, vector<16xf32>,
      tpu.vector_store %arg32[%swap3A_832], %exp3A_828 {strides = array<i32>} : memref<192xf32, #tpu.memory_space<vmem>>, vector<16xf32>,
      %swap3A_834 = arith.constant 160 : index
      %swap3A_835 = tpu.vector_load %arg32[%swap3A_834] {strides = array<i32>} : memref<192xf32, #tpu.memory_space<vmem>>, vector<16xf32>,
      tpu.vector_store %arg32[%swap3A_834], %exp3A_831 {strides = array<i32>} : memref<192xf32, #tpu.memory_space<vmem>>, vector<16xf32>,
      %get3A_836 = arith.constant 64 : index
      %get3A_837 = tpu.vector_load %arg12[%get3A_836] {strides = array<i32>} : memref<80xi32, #tpu.memory_space<vmem>>, vector<16xi32>,
      tpu.vector_store_idx %arg31[%get3A_837], %exp3A_828 {add = true} : memref<20480xf32, #tpu.memory_space<vmem>>[vector<16xi32>], vector<16xf32>,
      %add3A_838 = arith.constant 10240 : i32
      %add3A_839 = vector.broadcast %add3A_838 : i32 to vector<16xi32>
      %add3A_840 = arith.addi %get3A_837, %add3A_839 : vector<16xi32>
      tpu.vector_store_idx %arg31[%add3A_840], %exp3A_831 {add = true} : memref<20480xf32, #tpu.memory_space<vmem>>[vector<16xi32>], vector<16xf32>,
      %scan3A_841 = arith.constant 0 : i32
      %scan3A_842 = arith.constant 0 : i32
      %scan3A_843 = arith.constant 80 : i32
      %scan3A_844 = arith.addi %scan3A_842, %scan3A_843 : i32
      %scan3A_845 = arith.constant 4 : i32
      %scan3A_846 = scf.for %scan3A_859 = %scan3A_842 to %scan3A_844 step %scan3A_845 iter_args(%scan3A_860 = %scan3A_841) -> (i32)  : i32 {
        %broadcast_in_dim3A_861 = vector.broadcast %scan3A_859 : i32 to vector<16xi32>
        %gather3A = tpu.vector_load_idx %arg32[%broadcast_in_dim3A_861] : memref<192xf32, #tpu.memory_space<vmem>>[vector<16xi32>], vector<16xf32>,
        %add3A_862 = arith.constant 96 : i32
        %add3A_863 = vector.broadcast %add3A_862 : i32 to vector<16xi32>
        %add3A_864 = arith.addi %broadcast_in_dim3A_861, %add3A_863 : vector<16xi32>
        %gather3A_865 = tpu.vector_load_idx %arg32[%add3A_864] : memref<192xf32, #tpu.memory_space<vmem>>[vector<16xi32>], vector<16xf32>,
        %get3A_866 = arith.index_cast %scan3A_859 : i32 to index
        %get3A_867 = arith.constant 0 : index
        %get3A_868 = tpu.vector_load %arg30[%get3A_866, %get3A_867] {strides = array<i32>} : memref<80x128xf32, #tpu.memory_space<vmem>>, vector<16xf32>,
        %mul3A_869 = arith.mulf %get3A_868, %gather3A : vector<16xf32>
        %swap3A_870 = arith.index_cast %scan3A_859 : i32 to index
        %swap3A_871 = arith.constant 0 : index
        %swap3A_872 = tpu.vector_load %arg30[%swap3A_870, %swap3A_871] {strides = array<i32>} : memref<80x128xf32, #tpu.memory_space<vmem>>, vector<16xf32>,
        tpu.vector_store %arg30[%swap3A_870, %swap3A_871], %mul3A_869 {strides = array<i32>} : memref<80x128xf32, #tpu.memory_space<vmem>>, vector<16xf32>,
        %get3A_873 = arith.index_cast %scan3A_859 : i32 to index
        %get3A_874 = arith.constant 16 : index
        %get3A_875 = tpu.vector_load %arg30[%get3A_873, %get3A_874] {strides = array<i32>} : memref<80x128xf32, #tpu.memory_space<vmem>>, vector<16xf32>,
        %mul3A_876 = arith.mulf %get3A_875, %gather3A : vector<16xf32>
        %swap3A_877 = arith.index_cast %scan3A_859 : i32 to index
        %swap3A_878 = arith.constant 16 : index
        %swap3A_879 = tpu.vector_load %arg30[%swap3A_877, %swap3A_878] {strides = array<i32>} : memref<80x128xf32, #tpu.memory_space<vmem>>, vector<16xf32>,
        tpu.vector_store %arg30[%swap3A_877, %swap3A_878], %mul3A_876 {strides = array<i32>} : memref<80x128xf32, #tpu.memory_space<vmem>>, vector<16xf32>,
        %get3A_880 = arith.index_cast %scan3A_859 : i32 to index
        %get3A_881 = arith.constant 32 : index
        %get3A_882 = tpu.vector_load %arg30[%get3A_880, %get3A_881] {strides = array<i32>} : memref<80x128xf32, #tpu.memory_space<vmem>>, vector<16xf32>,
        %mul3A_883 = arith.mulf %get3A_882, %gather3A : vector<16xf32>
        %swap3A_884 = arith.index_cast %scan3A_859 : i32 to index
        %swap3A_885 = arith.constant 32 : index
        %swap3A_886 = tpu.vector_load %arg30[%swap3A_884, %swap3A_885] {strides = array<i32>} : memref<80x128xf32, #tpu.memory_space<vmem>>, vector<16xf32>,
        tpu.vector_store %arg30[%swap3A_884, %swap3A_885], %mul3A_883 {strides = array<i32>} : memref<80x128xf32, #tpu.memory_space<vmem>>, vector<16xf32>,
        %get3A_887 = arith.index_cast %scan3A_859 : i32 to index
        %get3A_888 = arith.constant 48 : index
        %get3A_889 = tpu.vector_load %arg30[%get3A_887, %get3A_888] {strides = array<i32>} : memref<80x128xf32, #tpu.memory_space<vmem>>, vector<16xf32>,
        %mul3A_890 = arith.mulf %get3A_889, %gather3A : vector<16xf32>
        %swap3A_891 = arith.index_cast %scan3A_859 : i32 to index
        %swap3A_892 = arith.constant 48 : index
        %swap3A_893 = tpu.vector_load %arg30[%swap3A_891, %swap3A_892] {strides = array<i32>} : memref<80x128xf32, #tpu.memory_space<vmem>>, vector<16xf32>,
        tpu.vector_store %arg30[%swap3A_891, %swap3A_892], %mul3A_890 {strides = array<i32>} : memref<80x128xf32, #tpu.memory_space<vmem>>, vector<16xf32>,
        %get3A_894 = arith.index_cast %scan3A_859 : i32 to index
        %get3A_895 = arith.constant 64 : index
        %get3A_896 = tpu.vector_load %arg30[%get3A_894, %get3A_895] {strides = array<i32>} : memref<80x128xf32, #tpu.memory_space<vmem>>, vector<16xf32>,
        %mul3A_897 = arith.mulf %get3A_896, %gather3A_865 : vector<16xf32>
        %swap3A_898 = arith.index_cast %scan3A_859 : i32 to index
        %swap3A_899 = arith.constant 64 : index
        %swap3A_900 = tpu.vector_load %arg30[%swap3A_898, %swap3A_899] {strides = array<i32>} : memref<80x128xf32, #tpu.memory_space<vmem>>, vector<16xf32>,
        tpu.vector_store %arg30[%swap3A_898, %swap3A_899], %mul3A_897 {strides = array<i32>} : memref<80x128xf32, #tpu.memory_space<vmem>>, vector<16xf32>,
        %get3A_901 = arith.index_cast %scan3A_859 : i32 to index
        %get3A_902 = arith.constant 80 : index
        %get3A_903 = tpu.vector_load %arg30[%get3A_901, %get3A_902] {strides = array<i32>} : memref<80x128xf32, #tpu.memory_space<vmem>>, vector<16xf32>,
        %mul3A_904 = arith.mulf %get3A_903, %gather3A_865 : vector<16xf32>
        %swap3A_905 = arith.index_cast %scan3A_859 : i32 to index
        %swap3A_906 = arith.constant 80 : index
        %swap3A_907 = tpu.vector_load %arg30[%swap3A_905, %swap3A_906] {strides = array<i32>} : memref<80x128xf32, #tpu.memory_space<vmem>>, vector<16xf32>,
        tpu.vector_store %arg30[%swap3A_905, %swap3A_906], %mul3A_904 {strides = array<i32>} : memref<80x128xf32, #tpu.memory_space<vmem>>, vector<16xf32>,
        %get3A_908 = arith.index_cast %scan3A_859 : i32 to index
        %get3A_909 = arith.constant 96 : index
        %get3A_910 = tpu.vector_load %arg30[%get3A_908, %get3A_909] {strides = array<i32>} : memref<80x128xf32, #tpu.memory_space<vmem>>, vector<16xf32>,
        %mul3A_911 = arith.mulf %get3A_910, %gather3A_865 : vector<16xf32>
        %swap3A_912 = arith.index_cast %scan3A_859 : i32 to index
        %swap3A_913 = arith.constant 96 : index
        %swap3A_914 = tpu.vector_load %arg30[%swap3A_912, %swap3A_913] {strides = array<i32>} : memref<80x128xf32, #tpu.memory_space<vmem>>, vector<16xf32>,
        tpu.vector_store %arg30[%swap3A_912, %swap3A_913], %mul3A_911 {strides = array<i32>} : memref<80x128xf32, #tpu.memory_space<vmem>>, vector<16xf32>,
        %get3A_915 = arith.index_cast %scan3A_859 : i32 to index
        %get3A_916 = arith.constant 112 : index
        %get3A_917 = tpu.vector_load %arg30[%get3A_915, %get3A_916] {strides = array<i32>} : memref<80x128xf32, #tpu.memory_space<vmem>>, vector<16xf32>,
        %mul3A_918 = arith.mulf %get3A_917, %gather3A_865 : vector<16xf32>
        %swap3A_919 = arith.index_cast %scan3A_859 : i32 to index
        %swap3A_920 = arith.constant 112 : index
        %swap3A_921 = tpu.vector_load %arg30[%swap3A_919, %swap3A_920] {strides = array<i32>} : memref<80x128xf32, #tpu.memory_space<vmem>>, vector<16xf32>,
        tpu.vector_store %arg30[%swap3A_919, %swap3A_920], %mul3A_918 {strides = array<i32>} : memref<80x128xf32, #tpu.memory_space<vmem>>, vector<16xf32>,
        %scan3A_922 = arith.constant 0 : i32
        %scan3A_923 = arith.constant 1 : i32
        %scan3A_924 = arith.addi %scan3A_859, %scan3A_923 : i32
        %broadcast_in_dim3A_925 = vector.broadcast %scan3A_924 : i32 to vector<16xi32>
        %gather3A_926 = tpu.vector_load_idx %arg32[%broadcast_in_dim3A_925] : memref<192xf32, #tpu.memory_space<vmem>>[vector<16xi32>], vector<16xf32>,
        %add3A_927 = arith.constant 96 : i32
        %add3A_928 = vector.broadcast %add3A_927 : i32 to vector<16xi32>
        %add3A_929 = arith.addi %broadcast_in_dim3A_925, %add3A_928 : vector<16xi32>
        %gather3A_930 = tpu.vector_load_idx %arg32[%add3A_929] : memref<192xf32, #tpu.memory_space<vmem>>[vector<16xi32>], vector<16xf32>,
        %get3A_931 = arith.index_cast %scan3A_924 : i32 to index
        %get3A_932 = arith.constant 0 : index
        %get3A_933 = tpu.vector_load %arg30[%get3A_931, %get3A_932] {strides = array<i32>} : memref<80x128xf32, #tpu.memory_space<vmem>>, vector<16xf32>,
        %mul3A_934 = arith.mulf %get3A_933, %gather3A_926 : vector<16xf32>
        %swap3A_935 = arith.index_cast %scan3A_924 : i32 to index
        %swap3A_936 = arith.constant 0 : index
        %swap3A_937 = tpu.vector_load %arg30[%swap3A_935, %swap3A_936] {strides = array<i32>} : memref<80x128xf32, #tpu.memory_space<vmem>>, vector<16xf32>,
        tpu.vector_store %arg30[%swap3A_935, %swap3A_936], %mul3A_934 {strides = array<i32>} : memref<80x128xf32, #tpu.memory_space<vmem>>, vector<16xf32>,
        %get3A_938 = arith.index_cast %scan3A_924 : i32 to index
        %get3A_939 = arith.constant 16 : index
        %get3A_940 = tpu.vector_load %arg30[%get3A_938, %get3A_939] {strides = array<i32>} : memref<80x128xf32, #tpu.memory_space<vmem>>, vector<16xf32>,
        %mul3A_941 = arith.mulf %get3A_940, %gather3A_926 : vector<16xf32>
        %swap3A_942 = arith.index_cast %scan3A_924 : i32 to index
        %swap3A_943 = arith.constant 16 : index
        %swap3A_944 = tpu.vector_load %arg30[%swap3A_942, %swap3A_943] {strides = array<i32>} : memref<80x128xf32, #tpu.memory_space<vmem>>, vector<16xf32>,
        tpu.vector_store %arg30[%swap3A_942, %swap3A_943], %mul3A_941 {strides = array<i32>} : memref<80x128xf32, #tpu.memory_space<vmem>>, vector<16xf32>,
        %get3A_945 = arith.index_cast %scan3A_924 : i32 to index
        %get3A_946 = arith.constant 32 : index
        %get3A_947 = tpu.vector_load %arg30[%get3A_945, %get3A_946] {strides = array<i32>} : memref<80x128xf32, #tpu.memory_space<vmem>>, vector<16xf32>,
        %mul3A_948 = arith.mulf %get3A_947, %gather3A_926 : vector<16xf32>
        %swap3A_949 = arith.index_cast %scan3A_924 : i32 to index
        %swap3A_950 = arith.constant 32 : index
        %swap3A_951 = tpu.vector_load %arg30[%swap3A_949, %swap3A_950] {strides = array<i32>} : memref<80x128xf32, #tpu.memory_space<vmem>>, vector<16xf32>,
        tpu.vector_store %arg30[%swap3A_949, %swap3A_950], %mul3A_948 {strides = array<i32>} : memref<80x128xf32, #tpu.memory_space<vmem>>, vector<16xf32>,
        %get3A_952 = arith.index_cast %scan3A_924 : i32 to index
        %get3A_953 = arith.constant 48 : index
        %get3A_954 = tpu.vector_load %arg30[%get3A_952, %get3A_953] {strides = array<i32>} : memref<80x128xf32, #tpu.memory_space<vmem>>, vector<16xf32>,
        %mul3A_955 = arith.mulf %get3A_954, %gather3A_926 : vector<16xf32>
        %swap3A_956 = arith.index_cast %scan3A_924 : i32 to index
        %swap3A_957 = arith.constant 48 : index
        %swap3A_958 = tpu.vector_load %arg30[%swap3A_956, %swap3A_957] {strides = array<i32>} : memref<80x128xf32, #tpu.memory_space<vmem>>, vector<16xf32>,
        tpu.vector_store %arg30[%swap3A_956, %swap3A_957], %mul3A_955 {strides = array<i32>} : memref<80x128xf32, #tpu.memory_space<vmem>>, vector<16xf32>,
        %get3A_959 = arith.index_cast %scan3A_924 : i32 to index
        %get3A_960 = arith.constant 64 : index
        %get3A_961 = tpu.vector_load %arg30[%get3A_959, %get3A_960] {strides = array<i32>} : memref<80x128xf32, #tpu.memory_space<vmem>>, vector<16xf32>,
        %mul3A_962 = arith.mulf %get3A_961, %gather3A_930 : vector<16xf32>
        %swap3A_963 = arith.index_cast %scan3A_924 : i32 to index
        %swap3A_964 = arith.constant 64 : index
        %swap3A_965 = tpu.vector_load %arg30[%swap3A_963, %swap3A_964] {strides = array<i32>} : memref<80x128xf32, #tpu.memory_space<vmem>>, vector<16xf32>,
        tpu.vector_store %arg30[%swap3A_963, %swap3A_964], %mul3A_962 {strides = array<i32>} : memref<80x128xf32, #tpu.memory_space<vmem>>, vector<16xf32>,
        %get3A_966 = arith.index_cast %scan3A_924 : i32 to index
        %get3A_967 = arith.constant 80 : index
        %get3A_968 = tpu.vector_load %arg30[%get3A_966, %get3A_967] {strides = array<i32>} : memref<80x128xf32, #tpu.memory_space<vmem>>, vector<16xf32>,
        %mul3A_969 = arith.mulf %get3A_968, %gather3A_930 : vector<16xf32>
        %swap3A_970 = arith.index_cast %scan3A_924 : i32 to index
        %swap3A_971 = arith.constant 80 : index
        %swap3A_972 = tpu.vector_load %arg30[%swap3A_970, %swap3A_971] {strides = array<i32>} : memref<80x128xf32, #tpu.memory_space<vmem>>, vector<16xf32>,
        tpu.vector_store %arg30[%swap3A_970, %swap3A_971], %mul3A_969 {strides = array<i32>} : memref<80x128xf32, #tpu.memory_space<vmem>>, vector<16xf32>,
        %get3A_973 = arith.index_cast %scan3A_924 : i32 to index
        %get3A_974 = arith.constant 96 : index
        %get3A_975 = tpu.vector_load %arg30[%get3A_973, %get3A_974] {strides = array<i32>} : memref<80x128xf32, #tpu.memory_space<vmem>>, vector<16xf32>,
        %mul3A_976 = arith.mulf %get3A_975, %gather3A_930 : vector<16xf32>
        %swap3A_977 = arith.index_cast %scan3A_924 : i32 to index
        %swap3A_978 = arith.constant 96 : index
        %swap3A_979 = tpu.vector_load %arg30[%swap3A_977, %swap3A_978] {strides = array<i32>} : memref<80x128xf32, #tpu.memory_space<vmem>>, vector<16xf32>,
        tpu.vector_store %arg30[%swap3A_977, %swap3A_978], %mul3A_976 {strides = array<i32>} : memref<80x128xf32, #tpu.memory_space<vmem>>, vector<16xf32>,
        %get3A_980 = arith.index_cast %scan3A_924 : i32 to index
        %get3A_981 = arith.constant 112 : index
        %get3A_982 = tpu.vector_load %arg30[%get3A_980, %get3A_981] {strides = array<i32>} : memref<80x128xf32, #tpu.memory_space<vmem>>, vector<16xf32>,
        %mul3A_983 = arith.mulf %get3A_982, %gather3A_930 : vector<16xf32>
        %swap3A_984 = arith.index_cast %scan3A_924 : i32 to index
        %swap3A_985 = arith.constant 112 : index
        %swap3A_986 = tpu.vector_load %arg30[%swap3A_984, %swap3A_985] {strides = array<i32>} : memref<80x128xf32, #tpu.memory_space<vmem>>, vector<16xf32>,
        tpu.vector_store %arg30[%swap3A_984, %swap3A_985], %mul3A_983 {strides = array<i32>} : memref<80x128xf32, #tpu.memory_space<vmem>>, vector<16xf32>,
        %scan3A_987 = arith.constant 0 : i32
        %scan3A_988 = arith.constant 2 : i32
        %scan3A_989 = arith.addi %scan3A_859, %scan3A_988 : i32
        %broadcast_in_dim3A_990 = vector.broadcast %scan3A_989 : i32 to vector<16xi32>
        %gather3A_991 = tpu.vector_load_idx %arg32[%broadcast_in_dim3A_990] : memref<192xf32, #tpu.memory_space<vmem>>[vector<16xi32>], vector<16xf32>,
        %add3A_992 = arith.constant 96 : i32
        %add3A_993 = vector.broadcast %add3A_992 : i32 to vector<16xi32>
        %add3A_994 = arith.addi %broadcast_in_dim3A_990, %add3A_993 : vector<16xi32>
        %gather3A_995 = tpu.vector_load_idx %arg32[%add3A_994] : memref<192xf32, #tpu.memory_space<vmem>>[vector<16xi32>], vector<16xf32>,
        %get3A_996 = arith.index_cast %scan3A_989 : i32 to index
        %get3A_997 = arith.constant 0 : index
        %get3A_998 = tpu.vector_load %arg30[%get3A_996, %get3A_997] {strides = array<i32>} : memref<80x128xf32, #tpu.memory_space<vmem>>, vector<16xf32>,
        %mul3A_999 = arith.mulf %get3A_998, %gather3A_991 : vector<16xf32>
        %swap3A_1000 = arith.index_cast %scan3A_989 : i32 to index
        %swap3A_1001 = arith.constant 0 : index
        %swap3A_1002 = tpu.vector_load %arg30[%swap3A_1000, %swap3A_1001] {strides = array<i32>} : memref<80x128xf32, #tpu.memory_space<vmem>>, vector<16xf32>,
        tpu.vector_store %arg30[%swap3A_1000, %swap3A_1001], %mul3A_999 {strides = array<i32>} : memref<80x128xf32, #tpu.memory_space<vmem>>, vector<16xf32>,
        %get3A_1003 = arith.index_cast %scan3A_989 : i32 to index
        %get3A_1004 = arith.constant 16 : index
        %get3A_1005 = tpu.vector_load %arg30[%get3A_1003, %get3A_1004] {strides = array<i32>} : memref<80x128xf32, #tpu.memory_space<vmem>>, vector<16xf32>,
        %mul3A_1006 = arith.mulf %get3A_1005, %gather3A_991 : vector<16xf32>
        %swap3A_1007 = arith.index_cast %scan3A_989 : i32 to index
        %swap3A_1008 = arith.constant 16 : index
        %swap3A_1009 = tpu.vector_load %arg30[%swap3A_1007, %swap3A_1008] {strides = array<i32>} : memref<80x128xf32, #tpu.memory_space<vmem>>, vector<16xf32>,
        tpu.vector_store %arg30[%swap3A_1007, %swap3A_1008], %mul3A_1006 {strides = array<i32>} : memref<80x128xf32, #tpu.memory_space<vmem>>, vector<16xf32>,
        %get3A_1010 = arith.index_cast %scan3A_989 : i32 to index
        %get3A_1011 = arith.constant 32 : index
        %get3A_1012 = tpu.vector_load %arg30[%get3A_1010, %get3A_1011] {strides = array<i32>} : memref<80x128xf32, #tpu.memory_space<vmem>>, vector<16xf32>,
        %mul3A_1013 = arith.mulf %get3A_1012, %gather3A_991 : vector<16xf32>
        %swap3A_1014 = arith.index_cast %scan3A_989 : i32 to index
        %swap3A_1015 = arith.constant 32 : index
        %swap3A_1016 = tpu.vector_load %arg30[%swap3A_1014, %swap3A_1015] {strides = array<i32>} : memref<80x128xf32, #tpu.memory_space<vmem>>, vector<16xf32>,
        tpu.vector_store %arg30[%swap3A_1014, %swap3A_1015], %mul3A_1013 {strides = array<i32>} : memref<80x128xf32, #tpu.memory_space<vmem>>, vector<16xf32>,
        %get3A_1017 = arith.index_cast %scan3A_989 : i32 to index
        %get3A_1018 = arith.constant 48 : index
        %get3A_1019 = tpu.vector_load %arg30[%get3A_1017, %get3A_1018] {strides = array<i32>} : memref<80x128xf32, #tpu.memory_space<vmem>>, vector<16xf32>,
        %mul3A_1020 = arith.mulf %get3A_1019, %gather3A_991 : vector<16xf32>
        %swap3A_1021 = arith.index_cast %scan3A_989 : i32 to index
        %swap3A_1022 = arith.constant 48 : index
        %swap3A_1023 = tpu.vector_load %arg30[%swap3A_1021, %swap3A_1022] {strides = array<i32>} : memref<80x128xf32, #tpu.memory_space<vmem>>, vector<16xf32>,
        tpu.vector_store %arg30[%swap3A_1021, %swap3A_1022], %mul3A_1020 {strides = array<i32>} : memref<80x128xf32, #tpu.memory_space<vmem>>, vector<16xf32>,
        %get3A_1024 = arith.index_cast %scan3A_989 : i32 to index
        %get3A_1025 = arith.constant 64 : index
        %get3A_1026 = tpu.vector_load %arg30[%get3A_1024, %get3A_1025] {strides = array<i32>} : memref<80x128xf32, #tpu.memory_space<vmem>>, vector<16xf32>,
        %mul3A_1027 = arith.mulf %get3A_1026, %gather3A_995 : vector<16xf32>
        %swap3A_1028 = arith.index_cast %scan3A_989 : i32 to index
        %swap3A_1029 = arith.constant 64 : index
        %swap3A_1030 = tpu.vector_load %arg30[%swap3A_1028, %swap3A_1029] {strides = array<i32>} : memref<80x128xf32, #tpu.memory_space<vmem>>, vector<16xf32>,
        tpu.vector_store %arg30[%swap3A_1028, %swap3A_1029], %mul3A_1027 {strides = array<i32>} : memref<80x128xf32, #tpu.memory_space<vmem>>, vector<16xf32>,
        %get3A_1031 = arith.index_cast %scan3A_989 : i32 to index
        %get3A_1032 = arith.constant 80 : index
        %get3A_1033 = tpu.vector_load %arg30[%get3A_1031, %get3A_1032] {strides = array<i32>} : memref<80x128xf32, #tpu.memory_space<vmem>>, vector<16xf32>,
        %mul3A_1034 = arith.mulf %get3A_1033, %gather3A_995 : vector<16xf32>
        %swap3A_1035 = arith.index_cast %scan3A_989 : i32 to index
        %swap3A_1036 = arith.constant 80 : index
        %swap3A_1037 = tpu.vector_load %arg30[%swap3A_1035, %swap3A_1036] {strides = array<i32>} : memref<80x128xf32, #tpu.memory_space<vmem>>, vector<16xf32>,
        tpu.vector_store %arg30[%swap3A_1035, %swap3A_1036], %mul3A_1034 {strides = array<i32>} : memref<80x128xf32, #tpu.memory_space<vmem>>, vector<16xf32>,
        %get3A_1038 = arith.index_cast %scan3A_989 : i32 to index
        %get3A_1039 = arith.constant 96 : index
        %get3A_1040 = tpu.vector_load %arg30[%get3A_1038, %get3A_1039] {strides = array<i32>} : memref<80x128xf32, #tpu.memory_space<vmem>>, vector<16xf32>,
        %mul3A_1041 = arith.mulf %get3A_1040, %gather3A_995 : vector<16xf32>
        %swap3A_1042 = arith.index_cast %scan3A_989 : i32 to index
        %swap3A_1043 = arith.constant 96 : index
        %swap3A_1044 = tpu.vector_load %arg30[%swap3A_1042, %swap3A_1043] {strides = array<i32>} : memref<80x128xf32, #tpu.memory_space<vmem>>, vector<16xf32>,
        tpu.vector_store %arg30[%swap3A_1042, %swap3A_1043], %mul3A_1041 {strides = array<i32>} : memref<80x128xf32, #tpu.memory_space<vmem>>, vector<16xf32>,
        %get3A_1045 = arith.index_cast %scan3A_989 : i32 to index
        %get3A_1046 = arith.constant 112 : index
        %get3A_1047 = tpu.vector_load %arg30[%get3A_1045, %get3A_1046] {strides = array<i32>} : memref<80x128xf32, #tpu.memory_space<vmem>>, vector<16xf32>,
        %mul3A_1048 = arith.mulf %get3A_1047, %gather3A_995 : vector<16xf32>
        %swap3A_1049 = arith.index_cast %scan3A_989 : i32 to index
        %swap3A_1050 = arith.constant 112 : index
        %swap3A_1051 = tpu.vector_load %arg30[%swap3A_1049, %swap3A_1050] {strides = array<i32>} : memref<80x128xf32, #tpu.memory_space<vmem>>, vector<16xf32>,
        tpu.vector_store %arg30[%swap3A_1049, %swap3A_1050], %mul3A_1048 {strides = array<i32>} : memref<80x128xf32, #tpu.memory_space<vmem>>, vector<16xf32>,
        %scan3A_1052 = arith.constant 0 : i32
        %scan3A_1053 = arith.constant 3 : i32
        %scan3A_1054 = arith.addi %scan3A_859, %scan3A_1053 : i32
        %broadcast_in_dim3A_1055 = vector.broadcast %scan3A_1054 : i32 to vector<16xi32>
        %gather3A_1056 = tpu.vector_load_idx %arg32[%broadcast_in_dim3A_1055] : memref<192xf32, #tpu.memory_space<vmem>>[vector<16xi32>], vector<16xf32>,
        %add3A_1057 = arith.constant 96 : i32
        %add3A_1058 = vector.broadcast %add3A_1057 : i32 to vector<16xi32>
        %add3A_1059 = arith.addi %broadcast_in_dim3A_1055, %add3A_1058 : vector<16xi32>
        %gather3A_1060 = tpu.vector_load_idx %arg32[%add3A_1059] : memref<192xf32, #tpu.memory_space<vmem>>[vector<16xi32>], vector<16xf32>,
        %get3A_1061 = arith.index_cast %scan3A_1054 : i32 to index
        %get3A_1062 = arith.constant 0 : index
        %get3A_1063 = tpu.vector_load %arg30[%get3A_1061, %get3A_1062] {strides = array<i32>} : memref<80x128xf32, #tpu.memory_space<vmem>>, vector<16xf32>,
        %mul3A_1064 = arith.mulf %get3A_1063, %gather3A_1056 : vector<16xf32>
        %swap3A_1065 = arith.index_cast %scan3A_1054 : i32 to index
        %swap3A_1066 = arith.constant 0 : index
        %swap3A_1067 = tpu.vector_load %arg30[%swap3A_1065, %swap3A_1066] {strides = array<i32>} : memref<80x128xf32, #tpu.memory_space<vmem>>, vector<16xf32>,
        tpu.vector_store %arg30[%swap3A_1065, %swap3A_1066], %mul3A_1064 {strides = array<i32>} : memref<80x128xf32, #tpu.memory_space<vmem>>, vector<16xf32>,
        %get3A_1068 = arith.index_cast %scan3A_1054 : i32 to index
        %get3A_1069 = arith.constant 16 : index
        %get3A_1070 = tpu.vector_load %arg30[%get3A_1068, %get3A_1069] {strides = array<i32>} : memref<80x128xf32, #tpu.memory_space<vmem>>, vector<16xf32>,
        %mul3A_1071 = arith.mulf %get3A_1070, %gather3A_1056 : vector<16xf32>
        %swap3A_1072 = arith.index_cast %scan3A_1054 : i32 to index
        %swap3A_1073 = arith.constant 16 : index
        %swap3A_1074 = tpu.vector_load %arg30[%swap3A_1072, %swap3A_1073] {strides = array<i32>} : memref<80x128xf32, #tpu.memory_space<vmem>>, vector<16xf32>,
        tpu.vector_store %arg30[%swap3A_1072, %swap3A_1073], %mul3A_1071 {strides = array<i32>} : memref<80x128xf32, #tpu.memory_space<vmem>>, vector<16xf32>,
        %get3A_1075 = arith.index_cast %scan3A_1054 : i32 to index
        %get3A_1076 = arith.constant 32 : index
        %get3A_1077 = tpu.vector_load %arg30[%get3A_1075, %get3A_1076] {strides = array<i32>} : memref<80x128xf32, #tpu.memory_space<vmem>>, vector<16xf32>,
        %mul3A_1078 = arith.mulf %get3A_1077, %gather3A_1056 : vector<16xf32>
        %swap3A_1079 = arith.index_cast %scan3A_1054 : i32 to index
        %swap3A_1080 = arith.constant 32 : index
        %swap3A_1081 = tpu.vector_load %arg30[%swap3A_1079, %swap3A_1080] {strides = array<i32>} : memref<80x128xf32, #tpu.memory_space<vmem>>, vector<16xf32>,
        tpu.vector_store %arg30[%swap3A_1079, %swap3A_1080], %mul3A_1078 {strides = array<i32>} : memref<80x128xf32, #tpu.memory_space<vmem>>, vector<16xf32>,
        %get3A_1082 = arith.index_cast %scan3A_1054 : i32 to index
        %get3A_1083 = arith.constant 48 : index
        %get3A_1084 = tpu.vector_load %arg30[%get3A_1082, %get3A_1083] {strides = array<i32>} : memref<80x128xf32, #tpu.memory_space<vmem>>, vector<16xf32>,
        %mul3A_1085 = arith.mulf %get3A_1084, %gather3A_1056 : vector<16xf32>
        %swap3A_1086 = arith.index_cast %scan3A_1054 : i32 to index
        %swap3A_1087 = arith.constant 48 : index
        %swap3A_1088 = tpu.vector_load %arg30[%swap3A_1086, %swap3A_1087] {strides = array<i32>} : memref<80x128xf32, #tpu.memory_space<vmem>>, vector<16xf32>,
        tpu.vector_store %arg30[%swap3A_1086, %swap3A_1087], %mul3A_1085 {strides = array<i32>} : memref<80x128xf32, #tpu.memory_space<vmem>>, vector<16xf32>,
        %get3A_1089 = arith.index_cast %scan3A_1054 : i32 to index
        %get3A_1090 = arith.constant 64 : index
        %get3A_1091 = tpu.vector_load %arg30[%get3A_1089, %get3A_1090] {strides = array<i32>} : memref<80x128xf32, #tpu.memory_space<vmem>>, vector<16xf32>,
        %mul3A_1092 = arith.mulf %get3A_1091, %gather3A_1060 : vector<16xf32>
        %swap3A_1093 = arith.index_cast %scan3A_1054 : i32 to index
        %swap3A_1094 = arith.constant 64 : index
        %swap3A_1095 = tpu.vector_load %arg30[%swap3A_1093, %swap3A_1094] {strides = array<i32>} : memref<80x128xf32, #tpu.memory_space<vmem>>, vector<16xf32>,
        tpu.vector_store %arg30[%swap3A_1093, %swap3A_1094], %mul3A_1092 {strides = array<i32>} : memref<80x128xf32, #tpu.memory_space<vmem>>, vector<16xf32>,
        %get3A_1096 = arith.index_cast %scan3A_1054 : i32 to index
        %get3A_1097 = arith.constant 80 : index
        %get3A_1098 = tpu.vector_load %arg30[%get3A_1096, %get3A_1097] {strides = array<i32>} : memref<80x128xf32, #tpu.memory_space<vmem>>, vector<16xf32>,
        %mul3A_1099 = arith.mulf %get3A_1098, %gather3A_1060 : vector<16xf32>
        %swap3A_1100 = arith.index_cast %scan3A_1054 : i32 to index
        %swap3A_1101 = arith.constant 80 : index
        %swap3A_1102 = tpu.vector_load %arg30[%swap3A_1100, %swap3A_1101] {strides = array<i32>} : memref<80x128xf32, #tpu.memory_space<vmem>>, vector<16xf32>,
        tpu.vector_store %arg30[%swap3A_1100, %swap3A_1101], %mul3A_1099 {strides = array<i32>} : memref<80x128xf32, #tpu.memory_space<vmem>>, vector<16xf32>,
        %get3A_1103 = arith.index_cast %scan3A_1054 : i32 to index
        %get3A_1104 = arith.constant 96 : index
        %get3A_1105 = tpu.vector_load %arg30[%get3A_1103, %get3A_1104] {strides = array<i32>} : memref<80x128xf32, #tpu.memory_space<vmem>>, vector<16xf32>,
        %mul3A_1106 = arith.mulf %get3A_1105, %gather3A_1060 : vector<16xf32>
        %swap3A_1107 = arith.index_cast %scan3A_1054 : i32 to index
        %swap3A_1108 = arith.constant 96 : index
        %swap3A_1109 = tpu.vector_load %arg30[%swap3A_1107, %swap3A_1108] {strides = array<i32>} : memref<80x128xf32, #tpu.memory_space<vmem>>, vector<16xf32>,
        tpu.vector_store %arg30[%swap3A_1107, %swap3A_1108], %mul3A_1106 {strides = array<i32>} : memref<80x128xf32, #tpu.memory_space<vmem>>, vector<16xf32>,
        %get3A_1110 = arith.index_cast %scan3A_1054 : i32 to index
        %get3A_1111 = arith.constant 112 : index
        %get3A_1112 = tpu.vector_load %arg30[%get3A_1110, %get3A_1111] {strides = array<i32>} : memref<80x128xf32, #tpu.memory_space<vmem>>, vector<16xf32>,
        %mul3A_1113 = arith.mulf %get3A_1112, %gather3A_1060 : vector<16xf32>
        %swap3A_1114 = arith.index_cast %scan3A_1054 : i32 to index
        %swap3A_1115 = arith.constant 112 : index
        %swap3A_1116 = tpu.vector_load %arg30[%swap3A_1114, %swap3A_1115] {strides = array<i32>} : memref<80x128xf32, #tpu.memory_space<vmem>>, vector<16xf32>,
        tpu.vector_store %arg30[%swap3A_1114, %swap3A_1115], %mul3A_1113 {strides = array<i32>} : memref<80x128xf32, #tpu.memory_space<vmem>>, vector<16xf32>,
        %scan3A_1117 = arith.constant 0 : i32
        scf.yield %scan3A_1117 : i32
      }
      %scan3A_847 = arith.constant 80 : i32
      "tpu.region"() ({
        %run_scoped3A = tpu.sem_alloc : memref<!tpu.dma_semaphore, #tpu.memory_space<semaphore_mem>>
        %dma_start3A_859 = arith.constant 0 : i32
        %dma_start3A_860 = arith.constant 0 : i32
        %dma_start3A_861 = tpu.memref_slice %arg41[%dma_start3A_859, %dma_start3A_860] : memref<10240x128xf32, #tpu.memory_space<vmem_shared>> -> memref<10240x128xf32, #tpu.memory_space<vmem_shared>>
        tpu.enqueue_indirect_dma source(%arg30 : memref<80x128xf32, #tpu.memory_space<vmem>>) target(%dma_start3A_861 : memref<10240x128xf32, #tpu.memory_space<vmem_shared>>) offsets(%arg12 : memref<80xi32, #tpu.memory_space<vmem>>) semaphore(%run_scoped3A : memref<!tpu.dma_semaphore, #tpu.memory_space<semaphore_mem>>) {add = true}
        %dma_wait3A_862 = arith.constant 0 : i32
        %dma_wait3A_863 = arith.constant 0 : i32
        %dma_wait3A_864 = tpu.memref_slice %arg41[%dma_wait3A_862, %dma_wait3A_863] : memref<10240x128xf32, #tpu.memory_space<vmem_shared>> -> memref<10240x128xf32, #tpu.memory_space<vmem_shared>>
        tpu.wait_indirect_dma semaphore(%run_scoped3A : memref<!tpu.dma_semaphore, #tpu.memory_space<semaphore_mem>>) src(%arg30 : memref<80x128xf32, #tpu.memory_space<vmem>>) dst(%dma_wait3A_864 : memref<10240x128xf32, #tpu.memory_space<vmem_shared>>)
        tpu.yield
      }) : () -> ()
      %lt3A_848 = arith.constant 124 : i32
      %lt3A_849 = arith.cmpi slt, %scan3A_473, %lt3A_848 : i32
      %convert_element_type3A_850 = arith.extui %lt3A_849 : i1 to i32
      %cond3A_851 = arith.constant 0 : i32
      %cond3A_852 = arith.cmpi ne, %convert_element_type3A_850, %cond3A_851 : i32
      scf.if %cond3A_852 {
        %get3A_859 = arith.constant 80 : index
        %get3A_860 = tpu.vector_load %arg34[%get3A_859] {strides = array<i32>} : memref<160xi32, #tpu.memory_space<vmem>>, vector<16xi32>,
        %swap3A_861 = arith.constant 0 : index
        %swap3A_862 = tpu.vector_load %arg11[%swap3A_861] {strides = array<i32>} : memref<80xi32, #tpu.memory_space<vmem>>, vector<16xi32>,
        tpu.vector_store %arg11[%swap3A_861], %get3A_860 {strides = array<i32>} : memref<80xi32, #tpu.memory_space<vmem>>, vector<16xi32>,
        %get3A_863 = arith.constant 80 : index
        %get3A_864 = tpu.vector_load %arg35[%get3A_863] {strides = array<i32>} : memref<160xi32, #tpu.memory_space<vmem>>, vector<16xi32>,
        %swap3A_865 = arith.constant 0 : index
        %swap3A_866 = tpu.vector_load %arg12[%swap3A_865] {strides = array<i32>} : memref<80xi32, #tpu.memory_space<vmem>>, vector<16xi32>,
        tpu.vector_store %arg12[%swap3A_865], %get3A_864 {strides = array<i32>} : memref<80xi32, #tpu.memory_space<vmem>>, vector<16xi32>,
        %get3A_867 = arith.constant 96 : index
        %get3A_868 = tpu.vector_load %arg34[%get3A_867] {strides = array<i32>} : memref<160xi32, #tpu.memory_space<vmem>>, vector<16xi32>,
        %swap3A_869 = arith.constant 16 : index
        %swap3A_870 = tpu.vector_load %arg11[%swap3A_869] {strides = array<i32>} : memref<80xi32, #tpu.memory_space<vmem>>, vector<16xi32>,
        tpu.vector_store %arg11[%swap3A_869], %get3A_868 {strides = array<i32>} : memref<80xi32, #tpu.memory_space<vmem>>, vector<16xi32>,
        %get3A_871 = arith.constant 96 : index
        %get3A_872 = tpu.vector_load %arg35[%get3A_871] {strides = array<i32>} : memref<160xi32, #tpu.memory_space<vmem>>, vector<16xi32>,
        %swap3A_873 = arith.constant 16 : index
        %swap3A_874 = tpu.vector_load %arg12[%swap3A_873] {strides = array<i32>} : memref<80xi32, #tpu.memory_space<vmem>>, vector<16xi32>,
        tpu.vector_store %arg12[%swap3A_873], %get3A_872 {strides = array<i32>} : memref<80xi32, #tpu.memory_space<vmem>>, vector<16xi32>,
        %get3A_875 = arith.constant 112 : index
        %get3A_876 = tpu.vector_load %arg34[%get3A_875] {strides = array<i32>} : memref<160xi32, #tpu.memory_space<vmem>>, vector<16xi32>,
        %swap3A_877 = arith.constant 32 : index
        %swap3A_878 = tpu.vector_load %arg11[%swap3A_877] {strides = array<i32>} : memref<80xi32, #tpu.memory_space<vmem>>, vector<16xi32>,
        tpu.vector_store %arg11[%swap3A_877], %get3A_876 {strides = array<i32>} : memref<80xi32, #tpu.memory_space<vmem>>, vector<16xi32>,
        %get3A_879 = arith.constant 112 : index
        %get3A_880 = tpu.vector_load %arg35[%get3A_879] {strides = array<i32>} : memref<160xi32, #tpu.memory_space<vmem>>, vector<16xi32>,
        %swap3A_881 = arith.constant 32 : index
        %swap3A_882 = tpu.vector_load %arg12[%swap3A_881] {strides = array<i32>} : memref<80xi32, #tpu.memory_space<vmem>>, vector<16xi32>,
        tpu.vector_store %arg12[%swap3A_881], %get3A_880 {strides = array<i32>} : memref<80xi32, #tpu.memory_space<vmem>>, vector<16xi32>,
        %get3A_883 = arith.constant 128 : index
        %get3A_884 = tpu.vector_load %arg34[%get3A_883] {strides = array<i32>} : memref<160xi32, #tpu.memory_space<vmem>>, vector<16xi32>,
        %swap3A_885 = arith.constant 48 : index
        %swap3A_886 = tpu.vector_load %arg11[%swap3A_885] {strides = array<i32>} : memref<80xi32, #tpu.memory_space<vmem>>, vector<16xi32>,
        tpu.vector_store %arg11[%swap3A_885], %get3A_884 {strides = array<i32>} : memref<80xi32, #tpu.memory_space<vmem>>, vector<16xi32>,
        %get3A_887 = arith.constant 128 : index
        %get3A_888 = tpu.vector_load %arg35[%get3A_887] {strides = array<i32>} : memref<160xi32, #tpu.memory_space<vmem>>, vector<16xi32>,
        %swap3A_889 = arith.constant 48 : index
        %swap3A_890 = tpu.vector_load %arg12[%swap3A_889] {strides = array<i32>} : memref<80xi32, #tpu.memory_space<vmem>>, vector<16xi32>,
        tpu.vector_store %arg12[%swap3A_889], %get3A_888 {strides = array<i32>} : memref<80xi32, #tpu.memory_space<vmem>>, vector<16xi32>,
        %get3A_891 = arith.constant 144 : index
        %get3A_892 = tpu.vector_load %arg34[%get3A_891] {strides = array<i32>} : memref<160xi32, #tpu.memory_space<vmem>>, vector<16xi32>,
        %swap3A_893 = arith.constant 64 : index
        %swap3A_894 = tpu.vector_load %arg11[%swap3A_893] {strides = array<i32>} : memref<80xi32, #tpu.memory_space<vmem>>, vector<16xi32>,
        tpu.vector_store %arg11[%swap3A_893], %get3A_892 {strides = array<i32>} : memref<80xi32, #tpu.memory_space<vmem>>, vector<16xi32>,
        %get3A_895 = arith.constant 144 : index
        %get3A_896 = tpu.vector_load %arg35[%get3A_895] {strides = array<i32>} : memref<160xi32, #tpu.memory_space<vmem>>, vector<16xi32>,
        %swap3A_897 = arith.constant 64 : index
        %swap3A_898 = tpu.vector_load %arg12[%swap3A_897] {strides = array<i32>} : memref<80xi32, #tpu.memory_space<vmem>>, vector<16xi32>,
        tpu.vector_store %arg12[%swap3A_897], %get3A_896 {strides = array<i32>} : memref<80xi32, #tpu.memory_space<vmem>>, vector<16xi32>,
        %dma_start3A_899 = arith.constant 0 : i32
        %dma_start3A_900 = arith.constant 0 : i32
        %dma_start3A_901 = tpu.memref_slice %arg2[%arg0, %dma_start3A_899, %dma_start3A_900] : memref<2x10000x128xf32, #tpu.memory_space<hbm>> -> memref<1x10000x128xf32, #tpu.memory_space<hbm>>
        %dma_start3A_902 = tpu.memref_squeeze %dma_start3A_901 : memref<1x10000x128xf32, #tpu.memory_space<hbm>> -> memref<10000x128xf32, #tpu.memory_space<hbm>>
        %dma_start3A_903 = arith.constant 0 : i32
        %dma_start3A_904 = arith.constant 0 : i32
        %dma_start3A_905 = tpu.memref_slice %dma_start3A_902[%dma_start3A_903, %dma_start3A_904] : memref<10000x128xf32, #tpu.memory_space<hbm>> -> memref<10000x128xf32, #tpu.memory_space<hbm>>
        tpu.enqueue_indirect_dma source(%dma_start3A_905 : memref<10000x128xf32, #tpu.memory_space<hbm>>) target(%arg30 : memref<80x128xf32, #tpu.memory_space<vmem>>) offsets(%arg11 : memref<80xi32, #tpu.memory_space<vmem>>) semaphore(%arg38 : memref<!tpu.dma_semaphore, #tpu.memory_space<semaphore_mem>>)
        %get3A_906 = arith.constant 0 : index
        %get3A_907 = tpu.vector_load %arg11[%get3A_906] {strides = array<i32>} : memref<80xi32, #tpu.memory_space<vmem>>, vector<16xi32>,
        %add3A_908 = vector.broadcast %select_n3A_96 : i32 to vector<16xi32>
        %add3A_909 = arith.addi %get3A_907, %add3A_908 : vector<16xi32>
        %swap3A_910 = arith.constant 0 : index
        %swap3A_911 = tpu.vector_load %arg17[%swap3A_910] {strides = array<i32>} : memref<80xi32, #tpu.memory_space<vmem>>, vector<16xi32>,
        tpu.vector_store %arg17[%swap3A_910], %add3A_909 {strides = array<i32>} : memref<80xi32, #tpu.memory_space<vmem>>, vector<16xi32>,
        %get3A_912 = arith.constant 16 : index
        %get3A_913 = tpu.vector_load %arg11[%get3A_912] {strides = array<i32>} : memref<80xi32, #tpu.memory_space<vmem>>, vector<16xi32>,
        %add3A_914 = vector.broadcast %select_n3A_96 : i32 to vector<16xi32>
        %add3A_915 = arith.addi %get3A_913, %add3A_914 : vector<16xi32>
        %swap3A_916 = arith.constant 16 : index
        %swap3A_917 = tpu.vector_load %arg17[%swap3A_916] {strides = array<i32>} : memref<80xi32, #tpu.memory_space<vmem>>, vector<16xi32>,
        tpu.vector_store %arg17[%swap3A_916], %add3A_915 {strides = array<i32>} : memref<80xi32, #tpu.memory_space<vmem>>, vector<16xi32>,
        %get3A_918 = arith.constant 32 : index
        %get3A_919 = tpu.vector_load %arg11[%get3A_918] {strides = array<i32>} : memref<80xi32, #tpu.memory_space<vmem>>, vector<16xi32>,
        %add3A_920 = vector.broadcast %select_n3A_96 : i32 to vector<16xi32>
        %add3A_921 = arith.addi %get3A_919, %add3A_920 : vector<16xi32>
        %swap3A_922 = arith.constant 32 : index
        %swap3A_923 = tpu.vector_load %arg17[%swap3A_922] {strides = array<i32>} : memref<80xi32, #tpu.memory_space<vmem>>, vector<16xi32>,
        tpu.vector_store %arg17[%swap3A_922], %add3A_921 {strides = array<i32>} : memref<80xi32, #tpu.memory_space<vmem>>, vector<16xi32>,
        %get3A_924 = arith.constant 48 : index
        %get3A_925 = tpu.vector_load %arg11[%get3A_924] {strides = array<i32>} : memref<80xi32, #tpu.memory_space<vmem>>, vector<16xi32>,
        %add3A_926 = vector.broadcast %select_n3A_96 : i32 to vector<16xi32>
        %add3A_927 = arith.addi %get3A_925, %add3A_926 : vector<16xi32>
        %swap3A_928 = arith.constant 48 : index
        %swap3A_929 = tpu.vector_load %arg17[%swap3A_928] {strides = array<i32>} : memref<80xi32, #tpu.memory_space<vmem>>, vector<16xi32>,
        tpu.vector_store %arg17[%swap3A_928], %add3A_927 {strides = array<i32>} : memref<80xi32, #tpu.memory_space<vmem>>, vector<16xi32>,
        %get3A_930 = arith.constant 64 : index
        %get3A_931 = tpu.vector_load %arg11[%get3A_930] {strides = array<i32>} : memref<80xi32, #tpu.memory_space<vmem>>, vector<16xi32>,
        %add3A_932 = vector.broadcast %select_n3A_96 : i32 to vector<16xi32>
        %add3A_933 = arith.addi %get3A_931, %add3A_932 : vector<16xi32>
        %swap3A_934 = arith.constant 64 : index
        %swap3A_935 = tpu.vector_load %arg17[%swap3A_934] {strides = array<i32>} : memref<80xi32, #tpu.memory_space<vmem>>, vector<16xi32>,
        tpu.vector_store %arg17[%swap3A_934], %add3A_933 {strides = array<i32>} : memref<80xi32, #tpu.memory_space<vmem>>, vector<16xi32>,
        %dma_start3A_936 = arith.constant 0 : i32
        %dma_start3A_937 = tpu.memref_slice %arg3[%dma_start3A_936] : memref<80000xf32, #tpu.memory_space<hbm>> -> memref<80000xf32, #tpu.memory_space<hbm>>
        tpu.enqueue_indirect_dma source(%dma_start3A_937 : memref<80000xf32, #tpu.memory_space<hbm>>) target(%arg25 : memref<80xf32, #tpu.memory_space<vmem>>) offsets(%arg17 : memref<80xi32, #tpu.memory_space<vmem>>) semaphore(%arg39 : memref<!tpu.dma_semaphore, #tpu.memory_space<semaphore_mem>>)
        %get3A_938 = arith.constant 0 : index
        %get3A_939 = tpu.vector_load %arg11[%get3A_938] {strides = array<i32>} : memref<80xi32, #tpu.memory_space<vmem>>, vector<16xi32>,
        %add3A_940 = vector.broadcast %add3A_98 : i32 to vector<16xi32>
        %add3A_941 = arith.addi %get3A_939, %add3A_940 : vector<16xi32>
        %swap3A_942 = arith.constant 0 : index
        %swap3A_943 = tpu.vector_load %arg18[%swap3A_942] {strides = array<i32>} : memref<80xi32, #tpu.memory_space<vmem>>, vector<16xi32>,
        tpu.vector_store %arg18[%swap3A_942], %add3A_941 {strides = array<i32>} : memref<80xi32, #tpu.memory_space<vmem>>, vector<16xi32>,
        %get3A_944 = arith.constant 16 : index
        %get3A_945 = tpu.vector_load %arg11[%get3A_944] {strides = array<i32>} : memref<80xi32, #tpu.memory_space<vmem>>, vector<16xi32>,
        %add3A_946 = vector.broadcast %add3A_98 : i32 to vector<16xi32>
        %add3A_947 = arith.addi %get3A_945, %add3A_946 : vector<16xi32>
        %swap3A_948 = arith.constant 16 : index
        %swap3A_949 = tpu.vector_load %arg18[%swap3A_948] {strides = array<i32>} : memref<80xi32, #tpu.memory_space<vmem>>, vector<16xi32>,
        tpu.vector_store %arg18[%swap3A_948], %add3A_947 {strides = array<i32>} : memref<80xi32, #tpu.memory_space<vmem>>, vector<16xi32>,
        %get3A_950 = arith.constant 32 : index
        %get3A_951 = tpu.vector_load %arg11[%get3A_950] {strides = array<i32>} : memref<80xi32, #tpu.memory_space<vmem>>, vector<16xi32>,
        %add3A_952 = vector.broadcast %add3A_98 : i32 to vector<16xi32>
        %add3A_953 = arith.addi %get3A_951, %add3A_952 : vector<16xi32>
        %swap3A_954 = arith.constant 32 : index
        %swap3A_955 = tpu.vector_load %arg18[%swap3A_954] {strides = array<i32>} : memref<80xi32, #tpu.memory_space<vmem>>, vector<16xi32>,
        tpu.vector_store %arg18[%swap3A_954], %add3A_953 {strides = array<i32>} : memref<80xi32, #tpu.memory_space<vmem>>, vector<16xi32>,
        %get3A_956 = arith.constant 48 : index
        %get3A_957 = tpu.vector_load %arg11[%get3A_956] {strides = array<i32>} : memref<80xi32, #tpu.memory_space<vmem>>, vector<16xi32>,
        %add3A_958 = vector.broadcast %add3A_98 : i32 to vector<16xi32>
        %add3A_959 = arith.addi %get3A_957, %add3A_958 : vector<16xi32>
        %swap3A_960 = arith.constant 48 : index
        %swap3A_961 = tpu.vector_load %arg18[%swap3A_960] {strides = array<i32>} : memref<80xi32, #tpu.memory_space<vmem>>, vector<16xi32>,
        tpu.vector_store %arg18[%swap3A_960], %add3A_959 {strides = array<i32>} : memref<80xi32, #tpu.memory_space<vmem>>, vector<16xi32>,
        %get3A_962 = arith.constant 64 : index
        %get3A_963 = tpu.vector_load %arg11[%get3A_962] {strides = array<i32>} : memref<80xi32, #tpu.memory_space<vmem>>, vector<16xi32>,
        %add3A_964 = vector.broadcast %add3A_98 : i32 to vector<16xi32>
        %add3A_965 = arith.addi %get3A_963, %add3A_964 : vector<16xi32>
        %swap3A_966 = arith.constant 64 : index
        %swap3A_967 = tpu.vector_load %arg18[%swap3A_966] {strides = array<i32>} : memref<80xi32, #tpu.memory_space<vmem>>, vector<16xi32>,
        tpu.vector_store %arg18[%swap3A_966], %add3A_965 {strides = array<i32>} : memref<80xi32, #tpu.memory_space<vmem>>, vector<16xi32>,
        %dma_start3A_968 = arith.constant 0 : i32
        %dma_start3A_969 = tpu.memref_slice %arg3[%dma_start3A_968] : memref<80000xf32, #tpu.memory_space<hbm>> -> memref<80000xf32, #tpu.memory_space<hbm>>
        tpu.enqueue_indirect_dma source(%dma_start3A_969 : memref<80000xf32, #tpu.memory_space<hbm>>) target(%arg26 : memref<80xf32, #tpu.memory_space<vmem>>) offsets(%arg18 : memref<80xi32, #tpu.memory_space<vmem>>) semaphore(%arg39 : memref<!tpu.dma_semaphore, #tpu.memory_space<semaphore_mem>>)
        %get3A_970 = arith.constant 0 : index
        %get3A_971 = tpu.vector_load %arg12[%get3A_970] {strides = array<i32>} : memref<80xi32, #tpu.memory_space<vmem>>, vector<16xi32>,
        %add3A_972 = vector.broadcast %add3A_100 : i32 to vector<16xi32>
        %add3A_973 = arith.addi %get3A_971, %add3A_972 : vector<16xi32>
        %swap3A_974 = arith.constant 0 : index
        %swap3A_975 = tpu.vector_load %arg19[%swap3A_974] {strides = array<i32>} : memref<80xi32, #tpu.memory_space<vmem>>, vector<16xi32>,
        tpu.vector_store %arg19[%swap3A_974], %add3A_973 {strides = array<i32>} : memref<80xi32, #tpu.memory_space<vmem>>, vector<16xi32>,
        %get3A_976 = arith.constant 16 : index
        %get3A_977 = tpu.vector_load %arg12[%get3A_976] {strides = array<i32>} : memref<80xi32, #tpu.memory_space<vmem>>, vector<16xi32>,
        %add3A_978 = vector.broadcast %add3A_100 : i32 to vector<16xi32>
        %add3A_979 = arith.addi %get3A_977, %add3A_978 : vector<16xi32>
        %swap3A_980 = arith.constant 16 : index
        %swap3A_981 = tpu.vector_load %arg19[%swap3A_980] {strides = array<i32>} : memref<80xi32, #tpu.memory_space<vmem>>, vector<16xi32>,
        tpu.vector_store %arg19[%swap3A_980], %add3A_979 {strides = array<i32>} : memref<80xi32, #tpu.memory_space<vmem>>, vector<16xi32>,
        %get3A_982 = arith.constant 32 : index
        %get3A_983 = tpu.vector_load %arg12[%get3A_982] {strides = array<i32>} : memref<80xi32, #tpu.memory_space<vmem>>, vector<16xi32>,
        %add3A_984 = vector.broadcast %add3A_100 : i32 to vector<16xi32>
        %add3A_985 = arith.addi %get3A_983, %add3A_984 : vector<16xi32>
        %swap3A_986 = arith.constant 32 : index
        %swap3A_987 = tpu.vector_load %arg19[%swap3A_986] {strides = array<i32>} : memref<80xi32, #tpu.memory_space<vmem>>, vector<16xi32>,
        tpu.vector_store %arg19[%swap3A_986], %add3A_985 {strides = array<i32>} : memref<80xi32, #tpu.memory_space<vmem>>, vector<16xi32>,
        %get3A_988 = arith.constant 48 : index
        %get3A_989 = tpu.vector_load %arg12[%get3A_988] {strides = array<i32>} : memref<80xi32, #tpu.memory_space<vmem>>, vector<16xi32>,
        %add3A_990 = vector.broadcast %add3A_100 : i32 to vector<16xi32>
        %add3A_991 = arith.addi %get3A_989, %add3A_990 : vector<16xi32>
        %swap3A_992 = arith.constant 48 : index
        %swap3A_993 = tpu.vector_load %arg19[%swap3A_992] {strides = array<i32>} : memref<80xi32, #tpu.memory_space<vmem>>, vector<16xi32>,
        tpu.vector_store %arg19[%swap3A_992], %add3A_991 {strides = array<i32>} : memref<80xi32, #tpu.memory_space<vmem>>, vector<16xi32>,
        %get3A_994 = arith.constant 64 : index
        %get3A_995 = tpu.vector_load %arg12[%get3A_994] {strides = array<i32>} : memref<80xi32, #tpu.memory_space<vmem>>, vector<16xi32>,
        %add3A_996 = vector.broadcast %add3A_100 : i32 to vector<16xi32>
        %add3A_997 = arith.addi %get3A_995, %add3A_996 : vector<16xi32>
        %swap3A_998 = arith.constant 64 : index
        %swap3A_999 = tpu.vector_load %arg19[%swap3A_998] {strides = array<i32>} : memref<80xi32, #tpu.memory_space<vmem>>, vector<16xi32>,
        tpu.vector_store %arg19[%swap3A_998], %add3A_997 {strides = array<i32>} : memref<80xi32, #tpu.memory_space<vmem>>, vector<16xi32>,
        %dma_start3A_1000 = arith.constant 0 : i32
        %dma_start3A_1001 = tpu.memref_slice %arg3[%dma_start3A_1000] : memref<80000xf32, #tpu.memory_space<hbm>> -> memref<80000xf32, #tpu.memory_space<hbm>>
        tpu.enqueue_indirect_dma source(%dma_start3A_1001 : memref<80000xf32, #tpu.memory_space<hbm>>) target(%arg27 : memref<80xf32, #tpu.memory_space<vmem>>) offsets(%arg19 : memref<80xi32, #tpu.memory_space<vmem>>) semaphore(%arg39 : memref<!tpu.dma_semaphore, #tpu.memory_space<semaphore_mem>>)
        %get3A_1002 = arith.constant 0 : index
        %get3A_1003 = tpu.vector_load %arg12[%get3A_1002] {strides = array<i32>} : memref<80xi32, #tpu.memory_space<vmem>>, vector<16xi32>,
        %add3A_1004 = vector.broadcast %add3A_102 : i32 to vector<16xi32>
        %add3A_1005 = arith.addi %get3A_1003, %add3A_1004 : vector<16xi32>
        %swap3A_1006 = arith.constant 0 : index
        %swap3A_1007 = tpu.vector_load %arg20[%swap3A_1006] {strides = array<i32>} : memref<80xi32, #tpu.memory_space<vmem>>, vector<16xi32>,
        tpu.vector_store %arg20[%swap3A_1006], %add3A_1005 {strides = array<i32>} : memref<80xi32, #tpu.memory_space<vmem>>, vector<16xi32>,
        %get3A_1008 = arith.constant 16 : index
        %get3A_1009 = tpu.vector_load %arg12[%get3A_1008] {strides = array<i32>} : memref<80xi32, #tpu.memory_space<vmem>>, vector<16xi32>,
        %add3A_1010 = vector.broadcast %add3A_102 : i32 to vector<16xi32>
        %add3A_1011 = arith.addi %get3A_1009, %add3A_1010 : vector<16xi32>
        %swap3A_1012 = arith.constant 16 : index
        %swap3A_1013 = tpu.vector_load %arg20[%swap3A_1012] {strides = array<i32>} : memref<80xi32, #tpu.memory_space<vmem>>, vector<16xi32>,
        tpu.vector_store %arg20[%swap3A_1012], %add3A_1011 {strides = array<i32>} : memref<80xi32, #tpu.memory_space<vmem>>, vector<16xi32>,
        %get3A_1014 = arith.constant 32 : index
        %get3A_1015 = tpu.vector_load %arg12[%get3A_1014] {strides = array<i32>} : memref<80xi32, #tpu.memory_space<vmem>>, vector<16xi32>,
        %add3A_1016 = vector.broadcast %add3A_102 : i32 to vector<16xi32>
        %add3A_1017 = arith.addi %get3A_1015, %add3A_1016 : vector<16xi32>
        %swap3A_1018 = arith.constant 32 : index
        %swap3A_1019 = tpu.vector_load %arg20[%swap3A_1018] {strides = array<i32>} : memref<80xi32, #tpu.memory_space<vmem>>, vector<16xi32>,
        tpu.vector_store %arg20[%swap3A_1018], %add3A_1017 {strides = array<i32>} : memref<80xi32, #tpu.memory_space<vmem>>, vector<16xi32>,
        %get3A_1020 = arith.constant 48 : index
        %get3A_1021 = tpu.vector_load %arg12[%get3A_1020] {strides = array<i32>} : memref<80xi32, #tpu.memory_space<vmem>>, vector<16xi32>,
        %add3A_1022 = vector.broadcast %add3A_102 : i32 to vector<16xi32>
        %add3A_1023 = arith.addi %get3A_1021, %add3A_1022 : vector<16xi32>
        %swap3A_1024 = arith.constant 48 : index
        %swap3A_1025 = tpu.vector_load %arg20[%swap3A_1024] {strides = array<i32>} : memref<80xi32, #tpu.memory_space<vmem>>, vector<16xi32>,
        tpu.vector_store %arg20[%swap3A_1024], %add3A_1023 {strides = array<i32>} : memref<80xi32, #tpu.memory_space<vmem>>, vector<16xi32>,
        %get3A_1026 = arith.constant 64 : index
        %get3A_1027 = tpu.vector_load %arg12[%get3A_1026] {strides = array<i32>} : memref<80xi32, #tpu.memory_space<vmem>>, vector<16xi32>,
        %add3A_1028 = vector.broadcast %add3A_102 : i32 to vector<16xi32>
        %add3A_1029 = arith.addi %get3A_1027, %add3A_1028 : vector<16xi32>
        %swap3A_1030 = arith.constant 64 : index
        %swap3A_1031 = tpu.vector_load %arg20[%swap3A_1030] {strides = array<i32>} : memref<80xi32, #tpu.memory_space<vmem>>, vector<16xi32>,
        tpu.vector_store %arg20[%swap3A_1030], %add3A_1029 {strides = array<i32>} : memref<80xi32, #tpu.memory_space<vmem>>, vector<16xi32>,
        %dma_start3A_1032 = arith.constant 0 : i32
        %dma_start3A_1033 = tpu.memref_slice %arg3[%dma_start3A_1032] : memref<80000xf32, #tpu.memory_space<hbm>> -> memref<80000xf32, #tpu.memory_space<hbm>>
        tpu.enqueue_indirect_dma source(%dma_start3A_1033 : memref<80000xf32, #tpu.memory_space<hbm>>) target(%arg28 : memref<80xf32, #tpu.memory_space<vmem>>) offsets(%arg20 : memref<80xi32, #tpu.memory_space<vmem>>) semaphore(%arg39 : memref<!tpu.dma_semaphore, #tpu.memory_space<semaphore_mem>>)
      } else {
      }
      %lt3A_853 = arith.constant 123 : i32
      %lt3A_854 = arith.cmpi slt, %scan3A_473, %lt3A_853 : i32
      %convert_element_type3A_855 = arith.extui %lt3A_854 : i1 to i32
      %cond3A_856 = arith.constant 0 : i32
      %cond3A_857 = arith.cmpi ne, %convert_element_type3A_855, %cond3A_856 : i32
      scf.if %cond3A_857 {
        %mul3A_859 = arith.constant 2 : i32
        %mul3A_860 = arith.muli %mul3A_859, %scan3A_473 : i32
        %add3A_861 = arith.constant 4 : i32
        %add3A_862 = arith.addi %mul3A_860, %add3A_861 : i32
        %mul3A_863 = arith.constant 20000 : i32
        %mul3A_864 = arith.muli %arg1, %mul3A_863 : i32
        %mul3A_865 = arith.constant 80 : i32
        %mul3A_866 = arith.muli %add3A_862, %mul3A_865 : i32
        %add3A_867 = arith.addi %mul3A_864, %mul3A_866 : i32
        %dma_start3A_868 = tpu.memref_slice %arg4[%add3A_867] : memref<320000xi32, #tpu.memory_space<hbm>> -> memref<160xi32, #tpu.memory_space<hbm>>
        %dma_start3A_869 = tpu.memref_slice %arg4[%add3A_867] : memref<320000xi32, #tpu.memory_space<hbm>> -> memref<160xi32, #tpu.memory_space<hbm>>
        tpu.enqueue_dma source(%dma_start3A_869 : memref<160xi32, #tpu.memory_space<hbm>>) target(%arg34 : memref<160xi32, #tpu.memory_space<vmem>>) target_semaphore(%arg40 : memref<!tpu.dma_semaphore, #tpu.memory_space<semaphore_mem>>)
        %dma_start3A_870 = tpu.memref_slice %arg5[%add3A_867] : memref<320000xi32, #tpu.memory_space<hbm>> -> memref<160xi32, #tpu.memory_space<hbm>>
        %dma_start3A_871 = tpu.memref_slice %arg5[%add3A_867] : memref<320000xi32, #tpu.memory_space<hbm>> -> memref<160xi32, #tpu.memory_space<hbm>>
        tpu.enqueue_dma source(%dma_start3A_871 : memref<160xi32, #tpu.memory_space<hbm>>) target(%arg35 : memref<160xi32, #tpu.memory_space<vmem>>) target_semaphore(%arg40 : memref<!tpu.dma_semaphore, #tpu.memory_space<semaphore_mem>>)
      } else {
      }
      %scan3A_858 = arith.constant 0 : i32
      scf.yield %scan3A_858 : i32
    }
    %scan3A_469 = arith.constant 125 : i32
    %barrier3A_470 = arith.constant 0 : index
    tpu.barrier barrier_id(%barrier3A_470)
    %mul3A_471 = arith.constant 640 : i32
    %mul3A_472 = arith.muli %arg1, %mul3A_471 : i32
    "tpu.region"() ({
      %run_scoped3A = tpu.sem_alloc : memref<!tpu.dma_semaphore, #tpu.memory_space<semaphore_mem>>
      %dma_start3A_473 = arith.constant 0 : i32
      %dma_start3A_474 = arith.constant 0 : i32
      %dma_start3A_475 = tpu.memref_slice %arg7[%arg0, %dma_start3A_473, %dma_start3A_474] : memref<2x10240x128xf32, #tpu.memory_space<hbm>> -> memref<1x10240x128xf32, #tpu.memory_space<hbm>>
      %dma_start3A_476 = tpu.memref_squeeze %dma_start3A_475 : memref<1x10240x128xf32, #tpu.memory_space<hbm>> -> memref<10240x128xf32, #tpu.memory_space<hbm>>
      %dma_start3A_477 = arith.constant 0 : i32
      %dma_start3A_478 = tpu.memref_slice %dma_start3A_476[%mul3A_472, %dma_start3A_477] : memref<10240x128xf32, #tpu.memory_space<hbm>> -> memref<640x128xf32, #tpu.memory_space<hbm>>
      %dma_start3A_479 = arith.constant 0 : i32
      %dma_start3A_480 = tpu.memref_slice %arg41[%mul3A_472, %dma_start3A_479] : memref<10240x128xf32, #tpu.memory_space<vmem_shared>> -> memref<640x128xf32, #tpu.memory_space<vmem_shared>>
      tpu.enqueue_dma source(%dma_start3A_480 : memref<640x128xf32, #tpu.memory_space<vmem_shared>>) target(%dma_start3A_478 : memref<640x128xf32, #tpu.memory_space<hbm>>) target_semaphore(%run_scoped3A : memref<!tpu.dma_semaphore, #tpu.memory_space<semaphore_mem>>)
      %dma_wait3A = arith.constant 0 : i32
      %dma_wait3A_481 = arith.constant 0 : i32
      %dma_wait3A_482 = tpu.memref_slice %arg7[%arg0, %dma_wait3A, %dma_wait3A_481] : memref<2x10240x128xf32, #tpu.memory_space<hbm>> -> memref<1x10240x128xf32, #tpu.memory_space<hbm>>
      %dma_wait3A_483 = tpu.memref_squeeze %dma_wait3A_482 : memref<1x10240x128xf32, #tpu.memory_space<hbm>> -> memref<10240x128xf32, #tpu.memory_space<hbm>>
      %dma_wait3A_484 = arith.constant 0 : i32
      %dma_wait3A_485 = tpu.memref_slice %dma_wait3A_483[%mul3A_472, %dma_wait3A_484] : memref<10240x128xf32, #tpu.memory_space<hbm>> -> memref<640x128xf32, #tpu.memory_space<hbm>>
      %dma_wait3A_486 = arith.constant 0 : i32
      %dma_wait3A_487 = tpu.memref_slice %arg41[%mul3A_472, %dma_wait3A_486] : memref<10240x128xf32, #tpu.memory_space<vmem_shared>> -> memref<640x128xf32, #tpu.memory_space<vmem_shared>>
      tpu.wait_dma2 semaphore(%run_scoped3A : memref<!tpu.dma_semaphore, #tpu.memory_space<semaphore_mem>>) src(%dma_wait3A_487 : memref<640x128xf32, #tpu.memory_space<vmem_shared>>) dst(%dma_wait3A_485 : memref<640x128xf32, #tpu.memory_space<hbm>>)
      tpu.yield
    }) : () -> ()
    "tpu.region"() ({
      %run_scoped3A = tpu.sem_alloc : memref<!tpu.dma_semaphore, #tpu.memory_space<semaphore_mem>>
      %dma_start3A_473 = arith.constant 0 : i32
      %dma_start3A_474 = arith.constant 0 : i32
      %dma_start3A_475 = tpu.memref_slice %arg8[%arg0, %dma_start3A_473, %dma_start3A_474] : memref<2x16x20480xf32, #tpu.memory_space<hbm>> -> memref<1x16x20480xf32, #tpu.memory_space<hbm>>
      %dma_start3A_476 = tpu.memref_squeeze %dma_start3A_475 : memref<1x16x20480xf32, #tpu.memory_space<hbm>> -> memref<16x20480xf32, #tpu.memory_space<hbm>>
      %dma_start3A_477 = arith.constant 0 : i32
      %dma_start3A_478 = tpu.memref_slice %dma_start3A_476[%arg1, %dma_start3A_477] : memref<16x20480xf32, #tpu.memory_space<hbm>> -> memref<1x20480xf32, #tpu.memory_space<hbm>>
      %dma_start3A_479 = tpu.memref_squeeze %dma_start3A_478 : memref<1x20480xf32, #tpu.memory_space<hbm>> -> memref<20480xf32, #tpu.memory_space<hbm>>
      %dma_start3A_480 = arith.constant 0 : i32
      %dma_start3A_481 = arith.constant 0 : i32
      %dma_start3A_482 = tpu.memref_slice %arg8[%arg0, %dma_start3A_480, %dma_start3A_481] : memref<2x16x20480xf32, #tpu.memory_space<hbm>> -> memref<1x16x20480xf32, #tpu.memory_space<hbm>>
      %dma_start3A_483 = tpu.memref_squeeze %dma_start3A_482 : memref<1x16x20480xf32, #tpu.memory_space<hbm>> -> memref<16x20480xf32, #tpu.memory_space<hbm>>
      %dma_start3A_484 = arith.constant 0 : i32
      %dma_start3A_485 = tpu.memref_slice %dma_start3A_483[%arg1, %dma_start3A_484] : memref<16x20480xf32, #tpu.memory_space<hbm>> -> memref<1x20480xf32, #tpu.memory_space<hbm>>
      %dma_start3A_486 = tpu.memref_squeeze %dma_start3A_485 : memref<1x20480xf32, #tpu.memory_space<hbm>> -> memref<20480xf32, #tpu.memory_space<hbm>>
      tpu.enqueue_dma source(%arg31 : memref<20480xf32, #tpu.memory_space<vmem>>) target(%dma_start3A_486 : memref<20480xf32, #tpu.memory_space<hbm>>) target_semaphore(%run_scoped3A : memref<!tpu.dma_semaphore, #tpu.memory_space<semaphore_mem>>)
      %dma_wait3A = arith.constant 0 : i32
      %dma_wait3A_487 = arith.constant 0 : i32
      %dma_wait3A_488 = tpu.memref_slice %arg8[%arg0, %dma_wait3A, %dma_wait3A_487] : memref<2x16x20480xf32, #tpu.memory_space<hbm>> -> memref<1x16x20480xf32, #tpu.memory_space<hbm>>
      %dma_wait3A_489 = tpu.memref_squeeze %dma_wait3A_488 : memref<1x16x20480xf32, #tpu.memory_space<hbm>> -> memref<16x20480xf32, #tpu.memory_space<hbm>>
      %dma_wait3A_490 = arith.constant 0 : i32
      %dma_wait3A_491 = tpu.memref_slice %dma_wait3A_489[%arg1, %dma_wait3A_490] : memref<16x20480xf32, #tpu.memory_space<hbm>> -> memref<1x20480xf32, #tpu.memory_space<hbm>>
      %dma_wait3A_492 = tpu.memref_squeeze %dma_wait3A_491 : memref<1x20480xf32, #tpu.memory_space<hbm>> -> memref<20480xf32, #tpu.memory_space<hbm>>
      %dma_wait3A_493 = arith.constant 0 : i32
      %dma_wait3A_494 = arith.constant 0 : i32
      %dma_wait3A_495 = tpu.memref_slice %arg8[%arg0, %dma_wait3A_493, %dma_wait3A_494] : memref<2x16x20480xf32, #tpu.memory_space<hbm>> -> memref<1x16x20480xf32, #tpu.memory_space<hbm>>
      %dma_wait3A_496 = tpu.memref_squeeze %dma_wait3A_495 : memref<1x16x20480xf32, #tpu.memory_space<hbm>> -> memref<16x20480xf32, #tpu.memory_space<hbm>>
      %dma_wait3A_497 = arith.constant 0 : i32
      %dma_wait3A_498 = tpu.memref_slice %dma_wait3A_496[%arg1, %dma_wait3A_497] : memref<16x20480xf32, #tpu.memory_space<hbm>> -> memref<1x20480xf32, #tpu.memory_space<hbm>>
      %dma_wait3A_499 = tpu.memref_squeeze %dma_wait3A_498 : memref<1x20480xf32, #tpu.memory_space<hbm>> -> memref<20480xf32, #tpu.memory_space<hbm>>
      tpu.wait_dma2 semaphore(%run_scoped3A : memref<!tpu.dma_semaphore, #tpu.memory_space<semaphore_mem>>) src(%arg31 : memref<20480xf32, #tpu.memory_space<vmem>>) dst(%dma_wait3A_499 : memref<20480xf32, #tpu.memory_space<hbm>>)
      tpu.yield
    }) : () -> ()
    return
  }
}

module attributes {stable_mosaic.version = 14 : i64} {
  func.func @_tc_proj_body(%arg0: i32, %arg1: memref<1000x128xf32, #tpu.memory_space<vmem>>, %arg2: memref<256x128xf32, #tpu.memory_space<vmem>>, %arg3: memref<256x16xf32, #tpu.memory_space<vmem>>, %arg4: memref<2x1000x128xf32, #tpu.memory_space<vmem>>, %arg5: memref<1000x16xf32, #tpu.memory_space<vmem>>, %arg6: memref<8x128xf32, #tpu.memory_space<vmem>>) attributes {dimension_semantics = [#tpu.dimension_semantics<arbitrary>], iteration_bounds = array<i64: 10>, scalar_prefetch = 0 : i64, scratch_operands = 0 : i64, tpu.core_type = #tpu.core_type<tc>, window_params = [{transform_indices = @transform_0, window_bounds = array<i64: 1000, 128>}, {pipeline_mode = #tpu.pipeline_mode<synchronous>, transform_indices = @transform_1, window_bounds = array<i64: 256, 128>}, {pipeline_mode = #tpu.pipeline_mode<synchronous>, transform_indices = @transform_2, window_bounds = array<i64: 256, 16>}, {transform_indices = @transform_3, window_bounds = array<i64: 2, 1000, 128>}, {transform_indices = @transform_4, window_bounds = array<i64: 1000, 16>}, {pipeline_mode = #tpu.pipeline_mode<synchronous>, transform_indices = @transform_5, window_bounds = array<i64: 8, 128>}]} {
    %get3A = arith.constant 0 : index
    %get3A_0 = arith.constant 0 : index
    %get3A_1 = vector.load %arg1[%get3A, %get3A_0] : memref<1000x128xf32, #tpu.memory_space<vmem>>, vector<1000x128xf32>
    %get3A_2 = arith.constant 0 : index
    %get3A_3 = arith.constant 0 : index
    %get3A_4 = vector.load %arg2[%get3A_2, %get3A_3] : memref<256x128xf32, #tpu.memory_space<vmem>>, vector<256x128xf32>
    %dot_general3A = arith.constant dense<0.000000e+00> : vector<1000x256xf32>
    %dot_general3A_5 = tpu.matmul %get3A_1, %get3A_4, %dot_general3A {dimension_numbers = #tpu.dot_dimension_numbers<[1], [1], [0], [0], [0, 0, 1, 0], [], []>, transpose_lhs_hint = false} : vector<1000x128xf32>, vector<256x128xf32>, vector<1000x256xf32> -> vector<1000x256xf32>
    %slice3A = vector.extract_strided_slice %dot_general3A_5 {offsets = [0, 0], sizes = [1000, 128], strides = [1, 1]} : vector<1000x256xf32> to vector<1000x128xf32>
    %swap3A = arith.constant 0 : index
    %swap3A_6 = arith.constant 0 : index
    %swap3A_7 = arith.constant 0 : index
    %swap3A_8 = vector.load %arg4[%swap3A, %swap3A_6, %swap3A_7] : memref<2x1000x128xf32, #tpu.memory_space<vmem>>, vector<1x1000x128xf32>
    %swap3A_9 = vector.shape_cast %swap3A_8 : vector<1x1000x128xf32> to vector<1000x128xf32>
    %swap3A_10 = vector.shape_cast %slice3A : vector<1000x128xf32> to vector<1x1000x128xf32>
    tpu.vector_store %arg4[%swap3A, %swap3A_6, %swap3A_7], %swap3A_10 {strides = array<i32>} : memref<2x1000x128xf32, #tpu.memory_space<vmem>>, vector<1x1000x128xf32>,
    %slice3A_11 = vector.extract_strided_slice %dot_general3A_5 {offsets = [0, 128], sizes = [1000, 128], strides = [1, 1]} : vector<1000x256xf32> to vector<1000x128xf32>
    %swap3A_12 = arith.constant 1 : index
    %swap3A_13 = arith.constant 0 : index
    %swap3A_14 = arith.constant 0 : index
    %swap3A_15 = vector.load %arg4[%swap3A_12, %swap3A_13, %swap3A_14] : memref<2x1000x128xf32, #tpu.memory_space<vmem>>, vector<1x1000x128xf32>
    %swap3A_16 = vector.shape_cast %swap3A_15 : vector<1x1000x128xf32> to vector<1000x128xf32>
    %swap3A_17 = vector.shape_cast %slice3A_11 : vector<1000x128xf32> to vector<1x1000x128xf32>
    tpu.vector_store %arg4[%swap3A_12, %swap3A_13, %swap3A_14], %swap3A_17 {strides = array<i32>} : memref<2x1000x128xf32, #tpu.memory_space<vmem>>, vector<1x1000x128xf32>,
    %get3A_18 = arith.constant 0 : index
    %get3A_19 = arith.constant 0 : index
    %get3A_20 = vector.load %arg3[%get3A_18, %get3A_19] : memref<256x16xf32, #tpu.memory_space<vmem>>, vector<256x16xf32>
    %dot_general3A_21 = arith.constant dense<0.000000e+00> : vector<1000x16xf32>
    %dot_general3A_22 = tpu.matmul %dot_general3A_5, %get3A_20, %dot_general3A_21 {dimension_numbers = #tpu.dot_dimension_numbers<[1], [0], [0], [1], [0, 0, 1, 1], [], []>, transpose_lhs_hint = false} : vector<1000x256xf32>, vector<256x16xf32>, vector<1000x16xf32> -> vector<1000x16xf32>
    %swap3A_23 = arith.constant 0 : index
    %swap3A_24 = arith.constant 0 : index
    %swap3A_25 = vector.load %arg5[%swap3A_23, %swap3A_24] : memref<1000x16xf32, #tpu.memory_space<vmem>>, vector<1000x16xf32>
    tpu.vector_store %arg5[%swap3A_23, %swap3A_24], %dot_general3A_22 {strides = array<i32>} : memref<1000x16xf32, #tpu.memory_space<vmem>>, vector<1000x16xf32>,
    %reduce_max3A = arith.constant dense<0xFF800000> : vector<16xf32>
    %reduce_max3A_26 = vector.multi_reduction <maximumf>, %dot_general3A_22, %reduce_max3A [0] : vector<1000x16xf32> to vector<16xf32>
    %slice3A_27 = vector.extract_strided_slice %reduce_max3A_26 {offsets = [0], sizes = [8], strides = [1]} : vector<16xf32> to vector<8xf32>
    %broadcast_in_dim3A = vector.shape_cast %slice3A_27 : vector<8xf32> to vector<8x1xf32>
    %broadcast_in_dim3A_28 = vector.shape_cast %broadcast_in_dim3A : vector<8x1xf32> to vector<8x1xf32>
    %broadcast_in_dim3A_29 = vector.broadcast %broadcast_in_dim3A_28 : vector<8x1xf32> to vector<8x128xf32>
    %eq3A = arith.constant 0 : i32
    %eq3A_30 = arith.cmpi eq, %arg0, %eq3A : i32
    %get3A_31 = arith.constant 0 : index
    %get3A_32 = arith.constant 0 : index
    %get3A_33 = vector.load %arg6[%get3A_31, %get3A_32] : memref<8x128xf32, #tpu.memory_space<vmem>>, vector<8x128xf32>
    %max3A = arith.maximumf %get3A_33, %broadcast_in_dim3A_29 : vector<8x128xf32>
    %select_n3A = arith.select %eq3A_30, %broadcast_in_dim3A_29, %max3A : vector<8x128xf32>
    %swap3A_34 = arith.constant 0 : index
    %swap3A_35 = arith.constant 0 : index
    %swap3A_36 = vector.load %arg6[%swap3A_34, %swap3A_35] : memref<8x128xf32, #tpu.memory_space<vmem>>, vector<8x128xf32>
    tpu.vector_store %arg6[%swap3A_34, %swap3A_35], %select_n3A {strides = array<i32>} : memref<8x128xf32, #tpu.memory_space<vmem>>, vector<8x128xf32>,
    return
  }
  func.func @transform_0(%arg0: i32) -> (i32, i32) {
    %c0_i32 = arith.constant 0 : i32
    %c0_i32_0 = arith.constant 0 : i32
    return %arg0, %c0_i32 : i32, i32
  }
  func.func @transform_1(%arg0: i32) -> (i32, i32) {
    %c0_i32 = arith.constant 0 : i32
    %c0_i32_0 = arith.constant 0 : i32
    %c0_i32_1 = arith.constant 0 : i32
    return %c0_i32, %c0_i32_0 : i32, i32
  }
  func.func @transform_2(%arg0: i32) -> (i32, i32) {
    %c0_i32 = arith.constant 0 : i32
    %c0_i32_0 = arith.constant 0 : i32
    %c0_i32_1 = arith.constant 0 : i32
    return %c0_i32, %c0_i32_0 : i32, i32
  }
  func.func @transform_3(%arg0: i32) -> (i32, i32, i32) {
    %c0_i32 = arith.constant 0 : i32
    %c0_i32_0 = arith.constant 0 : i32
    %c0_i32_1 = arith.constant 0 : i32
    return %c0_i32, %arg0, %c0_i32_0 : i32, i32, i32
  }
  func.func @transform_4(%arg0: i32) -> (i32, i32) {
    %c0_i32 = arith.constant 0 : i32
    %c0_i32_0 = arith.constant 0 : i32
    return %arg0, %c0_i32 : i32, i32
  }
  func.func @transform_5(%arg0: i32) -> (i32, i32) {
    %c0_i32 = arith.constant 0 : i32
    %c0_i32_0 = arith.constant 0 : i32
    %c0_i32_1 = arith.constant 0 : i32
    return %c0_i32, %c0_i32_0 : i32, i32
  }
}

module attributes {stable_mosaic.version = 14 : i64} {
  func.func @_tc_norm_body(%arg0: i32, %arg1: memref<1024x128xf32, #tpu.memory_space<vmem>>, %arg2: memref<1024x128xf32, #tpu.memory_space<vmem>>, %arg3: memref<1024x16xf32, #tpu.memory_space<vmem>>, %arg4: memref<1024x16xf32, #tpu.memory_space<vmem>>, %arg5: memref<1024x16xf32, #tpu.memory_space<vmem>>, %arg6: memref<1024x16xf32, #tpu.memory_space<vmem>>, %arg7: memref<1024x256xf32, #tpu.memory_space<vmem>>) attributes {dimension_semantics = [#tpu.dimension_semantics<arbitrary>], iteration_bounds = array<i64: 10>, scalar_prefetch = 0 : i64, scratch_operands = 0 : i64, tpu.core_type = #tpu.core_type<tc>, window_params = [{transform_indices = @transform_0, window_bounds = array<i64: 1024, 128>}, {transform_indices = @transform_1, window_bounds = array<i64: 1024, 128>}, {transform_indices = @transform_2, window_bounds = array<i64: 1024, 16>}, {transform_indices = @transform_3, window_bounds = array<i64: 1024, 16>}, {transform_indices = @transform_4, window_bounds = array<i64: 1024, 16>}, {transform_indices = @transform_5, window_bounds = array<i64: 1024, 16>}, {transform_indices = @transform_6, window_bounds = array<i64: 1024, 256>}]} {
    %get3A = arith.constant 0 : index
    %get3A_0 = arith.constant 0 : index
    %get3A_1 = vector.load %arg3[%get3A, %get3A_0] : memref<1024x16xf32, #tpu.memory_space<vmem>>, vector<1024x16xf32>
    %reduce_sum3A = arith.constant dense<0.000000e+00> : vector<1024xf32>
    %reduce_sum3A_2 = vector.multi_reduction <add>, %get3A_1, %reduce_sum3A [1] : vector<1024x16xf32> to vector<1024xf32>
    %broadcast_in_dim3A = vector.shape_cast %reduce_sum3A_2 : vector<1024xf32> to vector<1024x1xf32>
    %max3A = arith.constant 1.000000e-30 : f32
    %max3A_3 = vector.broadcast %max3A : f32 to vector<1024x1xf32>
    %max3A_4 = arith.maximumf %broadcast_in_dim3A, %max3A_3 : vector<1024x1xf32>
    %div3A = arith.constant 1.000000e+00 : f32
    %div3A_5 = vector.broadcast %div3A : f32 to vector<1024x1xf32>
    %div3A_6 = arith.divf %div3A_5, %max3A_4 : vector<1024x1xf32>
    %get3A_7 = arith.constant 0 : index
    %get3A_8 = arith.constant 0 : index
    %get3A_9 = vector.load %arg4[%get3A_7, %get3A_8] : memref<1024x16xf32, #tpu.memory_space<vmem>>, vector<1024x16xf32>
    %reduce_sum3A_10 = arith.constant dense<0.000000e+00> : vector<1024xf32>
    %reduce_sum3A_11 = vector.multi_reduction <add>, %get3A_9, %reduce_sum3A_10 [1] : vector<1024x16xf32> to vector<1024xf32>
    %broadcast_in_dim3A_12 = vector.shape_cast %reduce_sum3A_11 : vector<1024xf32> to vector<1024x1xf32>
    %max3A_13 = arith.constant 1.000000e-30 : f32
    %max3A_14 = vector.broadcast %max3A_13 : f32 to vector<1024x1xf32>
    %max3A_15 = arith.maximumf %broadcast_in_dim3A_12, %max3A_14 : vector<1024x1xf32>
    %div3A_16 = arith.constant 1.000000e+00 : f32
    %div3A_17 = vector.broadcast %div3A_16 : f32 to vector<1024x1xf32>
    %div3A_18 = arith.divf %div3A_17, %max3A_15 : vector<1024x1xf32>
    %get3A_19 = arith.constant 0 : index
    %get3A_20 = arith.constant 0 : index
    %get3A_21 = vector.load %arg5[%get3A_19, %get3A_20] : memref<1024x16xf32, #tpu.memory_space<vmem>>, vector<1024x16xf32>
    %reduce_sum3A_22 = arith.constant dense<0.000000e+00> : vector<1024xf32>
    %reduce_sum3A_23 = vector.multi_reduction <add>, %get3A_21, %reduce_sum3A_22 [1] : vector<1024x16xf32> to vector<1024xf32>
    %broadcast_in_dim3A_24 = vector.shape_cast %reduce_sum3A_23 : vector<1024xf32> to vector<1024x1xf32>
    %max3A_25 = arith.constant 1.000000e-30 : f32
    %max3A_26 = vector.broadcast %max3A_25 : f32 to vector<1024x1xf32>
    %max3A_27 = arith.maximumf %broadcast_in_dim3A_24, %max3A_26 : vector<1024x1xf32>
    %div3A_28 = arith.constant 1.000000e+00 : f32
    %div3A_29 = vector.broadcast %div3A_28 : f32 to vector<1024x1xf32>
    %div3A_30 = arith.divf %div3A_29, %max3A_27 : vector<1024x1xf32>
    %get3A_31 = arith.constant 0 : index
    %get3A_32 = arith.constant 0 : index
    %get3A_33 = vector.load %arg6[%get3A_31, %get3A_32] : memref<1024x16xf32, #tpu.memory_space<vmem>>, vector<1024x16xf32>
    %reduce_sum3A_34 = arith.constant dense<0.000000e+00> : vector<1024xf32>
    %reduce_sum3A_35 = vector.multi_reduction <add>, %get3A_33, %reduce_sum3A_34 [1] : vector<1024x16xf32> to vector<1024xf32>
    %broadcast_in_dim3A_36 = vector.shape_cast %reduce_sum3A_35 : vector<1024xf32> to vector<1024x1xf32>
    %max3A_37 = arith.constant 1.000000e-30 : f32
    %max3A_38 = vector.broadcast %max3A_37 : f32 to vector<1024x1xf32>
    %max3A_39 = arith.maximumf %broadcast_in_dim3A_36, %max3A_38 : vector<1024x1xf32>
    %div3A_40 = arith.constant 1.000000e+00 : f32
    %div3A_41 = vector.broadcast %div3A_40 : f32 to vector<1024x1xf32>
    %div3A_42 = arith.divf %div3A_41, %max3A_39 : vector<1024x1xf32>
    %get3A_43 = arith.constant 0 : index
    %get3A_44 = arith.constant 0 : index
    %get3A_45 = vector.load %arg1[%get3A_43, %get3A_44] : memref<1024x128xf32, #tpu.memory_space<vmem>>, vector<1024x64xf32>
    %mul3A = vector.broadcast %div3A_6 : vector<1024x1xf32> to vector<1024x64xf32>
    %mul3A_46 = arith.mulf %get3A_45, %mul3A : vector<1024x64xf32>
    %swap3A = arith.constant 0 : index
    %swap3A_47 = arith.constant 0 : index
    %swap3A_48 = vector.load %arg7[%swap3A, %swap3A_47] : memref<1024x256xf32, #tpu.memory_space<vmem>>, vector<1024x64xf32>
    tpu.vector_store %arg7[%swap3A, %swap3A_47], %mul3A_46 {strides = array<i32>} : memref<1024x256xf32, #tpu.memory_space<vmem>>, vector<1024x64xf32>,
    %get3A_49 = arith.constant 0 : index
    %get3A_50 = arith.constant 64 : index
    %get3A_51 = vector.load %arg1[%get3A_49, %get3A_50] : memref<1024x128xf32, #tpu.memory_space<vmem>>, vector<1024x64xf32>
    %mul3A_52 = vector.broadcast %div3A_18 : vector<1024x1xf32> to vector<1024x64xf32>
    %mul3A_53 = arith.mulf %get3A_51, %mul3A_52 : vector<1024x64xf32>
    %swap3A_54 = arith.constant 0 : index
    %swap3A_55 = arith.constant 64 : index
    %swap3A_56 = vector.load %arg7[%swap3A_54, %swap3A_55] : memref<1024x256xf32, #tpu.memory_space<vmem>>, vector<1024x64xf32>
    tpu.vector_store %arg7[%swap3A_54, %swap3A_55], %mul3A_53 {strides = array<i32>} : memref<1024x256xf32, #tpu.memory_space<vmem>>, vector<1024x64xf32>,
    %get3A_57 = arith.constant 0 : index
    %get3A_58 = arith.constant 0 : index
    %get3A_59 = vector.load %arg2[%get3A_57, %get3A_58] : memref<1024x128xf32, #tpu.memory_space<vmem>>, vector<1024x64xf32>
    %mul3A_60 = vector.broadcast %div3A_30 : vector<1024x1xf32> to vector<1024x64xf32>
    %mul3A_61 = arith.mulf %get3A_59, %mul3A_60 : vector<1024x64xf32>
    %swap3A_62 = arith.constant 0 : index
    %swap3A_63 = arith.constant 128 : index
    %swap3A_64 = vector.load %arg7[%swap3A_62, %swap3A_63] : memref<1024x256xf32, #tpu.memory_space<vmem>>, vector<1024x64xf32>
    tpu.vector_store %arg7[%swap3A_62, %swap3A_63], %mul3A_61 {strides = array<i32>} : memref<1024x256xf32, #tpu.memory_space<vmem>>, vector<1024x64xf32>,
    %get3A_65 = arith.constant 0 : index
    %get3A_66 = arith.constant 64 : index
    %get3A_67 = vector.load %arg2[%get3A_65, %get3A_66] : memref<1024x128xf32, #tpu.memory_space<vmem>>, vector<1024x64xf32>
    %mul3A_68 = vector.broadcast %div3A_42 : vector<1024x1xf32> to vector<1024x64xf32>
    %mul3A_69 = arith.mulf %get3A_67, %mul3A_68 : vector<1024x64xf32>
    %swap3A_70 = arith.constant 0 : index
    %swap3A_71 = arith.constant 192 : index
    %swap3A_72 = vector.load %arg7[%swap3A_70, %swap3A_71] : memref<1024x256xf32, #tpu.memory_space<vmem>>, vector<1024x64xf32>
    tpu.vector_store %arg7[%swap3A_70, %swap3A_71], %mul3A_69 {strides = array<i32>} : memref<1024x256xf32, #tpu.memory_space<vmem>>, vector<1024x64xf32>,
    return
  }
  func.func @transform_0(%arg0: i32) -> (i32, i32) {
    %c0_i32 = arith.constant 0 : i32
    %c0_i32_0 = arith.constant 0 : i32
    return %arg0, %c0_i32 : i32, i32
  }
  func.func @transform_1(%arg0: i32) -> (i32, i32) {
    %c0_i32 = arith.constant 0 : i32
    %c0_i32_0 = arith.constant 0 : i32
    return %arg0, %c0_i32 : i32, i32
  }
  func.func @transform_2(%arg0: i32) -> (i32, i32) {
    %c0_i32 = arith.constant 0 : i32
    %c0_i32_0 = arith.constant 0 : i32
    return %arg0, %c0_i32 : i32, i32
  }
  func.func @transform_3(%arg0: i32) -> (i32, i32) {
    %add3A = arith.constant 10 : i32
    %add3A_0 = arith.addi %arg0, %add3A : i32
    %c0_i32 = arith.constant 0 : i32
    %c0_i32_1 = arith.constant 0 : i32
    return %add3A_0, %c0_i32 : i32, i32
  }
  func.func @transform_4(%arg0: i32) -> (i32, i32) {
    %c0_i32 = arith.constant 0 : i32
    %c0_i32_0 = arith.constant 0 : i32
    return %arg0, %c0_i32 : i32, i32
  }
  func.func @transform_5(%arg0: i32) -> (i32, i32) {
    %add3A = arith.constant 10 : i32
    %add3A_0 = arith.addi %arg0, %add3A : i32
    %c0_i32 = arith.constant 0 : i32
    %c0_i32_1 = arith.constant 0 : i32
    return %add3A_0, %c0_i32 : i32, i32
  }
  func.func @transform_6(%arg0: i32) -> (i32, i32) {
    %c0_i32 = arith.constant 0 : i32
    %c0_i32_0 = arith.constant 0 : i32
    return %arg0, %c0_i32 : i32, i32
  }
}

</mosaic_0001>

<sc_bundles>
// kernel: kernel.5.cloned.1.call-start
scs
__scs_entry_jumppad:
0x0: {  	(pc) =	sbr.rel $0x88, $3  }
0x1: {  	(tag) =	ssettag $0x0;
	lr =	simm.s32 $0x1  }
0x2: {  	[smem:$0x3F9D] =	sst lr;
	_ =	strace $0xD0000000  }
0x3: {  	_ = 	snop  }
0x4: {  	_ = 	snop  }
0x5: {  	_ = 	snop  }
0x6: {  	_ = 	snop  }
0x7: {  	_ = 	snop  }
__scs_overlays_trampoline_lowered:
0x8: {  	[smem:$0x3FAC] =	sst s0  }
0x9: {  	[smem:$0x3FAD] =	sst s1  }
0xa: {  	[smem:$0x3FAE] =	sst s2  }
0xb: {  	[smem:$0x3FAF] =	sst s3  }
0xc: {  	[smem:$0x3FB0] =	sst s4  }
0xd: {  	[smem:$0x3FB1] =	sst s5  }
0xe: {  	[smem:$0x3FB2] =	sst s6  }
0xf: {  	[smem:$0x3FB3] =	sst s7  }
0x10: {  	[smem:$0x3FB4] =	sst s8  }
0x11: {  	[smem:$0x3FB5] =	sst s9;
	s0 =	simm.s32 @!p0 $0x0  }
0x12: {  	s1 =	sld [smem:$0x3F9B];
	s0 =	simm.s32 @p0 $0x1  }
0x13: {  	[smem:$0x3FB6] =	sst s0;
	s0 =	simm.s32 @!p1 $0x0  }
0x14: {  	s2 =	sld [smem:$0x3F9A];
	s0 =	simm.s32 @p1 $0x1  }
0x15: {  	[smem:$0x3FB7] =	sst s0;
	s0 =	simm.s32 @!p2 $0x0  }
0x16: {  	s3 =	sld [smem:$0x3FDB];
	s0 =	simm.s32 @p2 $0x1  }
0x17: {  	s4 =	simm.s32 $0x1BF5;
	[smem:$0x3FB9] =	sst s0  }
0x18: {  	s0 =	sld [smem:$0x3F9C];
	_ =	swait.ge [sflag:s4], $0x0  }
0x19: {  	s7 =	sld [smem:$0x3F9D]  }
0x1a: {  	s8 =	sadd.s32 $0xFFFFE003, lr  }
0x1b: {  	s9 =	sadd.s32 $0xFFFFFEF7, lr;
	s5 =	simm.s32 $0xFFFFFFFF;
	p2 =	slt.u32 s8, $0xFFFFF086  }
0x1c: {  	p1 =	slt.u32 s9, $0xF7A;
	s5 =	simm.s32 @!p2 $0x0  }
0x1d: {  	s5 =	simm.s32 @p1 $0x1;
	p0 =	seq.s32 s7, s2  }
0x1e: {  	s7 =	smul.u32 @!p0 $0xF7A, s2;
	p2 =	seq.s32 @!p0 s5, $0x0  }
0x1f: {  	s9 =	smul.u32 $0xF7A, s1;
	s8 =	simm.s32 @!p0 $0x1BF5;
	p2 =	por !p2, p0  }
0x20: {  	[sflag:s8] =	ssyncset.s32 @!p0 $0xFFFFF086;
	s6 =	sadd.s32 @!p0 s3, s7;
	s7 =	simm.s32 @!p0 $0x108  }
0x21: {  	s3 =	sadd.s32 s3, s9;
	s6 =	sadd.s32 @!p0 $0x88, s6;
	s7 =	simm.s32 @p2 $0x1082  }
0x22: {  	[simem:s7], [sflag:s8] =	dma.local @!p0 [hbm:s6], $0xF7A  }
0x23: {  	s9 =	sor.u32 $0xD0000000, s2;
	s6 =	simm.s32 $0x108;
	_ =	swait.ge @!p0 [sflag:s8], $0x0  }
0x24: {  	s3 =	sadd.s32 $0x88, s3;
	s6 =	simm.s32 @!p1 $0x1082;
	[sflag:s4] =	ssyncset.s32 $0xFFFFF086  }
0x25: {  	[simem:s6], [sflag:s4] =	dma.local [hbm:s3], $0xF7A  }
0x26: {  	[smem:$0x3F9D] =	sst s1;
	(tag) =	ssettag s2;
	_ =	strace s9  }
0x27: {  	s1 =	sld [smem:$0x3FAD]  }
0x28: {  	s2 =	sld [smem:$0x3FAE]  }
0x29: {  	s4 =	sld [smem:$0x3FB0]  }
0x2a: {  	p0 =	seq.s32 s5, $0x0;
	s5 =	sld [smem:$0x3FB1]  }
0x2b: {  	s6 =	sld [smem:$0x3FB2]  }
0x2c: {  	s7 =	sld [smem:$0x3FB3]  }
0x2d: {  	s3 =	simm.s32 $0x108;
	s8 =	sld [smem:$0x3FB4]  }
0x2e: {  	s3 =	simm.s32 @!p0 $0x1082;
	s9 =	sld [smem:$0x3FB5]  }
0x2f: {  	lr =	sadd.s32 s0, s3;
	s0 =	sld [smem:$0x3FAC]  }
0x30: {  	s3 =	sld [smem:$0x3FAF]  }
0x31: {  	[smem:$0x3FB8] =	sst s10  }
0x32: {  	s10 =	sld [smem:$0x3FB6];
	_ =	sdelay $0x3  }
0x33: {  	p0 =	seq.s32 s10, $0x1;
	s10 =	sld [smem:$0x3FB8];
	_ =	sdelay $0x3  }
0x34: {  	[smem:$0x3FB8] =	sst s10  }
0x35: {  	s10 =	sld [smem:$0x3FB7];
	_ =	sdelay $0x3  }
0x36: {  	p1 =	seq.s32 s10, $0x1;
	s10 =	sld [smem:$0x3FB8];
	_ =	sdelay $0x3  }
0x37: {  	[smem:$0x3FB8] =	sst s10  }
0x38: {  	s10 =	sld [smem:$0x3FB9]  }
0x39: {  	_ = 	snop;
	(pc) =	sbr.ind lr, $3  }
0x3a: {  	_ = 	snop  }
0x3b: {  	_ = 	snop  }
0x3c: {  	p2 =	seq.s32 s10, $0x1;
	s10 =	sld [smem:$0x3FB8]  }
0x3d: {  	_ =	shalt  }
0x3e: {  	_ =	shalt  }
0x3f: {  	_ =	shalt  }
0x40: {  	_ =	shalt  }
0x41: {  	_ =	shalt  }
0x42: {  	_ =	shalt  }
0x43: {  	_ =	shalt  }
0x44: {  	_ =	shalt  }
0x45: {  	_ =	shalt  }
0x46: {  	_ =	shalt  }
0x47: {  	_ =	shalt  }
0x48: {  	_ =	shalt  }
0x49: {  	_ =	shalt  }
0x4a: {  	_ =	shalt  }
0x4b: {  	_ =	shalt  }
0x4c: {  	_ =	shalt  }
0x4d: {  	_ =	shalt  }
0x4e: {  	_ =	shalt  }
0x4f: {  	_ =	shalt  }
0x50: {  	_ =	shalt  }
0x51: {  	_ =	shalt  }
0x52: {  	_ =	shalt  }
0x53: {  	_ =	shalt  }
0x54: {  	_ =	shalt  }
0x55: {  	_ =	shalt  }
0x56: {  	_ =	shalt  }
0x57: {  	_ =	shalt  }
0x58: {  	_ =	shalt  }
0x59: {  	_ =	shalt  }
0x5a: {  	_ =	shalt  }
0x5b: {  	_ =	shalt  }
0x5c: {  	_ =	shalt  }
0x5d: {  	_ =	shalt  }
0x5e: {  	_ =	shalt  }
0x5f: {  	_ =	shalt  }
0x60: {  	_ =	shalt  }
0x61: {  	_ =	shalt  }
0x62: {  	_ =	shalt  }
0x63: {  	_ =	shalt  }
0x64: {  	_ =	shalt  }
0x65: {  	_ =	shalt  }
0x66: {  	_ =	shalt  }
0x67: {  	_ =	shalt  }
0x68: {  	_ =	shalt  }
0x69: {  	_ =	shalt  }
0x6a: {  	_ =	shalt  }
0x6b: {  	_ =	shalt  }
0x6c: {  	_ =	shalt  }
0x6d: {  	_ =	shalt  }
0x6e: {  	_ =	shalt  }
0x6f: {  	_ =	shalt  }
0x70: {  	_ =	shalt  }
0x71: {  	_ =	shalt  }
0x72: {  	_ =	shalt  }
0x73: {  	_ =	shalt  }
0x74: {  	_ =	shalt  }
0x75: {  	_ =	shalt  }
0x76: {  	_ =	shalt  }
0x77: {  	_ =	shalt  }
0x78: {  	_ =	shalt  }
0x79: {  	_ =	shalt  }
0x7a: {  	_ =	shalt  }
0x7b: {  	_ =	shalt  }
0x7c: {  	_ =	shalt  }
0x7d: {  	_ =	shalt  }
0x7e: {  	_ =	shalt  }
0x7f: {  	_ =	shalt  }
0x80: {  	_ =	shalt  }
0x81: {  	_ =	shalt  }
0x82: {  	_ =	shalt  }
0x83: {  	_ =	shalt  }
0x84: {  	_ =	shalt  }
0x85: {  	_ =	shalt  }
0x86: {  	_ =	shalt  }
0x87: {  	_ =	shalt  }
.Lfunc_end0:
.L_simem_size_0:
called_computation_lowered:
.L_overlay_start_0:
0x88: {  	s2 =	sld [smem:$0x3FD9]  }
0x89: {  	s3 =	sld [smem:$0x3FFE];
	_ =	sdelay $0x1  }
0x8a: {  	s1 =	srdreg.scid  }
0x8b: {  	s0 =	sand.u32 $0x1, s1  }
0x8c: {  	s17 =	sshll.u32 s0, $0xA;
	s2 =	sadd.s32 s3, s2  }
0x8d: {  	s2 =	sadd.s32 s2, s17  }
0x8e: {  	[smem:$0x3FC4] =	sst s2  }
0x8f: {  	_ = 	snop  }
0x90: {  	s2 =	sld [smem:$0x3FD0];
	(tm) =	ssettm $0x1  }
0x91: {  	s18 =	sld [smem:$0x3FFB];
	_ =	sdelay $0x3  }
0x92: {  	_ =	strace s18  }
0x93: {  	s3 =	sld [smem:$0x3FFC];
	_ =	sdelay $0x3  }
0x94: {  	_ =	strace s3  }
0x95: {  	s3 =	sld [smem:$0x3FFD];
	_ =	sdelay $0x3  }
0x96: {  	_ =	strace s3  }
0x97: {  	_ =	strace $0x8FFFFFFF  }
0x98: {  	s19 =	sld [smem:$0x3FDB];
	_ =	sdelay $0x1  }
0x99: {  	s4 =	simm.s32 $_scs_section_size  }
0x9a: {  	s5 =	simm.s32 $_size__tile_overlayer_lowered;
	s6 =	simm.s32 $_tile_overlayer_lowered  }
0x9b: {  	s22 =	simm.s32 $0x1BFF;
	s21 =	sshll.u32 s6, $0x1;
	s3 =	sadd.s32 s4, s19  }
0x9c: {  	s7 =	simm.s32 $0x0;
	s20 =	sshll.u32 s5, $0x1;
	s5 =	sadd.s32 s21, s3  }
0x9d: {  	[timem:s7], [sflag:s22] =	dma.local [hbm:s5], s20  }
0x9e: {  	_ =	swait.ge [sflag:s22], s20  }
0x9f: {  	s4 =	ssub.s32 $0x0, s20;
	[sflag:s22] =	ssyncset.done $0x0  }
0xa0: {  	[sflag:s22] =	ssyncadd.s32 s4;
	_ =	sdelay $0x1  }
0xa1: {  	s23 =	simm.s32 $0x1B8B  }
0xa2: {  	_ =	swait.ge [sflag:s23], $0x1  }
0xa3: {  	[sflag:s23] =	ssyncset.done $0x0  }
0xa4: {  	s25 =	simm.s32 $0x1B8E;
	s24 =	sld [smem:$0x3FFE];
	[sflag:s23] =	ssyncadd.s32 $0xFFFFFFFF  }
0xa5: {  	s26 =	simm.s32 $execute0_lowered;
	[smem:$0x3FD2] =	sst s25  }
0xa6: {  	s5 =	sshll.u32 s26, $0x1;
	_ =	strace $0x80000046;
	[dreg:$0x1] =	wrdreg $0xFFFFFFFF  }
0xa7: {  	s28 =	simm.s32 $_size_execute0_lowered;
	s3 =	sadd.s32 s3, s5;
	[dreg:$0x0] =	wrdreg $0x0  }
0xa8: {  	s5 =	sshll.u32 s28, $0x1;
	[dreg:$0x2] =	wrdreg s3  }
0xa9: {  	[dreg:$0x3] =	wrdreg s5  }
0xaa: {  	[dreg:$0x4] =	wrdreg $0xC0  }
0xab: {  	_ =	task [dreg:s7], $0x5FFFF  }
0xac: {  	[dreg:$0x1] =	wrdreg $0xFFFFFFFF  }
0xad: {  	[dreg:$0x0] =	wrdreg $0x60  }
0xae: {  	[dreg:$0x2] =	wrdreg s2  }
0xaf: {  	[dreg:$0x3] =	wrdreg s24  }
0xb0: {  	[dreg:$0x4] =	wrdreg $0xB1000  }
0xb1: {  	[dreg:$0x5] =	wrdreg $0x9  }
0xb2: {  	_ =	task.clear_ibuf [dreg:s7], $0x6FFFF;
	_ =	strace $0x90000046  }
0xb3: {  	s29 =	simm.s32 $0x9;
	_ =	strace $0x80000048  }
0xb4: {  	_ =	swait.ge [sflag:s29], $0x1  }
0xb5: {  	[sflag:s29] =	ssyncadd.s32 $0xFFFFFFFF  }
0xb6: {  	_ =	strace $0x90000048  }
0xb7: {  	_ =	sfence  }
0xb8: {  	s30 =	sld [smem:$0x0];
	_ =	sdelay $0x2  }
0xb9: {  	s31 =	sshll.u32 s1, $0xD;
	s1 =	sshrl.u32 s1, $0x2  }
0xba: {  	s3 =	sand.u32 $0x4000, s31;
	s1 =	sadd.s32 s1, s30  }
0xbb: {  	s0 =	sor.u32 s3, s0;
	s1 =	sshll.u32 s1, $0x11  }
0xbc: {  	s0 =	sor.u32 s1, s0  }
0xbd: {  	s0 =	sadd.s32 $0x8F2B, s0  }
0xbe: {  	[sflag:s0] =	ssyncadd.remote.s32 $0x1  }
0xbf: {  	_ =	sfence.sel $0xFFFF  }
0xc0: {  	[dreg:$0x0] =	wrdreg $0xFFFFFFFF;
	(pc) =	sbr.abs _section_cstart, $3  }
0xc1: {  	[dreg:$0x1] =	wrdreg $0xFFFFFFFF  }
0xc2: {  	_ =	task.clear_ibuf [dreg:s7], $0x2FFFF;
	_ =	strace $0x9FFFFFFF  }
0xc3: {  	(tm) =	ssettm $0x7FFFFFFF  }
tec
execute0_lowered:
.L_overlay_start_1:
0x0: {  	(tag) =	ssettag $0x1  }
0x1: {  	s0 =	rddreg [dreg:$0x0]  }
0x2: {  	s2 =	rddreg [dreg:$0x1]  }
0x3: {  	s1 =	rddreg [dreg:$0x2];
	s3 =	srdreg.scid  }
0x4: {  	s4 =	simm.s32 $0x0;
	s13 =	stileid.u32;
	s28 =	simm.s32 $0xA00  }
0x5: {  	s31 =	simm.s32 $0x50;
	s29 =	simm.s32 $0x2;
	s30 =	simm.s32 $0x5A00  }
0x6: {  	s3 =	sand.u32 $0x1, s3;
	[smem:$0x7FF] =	sst s4;
	s9 =	smul.u32 $0x50000, s13  }
0x7: {  	s4 =	sadd.s32 $0x14A00, s2;
	s5 =	sadd.s32 $0xAA00, s2;
	s23 =	smul.u32 $0x4E20, s13  }
0x8: {  	s6 =	sadd.s32 $0xC00, s2;
	s10 =	sadd.s32 $0x14800, s2;
	s24 =	smul.u32 $0x2800, s13  }
0x9: {  	s20 =	sshrl.u32 s13, $0x3;
	s21 =	sshll.u32 s13, $0x7;
	s7 =	smul.u32 $0x28000, s3  }
0xa: {  	_ =	strace $0x80000047;
	s8 =	smul.u32 $0xA000, s3;
	[dreg:$0x4] =	wrdreg s10  }
0xb: {  	s25 =	ssub.s32 $0x2, s3;
	s26 =	ssub.s32 $0x0, s3;
	s9 =	sshrl.u32 s9, $0x2  }
0xc: {  	s19 =	smul.u32 $0x27100, s3;
	p0 =	seq.s32 s3, $0x0;
	s22 =	sadd.s32 s9, s1  }
0xd: {  	s10 =	simm.s32 $0x700;
	s9 =	sadd.s32 $0x2800, s22;
	[dreg:$0x5] =	wrdreg s22  }
0xe: {  	s11 =	sshrl.u32 s25, $0x1;
	s14 =	sadd.s32 $0x5000, s22;
	[dreg:$0x6] =	wrdreg s9  }
0xf: {  	s7 =	sadd.s32 s7, s2;
	s15 =	sadd.s32 $0x7800, s22;
	[dreg:$0x7] =	wrdreg s14  }
0x10: {  	s2 =	sadd.s32 s8, s2;
	s16 =	sadd.s32 $0xA000, s22;
	[dreg:$0x8] =	wrdreg s15  }
0x11: {  	s8 =	ssub.s32 s25, s11;
	s17 =	sadd.s32 $0xC800, s22;
	[dreg:$0x9] =	wrdreg s16  }
0x12: {  	s11 =	smul.u32 $0x28000, s20;
	s18 =	sadd.s32 $0xF000, s22;
	[dreg:$0xa] =	wrdreg s17  }
0x13: {  	s12 =	sadd.s32 $0x11800, s22;
	s7 =	sadd.s32 $0x17200, s7;
	[dreg:$0xb] =	wrdreg s18  }
0x14: {  	s2 =	sadd.s32 $0x67200, s2;
	[dreg:$0xc] =	wrdreg s12;
	s14 =	sand.u32 $0x4E20, s26  }
0x15: {  	s12 =	sand.u32 $0x380, s21;
	s16 =	sadd.s32 s0, s19;
	s26 =	sshrl.u32 s23, $0x3  }
0x16: {  	s0 =	sadd.s32 s24, s7;
	s23 =	sadd.s32 $0x140, s23;
	s19 =	smax.u32 s8, $0x1  }
0x17: {  	s9 =	simm.s32 $0x300;
	s25 =	sor.u32 s12, s11;
	s12 =	sadd.s32 s5, s26  }
0x18: {  	[dreg:$0xe] =	wrdreg s0;
	s13 =	sadd.s32 s6, s26;
	s15 =	sadd.s32 $0x14, s26  }
0x19: {  	[dreg:$0x13] =	wrdreg s19;
	s20 =	sadd.s32 $0x2710, s14;
	s21 =	sadd.s32 $0x9C40, s14  }
0x1a: {  	s24 =	sadd.s32 $0xC350, s14;
	s26 =	simm.s32 $0x6;
	s11 =	simm.s32 $0x380  }
0x1b: {  	v0 =	vmov s14;
	s19 =	simm.s32 $0x3;
	s14 =	simm.s32 $0x5;
	[dreg:$0xd] =	wrdreg s12  }
0x1c: {  	[dreg:$0xf] =	wrdreg s13;
	s17 =	sshrl.u32 s25, $0x3;
	s18 =	sadd.s32 s5, s15  }
0x1d: {  	s0 =	sadd.s32 s6, s15;
	s12 =	simm.s32 $0x780;
	s13 =	simm.s32 $0x3200  }
0x1e: {  	s25 =	simm.s32 $0x400;
	s15 =	simm.s32 $0x1;
	v1 =	vmov s20;
	s20 =	simm.s32 $0x4  }
0x1f: {  	v2 =	vmov s21;
	v3 =	vmov s24;
	s21 =	simm.s32 $0x180;
	s24 =	simm.s32 $0x0;
	[dreg:$0x11] =	wrdreg s18  }
0x20: {  	s2 =	sadd.s32 s17, s2;
	[dreg:$0x12] =	wrdreg s0;
	s17 =	simm.s32 $0xAA00  }
0x21: {  	v4 =	vimm.f32 $0.0e+00;
	s18 =	simm.s32 $0x80;
	[dreg:$0x10] =	wrdreg s2;
	s2 =	simm.s32 $0x0  }
.LBB2_1:
0x22: {  	[dreg:$0x14] =	wrdreg s2  }
0x23: {  	s0 =	simm.s32 $0x0;
	s8 =	rddreg [dreg:$0x4];
	s3 =	simm.s32 $0xAB00  }
0x24: {  	[tilespmem:s3], [sflag:$0x6] =	stream.linear.gather [hbm4b:s8+s0], $0x400, $0x38;
	[tilespmem:$0x1F100] =	vst v63  }
0x25: {  	_ =	swait.ge [sflag:s26], $0x400  }
0x26: {  	[sflag:s26] =	ssyncset.done $0x0  }
0x27: {  	[sflag:s26] =	ssyncadd.s32 $0xFFFFFC00  }
0x28: {  	v5 =	vld [tilespmem:$0xAB00]  }
0x29: {  	v6 =	vld [tilespmem:$0xAD00]  }
0x2a: {  	v7 =	vld [tilespmem:$0xAC00]  }
0x2b: {  	v8 =	vld [tilespmem:$0xAE00]  }
0x2c: {  	v9 =	vld [tilespmem:$0xAB80]  }
0x2d: {  	v10 =	vld [tilespmem:$0xAD80]  }
0x2e: {  	v11 =	vld [tilespmem:$0xAC80]  }
0x2f: {  	s2 =	simm.s32 $0x200;
	s0 =	simm.s32 $0x0;
	v12 =	vld [tilespmem:$0xAE80]  }
.LBB2_2:
0x30: {  	p1 =	sne.s32 s2, $0x9E00;
	[tilespmem:s0+$0xA70] =	vst v4  }
0x31: {  	[tilespmem:s0+$0xA00] =	vst v4  }
0x32: {  	[tilespmem:s0+$0xA10] =	vst v4  }
.Ltmp0:
0x33: {  	[tilespmem:s0+$0xA20] =	vst v4;
	(pc) =	sbr.rel @p1 .LBB2_2-.Ltmp0, $4  }
0x34: {  	[tilespmem:s0+$0xA30] =	vst v4  }
0x35: {  	[tilespmem:s0+$0xA40] =	vst v4  }
0x36: {  	[tilespmem:s0+$0xA50] =	vst v4  }
0x37: {  	[tilespmem:s0+$0xA60] =	vst v4;
	s0 =	sshra.s32 s2, $0x2;
	s2 =	sadd.s32 $0x200, s2  }
0x38: {  	[tilespmem:s0+$0xA70] =	vst v4  }
0x39: {  	[tilespmem:s0+$0xA00] =	vst v4  }
0x3a: {  	[tilespmem:s0+$0xA10] =	vst v4  }
0x3b: {  	[tilespmem:s0+$0xA20] =	vst v4  }
0x3c: {  	[tilespmem:s0+$0xA30] =	vst v4  }
0x3d: {  	[tilespmem:s0+$0xA40] =	vst v4  }
0x3e: {  	[tilespmem:s0+$0xA50] =	vst v4  }
0x3f: {  	[tilespmem:s0+$0xA60] =	vst v4;
	s2 =	simm.s32 $0x40;
	s0 =	simm.s32 $0x0  }
.LBB2_4:
0x40: {  	p1 =	sne.s32 s2, $0x13FC0;
	[tilespmem:s0+$0x5A00] =	vst v4;
	s0 =	smov.u32 s2;
	s2 =	sadd.s32 $0x40, s2  }
.Ltmp1:
0x41: {  	(pc) =	sbr.rel @p1 .LBB2_4-.Ltmp1, $2  }
0x42: {  	_ =	sdelay $0x2  }
0x43: {  	s0 =	sshra.s32 s0, $0x2  }
0x44: {  	v5 =	vadd.f32 v6, v5;
	v6 =	vadd.f32 v8, v7  }
0x45: {  	v7 =	vadd.f32 v10, v9;
	v8 =	vadd.f32 v12, v11  }
0x46: {  	v5 =	vpsel p0, v5, v6  }
0x47: {  	v7 =	vpsel p0, v7, v8;
	v6 =	vmul.f32 $9.999999770e-03, v5  }
0x48: {  	v8 =	vmul.f32 $9.999999770e-03, v7  }
0x49: {  	v5 =	vmax.f32 v5, v6  }
0x4a: {  	(xrf0) =	vmax.scan.msk.f32 $0xffff, v5;
	v5 =	vmax.f32 v7, v8  }
0x4b: {  	(xrf0) =	vmax.scan.msk.f32 $0xffff, v5;
	_ =	sdelay $0x4  }
0x4c: {  	[tilespmem:s0+$0x5A00] =	vst v4;
	v5, _, _ =	vpop (xrf0)  }
0x4d: {  	[spmem:s22] =	stream.linear.scatter [tilespmem:s28], [sflag:$0x6], $0x2800, $0x38;
	v6, _, _ =	vpop (xrf0);
	[tilespmem:$0x1F100] =	vst v63  }
0x4e: {  	_ =	swait.ge [sflag:s26], $0x2800  }
0x4f: {  	[sflag:s26] =	ssyncset.done $0x0  }
0x50: {  	s2 =	rddreg [dreg:$0x6];
	[sflag:s26] =	ssyncadd.s32 $0xFFFFD800  }
0x51: {  	[spmem:s2] =	stream.linear.scatter [tilespmem:s28], [sflag:$0x6], $0x2800, $0x38;
	[tilespmem:$0x1F100] =	vst v63  }
0x52: {  	_ =	swait.ge [sflag:s26], $0x2800  }
0x53: {  	[sflag:s26] =	ssyncset.done $0x0  }
0x54: {  	s3 =	rddreg [dreg:$0x7];
	[sflag:s26] =	ssyncadd.s32 $0xFFFFD800  }
0x55: {  	[spmem:s3] =	stream.linear.scatter [tilespmem:s28], [sflag:$0x6], $0x2800, $0x38;
	[tilespmem:$0x1F100] =	vst v63  }
0x56: {  	_ =	swait.ge [sflag:s26], $0x2800  }
0x57: {  	[sflag:s26] =	ssyncset.done $0x0  }
0x58: {  	s7 =	rddreg [dreg:$0x8];
	[sflag:s26] =	ssyncadd.s32 $0xFFFFD800  }
0x59: {  	[spmem:s7] =	stream.linear.scatter [tilespmem:s28], [sflag:$0x6], $0x2800, $0x38;
	[tilespmem:$0x1F100] =	vst v63  }
0x5a: {  	_ =	swait.ge [sflag:s26], $0x2800  }
0x5b: {  	[sflag:s26] =	ssyncset.done $0x0  }
0x5c: {  	s8 =	rddreg [dreg:$0x9];
	[sflag:s26] =	ssyncadd.s32 $0xFFFFD800  }
0x5d: {  	[spmem:s8] =	stream.linear.scatter [tilespmem:s28], [sflag:$0x6], $0x2800, $0x38;
	[tilespmem:$0x1F100] =	vst v63  }
0x5e: {  	_ =	swait.ge [sflag:s26], $0x2800  }
0x5f: {  	[sflag:s26] =	ssyncset.done $0x0  }
0x60: {  	s22 =	rddreg [dreg:$0xa];
	[sflag:s26] =	ssyncadd.s32 $0xFFFFD800  }
0x61: {  	[spmem:s22] =	stream.linear.scatter [tilespmem:s28], [sflag:$0x6], $0x2800, $0x38;
	[tilespmem:$0x1F100] =	vst v63  }
0x62: {  	_ =	swait.ge [sflag:s26], $0x2800  }
0x63: {  	[sflag:s26] =	ssyncset.done $0x0  }
0x64: {  	s2 =	rddreg [dreg:$0xb];
	[sflag:s26] =	ssyncadd.s32 $0xFFFFD800  }
0x65: {  	[spmem:s2] =	stream.linear.scatter [tilespmem:s28], [sflag:$0x6], $0x2800, $0x38;
	[tilespmem:$0x1F100] =	vst v63  }
0x66: {  	_ =	swait.ge [sflag:s26], $0x2800  }
0x67: {  	[sflag:s26] =	ssyncset.done $0x0  }
0x68: {  	s3 =	rddreg [dreg:$0xc];
	[sflag:s26] =	ssyncadd.s32 $0xFFFFD800  }
0x69: {  	[spmem:s3] =	stream.linear.scatter [tilespmem:s28], [sflag:$0x6], $0x2800, $0x38;
	[tilespmem:$0x1F100] =	vst v63  }
0x6a: {  	_ =	swait.ge [sflag:s26], $0x2800  }
0x6b: {  	[sflag:s26] =	ssyncset.done $0x0  }
0x6c: {  	[sflag:s26] =	ssyncadd.s32 $0xFFFFD800  }
0x6d: {  	[bflag:$0x0] =	sbarrier.arrive $0xFFFF  }
0x6e: {  	s2 =	simm.s32 $0xAF00;
	s7 =	rddreg [dreg:$0xd]  }
0x6f: {  	[tilespmem:s2], [sflag:$0x6] =	stream.linear.gather [hbm4b:s7+s24], $0xA0, $0x38;
	[tilespmem:$0x1F100] =	vst v63  }
0x70: {  	_ =	swait.ge [sflag:s26], $0xA0  }
0x71: {  	[sflag:s26] =	ssyncset.done $0x0  }
0x72: {  	s3 =	simm.s32 $0xB000;
	s8 =	rddreg [dreg:$0xf];
	[sflag:s26] =	ssyncadd.s32 $0xFFFFFF60  }
0x73: {  	[tilespmem:s3], [sflag:$0x6] =	stream.linear.gather [hbm4b:s8+s24], $0xA0, $0x38;
	[tilespmem:$0x1F100] =	vst v63  }
0x74: {  	_ =	swait.ge [sflag:s26], $0xA0  }
0x75: {  	[sflag:s26] =	ssyncset.done $0x0  }
0x76: {  	[sflag:s26] =	ssyncadd.s32 $0xFFFFFF60  }
0x77: {  	v7 =	vld [tilespmem:$0xAF00]  }
0x78: {  	v8 =	vld [tilespmem:$0xB000]  }
0x79: {  	v28 =	vld [tilespmem:$0xAF10]  }
0x7a: {  	v29 =	vld [tilespmem:$0xB010]  }
0x7b: {  	v30 =	vld [tilespmem:$0xAF20]  }
0x7c: {  	v31 =	vld [tilespmem:$0xB030];
	[tilespmem:$0x0] =	vst v7  }
0x7d: {  	v32 =	vld [tilespmem:$0xAF40];
	[tilespmem:$0x80] =	vst v8  }
0x7e: {  	v33 =	vld [tilespmem:$0xB040];
	[tilespmem:$0x10] =	vst v28  }
0x7f: {  	v7 =	vld [tilespmem:$0xB020];
	[tilespmem:$0x90] =	vst v29  }
0x80: {  	v8 =	vld [tilespmem:$0xAF30];
	[tilespmem:$0x20] =	vst v30  }
0x81: {  	[tilespmem:$0xB0] =	vst v31  }
0x82: {  	[tilespmem:$0x40] =	vst v32  }
0x83: {  	[tilespmem:$0xC0] =	vst v33  }
0x84: {  	[tilespmem:$0xA0] =	vst v7  }
0x85: {  	[tilespmem:$0x30] =	vst v8  }
0x86: {  	[tilespmem:s28], [sflag:$0x1] =	stream.indirect.gather [hbm4b:s16+s31], $0x80, s24, s31, $0xb8;
	[tilespmem:$0x1F100] =	vst v63  }
0x87: {  	v7 =	vld [tilespmem:$0x0]  }
0x88: {  	v8 =	vld [tilespmem:$0x10]  }
0x89: {  	v34 =	vld [tilespmem:$0x20]  }
0x8a: {  	v35 =	vld [tilespmem:$0x30]  }
0x8b: {  	v36 =	vld [tilespmem:$0x40]  }
0x8c: {  	v7 =	vadd.s32 v0, v7  }
0x8d: {  	[tilespmem:$0x200] =	vst v7;
	v7 =	vadd.s32 v0, v8  }
0x8e: {  	[tilespmem:$0x210] =	vst v7;
	v7 =	vadd.s32 v0, v34  }
0x8f: {  	[tilespmem:$0x220] =	vst v7;
	v7 =	vadd.s32 v0, v35  }
0x90: {  	[tilespmem:$0x230] =	vst v7;
	v7 =	vadd.s32 v0, v36  }
0x91: {  	s22 =	simm.s32 $0x200;
	s7 =	simm.s32 $0x600;
	[tilespmem:$0x240] =	vst v7  }
0x92: {  	[tilespmem:s7], [sflag:$0x2] =	stream.indirect.gather [hbm4b:s4+s31], $0x1, s22, s31, $0xb8;
	[tilespmem:$0x1F100] =	vst v63  }
0x93: {  	v7 =	vld [tilespmem:$0x0]  }
0x94: {  	v8 =	vld [tilespmem:$0x10]  }
0x95: {  	v37 =	vld [tilespmem:$0x20]  }
0x96: {  	v38 =	vld [tilespmem:$0x30]  }
0x97: {  	v39 =	vld [tilespmem:$0x40]  }
0x98: {  	v7 =	vadd.s32 v1, v7  }
0x99: {  	[tilespmem:$0x280] =	vst v7;
	v7 =	vadd.s32 v1, v8  }
0x9a: {  	[tilespmem:$0x290] =	vst v7;
	v7 =	vadd.s32 v1, v37  }
0x9b: {  	[tilespmem:$0x2A0] =	vst v7;
	v7 =	vadd.s32 v1, v38  }
0x9c: {  	[tilespmem:$0x2B0] =	vst v7;
	v7 =	vadd.s32 v1, v39  }
0x9d: {  	s8 =	simm.s32 $0x280;
	s22 =	simm.s32 $0x680;
	[tilespmem:$0x2C0] =	vst v7  }
0x9e: {  	[tilespmem:s22], [sflag:$0x2] =	stream.indirect.gather [hbm4b:s4+s31], $0x1, s8, s31, $0xb8;
	[tilespmem:$0x1F100] =	vst v63  }
0x9f: {  	v7 =	vld [tilespmem:$0x80]  }
0xa0: {  	v8 =	vld [tilespmem:$0x90]  }
0xa1: {  	v40 =	vld [tilespmem:$0xA0]  }
0xa2: {  	v41 =	vld [tilespmem:$0xB0]  }
0xa3: {  	v42 =	vld [tilespmem:$0xC0]  }
0xa4: {  	v7 =	vadd.s32 v2, v7  }
0xa5: {  	[tilespmem:$0x300] =	vst v7;
	v7 =	vadd.s32 v2, v8  }
0xa6: {  	[tilespmem:$0x310] =	vst v7;
	v7 =	vadd.s32 v2, v40  }
0xa7: {  	[tilespmem:$0x320] =	vst v7;
	v7 =	vadd.s32 v2, v41  }
0xa8: {  	[tilespmem:$0x330] =	vst v7;
	v7 =	vadd.s32 v2, v42  }
0xa9: {  	[tilespmem:$0x340] =	vst v7  }
0xaa: {  	[tilespmem:s10], [sflag:$0x2] =	stream.indirect.gather [hbm4b:s4+s31], $0x1, s9, s31, $0xb8;
	[tilespmem:$0x1F100] =	vst v63  }
0xab: {  	v7 =	vld [tilespmem:$0x80]  }
0xac: {  	v8 =	vld [tilespmem:$0x90]  }
0xad: {  	v43 =	vld [tilespmem:$0xA0]  }
0xae: {  	v44 =	vld [tilespmem:$0xB0]  }
0xaf: {  	v45 =	vld [tilespmem:$0xC0]  }
0xb0: {  	v7 =	vadd.s32 v3, v7  }
0xb1: {  	[tilespmem:$0x380] =	vst v7;
	v7 =	vadd.s32 v3, v8  }
0xb2: {  	[tilespmem:$0x390] =	vst v7;
	v7 =	vadd.s32 v3, v43  }
0xb3: {  	[tilespmem:$0x3A0] =	vst v7;
	v7 =	vadd.s32 v3, v44  }
0xb4: {  	[tilespmem:$0x3B0] =	vst v7;
	v7 =	vadd.s32 v3, v45  }
0xb5: {  	[tilespmem:$0x3C0] =	vst v7  }
0xb6: {  	[tilespmem:s12], [sflag:$0x2] =	stream.indirect.gather [hbm4b:s4+s31], $0x1, s11, s31, $0xb8;
	[tilespmem:$0x1F100] =	vst v63  }
0xb7: {  	v7 =	vld [tilespmem:$0xAF50]  }
0xb8: {  	v8 =	vld [tilespmem:$0xB050]  }
0xb9: {  	v46 =	vld [tilespmem:$0xAF60]  }
0xba: {  	v47 =	vld [tilespmem:$0xB060]  }
0xbb: {  	v48 =	vld [tilespmem:$0xAF70]  }
0xbc: {  	v49 =	vld [tilespmem:$0xB080];
	[tilespmem:$0x100] =	vst v7  }
0xbd: {  	v50 =	vld [tilespmem:$0xAF90];
	[tilespmem:$0x180] =	vst v8  }
0xbe: {  	v51 =	vld [tilespmem:$0xB090];
	[tilespmem:$0x110] =	vst v46  }
0xbf: {  	v7 =	vld [tilespmem:$0xB070];
	[tilespmem:$0x190] =	vst v47  }
0xc0: {  	v8 =	vld [tilespmem:$0xAF80];
	[tilespmem:$0x120] =	vst v48  }
0xc1: {  	[tilespmem:$0x1B0] =	vst v49  }
0xc2: {  	[tilespmem:$0x140] =	vst v50  }
0xc3: {  	[tilespmem:$0x1C0] =	vst v51  }
0xc4: {  	[tilespmem:$0x1A0] =	vst v7  }
0xc5: {  	s8 =	simm.s32 $0x100;
	[tilespmem:$0x130] =	vst v8  }
0xc6: {  	[tilespmem:s13], [sflag:$0x3] =	stream.indirect.gather [hbm4b:s16+s31], $0x80, s8, s31, $0xb8;
	[tilespmem:$0x1F100] =	vst v63  }
0xc7: {  	v7 =	vld [tilespmem:$0x100]  }
0xc8: {  	v8 =	vld [tilespmem:$0x110]  }
0xc9: {  	v52 =	vld [tilespmem:$0x120]  }
0xca: {  	v53 =	vld [tilespmem:$0x130]  }
0xcb: {  	v54 =	vld [tilespmem:$0x140]  }
0xcc: {  	v7 =	vadd.s32 v0, v7  }
0xcd: {  	[tilespmem:$0x400] =	vst v7;
	v7 =	vadd.s32 v0, v8  }
0xce: {  	[tilespmem:$0x410] =	vst v7;
	v7 =	vadd.s32 v0, v52  }
0xcf: {  	[tilespmem:$0x420] =	vst v7;
	v7 =	vadd.s32 v0, v53  }
0xd0: {  	[tilespmem:$0x430] =	vst v7;
	v7 =	vadd.s32 v0, v54  }
0xd1: {  	s22 =	simm.s32 $0x800;
	[tilespmem:$0x440] =	vst v7  }
0xd2: {  	[tilespmem:s22], [sflag:$0x4] =	stream.indirect.gather [hbm4b:s4+s31], $0x1, s25, s31, $0xb8;
	[tilespmem:$0x1F100] =	vst v63  }
0xd3: {  	v7 =	vld [tilespmem:$0x100]  }
0xd4: {  	v8 =	vld [tilespmem:$0x110]  }
0xd5: {  	v55 =	vld [tilespmem:$0x120]  }
0xd6: {  	v56 =	vld [tilespmem:$0x130]  }
0xd7: {  	v57 =	vld [tilespmem:$0x140]  }
0xd8: {  	v7 =	vadd.s32 v1, v7  }
0xd9: {  	[tilespmem:$0x480] =	vst v7;
	v7 =	vadd.s32 v1, v8  }
0xda: {  	[tilespmem:$0x490] =	vst v7;
	v7 =	vadd.s32 v1, v55  }
0xdb: {  	[tilespmem:$0x4A0] =	vst v7;
	v7 =	vadd.s32 v1, v56  }
0xdc: {  	[tilespmem:$0x4B0] =	vst v7;
	v7 =	vadd.s32 v1, v57  }
0xdd: {  	s7 =	simm.s32 $0x480;
	s8 =	simm.s32 $0x880;
	[tilespmem:$0x4C0] =	vst v7  }
0xde: {  	[tilespmem:s8], [sflag:$0x4] =	stream.indirect.gather [hbm4b:s4+s31], $0x1, s7, s31, $0xb8;
	[tilespmem:$0x1F100] =	vst v63  }
0xdf: {  	v7 =	vld [tilespmem:$0x180]  }
0xe0: {  	v8 =	vld [tilespmem:$0x190]  }
0xe1: {  	v58 =	vld [tilespmem:$0x1A0]  }
0xe2: {  	v59 =	vld [tilespmem:$0x1B0]  }
0xe3: {  	v60 =	vld [tilespmem:$0x1C0]  }
0xe4: {  	v7 =	vadd.s32 v2, v7  }
0xe5: {  	[tilespmem:$0x500] =	vst v7;
	v7 =	vadd.s32 v2, v8  }
0xe6: {  	[tilespmem:$0x510] =	vst v7;
	v7 =	vadd.s32 v2, v58  }
0xe7: {  	[tilespmem:$0x520] =	vst v7;
	v7 =	vadd.s32 v2, v59  }
0xe8: {  	[tilespmem:$0x530] =	vst v7;
	v7 =	vadd.s32 v2, v60  }
0xe9: {  	s22 =	simm.s32 $0x500;
	s25 =	simm.s32 $0x900;
	[tilespmem:$0x540] =	vst v7  }
0xea: {  	[tilespmem:s25], [sflag:$0x4] =	stream.indirect.gather [hbm4b:s4+s31], $0x1, s22, s31, $0xb8;
	[tilespmem:$0x1F100] =	vst v63  }
0xeb: {  	v7 =	vld [tilespmem:$0x180]  }
0xec: {  	v8 =	vld [tilespmem:$0x190]  }
0xed: {  	v61 =	vld [tilespmem:$0x1A0]  }
0xee: {  	v62 =	vld [tilespmem:$0x1B0]  }
0xef: {  	v63 =	vld [tilespmem:$0x1C0]  }
0xf0: {  	v7 =	vadd.s32 v3, v7  }
0xf1: {  	[tilespmem:$0x580] =	vst v7;
	v7 =	vadd.s32 v3, v8  }
0xf2: {  	[tilespmem:$0x590] =	vst v7;
	v7 =	vadd.s32 v3, v61  }
0xf3: {  	[tilespmem:$0x5A0] =	vst v7;
	v7 =	vadd.s32 v3, v62  }
0xf4: {  	[tilespmem:$0x5B0] =	vst v7;
	v7 =	vadd.s32 v3, v63  }
0xf5: {  	s7 =	simm.s32 $0x580;
	s8 =	simm.s32 $0x980;
	[tilespmem:$0x5C0] =	vst v7  }
0xf6: {  	[tilespmem:s8], [sflag:$0x4] =	stream.indirect.gather [hbm4b:s4+s31], $0x1, s7, s31, $0xb8;
	[tilespmem:$0x1F100] =	vst v63  }
0xf7: {  	s22 =	rddreg [dreg:$0x11]  }
0xf8: {  	[tilespmem:s2], [sflag:$0x5] =	stream.linear.gather [hbm4b:s22+s24], $0xA0, $0x38;
	[tilespmem:$0x1F100] =	vst v63  }
0xf9: {  	s25 =	rddreg [dreg:$0x12];
	s8 =	simm.s32 $0x0  }
0xfa: {  	v5 =	vbroadcast v5, $0xF;
	v6 =	vbroadcast v6, $0xF;
	[tilespmem:s3], [sflag:$0x5] =	stream.linear.gather [hbm4b:s25+s24], $0xA0, $0x38;
	[tilespmem:$0x1F100] =	vst v63  }
.LBB2_6:
0xfb: {  	_ =	swait.ge [sflag:s15], $0x2800  }
0xfc: {  	[sflag:s15] =	ssyncset.done $0x0  }
0xfd: {  	[sflag:s15] =	ssyncadd.s32 $0xFFFFD800  }
0xfe: {  	_ =	swait.ge [sflag:s29], $0x50  }
0xff: {  	[sflag:s29] =	ssyncset.done $0x0  }
0x100: {  	[sflag:s29] =	ssyncadd.s32 $0xFFFFFFB0  }
0x101: {  	_ =	swait.ge [sflag:s29], $0x50  }
0x102: {  	[sflag:s29] =	ssyncset.done $0x0  }
0x103: {  	[sflag:s29] =	ssyncadd.s32 $0xFFFFFFB0  }
0x104: {  	_ =	swait.ge [sflag:s29], $0x50  }
0x105: {  	[sflag:s29] =	ssyncset.done $0x0  }
0x106: {  	[sflag:s29] =	ssyncadd.s32 $0xFFFFFFB0  }
0x107: {  	_ =	swait.ge [sflag:s29], $0x50  }
0x108: {  	[sflag:s29] =	ssyncset.done $0x0  }
0x109: {  	[sflag:s29] =	ssyncadd.s32 $0xFFFFFFB0  }
0x10a: {  	v7 =	vld [tilespmem:$0x600]  }
0x10b: {  	v8 =	vld [tilespmem:$0x700]  }
0x10c: {  	v9 =	vld [tilespmem:$0x680]  }
0x10d: {  	v10 =	vld [tilespmem:$0x780];
	_ =	sdelay $0x3  }
0x10e: {  	v7 =	vadd.f32 v8, v7  }
0x10f: {  	v8 =	vadd.f32 v10, v9  }
0x110: {  	v9 =	vmul.f32 $9.999999770e-03, v7  }
0x111: {  	v10 =	vmul.f32 $9.999999770e-03, v8  }
0x112: {  	v7 =	vmax.f32 v7, v9  }
0x113: {  	v8 =	vmax.f32 v8, v10;
	v7 =	vsub.f32 v7, v5  }
0x114: {  	v8 =	vsub.f32 v8, v6  }
0x115: {  	v7 =	vmul.f32 $1.442695020e+00, v7  }
0x116: {  	v8 =	vmul.f32 $1.442695020e+00, v8  }
0x117: {  	(erf) = vpow2.f32 v7  }
0x118: {  	(erf) = vpow2.f32 v8;
	_ =	sdelay $0x1  }
0x119: {  	v7 =	vld [tilespmem:$0x80];
	_ =	sdelay $0x4  }
0x11a: {  	v8 =	vadd.s32 $0x2800, v7  }
0x11b: {  	v9 =	vpop (erf)  }
0x11c: {  	v10 =	vpop (erf);
	[tilespmem:$0xAA00] =	vst v9  }
0x11d: {  	[tilespmem:$0xAA60] =	vst v10  }
0x11e: {  	[tilespmem:v7+s30+$0x0] =	vst.idx.add.f32.msk $0xffff, v9  }
0x11f: {  	[tilespmem:v8+s30+$0x0] =	vst.idx.add.f32.msk $0xffff, v10  }
0x120: {  	v7 =	vld [tilespmem:$0x610]  }
0x121: {  	v8 =	vld [tilespmem:$0x710]  }
0x122: {  	v9 =	vld [tilespmem:$0x690]  }
0x123: {  	v10 =	vld [tilespmem:$0x790];
	_ =	sdelay $0x3  }
0x124: {  	v7 =	vadd.f32 v8, v7  }
0x125: {  	v8 =	vadd.f32 v10, v9  }
0x126: {  	v9 =	vmul.f32 $9.999999770e-03, v7  }
0x127: {  	v10 =	vmul.f32 $9.999999770e-03, v8  }
0x128: {  	v7 =	vmax.f32 v7, v9  }
0x129: {  	v8 =	vmax.f32 v8, v10;
	v7 =	vsub.f32 v7, v5  }
0x12a: {  	v8 =	vsub.f32 v8, v6  }
0x12b: {  	v7 =	vmul.f32 $1.442695020e+00, v7  }
0x12c: {  	v8 =	vmul.f32 $1.442695020e+00, v8  }
0x12d: {  	(erf) = vpow2.f32 v7  }
0x12e: {  	(erf) = vpow2.f32 v8;
	_ =	sdelay $0x1  }
0x12f: {  	v7 =	vld [tilespmem:$0x90];
	_ =	sdelay $0x4  }
0x130: {  	v8 =	vadd.s32 $0x2800, v7  }
0x131: {  	v9 =	vpop (erf)  }
0x132: {  	v10 =	vpop (erf);
	[tilespmem:$0xAA10] =	vst v9  }
0x133: {  	[tilespmem:$0xAA70] =	vst v10  }
0x134: {  	[tilespmem:v7+s30+$0x0] =	vst.idx.add.f32.msk $0xffff, v9  }
0x135: {  	[tilespmem:v8+s30+$0x0] =	vst.idx.add.f32.msk $0xffff, v10  }
0x136: {  	v7 =	vld [tilespmem:$0x620]  }
0x137: {  	v8 =	vld [tilespmem:$0x720]  }
0x138: {  	v9 =	vld [tilespmem:$0x6A0]  }
0x139: {  	v10 =	vld [tilespmem:$0x7A0];
	_ =	sdelay $0x3  }
0x13a: {  	v7 =	vadd.f32 v8, v7  }
0x13b: {  	v8 =	vadd.f32 v10, v9  }
0x13c: {  	v9 =	vmul.f32 $9.999999770e-03, v7  }
0x13d: {  	v10 =	vmul.f32 $9.999999770e-03, v8  }
0x13e: {  	v7 =	vmax.f32 v7, v9  }
0x13f: {  	v8 =	vmax.f32 v8, v10;
	v7 =	vsub.f32 v7, v5  }
0x140: {  	v8 =	vsub.f32 v8, v6  }
0x141: {  	v7 =	vmul.f32 $1.442695020e+00, v7  }
0x142: {  	v8 =	vmul.f32 $1.442695020e+00, v8  }
0x143: {  	(erf) = vpow2.f32 v7  }
0x144: {  	(erf) = vpow2.f32 v8;
	_ =	sdelay $0x1  }
0x145: {  	v7 =	vld [tilespmem:$0xA0];
	_ =	sdelay $0x4  }
0x146: {  	v8 =	vadd.s32 $0x2800, v7  }
0x147: {  	v9 =	vpop (erf)  }
0x148: {  	v10 =	vpop (erf);
	[tilespmem:$0xAA20] =	vst v9  }
0x149: {  	[tilespmem:$0xAA80] =	vst v10  }
0x14a: {  	[tilespmem:v7+s30+$0x0] =	vst.idx.add.f32.msk $0xffff, v9  }
0x14b: {  	[tilespmem:v8+s30+$0x0] =	vst.idx.add.f32.msk $0xffff, v10  }
0x14c: {  	v7 =	vld [tilespmem:$0x630]  }
0x14d: {  	v8 =	vld [tilespmem:$0x730]  }
0x14e: {  	v9 =	vld [tilespmem:$0x6B0]  }
0x14f: {  	v10 =	vld [tilespmem:$0x7B0];
	_ =	sdelay $0x3  }
0x150: {  	v7 =	vadd.f32 v8, v7  }
0x151: {  	v8 =	vadd.f32 v10, v9  }
0x152: {  	v9 =	vmul.f32 $9.999999770e-03, v7  }
0x153: {  	v10 =	vmul.f32 $9.999999770e-03, v8  }
0x154: {  	v7 =	vmax.f32 v7, v9  }
0x155: {  	v8 =	vmax.f32 v8, v10;
	v7 =	vsub.f32 v7, v5  }
0x156: {  	v8 =	vsub.f32 v8, v6  }
0x157: {  	v7 =	vmul.f32 $1.442695020e+00, v7  }
0x158: {  	v8 =	vmul.f32 $1.442695020e+00, v8  }
0x159: {  	(erf) = vpow2.f32 v7  }
0x15a: {  	(erf) = vpow2.f32 v8;
	_ =	sdelay $0x1  }
0x15b: {  	v7 =	vld [tilespmem:$0xB0];
	_ =	sdelay $0x4  }
0x15c: {  	v8 =	vadd.s32 $0x2800, v7  }
0x15d: {  	v9 =	vpop (erf)  }
0x15e: {  	v10 =	vpop (erf);
	[tilespmem:$0xAA30] =	vst v9  }
0x15f: {  	[tilespmem:$0xAA90] =	vst v10  }
0x160: {  	[tilespmem:v7+s30+$0x0] =	vst.idx.add.f32.msk $0xffff, v9  }
0x161: {  	[tilespmem:v8+s30+$0x0] =	vst.idx.add.f32.msk $0xffff, v10  }
0x162: {  	v7 =	vld [tilespmem:$0x640]  }
0x163: {  	v8 =	vld [tilespmem:$0x740]  }
0x164: {  	v9 =	vld [tilespmem:$0x6C0]  }
0x165: {  	v10 =	vld [tilespmem:$0x7C0];
	_ =	sdelay $0x3  }
0x166: {  	v7 =	vadd.f32 v8, v7  }
0x167: {  	v8 =	vadd.f32 v10, v9  }
0x168: {  	v9 =	vmul.f32 $9.999999770e-03, v7  }
0x169: {  	v10 =	vmul.f32 $9.999999770e-03, v8  }
0x16a: {  	v7 =	vmax.f32 v7, v9  }
0x16b: {  	v8 =	vmax.f32 v8, v10;
	v7 =	vsub.f32 v7, v5  }
0x16c: {  	v8 =	vsub.f32 v8, v6  }
0x16d: {  	v7 =	vmul.f32 $1.442695020e+00, v7  }
0x16e: {  	v8 =	vmul.f32 $1.442695020e+00, v8  }
0x16f: {  	(erf) = vpow2.f32 v7  }
0x170: {  	(erf) = vpow2.f32 v8;
	_ =	sdelay $0x1  }
0x171: {  	v7 =	vld [tilespmem:$0xC0];
	_ =	sdelay $0x4  }
0x172: {  	v8 =	vadd.s32 $0x2800, v7  }
0x173: {  	v9 =	vpop (erf)  }
0x174: {  	v11 =	vmov s24;
	v10 =	vpop (erf);
	[tilespmem:$0xAA40] =	vst v9  }
0x175: {  	v12 =	vadd.s32 $0x60, v11;
	[tilespmem:$0xAAA0] =	vst v10  }
0x176: {  	[tilespmem:v7+s30+$0x0] =	vst.idx.add.f32.msk $0xffff, v9  }
0x177: {  	s22 =	simm.s32 $0xB00;
	[tilespmem:v8+s30+$0x0] =	vst.idx.add.f32.msk $0xffff, v10  }
0x178: {  	v7 =	vld [tilespmem:s22+$0xFFFFFF10]  }
0x179: {  	v8 =	vld [tilespmem:s22+$0xFFFFFF70]  }
0x17a: {  	v9 =	vld.idx.msk [tilespmem:v12+s17+$0x0], $0xffff  }
0x17b: {  	v10 =	vld [tilespmem:s22+$0xFFFFFF40]  }
0x17c: {  	v12 =	vld [tilespmem:s22+$0xFFFFFF50]  }
0x17d: {  	v11 =	vld.idx.msk [tilespmem:v11+s17+$0x0], $0xffff  }
0x17e: {  	v13 =	vld [tilespmem:s22+$0xFFFFFF60]  }
0x17f: {  	v14 =	vld [tilespmem:s22+$0xFFFFFF00];
	v8 =	vmul.f32 v8, v9  }
0x180: {  	v15 =	vld [tilespmem:s22+$0xFFFFFF20];
	v10 =	vmul.f32 v10, v9  }
0x181: {  	v16 =	vld [tilespmem:s22+$0xFFFFFF30];
	v12 =	vmul.f32 v12, v9;
	[tilespmem:s22+$0xFFFFFF70] =	vst v8  }
0x182: {  	v7 =	vmul.f32 v7, v11;
	[tilespmem:s22+$0xFFFFFF40] =	vst v10  }
0x183: {  	s0 =	simm.s32 $0x1;
	v8 =	vmul.f32 v13, v9;
	[tilespmem:s22+$0xFFFFFF50] =	vst v12  }
0x184: {  	v9 =	vmul.f32 v14, v11;
	[tilespmem:s22+$0xFFFFFF10] =	vst v7;
	v7 =	vmov s0  }
0x185: {  	v63 =	vld [tilespmem:s22+$0xFFFFFFF0];
	v10 =	vmul.f32 v15, v11;
	[tilespmem:s22+$0xFFFFFF60] =	vst v8  }
0x186: {  	v11 =	vmul.f32 v16, v11;
	v12 =	vld [tilespmem:s22+$0xFFFFFFB0];
	v8 =	vadd.s32 $0x60, v7;
	[tilespmem:s22+$0xFFFFFF00] =	vst v9  }
0x187: {  	v14 =	vld [tilespmem:s22+$0xFFFFFF90];
	[tilespmem:s22+$0xFFFFFF20] =	vst v10  }
0x188: {  	[tilespmem:s22+$0xFFFFFF30] =	vst v11;
	v9 =	vld [tilespmem:s22+$0xFFFFFF80]  }
0x189: {  	v10 =	vld.idx.msk [tilespmem:v7+s17+$0x0], $0xffff  }
0x18a: {  	v7 =	vld [tilespmem:s22+$0xFFFFFFC0]  }
0x18b: {  	v8 =	vld.idx.msk [tilespmem:v8+s17+$0x0], $0xffff  }
0x18c: {  	v11 =	vld [tilespmem:s22+$0xFFFFFFD0]  }
0x18d: {  	v13 =	vld [tilespmem:s22+$0xFFFFFFE0]  }
0x18e: {  	v9 =	vmul.f32 v9, v10  }
0x18f: {  	v15 =	vld [tilespmem:s22+$0xFFFFFFA0];
	v14 =	vmul.f32 v14, v10  }
0x190: {  	v7 =	vmul.f32 v7, v8;
	[tilespmem:s22+$0xFFFFFF80] =	vst v9  }
0x191: {  	v11 =	vmul.f32 v11, v8;
	v9 =	vmul.f32 v12, v10;
	[tilespmem:s22+$0xFFFFFF90] =	vst v14  }
0x192: {  	s25 =	simm.s32 $0x2;
	v12 =	vmul.f32 v13, v8;
	v13 =	vmul.f32 v63, v8;
	v8 =	vld [tilespmem:s22+$0x40];
	[tilespmem:s22+$0xFFFFFFC0] =	vst v7  }
0x193: {  	v14 =	vld [tilespmem:s22+$0x10];
	[tilespmem:s22+$0xFFFFFFD0] =	vst v11;
	v11 =	vmov s25  }
0x194: {  	[tilespmem:s22+$0xFFFFFFB0] =	vst v9;
	v7 =	vld [tilespmem:s22+$0x50];
	v9 =	vmul.f32 v15, v10;
	v15 =	vadd.s32 $0x60, v11  }
0x195: {  	[tilespmem:s22+$0xFFFFFFE0] =	vst v12;
	v12 =	vld [tilespmem:s22+$0x0]  }
0x196: {  	v10 =	vld [tilespmem:s22+$0x20];
	[tilespmem:s22+$0xFFFFFFF0] =	vst v13  }
0x197: {  	v13 =	vld [tilespmem:s22+$0x70];
	[tilespmem:s22+$0xFFFFFFA0] =	vst v9  }
0x198: {  	v11 =	vld.idx.msk [tilespmem:v11+s17+$0x0], $0xffff  }
0x199: {  	s2 =	simm.s32 $0x0;
	s0 =	simm.s32 $0x4;
	s25 =	simm.s32 $0xB00;
	v9 =	vld.idx.msk [tilespmem:v15+s17+$0x0], $0xffff  }
.LBB2_7:
0x19a: {  	p1 =	slt.u32 s0, $0x4C  }
0x19b: {  	v15 =	vld [tilespmem:s22+$0x30];
	s25 =	sadd.s32 $0x200, s25;
	s3 =	smov.u32 s0;
	s0 =	sadd.s32 $0x4, s0  }
0x19c: {  	v16 =	vld [tilespmem:s22+$0x60];
	_ =	sdelay $0x1  }
0x19d: {  	v12 =	vmul.f32 v12, v11;
	v14 =	vmul.f32 v14, v11  }
0x19e: {  	v10 =	vmul.f32 v10, v11;
	v13 =	vmul.f32 v13, v9  }
0x19f: {  	v8 =	vmul.f32 v8, v9;
	v7 =	vmul.f32 v7, v9;
	[tilespmem:s22+$0x0] =	vst v12  }
0x1a0: {  	v11 =	vmul.f32 v15, v11;
	[tilespmem:s22+$0x10] =	vst v14;
	v9 =	vmul.f32 v16, v9  }
0x1a1: {  	s7 =	sadd.s32 $0x3, s2;
	s2 =	smov.u32 s3;
	[tilespmem:s22+$0x40] =	vst v8;
	v12 =	vld [tilespmem:s22+$0x80]  }
0x1a2: {  	v8 =	vmov s7;
	[tilespmem:s22+$0x30] =	vst v11;
	v11 =	vld [tilespmem:s22+$0xB0]  }
0x1a3: {  	[tilespmem:s22+$0x20] =	vst v10;
	v10 =	vadd.s32 $0x60, v8;
	v14 =	vld [tilespmem:s22+$0xF0]  }
0x1a4: {  	[tilespmem:s22+$0x50] =	vst v7;
	v15 =	vld [tilespmem:s22+$0xC0]  }
0x1a5: {  	v7 =	vld [tilespmem:s25+$0x50];
	[tilespmem:s22+$0x60] =	vst v9  }
0x1a6: {  	[tilespmem:s22+$0x70] =	vst v13;
	v9 =	vld [tilespmem:s22+$0x90]  }
0x1a7: {  	v13 =	vld.idx.msk [tilespmem:v8+s17+$0x0], $0xffff  }
0x1a8: {  	v10 =	vld.idx.msk [tilespmem:v10+s17+$0x0], $0xffff  }
0x1a9: {  	v16 =	vld [tilespmem:s22+$0xD0]  }
0x1aa: {  	v17 =	vld [tilespmem:s22+$0xE0]  }
0x1ab: {  	v18 =	vld [tilespmem:s22+$0xA0]  }
0x1ac: {  	v8 =	vld [tilespmem:s25+$0x40]  }
0x1ad: {  	v12 =	vmul.f32 v12, v13;
	v9 =	vmul.f32 v9, v13  }
0x1ae: {  	v15 =	vmul.f32 v15, v10;
	v16 =	vmul.f32 v16, v10  }
0x1af: {  	[tilespmem:s22+$0x80] =	vst v12;
	v12 =	vmul.f32 v17, v10;
	v10 =	vmul.f32 v14, v10  }
0x1b0: {  	v11 =	vmul.f32 v11, v13;
	[tilespmem:s22+$0x90] =	vst v9;
	v9 =	vmul.f32 v18, v13  }
0x1b1: {  	v13 =	vmov s2;
	[tilespmem:s22+$0xC0] =	vst v15  }
0x1b2: {  	v14 =	vadd.s32 $0x60, v13;
	[tilespmem:s22+$0xF0] =	vst v10  }
0x1b3: {  	v10 =	vld [tilespmem:s25+$0xFFFFFF30];
	[tilespmem:s22+$0xB0] =	vst v11  }
0x1b4: {  	v11 =	vld [tilespmem:s25+$0xFFFFFF10];
	[tilespmem:s22+$0xE0] =	vst v12  }
0x1b5: {  	v12 =	vld [tilespmem:s25+$0xFFFFFF60];
	[tilespmem:s22+$0xA0] =	vst v9  }
0x1b6: {  	v9 =	vld [tilespmem:s25+$0xFFFFFF70];
	[tilespmem:s22+$0xD0] =	vst v16;
	s22 =	smov.u32 s25  }
0x1b7: {  	v14 =	vld.idx.msk [tilespmem:v14+s17+$0x0], $0xffff  }
0x1b8: {  	v15 =	vld [tilespmem:s25+$0xFFFFFF40]  }
0x1b9: {  	v16 =	vld [tilespmem:s25+$0xFFFFFF50]  }
0x1ba: {  	v13 =	vld.idx.msk [tilespmem:v13+s17+$0x0], $0xffff  }
0x1bb: {  	v17 =	vld [tilespmem:s25+$0xFFFFFF00]  }
0x1bc: {  	v18 =	vld [tilespmem:s25+$0xFFFFFF20]  }
0x1bd: {  	v9 =	vmul.f32 v9, v14;
	v15 =	vmul.f32 v15, v14  }
0x1be: {  	v12 =	vmul.f32 v12, v14;
	v16 =	vmul.f32 v16, v14  }
0x1bf: {  	[tilespmem:s25+$0xFFFFFF70] =	vst v9  }
0x1c0: {  	v11 =	vmul.f32 v11, v13;
	v9 =	vmul.f32 v17, v13;
	[tilespmem:s25+$0xFFFFFF40] =	vst v15  }
0x1c1: {  	s3 =	sadd.s32 $0x1, s2;
	v10 =	vmul.f32 v10, v13;
	v14 =	vmul.f32 v18, v13;
	[tilespmem:s25+$0xFFFFFF50] =	vst v16  }
0x1c2: {  	[tilespmem:s25+$0xFFFFFF10] =	vst v11;
	v11 =	vmov s3;
	v13 =	vld [tilespmem:s25+$0xFFFFFFE0]  }
0x1c3: {  	[tilespmem:s25+$0xFFFFFF60] =	vst v12;
	v12 =	vadd.s32 $0x60, v11;
	v15 =	vld [tilespmem:s25+$0xFFFFFFF0]  }
0x1c4: {  	[tilespmem:s25+$0xFFFFFF00] =	vst v9;
	v9 =	vld [tilespmem:s25+$0xFFFFFFD0]  }
0x1c5: {  	[tilespmem:s25+$0xFFFFFF20] =	vst v14;
	v14 =	vld [tilespmem:s25+$0xFFFFFF90]  }
0x1c6: {  	[tilespmem:s25+$0xFFFFFF30] =	vst v10;
	v10 =	vld [tilespmem:s25+$0xFFFFFF80]  }
0x1c7: {  	v11 =	vld.idx.msk [tilespmem:v11+s17+$0x0], $0xffff  }
0x1c8: {  	v12 =	vld.idx.msk [tilespmem:v12+s17+$0x0], $0xffff  }
0x1c9: {  	v16 =	vld [tilespmem:s25+$0xFFFFFFC0]  }
0x1ca: {  	v17 =	vld [tilespmem:s25+$0xFFFFFFA0]  }
0x1cb: {  	v18 =	vld [tilespmem:s25+$0xFFFFFFB0];
	_ =	sdelay $0x1  }
0x1cc: {  	v10 =	vmul.f32 v10, v11;
	v14 =	vmul.f32 v14, v11  }
0x1cd: {  	v9 =	vmul.f32 v9, v12;
	v16 =	vmul.f32 v16, v12  }
0x1ce: {  	v15 =	vmul.f32 v15, v12;
	[tilespmem:s25+$0xFFFFFF80] =	vst v10;
	v10 =	vmul.f32 v17, v11  }
0x1cf: {  	v12 =	vmul.f32 v13, v12;
	v11 =	vmul.f32 v18, v11;
	[tilespmem:s25+$0xFFFFFFC0] =	vst v16  }
0x1d0: {  	s3 =	sadd.s32 $0x2, s2;
	[tilespmem:s25+$0xFFFFFFD0] =	vst v9  }
0x1d1: {  	v9 =	vmov s3;
	[tilespmem:s25+$0xFFFFFFB0] =	vst v11  }
0x1d2: {  	v13 =	vadd.s32 $0x60, v9;
	[tilespmem:s25+$0xFFFFFFA0] =	vst v10  }
0x1d3: {  	[tilespmem:s25+$0xFFFFFFE0] =	vst v12;
	v12 =	vld [tilespmem:s25+$0x0]  }
.Ltmp2:
0x1d4: {  	[tilespmem:s25+$0xFFFFFF90] =	vst v14;
	v10 =	vld [tilespmem:s25+$0x20];
	(pc) =	sbr.rel @p1 .LBB2_7-.Ltmp2, $4  }
0x1d5: {  	[tilespmem:s25+$0xFFFFFFF0] =	vst v15;
	v14 =	vld [tilespmem:s25+$0x10]  }
0x1d6: {  	v11 =	vld.idx.msk [tilespmem:v9+s17+$0x0], $0xffff  }
0x1d7: {  	v9 =	vld.idx.msk [tilespmem:v13+s17+$0x0], $0xffff  }
0x1d8: {  	v13 =	vld [tilespmem:s25+$0x70]  }
0x1d9: {  	_ =	sdelay $0x1  }
0x1da: {  	v12 =	vmul.f32 v12, v11  }
0x1db: {  	v15 =	vld [tilespmem:s22+$0x30];
	v14 =	vmul.f32 v14, v11  }
0x1dc: {  	v16 =	vld [tilespmem:s22+$0x60];
	v10 =	vmul.f32 v10, v11;
	[tilespmem:s22+$0x0] =	vst v12  }
0x1dd: {  	v8 =	vmul.f32 v8, v9;
	[tilespmem:s22+$0x10] =	vst v14  }
0x1de: {  	s0 =	sadd.s32 $0x3, s2;
	v7 =	vmul.f32 v7, v9;
	[tilespmem:s22+$0x20] =	vst v10  }
0x1df: {  	v54 =	vmul.f32 v13, v9;
	[tilespmem:s22+$0x40] =	vst v8;
	v8 =	vmov s0  }
0x1e0: {  	v51 =	vmul.f32 v15, v11;
	[tilespmem:s22+$0x50] =	vst v7  }
0x1e1: {  	v52 =	vmul.f32 v16, v9;
	[tilespmem:s22+$0x70] =	vst v54  }
0x1e2: {  	v53 =	vld [tilespmem:s22+$0x80];
	[tilespmem:s22+$0x30] =	vst v51  }
0x1e3: {  	v56 =	vld [tilespmem:s22+$0x90];
	v55 =	vadd.s32 $0x60, v8;
	[tilespmem:s22+$0x60] =	vst v52  }
0x1e4: {  	v8 =	vld.idx.msk [tilespmem:v8+s17+$0x0], $0xffff  }
0x1e5: {  	v58 =	vld [tilespmem:s22+$0xB0]  }
0x1e6: {  	v60 =	vld [tilespmem:s22+$0xA0]  }
0x1e7: {  	v7 =	vld [tilespmem:s22+$0xC0]  }
0x1e8: {  	v10 =	vld.idx.msk [tilespmem:v55+s17+$0x0], $0xffff  }
0x1e9: {  	v57 =	vld [tilespmem:s22+$0xF0];
	v12 =	vmul.f32 v53, v8  }
0x1ea: {  	v61 =	vld [tilespmem:s22+$0xD0];
	v9 =	vmul.f32 v56, v8  }
0x1eb: {  	v59 =	vld [tilespmem:s22+$0xE0];
	v62 =	vmul.f32 v58, v8;
	[tilespmem:s22+$0x80] =	vst v12  }
0x1ec: {  	v8 =	vmul.f32 v60, v8;
	[tilespmem:s22+$0x90] =	vst v9  }
0x1ed: {  	v7 =	vmul.f32 v7, v10;
	[tilespmem:s22+$0xB0] =	vst v62  }
0x1ee: {  	v11 =	vmul.f32 v57, v10;
	[tilespmem:s22+$0xA0] =	vst v8  }
0x1ef: {  	v63 =	vmul.f32 v61, v10;
	[tilespmem:s22+$0xC0] =	vst v7  }
0x1f0: {  	v7 =	vmul.f32 v59, v10;
	[tilespmem:s22+$0xF0] =	vst v11  }
0x1f1: {  	p1 =	seq.s32 s8, $0x7C;
	[tilespmem:s22+$0xD0] =	vst v63  }
.Ltmp3:
0x1f2: {  	[tilespmem:s22+$0xE0] =	vst v7;
	(pc) =	sbr.rel @p1 .LBB2_10-.Ltmp3, $4  }
0x1f3: {  	[spmem:s1] =	stream.indirect.scatter.add.f32 [tilespmem:s28], [sflag:$0x6], $0x80, s18, s31, $0xb8;
	[tilespmem:$0x1F100] =	vst v63  }
0x1f4: {  	_ =	swait.ge [sflag:s26], $0x2800  }
0x1f5: {  	[sflag:s26] =	ssyncset.done $0x0  }
0x1f6: {  	[sflag:s26] =	ssyncadd.s32 $0xFFFFD800  }
0x1f7: {  	_ =	swait.ge [sflag:s14], $0xA0  }
0x1f8: {  	[sflag:s14] =	ssyncset.done $0x0  }
0x1f9: {  	[sflag:s14] =	ssyncadd.s32 $0xFFFFFF60  }
0x1fa: {  	_ =	swait.ge [sflag:s14], $0xA0  }
0x1fb: {  	[sflag:s14] =	ssyncset.done $0x0  }
0x1fc: {  	[sflag:s14] =	ssyncadd.s32 $0xFFFFFF60  }
0x1fd: {  	v7 =	vld [tilespmem:$0xAF00]  }
0x1fe: {  	v8 =	vld [tilespmem:$0xB000]  }
0x1ff: {  	v9 =	vld [tilespmem:$0xAF10]  }
0x200: {  	v10 =	vld [tilespmem:$0xB010]  }
0x201: {  	v11 =	vld [tilespmem:$0xAF20]  }
0x202: {  	v49 =	vld [tilespmem:$0xB030];
	[tilespmem:$0x0] =	vst v7  }
0x203: {  	v50 =	vld [tilespmem:$0xAF40];
	[tilespmem:$0x80] =	vst v8  }
0x204: {  	v51 =	vld [tilespmem:$0xB040];
	[tilespmem:$0x10] =	vst v9  }
0x205: {  	v7 =	vld [tilespmem:$0xB020];
	[tilespmem:$0x90] =	vst v10  }
0x206: {  	v8 =	vld [tilespmem:$0xAF30];
	[tilespmem:$0x20] =	vst v11  }
0x207: {  	[tilespmem:$0xB0] =	vst v49  }
0x208: {  	[tilespmem:$0x40] =	vst v50  }
0x209: {  	[tilespmem:$0xC0] =	vst v51  }
0x20a: {  	[tilespmem:$0xA0] =	vst v7  }
0x20b: {  	s0 =	simm.s32 $0x0;
	[tilespmem:$0x30] =	vst v8  }
0x20c: {  	[tilespmem:s28], [sflag:$0x1] =	stream.indirect.gather [hbm4b:s16+s31], $0x80, s0, s31, $0xb8;
	[tilespmem:$0x1F100] =	vst v63  }
0x20d: {  	v7 =	vld [tilespmem:$0x0]  }
0x20e: {  	v8 =	vld [tilespmem:$0x10]  }
0x20f: {  	v52 =	vld [tilespmem:$0x20]  }
0x210: {  	v53 =	vld [tilespmem:$0x30]  }
0x211: {  	v54 =	vld [tilespmem:$0x40]  }
0x212: {  	v7 =	vadd.s32 v0, v7  }
0x213: {  	[tilespmem:$0x200] =	vst v7;
	v7 =	vadd.s32 v0, v8  }
0x214: {  	[tilespmem:$0x210] =	vst v7;
	v7 =	vadd.s32 v0, v52  }
0x215: {  	[tilespmem:$0x220] =	vst v7;
	v7 =	vadd.s32 v0, v53  }
0x216: {  	[tilespmem:$0x230] =	vst v7;
	v7 =	vadd.s32 v0, v54  }
0x217: {  	s7 =	simm.s32 $0x200;
	s2 =	simm.s32 $0x600;
	[tilespmem:$0x240] =	vst v7  }
0x218: {  	[tilespmem:s2], [sflag:$0x2] =	stream.indirect.gather [hbm4b:s4+s31], $0x1, s7, s31, $0xb8;
	[tilespmem:$0x1F100] =	vst v63  }
0x219: {  	v7 =	vld [tilespmem:$0x0]  }
0x21a: {  	v8 =	vld [tilespmem:$0x10]  }
0x21b: {  	v55 =	vld [tilespmem:$0x20]  }
0x21c: {  	v56 =	vld [tilespmem:$0x30]  }
0x21d: {  	v57 =	vld [tilespmem:$0x40]  }
0x21e: {  	v7 =	vadd.s32 v1, v7  }
0x21f: {  	[tilespmem:$0x280] =	vst v7;
	v7 =	vadd.s32 v1, v8  }
0x220: {  	[tilespmem:$0x290] =	vst v7;
	v7 =	vadd.s32 v1, v55  }
0x221: {  	[tilespmem:$0x2A0] =	vst v7;
	v7 =	vadd.s32 v1, v56  }
0x222: {  	[tilespmem:$0x2B0] =	vst v7;
	v7 =	vadd.s32 v1, v57  }
0x223: {  	s22 =	simm.s32 $0x280;
	s25 =	simm.s32 $0x680;
	[tilespmem:$0x2C0] =	vst v7  }
0x224: {  	[tilespmem:s25], [sflag:$0x2] =	stream.indirect.gather [hbm4b:s4+s31], $0x1, s22, s31, $0xb8;
	[tilespmem:$0x1F100] =	vst v63  }
0x225: {  	v7 =	vld [tilespmem:$0x80]  }
0x226: {  	v8 =	vld [tilespmem:$0x90]  }
0x227: {  	v58 =	vld [tilespmem:$0xA0]  }
0x228: {  	v59 =	vld [tilespmem:$0xB0]  }
0x229: {  	v60 =	vld [tilespmem:$0xC0]  }
0x22a: {  	v7 =	vadd.s32 v2, v7  }
0x22b: {  	[tilespmem:$0x300] =	vst v7;
	v7 =	vadd.s32 v2, v8  }
0x22c: {  	[tilespmem:$0x310] =	vst v7;
	v7 =	vadd.s32 v2, v58  }
0x22d: {  	[tilespmem:$0x320] =	vst v7;
	v7 =	vadd.s32 v2, v59  }
0x22e: {  	[tilespmem:$0x330] =	vst v7;
	v7 =	vadd.s32 v2, v60  }
0x22f: {  	[tilespmem:$0x340] =	vst v7  }
0x230: {  	[tilespmem:s10], [sflag:$0x2] =	stream.indirect.gather [hbm4b:s4+s31], $0x1, s9, s31, $0xb8;
	[tilespmem:$0x1F100] =	vst v63  }
0x231: {  	v7 =	vld [tilespmem:$0x80]  }
0x232: {  	v8 =	vld [tilespmem:$0x90]  }
0x233: {  	v61 =	vld [tilespmem:$0xA0]  }
0x234: {  	v62 =	vld [tilespmem:$0xB0]  }
0x235: {  	v63 =	vld [tilespmem:$0xC0]  }
0x236: {  	v7 =	vadd.s32 v3, v7  }
0x237: {  	[tilespmem:$0x380] =	vst v7;
	v7 =	vadd.s32 v3, v8  }
0x238: {  	[tilespmem:$0x390] =	vst v7;
	v7 =	vadd.s32 v3, v61  }
0x239: {  	[tilespmem:$0x3A0] =	vst v7;
	v7 =	vadd.s32 v3, v62  }
0x23a: {  	[tilespmem:$0x3B0] =	vst v7;
	v7 =	vadd.s32 v3, v63  }
0x23b: {  	[tilespmem:$0x3C0] =	vst v7  }
0x23c: {  	[tilespmem:s12], [sflag:$0x2] =	stream.indirect.gather [hbm4b:s4+s31], $0x1, s11, s31, $0xb8;
	[tilespmem:$0x1F100] =	vst v63  }
.LBB2_10:
0x23d: {  	_ =	swait.ge [sflag:s19], $0x2800  }
0x23e: {  	[sflag:s19] =	ssyncset.done $0x0  }
0x23f: {  	[sflag:s19] =	ssyncadd.s32 $0xFFFFD800  }
0x240: {  	_ =	swait.ge [sflag:s20], $0x50  }
0x241: {  	[sflag:s20] =	ssyncset.done $0x0  }
0x242: {  	[sflag:s20] =	ssyncadd.s32 $0xFFFFFFB0  }
0x243: {  	_ =	swait.ge [sflag:s20], $0x50  }
0x244: {  	[sflag:s20] =	ssyncset.done $0x0  }
0x245: {  	[sflag:s20] =	ssyncadd.s32 $0xFFFFFFB0  }
0x246: {  	_ =	swait.ge [sflag:s20], $0x50  }
0x247: {  	[sflag:s20] =	ssyncset.done $0x0  }
0x248: {  	[sflag:s20] =	ssyncadd.s32 $0xFFFFFFB0  }
0x249: {  	_ =	swait.ge [sflag:s20], $0x50  }
0x24a: {  	[sflag:s20] =	ssyncset.done $0x0  }
0x24b: {  	[sflag:s20] =	ssyncadd.s32 $0xFFFFFFB0  }
0x24c: {  	v7 =	vld [tilespmem:$0x800]  }
0x24d: {  	v8 =	vld [tilespmem:$0x900]  }
0x24e: {  	v9 =	vld [tilespmem:$0x880]  }
0x24f: {  	v10 =	vld [tilespmem:$0x980];
	_ =	sdelay $0x3  }
0x250: {  	v7 =	vadd.f32 v8, v7  }
0x251: {  	v8 =	vadd.f32 v10, v9  }
0x252: {  	v9 =	vmul.f32 $9.999999770e-03, v7  }
0x253: {  	v10 =	vmul.f32 $9.999999770e-03, v8  }
0x254: {  	v7 =	vmax.f32 v7, v9  }
0x255: {  	v8 =	vmax.f32 v8, v10;
	v7 =	vsub.f32 v7, v5  }
0x256: {  	v8 =	vsub.f32 v8, v6  }
0x257: {  	v7 =	vmul.f32 $1.442695020e+00, v7  }
0x258: {  	v8 =	vmul.f32 $1.442695020e+00, v8  }
0x259: {  	(erf) = vpow2.f32 v7  }
0x25a: {  	(erf) = vpow2.f32 v8;
	_ =	sdelay $0x1  }
0x25b: {  	v7 =	vld [tilespmem:$0x180];
	_ =	sdelay $0x4  }
0x25c: {  	v8 =	vadd.s32 $0x2800, v7  }
0x25d: {  	v9 =	vpop (erf)  }
0x25e: {  	v10 =	vpop (erf);
	[tilespmem:$0xAA00] =	vst v9  }
0x25f: {  	[tilespmem:$0xAA60] =	vst v10  }
0x260: {  	[tilespmem:v7+s30+$0x0] =	vst.idx.add.f32.msk $0xffff, v9  }
0x261: {  	[tilespmem:v8+s30+$0x0] =	vst.idx.add.f32.msk $0xffff, v10  }
0x262: {  	v7 =	vld [tilespmem:$0x810]  }
0x263: {  	v8 =	vld [tilespmem:$0x910]  }
0x264: {  	v9 =	vld [tilespmem:$0x890]  }
0x265: {  	v10 =	vld [tilespmem:$0x990];
	_ =	sdelay $0x3  }
0x266: {  	v7 =	vadd.f32 v8, v7  }
0x267: {  	v8 =	vadd.f32 v10, v9  }
0x268: {  	v9 =	vmul.f32 $9.999999770e-03, v7  }
0x269: {  	v10 =	vmul.f32 $9.999999770e-03, v8  }
0x26a: {  	v7 =	vmax.f32 v7, v9  }
0x26b: {  	v8 =	vmax.f32 v8, v10;
	v7 =	vsub.f32 v7, v5  }
0x26c: {  	v8 =	vsub.f32 v8, v6  }
0x26d: {  	v7 =	vmul.f32 $1.442695020e+00, v7  }
0x26e: {  	v8 =	vmul.f32 $1.442695020e+00, v8  }
0x26f: {  	(erf) = vpow2.f32 v7  }
0x270: {  	(erf) = vpow2.f32 v8;
	_ =	sdelay $0x1  }
0x271: {  	v7 =	vld [tilespmem:$0x190];
	_ =	sdelay $0x4  }
0x272: {  	v8 =	vadd.s32 $0x2800, v7  }
0x273: {  	v9 =	vpop (erf)  }
0x274: {  	v10 =	vpop (erf);
	[tilespmem:$0xAA10] =	vst v9  }
0x275: {  	[tilespmem:$0xAA70] =	vst v10  }
0x276: {  	[tilespmem:v7+s30+$0x0] =	vst.idx.add.f32.msk $0xffff, v9  }
0x277: {  	[tilespmem:v8+s30+$0x0] =	vst.idx.add.f32.msk $0xffff, v10  }
0x278: {  	v7 =	vld [tilespmem:$0x820]  }
0x279: {  	v8 =	vld [tilespmem:$0x920]  }
0x27a: {  	v9 =	vld [tilespmem:$0x8A0]  }
0x27b: {  	v10 =	vld [tilespmem:$0x9A0];
	_ =	sdelay $0x3  }
0x27c: {  	v7 =	vadd.f32 v8, v7  }
0x27d: {  	v8 =	vadd.f32 v10, v9  }
0x27e: {  	v9 =	vmul.f32 $9.999999770e-03, v7  }
0x27f: {  	v10 =	vmul.f32 $9.999999770e-03, v8  }
0x280: {  	v7 =	vmax.f32 v7, v9  }
0x281: {  	v8 =	vmax.f32 v8, v10;
	v7 =	vsub.f32 v7, v5  }
0x282: {  	v8 =	vsub.f32 v8, v6  }
0x283: {  	v7 =	vmul.f32 $1.442695020e+00, v7  }
0x284: {  	v8 =	vmul.f32 $1.442695020e+00, v8  }
0x285: {  	(erf) = vpow2.f32 v7  }
0x286: {  	(erf) = vpow2.f32 v8;
	_ =	sdelay $0x1  }
0x287: {  	v7 =	vld [tilespmem:$0x1A0];
	_ =	sdelay $0x4  }
0x288: {  	v8 =	vadd.s32 $0x2800, v7  }
0x289: {  	v9 =	vpop (erf)  }
0x28a: {  	v10 =	vpop (erf);
	[tilespmem:$0xAA20] =	vst v9  }
0x28b: {  	[tilespmem:$0xAA80] =	vst v10  }
0x28c: {  	[tilespmem:v7+s30+$0x0] =	vst.idx.add.f32.msk $0xffff, v9  }
0x28d: {  	[tilespmem:v8+s30+$0x0] =	vst.idx.add.f32.msk $0xffff, v10  }
0x28e: {  	v7 =	vld [tilespmem:$0x830]  }
0x28f: {  	v8 =	vld [tilespmem:$0x930]  }
0x290: {  	v9 =	vld [tilespmem:$0x8B0]  }
0x291: {  	v10 =	vld [tilespmem:$0x9B0];
	_ =	sdelay $0x3  }
0x292: {  	v7 =	vadd.f32 v8, v7  }
0x293: {  	v8 =	vadd.f32 v10, v9  }
0x294: {  	v9 =	vmul.f32 $9.999999770e-03, v7  }
0x295: {  	v10 =	vmul.f32 $9.999999770e-03, v8  }
0x296: {  	v7 =	vmax.f32 v7, v9  }
0x297: {  	v8 =	vmax.f32 v8, v10;
	v7 =	vsub.f32 v7, v5  }
0x298: {  	v8 =	vsub.f32 v8, v6  }
0x299: {  	v7 =	vmul.f32 $1.442695020e+00, v7  }
0x29a: {  	v8 =	vmul.f32 $1.442695020e+00, v8  }
0x29b: {  	(erf) = vpow2.f32 v7  }
0x29c: {  	(erf) = vpow2.f32 v8;
	_ =	sdelay $0x1  }
0x29d: {  	v7 =	vld [tilespmem:$0x1B0];
	_ =	sdelay $0x4  }
0x29e: {  	v8 =	vadd.s32 $0x2800, v7  }
0x29f: {  	v9 =	vpop (erf)  }
0x2a0: {  	v10 =	vpop (erf);
	[tilespmem:$0xAA30] =	vst v9  }
0x2a1: {  	[tilespmem:$0xAA90] =	vst v10  }
0x2a2: {  	[tilespmem:v7+s30+$0x0] =	vst.idx.add.f32.msk $0xffff, v9  }
0x2a3: {  	[tilespmem:v8+s30+$0x0] =	vst.idx.add.f32.msk $0xffff, v10  }
0x2a4: {  	v7 =	vld [tilespmem:$0x840]  }
0x2a5: {  	v8 =	vld [tilespmem:$0x940]  }
0x2a6: {  	v9 =	vld [tilespmem:$0x8C0]  }
0x2a7: {  	v10 =	vld [tilespmem:$0x9C0];
	_ =	sdelay $0x3  }
0x2a8: {  	v7 =	vadd.f32 v8, v7  }
0x2a9: {  	v8 =	vadd.f32 v10, v9  }
0x2aa: {  	v9 =	vmul.f32 $9.999999770e-03, v7  }
0x2ab: {  	v10 =	vmul.f32 $9.999999770e-03, v8  }
0x2ac: {  	v7 =	vmax.f32 v7, v9  }
0x2ad: {  	v8 =	vmax.f32 v8, v10;
	v7 =	vsub.f32 v7, v5  }
0x2ae: {  	v8 =	vsub.f32 v8, v6  }
0x2af: {  	v7 =	vmul.f32 $1.442695020e+00, v7  }
0x2b0: {  	v8 =	vmul.f32 $1.442695020e+00, v8  }
0x2b1: {  	(erf) = vpow2.f32 v7  }
0x2b2: {  	(erf) = vpow2.f32 v8;
	_ =	sdelay $0x1  }
0x2b3: {  	v7 =	vld [tilespmem:$0x1C0];
	_ =	sdelay $0x4  }
0x2b4: {  	v8 =	vadd.s32 $0x2800, v7  }
0x2b5: {  	s2 =	simm.s32 $0x0;
	v9 =	vpop (erf)  }
0x2b6: {  	v11 =	vmov s2;
	v10 =	vpop (erf);
	[tilespmem:$0xAA40] =	vst v9  }
0x2b7: {  	v12 =	vadd.s32 $0x60, v11;
	[tilespmem:$0xAAA0] =	vst v10  }
0x2b8: {  	[tilespmem:v7+s30+$0x0] =	vst.idx.add.f32.msk $0xffff, v9  }
0x2b9: {  	s22 =	simm.s32 $0x3300;
	[tilespmem:v8+s30+$0x0] =	vst.idx.add.f32.msk $0xffff, v10  }
0x2ba: {  	v7 =	vld [tilespmem:s22+$0xFFFFFF10]  }
0x2bb: {  	v8 =	vld [tilespmem:s22+$0xFFFFFF70]  }
0x2bc: {  	v9 =	vld.idx.msk [tilespmem:v12+s17+$0x0], $0xffff  }
0x2bd: {  	v10 =	vld [tilespmem:s22+$0xFFFFFF40]  }
0x2be: {  	v12 =	vld [tilespmem:s22+$0xFFFFFF50]  }
0x2bf: {  	v11 =	vld.idx.msk [tilespmem:v11+s17+$0x0], $0xffff  }
0x2c0: {  	v13 =	vld [tilespmem:s22+$0xFFFFFF60]  }
0x2c1: {  	v14 =	vld [tilespmem:s22+$0xFFFFFF00];
	v8 =	vmul.f32 v8, v9  }
0x2c2: {  	v15 =	vld [tilespmem:s22+$0xFFFFFF20];
	v10 =	vmul.f32 v10, v9  }
0x2c3: {  	v16 =	vld [tilespmem:s22+$0xFFFFFF30];
	v12 =	vmul.f32 v12, v9;
	[tilespmem:s22+$0xFFFFFF70] =	vst v8  }
0x2c4: {  	v7 =	vmul.f32 v7, v11;
	[tilespmem:s22+$0xFFFFFF40] =	vst v10  }
0x2c5: {  	s0 =	simm.s32 $0x1;
	v8 =	vmul.f32 v13, v9;
	[tilespmem:s22+$0xFFFFFF50] =	vst v12  }
0x2c6: {  	v9 =	vmul.f32 v14, v11;
	[tilespmem:s22+$0xFFFFFF10] =	vst v7;
	v7 =	vmov s0  }
0x2c7: {  	v63 =	vld [tilespmem:s22+$0xFFFFFFF0];
	v10 =	vmul.f32 v15, v11;
	[tilespmem:s22+$0xFFFFFF60] =	vst v8  }
0x2c8: {  	v11 =	vmul.f32 v16, v11;
	v12 =	vld [tilespmem:s22+$0xFFFFFFB0];
	v8 =	vadd.s32 $0x60, v7;
	[tilespmem:s22+$0xFFFFFF00] =	vst v9  }
0x2c9: {  	v14 =	vld [tilespmem:s22+$0xFFFFFF90];
	[tilespmem:s22+$0xFFFFFF20] =	vst v10  }
0x2ca: {  	[tilespmem:s22+$0xFFFFFF30] =	vst v11;
	v9 =	vld [tilespmem:s22+$0xFFFFFF80]  }
0x2cb: {  	v10 =	vld.idx.msk [tilespmem:v7+s17+$0x0], $0xffff  }
0x2cc: {  	v7 =	vld [tilespmem:s22+$0xFFFFFFC0]  }
0x2cd: {  	v8 =	vld.idx.msk [tilespmem:v8+s17+$0x0], $0xffff  }
0x2ce: {  	v11 =	vld [tilespmem:s22+$0xFFFFFFD0]  }
0x2cf: {  	v13 =	vld [tilespmem:s22+$0xFFFFFFE0]  }
0x2d0: {  	v9 =	vmul.f32 v9, v10  }
0x2d1: {  	v15 =	vld [tilespmem:s22+$0xFFFFFFA0];
	v14 =	vmul.f32 v14, v10  }
0x2d2: {  	v7 =	vmul.f32 v7, v8;
	[tilespmem:s22+$0xFFFFFF80] =	vst v9  }
0x2d3: {  	v11 =	vmul.f32 v11, v8;
	v9 =	vmul.f32 v12, v10;
	[tilespmem:s22+$0xFFFFFF90] =	vst v14  }
0x2d4: {  	s25 =	simm.s32 $0x2;
	v12 =	vmul.f32 v13, v8;
	v13 =	vmul.f32 v63, v8;
	v8 =	vld [tilespmem:s22+$0x40];
	[tilespmem:s22+$0xFFFFFFC0] =	vst v7  }
0x2d5: {  	v14 =	vld [tilespmem:s22+$0x10];
	[tilespmem:s22+$0xFFFFFFD0] =	vst v11;
	v11 =	vmov s25  }
0x2d6: {  	[tilespmem:s22+$0xFFFFFFB0] =	vst v9;
	v7 =	vld [tilespmem:s22+$0x50];
	v9 =	vmul.f32 v15, v10;
	v15 =	vadd.s32 $0x60, v11  }
0x2d7: {  	[tilespmem:s22+$0xFFFFFFE0] =	vst v12;
	v12 =	vld [tilespmem:s22+$0x0]  }
0x2d8: {  	v10 =	vld [tilespmem:s22+$0x20];
	[tilespmem:s22+$0xFFFFFFF0] =	vst v13  }
0x2d9: {  	v13 =	vld [tilespmem:s22+$0x70];
	[tilespmem:s22+$0xFFFFFFA0] =	vst v9  }
0x2da: {  	v11 =	vld.idx.msk [tilespmem:v11+s17+$0x0], $0xffff  }
0x2db: {  	s0 =	simm.s32 $0x4;
	s25 =	simm.s32 $0x3300;
	v9 =	vld.idx.msk [tilespmem:v15+s17+$0x0], $0xffff  }
.LBB2_11:
0x2dc: {  	p2 =	slt.u32 s0, $0x4C  }
0x2dd: {  	v15 =	vld [tilespmem:s22+$0x30];
	s25 =	sadd.s32 $0x200, s25;
	s3 =	smov.u32 s0;
	s0 =	sadd.s32 $0x4, s0  }
0x2de: {  	v16 =	vld [tilespmem:s22+$0x60];
	_ =	sdelay $0x1  }
0x2df: {  	v12 =	vmul.f32 v12, v11;
	v14 =	vmul.f32 v14, v11  }
0x2e0: {  	v10 =	vmul.f32 v10, v11;
	v13 =	vmul.f32 v13, v9  }
0x2e1: {  	v8 =	vmul.f32 v8, v9;
	v7 =	vmul.f32 v7, v9;
	[tilespmem:s22+$0x0] =	vst v12  }
0x2e2: {  	v11 =	vmul.f32 v15, v11;
	[tilespmem:s22+$0x10] =	vst v14;
	v9 =	vmul.f32 v16, v9  }
0x2e3: {  	s7 =	sadd.s32 $0x3, s2;
	s2 =	smov.u32 s3;
	[tilespmem:s22+$0x40] =	vst v8;
	v12 =	vld [tilespmem:s22+$0x80]  }
0x2e4: {  	v8 =	vmov s7;
	[tilespmem:s22+$0x30] =	vst v11;
	v11 =	vld [tilespmem:s22+$0xB0]  }
0x2e5: {  	[tilespmem:s22+$0x20] =	vst v10;
	v10 =	vadd.s32 $0x60, v8;
	v14 =	vld [tilespmem:s22+$0xF0]  }
0x2e6: {  	[tilespmem:s22+$0x50] =	vst v7;
	v15 =	vld [tilespmem:s22+$0xC0]  }
0x2e7: {  	v7 =	vld [tilespmem:s25+$0x50];
	[tilespmem:s22+$0x60] =	vst v9  }
0x2e8: {  	[tilespmem:s22+$0x70] =	vst v13;
	v9 =	vld [tilespmem:s22+$0x90]  }
0x2e9: {  	v13 =	vld.idx.msk [tilespmem:v8+s17+$0x0], $0xffff  }
0x2ea: {  	v10 =	vld.idx.msk [tilespmem:v10+s17+$0x0], $0xffff  }
0x2eb: {  	v16 =	vld [tilespmem:s22+$0xD0]  }
0x2ec: {  	v17 =	vld [tilespmem:s22+$0xE0]  }
0x2ed: {  	v18 =	vld [tilespmem:s22+$0xA0]  }
0x2ee: {  	v8 =	vld [tilespmem:s25+$0x40]  }
0x2ef: {  	v12 =	vmul.f32 v12, v13;
	v9 =	vmul.f32 v9, v13  }
0x2f0: {  	v15 =	vmul.f32 v15, v10;
	v16 =	vmul.f32 v16, v10  }
0x2f1: {  	[tilespmem:s22+$0x80] =	vst v12;
	v12 =	vmul.f32 v17, v10;
	v10 =	vmul.f32 v14, v10  }
0x2f2: {  	v11 =	vmul.f32 v11, v13;
	[tilespmem:s22+$0x90] =	vst v9;
	v9 =	vmul.f32 v18, v13  }
0x2f3: {  	v13 =	vmov s2;
	[tilespmem:s22+$0xC0] =	vst v15  }
0x2f4: {  	v14 =	vadd.s32 $0x60, v13;
	[tilespmem:s22+$0xF0] =	vst v10  }
0x2f5: {  	v10 =	vld [tilespmem:s25+$0xFFFFFF30];
	[tilespmem:s22+$0xB0] =	vst v11  }
0x2f6: {  	v11 =	vld [tilespmem:s25+$0xFFFFFF10];
	[tilespmem:s22+$0xE0] =	vst v12  }
0x2f7: {  	v12 =	vld [tilespmem:s25+$0xFFFFFF60];
	[tilespmem:s22+$0xA0] =	vst v9  }
0x2f8: {  	v9 =	vld [tilespmem:s25+$0xFFFFFF70];
	[tilespmem:s22+$0xD0] =	vst v16;
	s22 =	smov.u32 s25  }
0x2f9: {  	v14 =	vld.idx.msk [tilespmem:v14+s17+$0x0], $0xffff  }
0x2fa: {  	v15 =	vld [tilespmem:s25+$0xFFFFFF40]  }
0x2fb: {  	v16 =	vld [tilespmem:s25+$0xFFFFFF50]  }
0x2fc: {  	v13 =	vld.idx.msk [tilespmem:v13+s17+$0x0], $0xffff  }
0x2fd: {  	v17 =	vld [tilespmem:s25+$0xFFFFFF00]  }
0x2fe: {  	v18 =	vld [tilespmem:s25+$0xFFFFFF20]  }
0x2ff: {  	v9 =	vmul.f32 v9, v14;
	v15 =	vmul.f32 v15, v14  }
0x300: {  	v12 =	vmul.f32 v12, v14;
	v16 =	vmul.f32 v16, v14  }
0x301: {  	[tilespmem:s25+$0xFFFFFF70] =	vst v9  }
0x302: {  	v11 =	vmul.f32 v11, v13;
	v9 =	vmul.f32 v17, v13;
	[tilespmem:s25+$0xFFFFFF40] =	vst v15  }
0x303: {  	s3 =	sadd.s32 $0x1, s2;
	v10 =	vmul.f32 v10, v13;
	v14 =	vmul.f32 v18, v13;
	[tilespmem:s25+$0xFFFFFF50] =	vst v16  }
0x304: {  	[tilespmem:s25+$0xFFFFFF10] =	vst v11;
	v11 =	vmov s3;
	v13 =	vld [tilespmem:s25+$0xFFFFFFE0]  }
0x305: {  	[tilespmem:s25+$0xFFFFFF60] =	vst v12;
	v12 =	vadd.s32 $0x60, v11;
	v15 =	vld [tilespmem:s25+$0xFFFFFFF0]  }
0x306: {  	[tilespmem:s25+$0xFFFFFF00] =	vst v9;
	v9 =	vld [tilespmem:s25+$0xFFFFFFD0]  }
0x307: {  	[tilespmem:s25+$0xFFFFFF20] =	vst v14;
	v14 =	vld [tilespmem:s25+$0xFFFFFF90]  }
0x308: {  	[tilespmem:s25+$0xFFFFFF30] =	vst v10;
	v10 =	vld [tilespmem:s25+$0xFFFFFF80]  }
0x309: {  	v11 =	vld.idx.msk [tilespmem:v11+s17+$0x0], $0xffff  }
0x30a: {  	v12 =	vld.idx.msk [tilespmem:v12+s17+$0x0], $0xffff  }
0x30b: {  	v16 =	vld [tilespmem:s25+$0xFFFFFFC0]  }
0x30c: {  	v17 =	vld [tilespmem:s25+$0xFFFFFFA0]  }
0x30d: {  	v18 =	vld [tilespmem:s25+$0xFFFFFFB0];
	_ =	sdelay $0x1  }
0x30e: {  	v10 =	vmul.f32 v10, v11;
	v14 =	vmul.f32 v14, v11  }
0x30f: {  	v9 =	vmul.f32 v9, v12;
	v16 =	vmul.f32 v16, v12  }
0x310: {  	v15 =	vmul.f32 v15, v12;
	[tilespmem:s25+$0xFFFFFF80] =	vst v10;
	v10 =	vmul.f32 v17, v11  }
0x311: {  	v12 =	vmul.f32 v13, v12;
	v11 =	vmul.f32 v18, v11;
	[tilespmem:s25+$0xFFFFFFC0] =	vst v16  }
0x312: {  	s3 =	sadd.s32 $0x2, s2;
	[tilespmem:s25+$0xFFFFFFD0] =	vst v9  }
0x313: {  	v9 =	vmov s3;
	[tilespmem:s25+$0xFFFFFFB0] =	vst v11  }
0x314: {  	v13 =	vadd.s32 $0x60, v9;
	[tilespmem:s25+$0xFFFFFFA0] =	vst v10  }
0x315: {  	[tilespmem:s25+$0xFFFFFFE0] =	vst v12;
	v12 =	vld [tilespmem:s25+$0x0]  }
.Ltmp4:
0x316: {  	[tilespmem:s25+$0xFFFFFF90] =	vst v14;
	v10 =	vld [tilespmem:s25+$0x20];
	(pc) =	sbr.rel @p2 .LBB2_11-.Ltmp4, $4  }
0x317: {  	[tilespmem:s25+$0xFFFFFFF0] =	vst v15;
	v14 =	vld [tilespmem:s25+$0x10]  }
0x318: {  	v11 =	vld.idx.msk [tilespmem:v9+s17+$0x0], $0xffff  }
0x319: {  	v9 =	vld.idx.msk [tilespmem:v13+s17+$0x0], $0xffff  }
0x31a: {  	v13 =	vld [tilespmem:s25+$0x70]  }
0x31b: {  	_ =	sdelay $0x1  }
0x31c: {  	v12 =	vmul.f32 v12, v11  }
0x31d: {  	v15 =	vld [tilespmem:s22+$0x30];
	v14 =	vmul.f32 v14, v11  }
0x31e: {  	v16 =	vld [tilespmem:s22+$0x60];
	v10 =	vmul.f32 v10, v11;
	[tilespmem:s22+$0x0] =	vst v12  }
0x31f: {  	v8 =	vmul.f32 v8, v9;
	[tilespmem:s22+$0x10] =	vst v14  }
0x320: {  	s0 =	sadd.s32 $0x3, s2;
	v7 =	vmul.f32 v7, v9;
	[tilespmem:s22+$0x20] =	vst v10  }
0x321: {  	v54 =	vmul.f32 v13, v9;
	[tilespmem:s22+$0x40] =	vst v8;
	v8 =	vmov s0  }
0x322: {  	v51 =	vmul.f32 v15, v11;
	[tilespmem:s22+$0x50] =	vst v7  }
0x323: {  	v52 =	vmul.f32 v16, v9;
	[tilespmem:s22+$0x70] =	vst v54  }
0x324: {  	v53 =	vld [tilespmem:s22+$0x80];
	[tilespmem:s22+$0x30] =	vst v51  }
0x325: {  	v56 =	vld [tilespmem:s22+$0x90];
	v55 =	vadd.s32 $0x60, v8;
	[tilespmem:s22+$0x60] =	vst v52  }
0x326: {  	v8 =	vld.idx.msk [tilespmem:v8+s17+$0x0], $0xffff  }
0x327: {  	v58 =	vld [tilespmem:s22+$0xB0]  }
0x328: {  	v60 =	vld [tilespmem:s22+$0xA0]  }
0x329: {  	v7 =	vld [tilespmem:s22+$0xC0]  }
0x32a: {  	v10 =	vld.idx.msk [tilespmem:v55+s17+$0x0], $0xffff  }
0x32b: {  	v57 =	vld [tilespmem:s22+$0xF0];
	v12 =	vmul.f32 v53, v8  }
0x32c: {  	v61 =	vld [tilespmem:s22+$0xD0];
	v9 =	vmul.f32 v56, v8  }
0x32d: {  	v59 =	vld [tilespmem:s22+$0xE0];
	v62 =	vmul.f32 v58, v8;
	[tilespmem:s22+$0x80] =	vst v12  }
0x32e: {  	v8 =	vmul.f32 v60, v8;
	[tilespmem:s22+$0x90] =	vst v9  }
0x32f: {  	v7 =	vmul.f32 v7, v10;
	[tilespmem:s22+$0xB0] =	vst v62  }
0x330: {  	v11 =	vmul.f32 v57, v10;
	[tilespmem:s22+$0xA0] =	vst v8  }
0x331: {  	v63 =	vmul.f32 v61, v10;
	[tilespmem:s22+$0xC0] =	vst v7  }
0x332: {  	v7 =	vmul.f32 v59, v10;
	[tilespmem:s22+$0xF0] =	vst v11  }
0x333: {  	[tilespmem:s22+$0xD0] =	vst v63  }
0x334: {  	[tilespmem:s22+$0xE0] =	vst v7  }
0x335: {  	[spmem:s1] =	stream.indirect.scatter.add.f32 [tilespmem:s13], [sflag:$0x6], $0x80, s21, s31, $0xb8;
	[tilespmem:$0x1F100] =	vst v63  }
0x336: {  	_ =	swait.ge [sflag:s26], $0x2800  }
0x337: {  	[sflag:s26] =	ssyncset.done $0x0  }
0x338: {  	[sflag:s26] =	ssyncadd.s32 $0xFFFFD800  }
0x339: {  	v7 =	vld @!p1 [tilespmem:$0xAF50]  }
0x33a: {  	v8 =	vld @!p1 [tilespmem:$0xB050]  }
0x33b: {  	v9 =	vld @!p1 [tilespmem:$0xAF60]  }
0x33c: {  	v10 =	vld @!p1 [tilespmem:$0xB060]  }
0x33d: {  	v11 =	vld @!p1 [tilespmem:$0xAF70]  }
0x33e: {  	[tilespmem:$0x100] =	vst @!p1 v7;
	v7 =	vld @!p1 [tilespmem:$0xB070]  }
0x33f: {  	[tilespmem:$0x180] =	vst @!p1 v8;
	v8 =	vld @!p1 [tilespmem:$0xAF80]  }
0x340: {  	[tilespmem:$0x110] =	vst @!p1 v9;
	v9 =	vld @!p1 [tilespmem:$0xB080]  }
0x341: {  	[tilespmem:$0x190] =	vst @!p1 v10;
	v10 =	vld @!p1 [tilespmem:$0xAF90]  }
0x342: {  	[tilespmem:$0x120] =	vst @!p1 v11;
	v11 =	vld @!p1 [tilespmem:$0xB090]  }
0x343: {  	[tilespmem:$0x1A0] =	vst @!p1 v7  }
0x344: {  	[tilespmem:$0x130] =	vst @!p1 v8  }
0x345: {  	[tilespmem:$0x1B0] =	vst @!p1 v9  }
0x346: {  	[tilespmem:$0x140] =	vst @!p1 v10  }
0x347: {  	s2 =	simm.s32 @!p1 $0x100;
	s3 =	simm.s32 @!p1 $0x3200;
	s0 =	simm.s32 @!p1 $0x50;
	[tilespmem:$0x1C0] =	vst @!p1 v11  }
0x348: {  	[tilespmem:s3], [sflag:$0x3] =	stream.indirect.gather @!p1 [hbm4b:s16+s0], $0x80, s2, s0, $0xb8;
	[tilespmem:$0x1F100] =	vst v63  }
0x349: {  	v7 =	vld @!p1 [tilespmem:$0x100]  }
0x34a: {  	v8 =	vld @!p1 [tilespmem:$0x110]  }
0x34b: {  	v9 =	vld @!p1 [tilespmem:$0x120]  }
0x34c: {  	v10 =	vld @!p1 [tilespmem:$0x130]  }
0x34d: {  	v11 =	vld @!p1 [tilespmem:$0x140]  }
0x34e: {  	v7 =	vadd.s32 @!p1 v0, v7  }
0x34f: {  	[tilespmem:$0x400] =	vst @!p1 v7;
	v7 =	vadd.s32 @!p1 v0, v8  }
0x350: {  	[tilespmem:$0x410] =	vst @!p1 v7;
	v7 =	vadd.s32 @!p1 v0, v9  }
0x351: {  	[tilespmem:$0x420] =	vst @!p1 v7;
	v7 =	vadd.s32 @!p1 v0, v10  }
0x352: {  	[tilespmem:$0x430] =	vst @!p1 v7;
	v7 =	vadd.s32 @!p1 v0, v11  }
0x353: {  	s2 =	simm.s32 @!p1 $0x400;
	s3 =	simm.s32 @!p1 $0x800;
	[tilespmem:$0x440] =	vst @!p1 v7  }
0x354: {  	[tilespmem:s3], [sflag:$0x4] =	stream.indirect.gather @!p1 [hbm4b:s4+s0], $0x1, s2, s0, $0xb8;
	[tilespmem:$0x1F100] =	vst v63  }
0x355: {  	v7 =	vld @!p1 [tilespmem:$0x100]  }
0x356: {  	v8 =	vld @!p1 [tilespmem:$0x110]  }
0x357: {  	v9 =	vld @!p1 [tilespmem:$0x120]  }
0x358: {  	v10 =	vld @!p1 [tilespmem:$0x130]  }
0x359: {  	v11 =	vld @!p1 [tilespmem:$0x140]  }
0x35a: {  	v7 =	vadd.s32 @!p1 v1, v7  }
0x35b: {  	[tilespmem:$0x480] =	vst @!p1 v7;
	v7 =	vadd.s32 @!p1 v1, v8  }
0x35c: {  	[tilespmem:$0x490] =	vst @!p1 v7;
	v7 =	vadd.s32 @!p1 v1, v9  }
0x35d: {  	[tilespmem:$0x4A0] =	vst @!p1 v7;
	v7 =	vadd.s32 @!p1 v1, v10  }
0x35e: {  	[tilespmem:$0x4B0] =	vst @!p1 v7;
	v7 =	vadd.s32 @!p1 v1, v11  }
0x35f: {  	s2 =	simm.s32 @!p1 $0x480;
	s3 =	simm.s32 @!p1 $0x880;
	[tilespmem:$0x4C0] =	vst @!p1 v7  }
0x360: {  	[tilespmem:s3], [sflag:$0x4] =	stream.indirect.gather @!p1 [hbm4b:s4+s0], $0x1, s2, s0, $0xb8;
	[tilespmem:$0x1F100] =	vst v63  }
0x361: {  	v7 =	vld @!p1 [tilespmem:$0x180]  }
0x362: {  	v8 =	vld @!p1 [tilespmem:$0x190]  }
0x363: {  	v9 =	vld @!p1 [tilespmem:$0x1A0]  }
0x364: {  	v10 =	vld @!p1 [tilespmem:$0x1B0]  }
0x365: {  	v11 =	vld @!p1 [tilespmem:$0x1C0]  }
0x366: {  	v7 =	vadd.s32 @!p1 v2, v7  }
0x367: {  	[tilespmem:$0x500] =	vst @!p1 v7;
	v7 =	vadd.s32 @!p1 v2, v8  }
0x368: {  	[tilespmem:$0x510] =	vst @!p1 v7;
	v7 =	vadd.s32 @!p1 v2, v9  }
0x369: {  	[tilespmem:$0x520] =	vst @!p1 v7;
	v7 =	vadd.s32 @!p1 v2, v10  }
0x36a: {  	[tilespmem:$0x530] =	vst @!p1 v7;
	v7 =	vadd.s32 @!p1 v2, v11  }
0x36b: {  	s2 =	simm.s32 @!p1 $0x500;
	s3 =	simm.s32 @!p1 $0x900;
	[tilespmem:$0x540] =	vst @!p1 v7  }
0x36c: {  	[tilespmem:s3], [sflag:$0x4] =	stream.indirect.gather @!p1 [hbm4b:s4+s0], $0x1, s2, s0, $0xb8;
	[tilespmem:$0x1F100] =	vst v63  }
0x36d: {  	v7 =	vld @!p1 [tilespmem:$0x180]  }
0x36e: {  	v8 =	vld @!p1 [tilespmem:$0x190]  }
0x36f: {  	v9 =	vld @!p1 [tilespmem:$0x1A0]  }
0x370: {  	v10 =	vld @!p1 [tilespmem:$0x1B0]  }
0x371: {  	v11 =	vld @!p1 [tilespmem:$0x1C0]  }
0x372: {  	v7 =	vadd.s32 @!p1 v3, v7  }
0x373: {  	[tilespmem:$0x580] =	vst @!p1 v7;
	v7 =	vadd.s32 @!p1 v3, v8  }
0x374: {  	[tilespmem:$0x590] =	vst @!p1 v7;
	v7 =	vadd.s32 @!p1 v3, v9  }
0x375: {  	p2 =	sgt.u32 @!p1 s8, $0x7A;
	[tilespmem:$0x5A0] =	vst @!p1 v7;
	v7 =	vadd.s32 @!p1 v3, v10  }
0x376: {  	p2 =	por p2, p1;
	[tilespmem:$0x5B0] =	vst @!p1 v7;
	v7 =	vadd.s32 @!p1 v3, v11  }
0x377: {  	s7 =	smul.u32 @!p2 $0xA0, s8;
	s2 =	simm.s32 @!p1 $0x580;
	s3 =	simm.s32 @!p1 $0x980;
	[tilespmem:$0x5C0] =	vst @!p1 v7  }
0x378: {  	[tilespmem:s3], [sflag:$0x4] =	stream.indirect.gather @!p1 [hbm4b:s4+s0], $0x1, s2, s0, $0xb8;
	[tilespmem:$0x1F100] =	vst v63  }
0x379: {  	s0 =	sadd.s32 @!p2 s7, s23  }
0x37a: {  	s0 =	sshrl.u32 @!p2 s0, $0x3  }
0x37b: {  	s3 =	simm.s32 @!p2 $0x0;
	s7 =	simm.s32 @!p2 $0xAF00;
	s2 =	sadd.s32 @!p2 s5, s0  }
0x37c: {  	[tilespmem:s7], [sflag:$0x5] =	stream.linear.gather @!p2 [hbm4b:s2+s3], $0xA0, $0x38;
	[tilespmem:$0x1F100] =	vst v63  }
0x37d: {  	s8 =	sadd.s32 @!p1 $0x1, s8;
	s0 =	sadd.s32 @!p2 s6, s0;
	s2 =	simm.s32 @!p2 $0xB000  }
0x37e: {  	[tilespmem:s2], [sflag:$0x5] =	stream.linear.gather @!p2 [hbm4b:s0+s3], $0xA0, $0x38;
	[tilespmem:$0x1F100] =	vst v63  }
0x37f: {  	p2 =	sne.s32 @!p1 s8, $0x7D  }
0x380: {  	p1 =	por p1, !p2  }
.Ltmp5:
0x381: {  	_ = 	snop;
	(pc) =	sbr.rel @!p1 .LBB2_6-.Ltmp5, $1  }
0x382: {  	_ =	sdelay $0x3  }
0x383: {  	s0 =	stileid.u32;
	[bflag:$0x0] =	sbarrier.arrive $0xFFFF  }
0x384: {  	s0 =	sshll.u32 s0, $0x6;
	s22 =	rddreg [dreg:$0x5]  }
0x385: {  	s3 =	rddreg [dreg:$0xe];
	s0 =	sor.u32 $0x1C06, s0;
	s2 =	sshrl.u32 s22, $0x3  }
0x386: {  	[hbm:s3], [sflag:s0] =	dma.local [spmem:s2], $0x2800  }
0x387: {  	_ =	swait.ge [sflag:s26], $0x2800  }
0x388: {  	[sflag:s26] =	ssyncset.done $0x0  }
0x389: {  	s25 =	simm.s32 $0x400;
	s3 =	rddreg [dreg:$0x10];
	[sflag:s26] =	ssyncadd.s32 $0xFFFFD800  }
0x38a: {  	[hbm4b:s3+s18] =	stream.strided.scatter [tilespmem:s30], [sflag:$0x6], $0x5000, s25, s18, $0x38;
	[tilespmem:$0x1F100] =	vst v63  }
0x38b: {  	_ =	swait.ge [sflag:s26], $0x5000  }
0x38c: {  	s7 =	rddreg [dreg:$0x14]  }
0x38d: {  	s8 =	rddreg [dreg:$0x13];
	s2 =	sadd.s32 $0x1, s7  }
0x38e: {  	p1 =	sne.s32 s2, s8  }
.Ltmp6:
0x38f: {  	_ = 	snop;
	(pc) =	sbr.rel @p1 .LBB2_1-.Ltmp6, $3  }
0x390: {  	_ =	sdelay $0x1  }
0x391: {  	[sflag:s26] =	ssyncset.done $0x0  }
0x392: {  	[sflag:s26] =	ssyncadd.s32 $0xFFFFB000  }
0x393: {  	_ =	sfence.sel $0x180000  }
0x394: {  	[bflag:$0x0] =	sbarrier.arrive $0xFFFF  }
0x395: {  	_ =	strace $0x90000047  }
0x396: {  	s0 =	stileid.u32;
	[bflag:$0x2] =	sbarrier.arrive $0xFFFF  }
0x397: {  	p0 =	sne.s32 s0, $0x0;
	s0 =	rddreg [dreg:$0x3]  }
0x398: {  	s0 =	sadd.s32 @!p0 $0x100000, s0  }
0x399: {  	[sflag:s0] =	ssyncadd.tile.s32 @!p0 $0x1;
	_ =	shalt  }
.Lfunc_end2:
_tile_overlayer_lowered:
.L_overlay_start_2:
0x39a: {  	(tag) =	ssettag $0x2  }
0x39b: {  	s0 =	rddreg [dreg:$0x0];
	s2 =	stileid.u32  }
0x39c: {  	s1 =	rddreg [dreg:$0x1];
	p0 =	sne.s32 s2, $0x0  }
0x39d: {  	s3 =	rddreg [dreg:$0x2];
	[bflag:$0x3] =	sbarrier.arrive $0xFFFF;
	s2 =	simm.s32 @!p0 $0x1C06  }
0x39e: {  	[timem:s3], [sflag:s2] =	dma.local @!p0 [hbm:s0], s1  }
0x39f: {  	s0 =	simm.s32 @!p0 $0x6  }
0x3a0: {  	_ =	swait.ge @!p0 [sflag:s0], s1  }
0x3a1: {  	s1 =	ssub.s32 @!p0 $0x0, s1;
	[sflag:s0] =	ssyncset.done @!p0 $0x0  }
0x3a2: {  	[sflag:s0] =	ssyncadd.s32 @!p0 s1  }
0x3a3: {  	[bflag:$0x3] =	sbarrier.arrive $0xFFFF  }
0x3a4: {  	_ =	shalt  }

</sc_bundles>
